<compile_context>
chip_gen: v7x
topology: tpu7x:2x2x1
jax: 0.10.2.dev20260603
libtpu: 0.0.44.dev20260713+nightly
codegen_flags: <defaults>
</compile_context>

<pallas_src>
import functools

import jax
import jax.numpy as jnp
from jax import lax
from jax.experimental import pallas as pl
from jax.experimental.pallas import tpu as pltpu
from jax.experimental.pallas import tpu_sc as plsc

_N = 10000
_D = 128
_H = _D // 2
_E = 320000
_NC = 2
_NS = 16
_B = 128
_W = 156
_EPT = _W * _B
_REM = _E - _NS * _EPT
_NPAD = 10240
_RPT = _NPAD // _NS
_R = 6
_IR = 8


def _sc_gather_scatter(xh, edges):
    mesh = plsc.VectorSubcoreMesh(core_axis_name="c", subcore_axis_name="s")

    @functools.partial(
        pl.kernel,
        mesh=mesh,
        compiler_params=pltpu.CompilerParams(use_tc_tiling_on_sc=False),
        out_type=jax.ShapeDtypeStruct((_N, _D), jnp.float32),
        scratch_types=(
            [pltpu.VMEM((_IR, 2, _B), jnp.int32)]
            + [pltpu.VMEM((_IR, _B), jnp.int32)]
            + [pltpu.VMEM((_IR, _B), jnp.int32)]
            + [pltpu.VMEM((_B, _H), jnp.float32) for _ in range(_R)]
            + [pltpu.VMEM_SHARED((_NPAD, _H), jnp.float32)]
            + [pltpu.SemaphoreType.DMA] * (3 * _R)
        ),
    )
    def k(x_hbm, e_hbm, out_hbm, sdraw_v, sidx_v, duse_v,
          r0, r1, r2, r3, r4, r5, acc_sh, *sems):
        isems = sems[0:_R]
        gsems = sems[_R:2 * _R]
        ssems = sems[2 * _R:3 * _R]
        rows = (r0, r1, r2, r3, r4, r5)
        cid = lax.axis_index("c")
        sid = lax.axis_index("s")
        base0 = sid * _EPT

        def idx_dma(w, js):
            return pltpu.make_async_copy(
                e_hbm.at[:, pl.ds(base0 + w * _B, _B)],
                sdraw_v.at[w % _IR], isems[js])

        def gather(w, jr):
            return pltpu.make_async_copy(
                x_hbm.at[sidx_v.at[w % _IR]], rows[jr], gsems[jr])

        def scat_wait(jr):
            return pltpu.make_async_copy(
                rows[jr], acc_sh.at[duse_v.at[0]], ssems[jr])

        def prep_indices(w):
            r8 = w % _IR
            cvec = jnp.full((16,), cid, jnp.int32)
            for j in range(_B // 16):
                sl = pl.ds(j * 16, 16)
                sidx_v[r8, sl] = sdraw_v[r8, 0, sl] * 2 + cvec
                duse_v[r8, sl] = sdraw_v[r8, 1, sl]

        def zbody(i, carry):
            r = i // (_H // 16)
            col = (i % (_H // 16)) * 16
            r0[r, pl.ds(col, 16)] = jnp.zeros((16,), jnp.float32)
            return carry

        lax.fori_loop(0, _B * (_H // 16), zbody, 0)
        for t in range(_RPT // _B):
            pltpu.sync_copy(r0, acc_sh.at[pl.ds(sid * _RPT + t * _B, _B)])
        plsc.subcore_barrier()

        for v in range(6):
            idx_dma(v, v % _R).start()
        for v in range(4):
            idx_dma(v, v % _R).wait()
            prep_indices(v)
            gather(v, v % _R).start()

        def visit(v, j):
            gather(v, j).wait()
            pltpu.async_copy(rows[j], acc_sh.at[duse_v.at[v % _IR]],
                             ssems[j], add=True)

            @pl.when(v + 4 < _W)
            def _():
                j4 = (j + 4) % _R
                idx_dma(v + 4, j4).wait()
                prep_indices(v + 4)

                @pl.when(v >= 2)
                def _():
                    scat_wait(j4).wait()

                gather(v + 4, j4).start()

            @pl.when(v + 6 < _W)
            def _():
                idx_dma(v + 6, j).start()

        def body(q, carry):
            for j in range(_R):
                visit(q * _R + j, j)
            return carry

        lax.fori_loop(0, _W // _R, body, 0)

        for j in range(_R):
            scat_wait(j).wait()


        @pl.when(sid < _REM // _B)
        def _():
            rbase = _NS * _EPT + sid * _B
            pltpu.sync_copy(e_hbm.at[:, pl.ds(rbase, _B)], sdraw_v.at[0])
            prep_indices(0)
            gather(0, 0).start()
            gather(0, 0).wait()
            pltpu.sync_copy(r0, acc_sh.at[duse_v.at[0]], add=True)

        plsc.subcore_barrier()

        row0 = sid * _RPT

        @pl.when(sid < _NS - 1)
        def _():
            pltpu.sync_copy(acc_sh.at[pl.ds(row0, _RPT)],
                            out_hbm.at[pl.ds(row0, _RPT),
                                       pl.ds(cid * _H, _H)])

        @pl.when(sid == _NS - 1)
        def _():
            last = (_NS - 1) * _RPT
            pltpu.sync_copy(acc_sh.at[pl.ds(last, _N - last)],
                            out_hbm.at[pl.ds(last, _N - last),
                                       pl.ds(cid * _H, _H)])

    return k(xh, edges)


def kernel(x, edge_index):
    xh = x.reshape(2 * _N, _H)
    return _sc_gather_scatter(xh, edge_index)

# --- scband reference (transcript-rebuilt; emitter-appended) ---
"""Pipeline reference for scband-concate-54984171323611 (READ-ONLY COPY).

The authoritative reference and input builder live on the scoring server;
editing this copy changes nothing except your own understanding.
"""

import jax, jax.numpy as jnp
import numpy as np

N = 10000
E = 320000
D = 128

def setup_inputs(seed: int = 0) -> dict:
    key = jax.random.key(seed)
    k1, k2 = jax.random.split(key)
    x = jax.random.normal(k1, (N, D), dtype=jnp.float32)
    edge_index = jax.random.randint(k2, (2, E), 0, N, dtype=jnp.int32)
    return {"x": x, "edge_index": edge_index}

def reference(x, edge_index):
    # DGL copy_u('h','m') + sum('m','h'): gather source node features along
    # each edge, then scatter-add into destination nodes.
    src = edge_index[0]
    dst = edge_index[1]
    messages = jnp.take(x, src, axis=0)          # copy_u: [E, D]
    out = jax.ops.segment_sum(messages, dst, num_segments=N)  # sum reduce to dst
    return out

if __name__ == "__main__":
    import jax
    _d = setup_inputs()
    print(jax.jit(kernel)(*tuple(_d.values())))

</pallas_src>

<mosaic_0001>
#map = affine_map<(d0, d1) -> (0, 0)>
module attributes {stable_mosaic.version = 14 : i64} {
  func.func @k(%arg0: i32, %arg1: i32, %arg2: memref<20000x64xf32, #tpu.memory_space<hbm>>, %arg3: memref<2x320000xi32, #tpu.memory_space<hbm>>, %arg4: memref<10000x128xf32, #tpu.memory_space<hbm>>, %arg5: memref<8x2x128xi32, #tpu.memory_space<vmem>>, %arg6: memref<8x128xi32, #tpu.memory_space<vmem>>, %arg7: memref<8x128xi32, #tpu.memory_space<vmem>>, %arg8: memref<128x64xf32, #tpu.memory_space<vmem>>, %arg9: memref<128x64xf32, #tpu.memory_space<vmem>>, %arg10: memref<128x64xf32, #tpu.memory_space<vmem>>, %arg11: memref<128x64xf32, #tpu.memory_space<vmem>>, %arg12: memref<128x64xf32, #tpu.memory_space<vmem>>, %arg13: memref<128x64xf32, #tpu.memory_space<vmem>>, %arg14: memref<10240x64xf32, #tpu.memory_space<vmem_shared>>, %arg15: memref<!tpu.dma_semaphore, #tpu.memory_space<semaphore_mem>>, %arg16: memref<!tpu.dma_semaphore, #tpu.memory_space<semaphore_mem>>, %arg17: memref<!tpu.dma_semaphore, #tpu.memory_space<semaphore_mem>>, %arg18: memref<!tpu.dma_semaphore, #tpu.memory_space<semaphore_mem>>, %arg19: memref<!tpu.dma_semaphore, #tpu.memory_space<semaphore_mem>>, %arg20: memref<!tpu.dma_semaphore, #tpu.memory_space<semaphore_mem>>, %arg21: memref<!tpu.dma_semaphore, #tpu.memory_space<semaphore_mem>>, %arg22: memref<!tpu.dma_semaphore, #tpu.memory_space<semaphore_mem>>, %arg23: memref<!tpu.dma_semaphore, #tpu.memory_space<semaphore_mem>>, %arg24: memref<!tpu.dma_semaphore, #tpu.memory_space<semaphore_mem>>, %arg25: memref<!tpu.dma_semaphore, #tpu.memory_space<semaphore_mem>>, %arg26: memref<!tpu.dma_semaphore, #tpu.memory_space<semaphore_mem>>, %arg27: memref<!tpu.dma_semaphore, #tpu.memory_space<semaphore_mem>>, %arg28: memref<!tpu.dma_semaphore, #tpu.memory_space<semaphore_mem>>, %arg29: memref<!tpu.dma_semaphore, #tpu.memory_space<semaphore_mem>>, %arg30: memref<!tpu.dma_semaphore, #tpu.memory_space<semaphore_mem>>, %arg31: memref<!tpu.dma_semaphore, #tpu.memory_space<semaphore_mem>>, %arg32: memref<!tpu.dma_semaphore, #tpu.memory_space<semaphore_mem>>) attributes {dimension_semantics = [#tpu.dimension_semantics<core_parallel>, #tpu.dimension_semantics<subcore_parallel>], iteration_bounds = array<i64: 2, 16>, scalar_prefetch = 0 : i64, scratch_operands = 28 : i64, tpu.core_type = #tpu.core_type<sc_vector_subcore>, window_params = [{transform_indices = #map}, {transform_indices = #map}, {transform_indices = #map}]} {
    %mul3A = arith.constant 19968 : i32
    %mul3A_0 = arith.muli %arg1, %mul3A : i32
    %scan3A = arith.constant 0 : i32
    %scan3A_1 = arith.constant 0 : i32
    %scan3A_2 = arith.constant 512 : i32
    %scan3A_3 = arith.addi %scan3A_1, %scan3A_2 : i32
    %scan3A_4 = arith.constant 1 : i32
    scf.for %scan3A_1224 = %scan3A_1 to %scan3A_3 step %scan3A_4  : i32 {
      %jit3A = arith.constant 4 : i32
      %div3A = arith.divsi %scan3A_1224, %jit3A : i32
      %sign3A = arith.constant 0 : i32
      %sign3A_1225 = arith.cmpi sgt, %scan3A_1224, %sign3A : i32
      %sign3A_1226 = arith.extui %sign3A_1225 : i1 to i32
      %sign3A_1227 = arith.constant 0 : i32
      %sign3A_1228 = arith.cmpi slt, %scan3A_1224, %sign3A_1227 : i32
      %sign3A_1229 = arith.extui %sign3A_1228 : i1 to i32
      %sign3A_1230 = arith.subi %sign3A_1226, %sign3A_1229 : i32
      %sign3A_1231 = arith.constant 0 : i32
      %sign3A_1232 = arith.cmpi sgt, %jit3A, %sign3A_1231 : i32
      %sign3A_1233 = arith.extui %sign3A_1232 : i1 to i32
      %sign3A_1234 = arith.constant 0 : i32
      %sign3A_1235 = arith.cmpi slt, %jit3A, %sign3A_1234 : i32
      %sign3A_1236 = arith.extui %sign3A_1235 : i1 to i32
      %sign3A_1237 = arith.subi %sign3A_1233, %sign3A_1236 : i32
      %ne3A = arith.cmpi ne, %sign3A_1230, %sign3A_1237 : i32
      %rem3A = arith.remsi %scan3A_1224, %jit3A : i32
      %ne3A_1238 = arith.constant 0 : i32
      %ne3A_1239 = arith.cmpi ne, %rem3A, %ne3A_1238 : i32
      %and3A = arith.andi %ne3A, %ne3A_1239 : i1
      %sub3A = arith.constant 1 : i32
      %sub3A_1240 = arith.subi %div3A, %sub3A : i32
      %select_n3A = arith.select %and3A, %sub3A_1240, %div3A : i32
      %jit3A_1241 = arith.constant 4 : i32
      %eq3A_1242 = arith.constant 0 : i32
      %eq3A_1243 = arith.cmpi eq, %jit3A_1241, %eq3A_1242 : i32
      %jit3A_1244 = arith.constant 1 : i32
      %select_n3A_1245 = arith.select %eq3A_1243, %jit3A_1244, %jit3A_1241 : i32
      %rem3A_1246 = arith.remsi %scan3A_1224, %select_n3A_1245 : i32
      %ne3A_1247 = arith.constant 0 : i32
      %ne3A_1248 = arith.cmpi ne, %rem3A_1246, %ne3A_1247 : i32
      %lt3A_1249 = arith.constant 0 : i32
      %lt3A_1250 = arith.cmpi slt, %rem3A_1246, %lt3A_1249 : i32
      %lt3A_1251 = arith.constant 0 : i32
      %lt3A_1252 = arith.cmpi slt, %select_n3A_1245, %lt3A_1251 : i32
      %ne3A_1253 = arith.xori %lt3A_1250, %lt3A_1252 : i1
      %and3A_1254 = arith.andi %ne3A_1253, %ne3A_1248 : i1
      %add3A_1255 = arith.addi %rem3A_1246, %select_n3A_1245 : i32
      %select_n3A_1256 = arith.select %and3A_1254, %add3A_1255, %rem3A_1246 : i32
      %mul3A_1257 = arith.constant 16 : i32
      %mul3A_1258 = arith.muli %select_n3A_1256, %mul3A_1257 : i32
      %broadcast_in_dim3A_1259 = arith.constant 0.000000e+00 : f32
      %broadcast_in_dim3A_1260 = vector.broadcast %broadcast_in_dim3A_1259 : f32 to vector<16xf32>
      %swap3A_1261 = arith.index_cast %select_n3A : i32 to index
      %swap3A_1262 = arith.index_cast %mul3A_1258 : i32 to index
      %swap3A_1263 = tpu.vector_load %arg8[%swap3A_1261, %swap3A_1262] {strides = array<i32>} : memref<128x64xf32, #tpu.memory_space<vmem>>, vector<1x16xf32>,
      %swap3A_1264 = vector.shape_cast %swap3A_1263 : vector<1x16xf32> to vector<16xf32>
      %swap3A_1265 = vector.shape_cast %broadcast_in_dim3A_1260 : vector<16xf32> to vector<1x16xf32>
      tpu.vector_store %arg8[%swap3A_1261, %swap3A_1262], %swap3A_1265 {strides = array<i32>} : memref<128x64xf32, #tpu.memory_space<vmem>>, vector<1x16xf32>,
    }
    %scan3A_5 = arith.constant 512 : i32
    %mul3A_6 = arith.constant 640 : i32
    %mul3A_7 = arith.muli %arg1, %mul3A_6 : i32
    %add3A = arith.constant 0 : i32
    %add3A_8 = arith.addi %mul3A_7, %add3A : i32
    "tpu.region"() ({
      %run_scoped3A = tpu.sem_alloc : memref<!tpu.dma_semaphore, #tpu.memory_space<semaphore_mem>>
      %dma_start3A_1224 = arith.constant 0 : i32
      %dma_start3A_1225 = tpu.memref_slice %arg14[%add3A_8, %dma_start3A_1224] : memref<10240x64xf32, #tpu.memory_space<vmem_shared>> -> memref<128x64xf32, #tpu.memory_space<vmem_shared>>
      %dma_start3A_1226 = arith.constant 0 : i32
      %dma_start3A_1227 = tpu.memref_slice %arg14[%add3A_8, %dma_start3A_1226] : memref<10240x64xf32, #tpu.memory_space<vmem_shared>> -> memref<128x64xf32, #tpu.memory_space<vmem_shared>>
      tpu.enqueue_dma source(%arg8 : memref<128x64xf32, #tpu.memory_space<vmem>>) target(%dma_start3A_1227 : memref<128x64xf32, #tpu.memory_space<vmem_shared>>) target_semaphore(%run_scoped3A : memref<!tpu.dma_semaphore, #tpu.memory_space<semaphore_mem>>)
      %dma_wait3A_1228 = arith.constant 0 : i32
      %dma_wait3A_1229 = tpu.memref_slice %arg14[%add3A_8, %dma_wait3A_1228] : memref<10240x64xf32, #tpu.memory_space<vmem_shared>> -> memref<128x64xf32, #tpu.memory_space<vmem_shared>>
      %dma_wait3A_1230 = arith.constant 0 : i32
      %dma_wait3A_1231 = tpu.memref_slice %arg14[%add3A_8, %dma_wait3A_1230] : memref<10240x64xf32, #tpu.memory_space<vmem_shared>> -> memref<128x64xf32, #tpu.memory_space<vmem_shared>>
      tpu.wait_dma2 semaphore(%run_scoped3A : memref<!tpu.dma_semaphore, #tpu.memory_space<semaphore_mem>>) src(%arg8 : memref<128x64xf32, #tpu.memory_space<vmem>>) dst(%dma_wait3A_1231 : memref<128x64xf32, #tpu.memory_space<vmem_shared>>)
      tpu.yield
    }) : () -> ()
    %mul3A_9 = arith.constant 640 : i32
    %mul3A_10 = arith.muli %arg1, %mul3A_9 : i32
    %add3A_11 = arith.constant 128 : i32
    %add3A_12 = arith.addi %mul3A_10, %add3A_11 : i32
    "tpu.region"() ({
      %run_scoped3A = tpu.sem_alloc : memref<!tpu.dma_semaphore, #tpu.memory_space<semaphore_mem>>
      %dma_start3A_1224 = arith.constant 0 : i32
      %dma_start3A_1225 = tpu.memref_slice %arg14[%add3A_12, %dma_start3A_1224] : memref<10240x64xf32, #tpu.memory_space<vmem_shared>> -> memref<128x64xf32, #tpu.memory_space<vmem_shared>>
      %dma_start3A_1226 = arith.constant 0 : i32
      %dma_start3A_1227 = tpu.memref_slice %arg14[%add3A_12, %dma_start3A_1226] : memref<10240x64xf32, #tpu.memory_space<vmem_shared>> -> memref<128x64xf32, #tpu.memory_space<vmem_shared>>
      tpu.enqueue_dma source(%arg8 : memref<128x64xf32, #tpu.memory_space<vmem>>) target(%dma_start3A_1227 : memref<128x64xf32, #tpu.memory_space<vmem_shared>>) target_semaphore(%run_scoped3A : memref<!tpu.dma_semaphore, #tpu.memory_space<semaphore_mem>>)
      %dma_wait3A_1228 = arith.constant 0 : i32
      %dma_wait3A_1229 = tpu.memref_slice %arg14[%add3A_12, %dma_wait3A_1228] : memref<10240x64xf32, #tpu.memory_space<vmem_shared>> -> memref<128x64xf32, #tpu.memory_space<vmem_shared>>
      %dma_wait3A_1230 = arith.constant 0 : i32
      %dma_wait3A_1231 = tpu.memref_slice %arg14[%add3A_12, %dma_wait3A_1230] : memref<10240x64xf32, #tpu.memory_space<vmem_shared>> -> memref<128x64xf32, #tpu.memory_space<vmem_shared>>
      tpu.wait_dma2 semaphore(%run_scoped3A : memref<!tpu.dma_semaphore, #tpu.memory_space<semaphore_mem>>) src(%arg8 : memref<128x64xf32, #tpu.memory_space<vmem>>) dst(%dma_wait3A_1231 : memref<128x64xf32, #tpu.memory_space<vmem_shared>>)
      tpu.yield
    }) : () -> ()
    %mul3A_13 = arith.constant 640 : i32
    %mul3A_14 = arith.muli %arg1, %mul3A_13 : i32
    %add3A_15 = arith.constant 256 : i32
    %add3A_16 = arith.addi %mul3A_14, %add3A_15 : i32
    "tpu.region"() ({
      %run_scoped3A = tpu.sem_alloc : memref<!tpu.dma_semaphore, #tpu.memory_space<semaphore_mem>>
      %dma_start3A_1224 = arith.constant 0 : i32
      %dma_start3A_1225 = tpu.memref_slice %arg14[%add3A_16, %dma_start3A_1224] : memref<10240x64xf32, #tpu.memory_space<vmem_shared>> -> memref<128x64xf32, #tpu.memory_space<vmem_shared>>
      %dma_start3A_1226 = arith.constant 0 : i32
      %dma_start3A_1227 = tpu.memref_slice %arg14[%add3A_16, %dma_start3A_1226] : memref<10240x64xf32, #tpu.memory_space<vmem_shared>> -> memref<128x64xf32, #tpu.memory_space<vmem_shared>>
      tpu.enqueue_dma source(%arg8 : memref<128x64xf32, #tpu.memory_space<vmem>>) target(%dma_start3A_1227 : memref<128x64xf32, #tpu.memory_space<vmem_shared>>) target_semaphore(%run_scoped3A : memref<!tpu.dma_semaphore, #tpu.memory_space<semaphore_mem>>)
      %dma_wait3A_1228 = arith.constant 0 : i32
      %dma_wait3A_1229 = tpu.memref_slice %arg14[%add3A_16, %dma_wait3A_1228] : memref<10240x64xf32, #tpu.memory_space<vmem_shared>> -> memref<128x64xf32, #tpu.memory_space<vmem_shared>>
      %dma_wait3A_1230 = arith.constant 0 : i32
      %dma_wait3A_1231 = tpu.memref_slice %arg14[%add3A_16, %dma_wait3A_1230] : memref<10240x64xf32, #tpu.memory_space<vmem_shared>> -> memref<128x64xf32, #tpu.memory_space<vmem_shared>>
      tpu.wait_dma2 semaphore(%run_scoped3A : memref<!tpu.dma_semaphore, #tpu.memory_space<semaphore_mem>>) src(%arg8 : memref<128x64xf32, #tpu.memory_space<vmem>>) dst(%dma_wait3A_1231 : memref<128x64xf32, #tpu.memory_space<vmem_shared>>)
      tpu.yield
    }) : () -> ()
    %mul3A_17 = arith.constant 640 : i32
    %mul3A_18 = arith.muli %arg1, %mul3A_17 : i32
    %add3A_19 = arith.constant 384 : i32
    %add3A_20 = arith.addi %mul3A_18, %add3A_19 : i32
    "tpu.region"() ({
      %run_scoped3A = tpu.sem_alloc : memref<!tpu.dma_semaphore, #tpu.memory_space<semaphore_mem>>
      %dma_start3A_1224 = arith.constant 0 : i32
      %dma_start3A_1225 = tpu.memref_slice %arg14[%add3A_20, %dma_start3A_1224] : memref<10240x64xf32, #tpu.memory_space<vmem_shared>> -> memref<128x64xf32, #tpu.memory_space<vmem_shared>>
      %dma_start3A_1226 = arith.constant 0 : i32
      %dma_start3A_1227 = tpu.memref_slice %arg14[%add3A_20, %dma_start3A_1226] : memref<10240x64xf32, #tpu.memory_space<vmem_shared>> -> memref<128x64xf32, #tpu.memory_space<vmem_shared>>
      tpu.enqueue_dma source(%arg8 : memref<128x64xf32, #tpu.memory_space<vmem>>) target(%dma_start3A_1227 : memref<128x64xf32, #tpu.memory_space<vmem_shared>>) target_semaphore(%run_scoped3A : memref<!tpu.dma_semaphore, #tpu.memory_space<semaphore_mem>>)
      %dma_wait3A_1228 = arith.constant 0 : i32
      %dma_wait3A_1229 = tpu.memref_slice %arg14[%add3A_20, %dma_wait3A_1228] : memref<10240x64xf32, #tpu.memory_space<vmem_shared>> -> memref<128x64xf32, #tpu.memory_space<vmem_shared>>
      %dma_wait3A_1230 = arith.constant 0 : i32
      %dma_wait3A_1231 = tpu.memref_slice %arg14[%add3A_20, %dma_wait3A_1230] : memref<10240x64xf32, #tpu.memory_space<vmem_shared>> -> memref<128x64xf32, #tpu.memory_space<vmem_shared>>
      tpu.wait_dma2 semaphore(%run_scoped3A : memref<!tpu.dma_semaphore, #tpu.memory_space<semaphore_mem>>) src(%arg8 : memref<128x64xf32, #tpu.memory_space<vmem>>) dst(%dma_wait3A_1231 : memref<128x64xf32, #tpu.memory_space<vmem_shared>>)
      tpu.yield
    }) : () -> ()
    %mul3A_21 = arith.constant 640 : i32
    %mul3A_22 = arith.muli %arg1, %mul3A_21 : i32
    %add3A_23 = arith.constant 512 : i32
    %add3A_24 = arith.addi %mul3A_22, %add3A_23 : i32
    "tpu.region"() ({
      %run_scoped3A = tpu.sem_alloc : memref<!tpu.dma_semaphore, #tpu.memory_space<semaphore_mem>>
      %dma_start3A_1224 = arith.constant 0 : i32
      %dma_start3A_1225 = tpu.memref_slice %arg14[%add3A_24, %dma_start3A_1224] : memref<10240x64xf32, #tpu.memory_space<vmem_shared>> -> memref<128x64xf32, #tpu.memory_space<vmem_shared>>
      %dma_start3A_1226 = arith.constant 0 : i32
      %dma_start3A_1227 = tpu.memref_slice %arg14[%add3A_24, %dma_start3A_1226] : memref<10240x64xf32, #tpu.memory_space<vmem_shared>> -> memref<128x64xf32, #tpu.memory_space<vmem_shared>>
      tpu.enqueue_dma source(%arg8 : memref<128x64xf32, #tpu.memory_space<vmem>>) target(%dma_start3A_1227 : memref<128x64xf32, #tpu.memory_space<vmem_shared>>) target_semaphore(%run_scoped3A : memref<!tpu.dma_semaphore, #tpu.memory_space<semaphore_mem>>)
      %dma_wait3A_1228 = arith.constant 0 : i32
      %dma_wait3A_1229 = tpu.memref_slice %arg14[%add3A_24, %dma_wait3A_1228] : memref<10240x64xf32, #tpu.memory_space<vmem_shared>> -> memref<128x64xf32, #tpu.memory_space<vmem_shared>>
      %dma_wait3A_1230 = arith.constant 0 : i32
      %dma_wait3A_1231 = tpu.memref_slice %arg14[%add3A_24, %dma_wait3A_1230] : memref<10240x64xf32, #tpu.memory_space<vmem_shared>> -> memref<128x64xf32, #tpu.memory_space<vmem_shared>>
      tpu.wait_dma2 semaphore(%run_scoped3A : memref<!tpu.dma_semaphore, #tpu.memory_space<semaphore_mem>>) src(%arg8 : memref<128x64xf32, #tpu.memory_space<vmem>>) dst(%dma_wait3A_1231 : memref<128x64xf32, #tpu.memory_space<vmem_shared>>)
      tpu.yield
    }) : () -> ()
    %barrier3A = arith.constant 0 : index
    tpu.barrier barrier_id(%barrier3A)
    %add3A_25 = arith.constant 0 : i32
    %add3A_26 = arith.addi %mul3A_0, %add3A_25 : i32
    %dma_start3A = arith.constant 0 : i32
    %dma_start3A_27 = arith.constant 0 : i32
    %dma_start3A_28 = arith.constant 0 : i32
    %dma_start3A_29 = tpu.memref_slice %arg5[%dma_start3A, %dma_start3A_27, %dma_start3A_28] : memref<8x2x128xi32, #tpu.memory_space<vmem>> -> memref<1x2x128xi32, #tpu.memory_space<vmem>>
    %dma_start3A_30 = tpu.memref_squeeze %dma_start3A_29 : memref<1x2x128xi32, #tpu.memory_space<vmem>> -> memref<2x128xi32, #tpu.memory_space<vmem>>
    %dma_start3A_31 = arith.constant 0 : i32
    %dma_start3A_32 = tpu.memref_slice %arg3[%dma_start3A_31, %add3A_26] : memref<2x320000xi32, #tpu.memory_space<hbm>> -> memref<2x128xi32, #tpu.memory_space<hbm>>
    %dma_start3A_33 = arith.constant 0 : i32
    %dma_start3A_34 = arith.constant 0 : i32
    %dma_start3A_35 = tpu.memref_slice %arg5[%dma_start3A, %dma_start3A_33, %dma_start3A_34] : memref<8x2x128xi32, #tpu.memory_space<vmem>> -> memref<1x2x128xi32, #tpu.memory_space<vmem>>
    %dma_start3A_36 = tpu.memref_squeeze %dma_start3A_35 : memref<1x2x128xi32, #tpu.memory_space<vmem>> -> memref<2x128xi32, #tpu.memory_space<vmem>>
    %dma_start3A_37 = arith.constant 0 : i32
    %dma_start3A_38 = tpu.memref_slice %arg3[%dma_start3A_37, %add3A_26] : memref<2x320000xi32, #tpu.memory_space<hbm>> -> memref<2x128xi32, #tpu.memory_space<hbm>>
    tpu.enqueue_dma source(%dma_start3A_38 : memref<2x128xi32, #tpu.memory_space<hbm>>) target(%dma_start3A_36 : memref<2x128xi32, #tpu.memory_space<vmem>>) target_semaphore(%arg15 : memref<!tpu.dma_semaphore, #tpu.memory_space<semaphore_mem>>)
    %add3A_39 = arith.constant 128 : i32
    %add3A_40 = arith.addi %mul3A_0, %add3A_39 : i32
    %dma_start3A_41 = arith.constant 1 : i32
    %dma_start3A_42 = arith.constant 0 : i32
    %dma_start3A_43 = arith.constant 0 : i32
    %dma_start3A_44 = tpu.memref_slice %arg5[%dma_start3A_41, %dma_start3A_42, %dma_start3A_43] : memref<8x2x128xi32, #tpu.memory_space<vmem>> -> memref<1x2x128xi32, #tpu.memory_space<vmem>>
    %dma_start3A_45 = tpu.memref_squeeze %dma_start3A_44 : memref<1x2x128xi32, #tpu.memory_space<vmem>> -> memref<2x128xi32, #tpu.memory_space<vmem>>
    %dma_start3A_46 = arith.constant 0 : i32
    %dma_start3A_47 = tpu.memref_slice %arg3[%dma_start3A_46, %add3A_40] : memref<2x320000xi32, #tpu.memory_space<hbm>> -> memref<2x128xi32, #tpu.memory_space<hbm>>
    %dma_start3A_48 = arith.constant 0 : i32
    %dma_start3A_49 = arith.constant 0 : i32
    %dma_start3A_50 = tpu.memref_slice %arg5[%dma_start3A_41, %dma_start3A_48, %dma_start3A_49] : memref<8x2x128xi32, #tpu.memory_space<vmem>> -> memref<1x2x128xi32, #tpu.memory_space<vmem>>
    %dma_start3A_51 = tpu.memref_squeeze %dma_start3A_50 : memref<1x2x128xi32, #tpu.memory_space<vmem>> -> memref<2x128xi32, #tpu.memory_space<vmem>>
    %dma_start3A_52 = arith.constant 0 : i32
    %dma_start3A_53 = tpu.memref_slice %arg3[%dma_start3A_52, %add3A_40] : memref<2x320000xi32, #tpu.memory_space<hbm>> -> memref<2x128xi32, #tpu.memory_space<hbm>>
    tpu.enqueue_dma source(%dma_start3A_53 : memref<2x128xi32, #tpu.memory_space<hbm>>) target(%dma_start3A_51 : memref<2x128xi32, #tpu.memory_space<vmem>>) target_semaphore(%arg16 : memref<!tpu.dma_semaphore, #tpu.memory_space<semaphore_mem>>)
    %add3A_54 = arith.constant 256 : i32
    %add3A_55 = arith.addi %mul3A_0, %add3A_54 : i32
    %dma_start3A_56 = arith.constant 2 : i32
    %dma_start3A_57 = arith.constant 0 : i32
    %dma_start3A_58 = arith.constant 0 : i32
    %dma_start3A_59 = tpu.memref_slice %arg5[%dma_start3A_56, %dma_start3A_57, %dma_start3A_58] : memref<8x2x128xi32, #tpu.memory_space<vmem>> -> memref<1x2x128xi32, #tpu.memory_space<vmem>>
    %dma_start3A_60 = tpu.memref_squeeze %dma_start3A_59 : memref<1x2x128xi32, #tpu.memory_space<vmem>> -> memref<2x128xi32, #tpu.memory_space<vmem>>
    %dma_start3A_61 = arith.constant 0 : i32
    %dma_start3A_62 = tpu.memref_slice %arg3[%dma_start3A_61, %add3A_55] : memref<2x320000xi32, #tpu.memory_space<hbm>> -> memref<2x128xi32, #tpu.memory_space<hbm>>
    %dma_start3A_63 = arith.constant 0 : i32
    %dma_start3A_64 = arith.constant 0 : i32
    %dma_start3A_65 = tpu.memref_slice %arg5[%dma_start3A_56, %dma_start3A_63, %dma_start3A_64] : memref<8x2x128xi32, #tpu.memory_space<vmem>> -> memref<1x2x128xi32, #tpu.memory_space<vmem>>
    %dma_start3A_66 = tpu.memref_squeeze %dma_start3A_65 : memref<1x2x128xi32, #tpu.memory_space<vmem>> -> memref<2x128xi32, #tpu.memory_space<vmem>>
    %dma_start3A_67 = arith.constant 0 : i32
    %dma_start3A_68 = tpu.memref_slice %arg3[%dma_start3A_67, %add3A_55] : memref<2x320000xi32, #tpu.memory_space<hbm>> -> memref<2x128xi32, #tpu.memory_space<hbm>>
    tpu.enqueue_dma source(%dma_start3A_68 : memref<2x128xi32, #tpu.memory_space<hbm>>) target(%dma_start3A_66 : memref<2x128xi32, #tpu.memory_space<vmem>>) target_semaphore(%arg17 : memref<!tpu.dma_semaphore, #tpu.memory_space<semaphore_mem>>)
    %add3A_69 = arith.constant 384 : i32
    %add3A_70 = arith.addi %mul3A_0, %add3A_69 : i32
    %dma_start3A_71 = arith.constant 3 : i32
    %dma_start3A_72 = arith.constant 0 : i32
    %dma_start3A_73 = arith.constant 0 : i32
    %dma_start3A_74 = tpu.memref_slice %arg5[%dma_start3A_71, %dma_start3A_72, %dma_start3A_73] : memref<8x2x128xi32, #tpu.memory_space<vmem>> -> memref<1x2x128xi32, #tpu.memory_space<vmem>>
    %dma_start3A_75 = tpu.memref_squeeze %dma_start3A_74 : memref<1x2x128xi32, #tpu.memory_space<vmem>> -> memref<2x128xi32, #tpu.memory_space<vmem>>
    %dma_start3A_76 = arith.constant 0 : i32
    %dma_start3A_77 = tpu.memref_slice %arg3[%dma_start3A_76, %add3A_70] : memref<2x320000xi32, #tpu.memory_space<hbm>> -> memref<2x128xi32, #tpu.memory_space<hbm>>
    %dma_start3A_78 = arith.constant 0 : i32
    %dma_start3A_79 = arith.constant 0 : i32
    %dma_start3A_80 = tpu.memref_slice %arg5[%dma_start3A_71, %dma_start3A_78, %dma_start3A_79] : memref<8x2x128xi32, #tpu.memory_space<vmem>> -> memref<1x2x128xi32, #tpu.memory_space<vmem>>
    %dma_start3A_81 = tpu.memref_squeeze %dma_start3A_80 : memref<1x2x128xi32, #tpu.memory_space<vmem>> -> memref<2x128xi32, #tpu.memory_space<vmem>>
    %dma_start3A_82 = arith.constant 0 : i32
    %dma_start3A_83 = tpu.memref_slice %arg3[%dma_start3A_82, %add3A_70] : memref<2x320000xi32, #tpu.memory_space<hbm>> -> memref<2x128xi32, #tpu.memory_space<hbm>>
    tpu.enqueue_dma source(%dma_start3A_83 : memref<2x128xi32, #tpu.memory_space<hbm>>) target(%dma_start3A_81 : memref<2x128xi32, #tpu.memory_space<vmem>>) target_semaphore(%arg18 : memref<!tpu.dma_semaphore, #tpu.memory_space<semaphore_mem>>)
    %add3A_84 = arith.constant 512 : i32
    %add3A_85 = arith.addi %mul3A_0, %add3A_84 : i32
    %dma_start3A_86 = arith.constant 4 : i32
    %dma_start3A_87 = arith.constant 0 : i32
    %dma_start3A_88 = arith.constant 0 : i32
    %dma_start3A_89 = tpu.memref_slice %arg5[%dma_start3A_86, %dma_start3A_87, %dma_start3A_88] : memref<8x2x128xi32, #tpu.memory_space<vmem>> -> memref<1x2x128xi32, #tpu.memory_space<vmem>>
    %dma_start3A_90 = tpu.memref_squeeze %dma_start3A_89 : memref<1x2x128xi32, #tpu.memory_space<vmem>> -> memref<2x128xi32, #tpu.memory_space<vmem>>
    %dma_start3A_91 = arith.constant 0 : i32
    %dma_start3A_92 = tpu.memref_slice %arg3[%dma_start3A_91, %add3A_85] : memref<2x320000xi32, #tpu.memory_space<hbm>> -> memref<2x128xi32, #tpu.memory_space<hbm>>
    %dma_start3A_93 = arith.constant 0 : i32
    %dma_start3A_94 = arith.constant 0 : i32
    %dma_start3A_95 = tpu.memref_slice %arg5[%dma_start3A_86, %dma_start3A_93, %dma_start3A_94] : memref<8x2x128xi32, #tpu.memory_space<vmem>> -> memref<1x2x128xi32, #tpu.memory_space<vmem>>
    %dma_start3A_96 = tpu.memref_squeeze %dma_start3A_95 : memref<1x2x128xi32, #tpu.memory_space<vmem>> -> memref<2x128xi32, #tpu.memory_space<vmem>>
    %dma_start3A_97 = arith.constant 0 : i32
    %dma_start3A_98 = tpu.memref_slice %arg3[%dma_start3A_97, %add3A_85] : memref<2x320000xi32, #tpu.memory_space<hbm>> -> memref<2x128xi32, #tpu.memory_space<hbm>>
    tpu.enqueue_dma source(%dma_start3A_98 : memref<2x128xi32, #tpu.memory_space<hbm>>) target(%dma_start3A_96 : memref<2x128xi32, #tpu.memory_space<vmem>>) target_semaphore(%arg19 : memref<!tpu.dma_semaphore, #tpu.memory_space<semaphore_mem>>)
    %add3A_99 = arith.constant 640 : i32
    %add3A_100 = arith.addi %mul3A_0, %add3A_99 : i32
    %dma_start3A_101 = arith.constant 5 : i32
    %dma_start3A_102 = arith.constant 0 : i32
    %dma_start3A_103 = arith.constant 0 : i32
    %dma_start3A_104 = tpu.memref_slice %arg5[%dma_start3A_101, %dma_start3A_102, %dma_start3A_103] : memref<8x2x128xi32, #tpu.memory_space<vmem>> -> memref<1x2x128xi32, #tpu.memory_space<vmem>>
    %dma_start3A_105 = tpu.memref_squeeze %dma_start3A_104 : memref<1x2x128xi32, #tpu.memory_space<vmem>> -> memref<2x128xi32, #tpu.memory_space<vmem>>
    %dma_start3A_106 = arith.constant 0 : i32
    %dma_start3A_107 = tpu.memref_slice %arg3[%dma_start3A_106, %add3A_100] : memref<2x320000xi32, #tpu.memory_space<hbm>> -> memref<2x128xi32, #tpu.memory_space<hbm>>
    %dma_start3A_108 = arith.constant 0 : i32
    %dma_start3A_109 = arith.constant 0 : i32
    %dma_start3A_110 = tpu.memref_slice %arg5[%dma_start3A_101, %dma_start3A_108, %dma_start3A_109] : memref<8x2x128xi32, #tpu.memory_space<vmem>> -> memref<1x2x128xi32, #tpu.memory_space<vmem>>
    %dma_start3A_111 = tpu.memref_squeeze %dma_start3A_110 : memref<1x2x128xi32, #tpu.memory_space<vmem>> -> memref<2x128xi32, #tpu.memory_space<vmem>>
    %dma_start3A_112 = arith.constant 0 : i32
    %dma_start3A_113 = tpu.memref_slice %arg3[%dma_start3A_112, %add3A_100] : memref<2x320000xi32, #tpu.memory_space<hbm>> -> memref<2x128xi32, #tpu.memory_space<hbm>>
    tpu.enqueue_dma source(%dma_start3A_113 : memref<2x128xi32, #tpu.memory_space<hbm>>) target(%dma_start3A_111 : memref<2x128xi32, #tpu.memory_space<vmem>>) target_semaphore(%arg20 : memref<!tpu.dma_semaphore, #tpu.memory_space<semaphore_mem>>)
    %add3A_114 = arith.constant 0 : i32
    %add3A_115 = arith.addi %mul3A_0, %add3A_114 : i32
    %dma_wait3A = arith.constant 0 : i32
    %dma_wait3A_116 = arith.constant 0 : i32
    %dma_wait3A_117 = arith.constant 0 : i32
    %dma_wait3A_118 = tpu.memref_slice %arg5[%dma_wait3A, %dma_wait3A_116, %dma_wait3A_117] : memref<8x2x128xi32, #tpu.memory_space<vmem>> -> memref<1x2x128xi32, #tpu.memory_space<vmem>>
    %dma_wait3A_119 = tpu.memref_squeeze %dma_wait3A_118 : memref<1x2x128xi32, #tpu.memory_space<vmem>> -> memref<2x128xi32, #tpu.memory_space<vmem>>
    %dma_wait3A_120 = arith.constant 0 : i32
    %dma_wait3A_121 = tpu.memref_slice %arg3[%dma_wait3A_120, %add3A_115] : memref<2x320000xi32, #tpu.memory_space<hbm>> -> memref<2x128xi32, #tpu.memory_space<hbm>>
    %dma_wait3A_122 = arith.constant 0 : i32
    %dma_wait3A_123 = arith.constant 0 : i32
    %dma_wait3A_124 = tpu.memref_slice %arg5[%dma_wait3A, %dma_wait3A_122, %dma_wait3A_123] : memref<8x2x128xi32, #tpu.memory_space<vmem>> -> memref<1x2x128xi32, #tpu.memory_space<vmem>>
    %dma_wait3A_125 = tpu.memref_squeeze %dma_wait3A_124 : memref<1x2x128xi32, #tpu.memory_space<vmem>> -> memref<2x128xi32, #tpu.memory_space<vmem>>
    %dma_wait3A_126 = arith.constant 0 : i32
    %dma_wait3A_127 = tpu.memref_slice %arg3[%dma_wait3A_126, %add3A_115] : memref<2x320000xi32, #tpu.memory_space<hbm>> -> memref<2x128xi32, #tpu.memory_space<hbm>>
    tpu.wait_dma2 semaphore(%arg15 : memref<!tpu.dma_semaphore, #tpu.memory_space<semaphore_mem>>) src(%dma_wait3A_127 : memref<2x128xi32, #tpu.memory_space<hbm>>) dst(%dma_wait3A_125 : memref<2x128xi32, #tpu.memory_space<vmem>>)
    %broadcast_in_dim3A = vector.broadcast %arg0 : i32 to vector<16xi32>
    %get3A = arith.constant 0 : i32
    %get3A_128 = arith.constant 0 : i32
    %get3A_129 = arith.index_cast %get3A : i32 to index
    %get3A_130 = arith.index_cast %get3A_128 : i32 to index
    %get3A_131 = arith.constant 0 : index
    %get3A_132 = tpu.vector_load %arg5[%get3A_129, %get3A_130, %get3A_131] {strides = array<i32>} : memref<8x2x128xi32, #tpu.memory_space<vmem>>, vector<1x1x16xi32>,
    %get3A_133 = vector.shape_cast %get3A_132 : vector<1x1x16xi32> to vector<16xi32>
    %mul3A_134 = arith.constant 2 : i32
    %mul3A_135 = vector.broadcast %mul3A_134 : i32 to vector<16xi32>
    %mul3A_136 = arith.muli %get3A_133, %mul3A_135 : vector<16xi32>
    %add3A_137 = arith.addi %mul3A_136, %broadcast_in_dim3A : vector<16xi32>
    %swap3A = arith.constant 0 : i32
    %swap3A_138 = arith.index_cast %swap3A : i32 to index
    %swap3A_139 = arith.constant 0 : index
    %swap3A_140 = tpu.vector_load %arg6[%swap3A_138, %swap3A_139] {strides = array<i32>} : memref<8x128xi32, #tpu.memory_space<vmem>>, vector<1x16xi32>,
    %swap3A_141 = vector.shape_cast %swap3A_140 : vector<1x16xi32> to vector<16xi32>
    %swap3A_142 = vector.shape_cast %add3A_137 : vector<16xi32> to vector<1x16xi32>
    tpu.vector_store %arg6[%swap3A_138, %swap3A_139], %swap3A_142 {strides = array<i32>} : memref<8x128xi32, #tpu.memory_space<vmem>>, vector<1x16xi32>,
    %get3A_143 = arith.constant 0 : i32
    %get3A_144 = arith.constant 1 : i32
    %get3A_145 = arith.index_cast %get3A_143 : i32 to index
    %get3A_146 = arith.index_cast %get3A_144 : i32 to index
    %get3A_147 = arith.constant 0 : index
    %get3A_148 = tpu.vector_load %arg5[%get3A_145, %get3A_146, %get3A_147] {strides = array<i32>} : memref<8x2x128xi32, #tpu.memory_space<vmem>>, vector<1x1x16xi32>,
    %get3A_149 = vector.shape_cast %get3A_148 : vector<1x1x16xi32> to vector<16xi32>
    %swap3A_150 = arith.constant 0 : i32
    %swap3A_151 = arith.index_cast %swap3A_150 : i32 to index
    %swap3A_152 = arith.constant 0 : index
    %swap3A_153 = tpu.vector_load %arg7[%swap3A_151, %swap3A_152] {strides = array<i32>} : memref<8x128xi32, #tpu.memory_space<vmem>>, vector<1x16xi32>,
    %swap3A_154 = vector.shape_cast %swap3A_153 : vector<1x16xi32> to vector<16xi32>
    %swap3A_155 = vector.shape_cast %get3A_149 : vector<16xi32> to vector<1x16xi32>
    tpu.vector_store %arg7[%swap3A_151, %swap3A_152], %swap3A_155 {strides = array<i32>} : memref<8x128xi32, #tpu.memory_space<vmem>>, vector<1x16xi32>,
    %get3A_156 = arith.constant 0 : i32
    %get3A_157 = arith.constant 0 : i32
    %get3A_158 = arith.index_cast %get3A_156 : i32 to index
    %get3A_159 = arith.index_cast %get3A_157 : i32 to index
    %get3A_160 = arith.constant 16 : index
    %get3A_161 = tpu.vector_load %arg5[%get3A_158, %get3A_159, %get3A_160] {strides = array<i32>} : memref<8x2x128xi32, #tpu.memory_space<vmem>>, vector<1x1x16xi32>,
    %get3A_162 = vector.shape_cast %get3A_161 : vector<1x1x16xi32> to vector<16xi32>
    %mul3A_163 = arith.constant 2 : i32
    %mul3A_164 = vector.broadcast %mul3A_163 : i32 to vector<16xi32>
    %mul3A_165 = arith.muli %get3A_162, %mul3A_164 : vector<16xi32>
    %add3A_166 = arith.addi %mul3A_165, %broadcast_in_dim3A : vector<16xi32>
    %swap3A_167 = arith.constant 0 : i32
    %swap3A_168 = arith.index_cast %swap3A_167 : i32 to index
    %swap3A_169 = arith.constant 16 : index
    %swap3A_170 = tpu.vector_load %arg6[%swap3A_168, %swap3A_169] {strides = array<i32>} : memref<8x128xi32, #tpu.memory_space<vmem>>, vector<1x16xi32>,
    %swap3A_171 = vector.shape_cast %swap3A_170 : vector<1x16xi32> to vector<16xi32>
    %swap3A_172 = vector.shape_cast %add3A_166 : vector<16xi32> to vector<1x16xi32>
    tpu.vector_store %arg6[%swap3A_168, %swap3A_169], %swap3A_172 {strides = array<i32>} : memref<8x128xi32, #tpu.memory_space<vmem>>, vector<1x16xi32>,
    %get3A_173 = arith.constant 0 : i32
    %get3A_174 = arith.constant 1 : i32
    %get3A_175 = arith.index_cast %get3A_173 : i32 to index
    %get3A_176 = arith.index_cast %get3A_174 : i32 to index
    %get3A_177 = arith.constant 16 : index
    %get3A_178 = tpu.vector_load %arg5[%get3A_175, %get3A_176, %get3A_177] {strides = array<i32>} : memref<8x2x128xi32, #tpu.memory_space<vmem>>, vector<1x1x16xi32>,
    %get3A_179 = vector.shape_cast %get3A_178 : vector<1x1x16xi32> to vector<16xi32>
    %swap3A_180 = arith.constant 0 : i32
    %swap3A_181 = arith.index_cast %swap3A_180 : i32 to index
    %swap3A_182 = arith.constant 16 : index
    %swap3A_183 = tpu.vector_load %arg7[%swap3A_181, %swap3A_182] {strides = array<i32>} : memref<8x128xi32, #tpu.memory_space<vmem>>, vector<1x16xi32>,
    %swap3A_184 = vector.shape_cast %swap3A_183 : vector<1x16xi32> to vector<16xi32>
    %swap3A_185 = vector.shape_cast %get3A_179 : vector<16xi32> to vector<1x16xi32>
    tpu.vector_store %arg7[%swap3A_181, %swap3A_182], %swap3A_185 {strides = array<i32>} : memref<8x128xi32, #tpu.memory_space<vmem>>, vector<1x16xi32>,
    %get3A_186 = arith.constant 0 : i32
    %get3A_187 = arith.constant 0 : i32
    %get3A_188 = arith.index_cast %get3A_186 : i32 to index
    %get3A_189 = arith.index_cast %get3A_187 : i32 to index
    %get3A_190 = arith.constant 32 : index
    %get3A_191 = tpu.vector_load %arg5[%get3A_188, %get3A_189, %get3A_190] {strides = array<i32>} : memref<8x2x128xi32, #tpu.memory_space<vmem>>, vector<1x1x16xi32>,
    %get3A_192 = vector.shape_cast %get3A_191 : vector<1x1x16xi32> to vector<16xi32>
    %mul3A_193 = arith.constant 2 : i32
    %mul3A_194 = vector.broadcast %mul3A_193 : i32 to vector<16xi32>
    %mul3A_195 = arith.muli %get3A_192, %mul3A_194 : vector<16xi32>
    %add3A_196 = arith.addi %mul3A_195, %broadcast_in_dim3A : vector<16xi32>
    %swap3A_197 = arith.constant 0 : i32
    %swap3A_198 = arith.index_cast %swap3A_197 : i32 to index
    %swap3A_199 = arith.constant 32 : index
    %swap3A_200 = tpu.vector_load %arg6[%swap3A_198, %swap3A_199] {strides = array<i32>} : memref<8x128xi32, #tpu.memory_space<vmem>>, vector<1x16xi32>,
    %swap3A_201 = vector.shape_cast %swap3A_200 : vector<1x16xi32> to vector<16xi32>
    %swap3A_202 = vector.shape_cast %add3A_196 : vector<16xi32> to vector<1x16xi32>
    tpu.vector_store %arg6[%swap3A_198, %swap3A_199], %swap3A_202 {strides = array<i32>} : memref<8x128xi32, #tpu.memory_space<vmem>>, vector<1x16xi32>,
    %get3A_203 = arith.constant 0 : i32
    %get3A_204 = arith.constant 1 : i32
    %get3A_205 = arith.index_cast %get3A_203 : i32 to index
    %get3A_206 = arith.index_cast %get3A_204 : i32 to index
    %get3A_207 = arith.constant 32 : index
    %get3A_208 = tpu.vector_load %arg5[%get3A_205, %get3A_206, %get3A_207] {strides = array<i32>} : memref<8x2x128xi32, #tpu.memory_space<vmem>>, vector<1x1x16xi32>,
    %get3A_209 = vector.shape_cast %get3A_208 : vector<1x1x16xi32> to vector<16xi32>
    %swap3A_210 = arith.constant 0 : i32
    %swap3A_211 = arith.index_cast %swap3A_210 : i32 to index
    %swap3A_212 = arith.constant 32 : index
    %swap3A_213 = tpu.vector_load %arg7[%swap3A_211, %swap3A_212] {strides = array<i32>} : memref<8x128xi32, #tpu.memory_space<vmem>>, vector<1x16xi32>,
    %swap3A_214 = vector.shape_cast %swap3A_213 : vector<1x16xi32> to vector<16xi32>
    %swap3A_215 = vector.shape_cast %get3A_209 : vector<16xi32> to vector<1x16xi32>
    tpu.vector_store %arg7[%swap3A_211, %swap3A_212], %swap3A_215 {strides = array<i32>} : memref<8x128xi32, #tpu.memory_space<vmem>>, vector<1x16xi32>,
    %get3A_216 = arith.constant 0 : i32
    %get3A_217 = arith.constant 0 : i32
    %get3A_218 = arith.index_cast %get3A_216 : i32 to index
    %get3A_219 = arith.index_cast %get3A_217 : i32 to index
    %get3A_220 = arith.constant 48 : index
    %get3A_221 = tpu.vector_load %arg5[%get3A_218, %get3A_219, %get3A_220] {strides = array<i32>} : memref<8x2x128xi32, #tpu.memory_space<vmem>>, vector<1x1x16xi32>,
    %get3A_222 = vector.shape_cast %get3A_221 : vector<1x1x16xi32> to vector<16xi32>
    %mul3A_223 = arith.constant 2 : i32
    %mul3A_224 = vector.broadcast %mul3A_223 : i32 to vector<16xi32>
    %mul3A_225 = arith.muli %get3A_222, %mul3A_224 : vector<16xi32>
    %add3A_226 = arith.addi %mul3A_225, %broadcast_in_dim3A : vector<16xi32>
    %swap3A_227 = arith.constant 0 : i32
    %swap3A_228 = arith.index_cast %swap3A_227 : i32 to index
    %swap3A_229 = arith.constant 48 : index
    %swap3A_230 = tpu.vector_load %arg6[%swap3A_228, %swap3A_229] {strides = array<i32>} : memref<8x128xi32, #tpu.memory_space<vmem>>, vector<1x16xi32>,
    %swap3A_231 = vector.shape_cast %swap3A_230 : vector<1x16xi32> to vector<16xi32>
    %swap3A_232 = vector.shape_cast %add3A_226 : vector<16xi32> to vector<1x16xi32>
    tpu.vector_store %arg6[%swap3A_228, %swap3A_229], %swap3A_232 {strides = array<i32>} : memref<8x128xi32, #tpu.memory_space<vmem>>, vector<1x16xi32>,
    %get3A_233 = arith.constant 0 : i32
    %get3A_234 = arith.constant 1 : i32
    %get3A_235 = arith.index_cast %get3A_233 : i32 to index
    %get3A_236 = arith.index_cast %get3A_234 : i32 to index
    %get3A_237 = arith.constant 48 : index
    %get3A_238 = tpu.vector_load %arg5[%get3A_235, %get3A_236, %get3A_237] {strides = array<i32>} : memref<8x2x128xi32, #tpu.memory_space<vmem>>, vector<1x1x16xi32>,
    %get3A_239 = vector.shape_cast %get3A_238 : vector<1x1x16xi32> to vector<16xi32>
    %swap3A_240 = arith.constant 0 : i32
    %swap3A_241 = arith.index_cast %swap3A_240 : i32 to index
    %swap3A_242 = arith.constant 48 : index
    %swap3A_243 = tpu.vector_load %arg7[%swap3A_241, %swap3A_242] {strides = array<i32>} : memref<8x128xi32, #tpu.memory_space<vmem>>, vector<1x16xi32>,
    %swap3A_244 = vector.shape_cast %swap3A_243 : vector<1x16xi32> to vector<16xi32>
    %swap3A_245 = vector.shape_cast %get3A_239 : vector<16xi32> to vector<1x16xi32>
    tpu.vector_store %arg7[%swap3A_241, %swap3A_242], %swap3A_245 {strides = array<i32>} : memref<8x128xi32, #tpu.memory_space<vmem>>, vector<1x16xi32>,
    %get3A_246 = arith.constant 0 : i32
    %get3A_247 = arith.constant 0 : i32
    %get3A_248 = arith.index_cast %get3A_246 : i32 to index
    %get3A_249 = arith.index_cast %get3A_247 : i32 to index
    %get3A_250 = arith.constant 64 : index
    %get3A_251 = tpu.vector_load %arg5[%get3A_248, %get3A_249, %get3A_250] {strides = array<i32>} : memref<8x2x128xi32, #tpu.memory_space<vmem>>, vector<1x1x16xi32>,
    %get3A_252 = vector.shape_cast %get3A_251 : vector<1x1x16xi32> to vector<16xi32>
    %mul3A_253 = arith.constant 2 : i32
    %mul3A_254 = vector.broadcast %mul3A_253 : i32 to vector<16xi32>
    %mul3A_255 = arith.muli %get3A_252, %mul3A_254 : vector<16xi32>
    %add3A_256 = arith.addi %mul3A_255, %broadcast_in_dim3A : vector<16xi32>
    %swap3A_257 = arith.constant 0 : i32
    %swap3A_258 = arith.index_cast %swap3A_257 : i32 to index
    %swap3A_259 = arith.constant 64 : index
    %swap3A_260 = tpu.vector_load %arg6[%swap3A_258, %swap3A_259] {strides = array<i32>} : memref<8x128xi32, #tpu.memory_space<vmem>>, vector<1x16xi32>,
    %swap3A_261 = vector.shape_cast %swap3A_260 : vector<1x16xi32> to vector<16xi32>
    %swap3A_262 = vector.shape_cast %add3A_256 : vector<16xi32> to vector<1x16xi32>
    tpu.vector_store %arg6[%swap3A_258, %swap3A_259], %swap3A_262 {strides = array<i32>} : memref<8x128xi32, #tpu.memory_space<vmem>>, vector<1x16xi32>,
    %get3A_263 = arith.constant 0 : i32
    %get3A_264 = arith.constant 1 : i32
    %get3A_265 = arith.index_cast %get3A_263 : i32 to index
    %get3A_266 = arith.index_cast %get3A_264 : i32 to index
    %get3A_267 = arith.constant 64 : index
    %get3A_268 = tpu.vector_load %arg5[%get3A_265, %get3A_266, %get3A_267] {strides = array<i32>} : memref<8x2x128xi32, #tpu.memory_space<vmem>>, vector<1x1x16xi32>,
    %get3A_269 = vector.shape_cast %get3A_268 : vector<1x1x16xi32> to vector<16xi32>
    %swap3A_270 = arith.constant 0 : i32
    %swap3A_271 = arith.index_cast %swap3A_270 : i32 to index
    %swap3A_272 = arith.constant 64 : index
    %swap3A_273 = tpu.vector_load %arg7[%swap3A_271, %swap3A_272] {strides = array<i32>} : memref<8x128xi32, #tpu.memory_space<vmem>>, vector<1x16xi32>,
    %swap3A_274 = vector.shape_cast %swap3A_273 : vector<1x16xi32> to vector<16xi32>
    %swap3A_275 = vector.shape_cast %get3A_269 : vector<16xi32> to vector<1x16xi32>
    tpu.vector_store %arg7[%swap3A_271, %swap3A_272], %swap3A_275 {strides = array<i32>} : memref<8x128xi32, #tpu.memory_space<vmem>>, vector<1x16xi32>,
    %get3A_276 = arith.constant 0 : i32
    %get3A_277 = arith.constant 0 : i32
    %get3A_278 = arith.index_cast %get3A_276 : i32 to index
    %get3A_279 = arith.index_cast %get3A_277 : i32 to index
    %get3A_280 = arith.constant 80 : index
    %get3A_281 = tpu.vector_load %arg5[%get3A_278, %get3A_279, %get3A_280] {strides = array<i32>} : memref<8x2x128xi32, #tpu.memory_space<vmem>>, vector<1x1x16xi32>,
    %get3A_282 = vector.shape_cast %get3A_281 : vector<1x1x16xi32> to vector<16xi32>
    %mul3A_283 = arith.constant 2 : i32
    %mul3A_284 = vector.broadcast %mul3A_283 : i32 to vector<16xi32>
    %mul3A_285 = arith.muli %get3A_282, %mul3A_284 : vector<16xi32>
    %add3A_286 = arith.addi %mul3A_285, %broadcast_in_dim3A : vector<16xi32>
    %swap3A_287 = arith.constant 0 : i32
    %swap3A_288 = arith.index_cast %swap3A_287 : i32 to index
    %swap3A_289 = arith.constant 80 : index
    %swap3A_290 = tpu.vector_load %arg6[%swap3A_288, %swap3A_289] {strides = array<i32>} : memref<8x128xi32, #tpu.memory_space<vmem>>, vector<1x16xi32>,
    %swap3A_291 = vector.shape_cast %swap3A_290 : vector<1x16xi32> to vector<16xi32>
    %swap3A_292 = vector.shape_cast %add3A_286 : vector<16xi32> to vector<1x16xi32>
    tpu.vector_store %arg6[%swap3A_288, %swap3A_289], %swap3A_292 {strides = array<i32>} : memref<8x128xi32, #tpu.memory_space<vmem>>, vector<1x16xi32>,
    %get3A_293 = arith.constant 0 : i32
    %get3A_294 = arith.constant 1 : i32
    %get3A_295 = arith.index_cast %get3A_293 : i32 to index
    %get3A_296 = arith.index_cast %get3A_294 : i32 to index
    %get3A_297 = arith.constant 80 : index
    %get3A_298 = tpu.vector_load %arg5[%get3A_295, %get3A_296, %get3A_297] {strides = array<i32>} : memref<8x2x128xi32, #tpu.memory_space<vmem>>, vector<1x1x16xi32>,
    %get3A_299 = vector.shape_cast %get3A_298 : vector<1x1x16xi32> to vector<16xi32>
    %swap3A_300 = arith.constant 0 : i32
    %swap3A_301 = arith.index_cast %swap3A_300 : i32 to index
    %swap3A_302 = arith.constant 80 : index
    %swap3A_303 = tpu.vector_load %arg7[%swap3A_301, %swap3A_302] {strides = array<i32>} : memref<8x128xi32, #tpu.memory_space<vmem>>, vector<1x16xi32>,
    %swap3A_304 = vector.shape_cast %swap3A_303 : vector<1x16xi32> to vector<16xi32>
    %swap3A_305 = vector.shape_cast %get3A_299 : vector<16xi32> to vector<1x16xi32>
    tpu.vector_store %arg7[%swap3A_301, %swap3A_302], %swap3A_305 {strides = array<i32>} : memref<8x128xi32, #tpu.memory_space<vmem>>, vector<1x16xi32>,
    %get3A_306 = arith.constant 0 : i32
    %get3A_307 = arith.constant 0 : i32
    %get3A_308 = arith.index_cast %get3A_306 : i32 to index
    %get3A_309 = arith.index_cast %get3A_307 : i32 to index
    %get3A_310 = arith.constant 96 : index
    %get3A_311 = tpu.vector_load %arg5[%get3A_308, %get3A_309, %get3A_310] {strides = array<i32>} : memref<8x2x128xi32, #tpu.memory_space<vmem>>, vector<1x1x16xi32>,
    %get3A_312 = vector.shape_cast %get3A_311 : vector<1x1x16xi32> to vector<16xi32>
    %mul3A_313 = arith.constant 2 : i32
    %mul3A_314 = vector.broadcast %mul3A_313 : i32 to vector<16xi32>
    %mul3A_315 = arith.muli %get3A_312, %mul3A_314 : vector<16xi32>
    %add3A_316 = arith.addi %mul3A_315, %broadcast_in_dim3A : vector<16xi32>
    %swap3A_317 = arith.constant 0 : i32
    %swap3A_318 = arith.index_cast %swap3A_317 : i32 to index
    %swap3A_319 = arith.constant 96 : index
    %swap3A_320 = tpu.vector_load %arg6[%swap3A_318, %swap3A_319] {strides = array<i32>} : memref<8x128xi32, #tpu.memory_space<vmem>>, vector<1x16xi32>,
    %swap3A_321 = vector.shape_cast %swap3A_320 : vector<1x16xi32> to vector<16xi32>
    %swap3A_322 = vector.shape_cast %add3A_316 : vector<16xi32> to vector<1x16xi32>
    tpu.vector_store %arg6[%swap3A_318, %swap3A_319], %swap3A_322 {strides = array<i32>} : memref<8x128xi32, #tpu.memory_space<vmem>>, vector<1x16xi32>,
    %get3A_323 = arith.constant 0 : i32
    %get3A_324 = arith.constant 1 : i32
    %get3A_325 = arith.index_cast %get3A_323 : i32 to index
    %get3A_326 = arith.index_cast %get3A_324 : i32 to index
    %get3A_327 = arith.constant 96 : index
    %get3A_328 = tpu.vector_load %arg5[%get3A_325, %get3A_326, %get3A_327] {strides = array<i32>} : memref<8x2x128xi32, #tpu.memory_space<vmem>>, vector<1x1x16xi32>,
    %get3A_329 = vector.shape_cast %get3A_328 : vector<1x1x16xi32> to vector<16xi32>
    %swap3A_330 = arith.constant 0 : i32
    %swap3A_331 = arith.index_cast %swap3A_330 : i32 to index
    %swap3A_332 = arith.constant 96 : index
    %swap3A_333 = tpu.vector_load %arg7[%swap3A_331, %swap3A_332] {strides = array<i32>} : memref<8x128xi32, #tpu.memory_space<vmem>>, vector<1x16xi32>,
    %swap3A_334 = vector.shape_cast %swap3A_333 : vector<1x16xi32> to vector<16xi32>
    %swap3A_335 = vector.shape_cast %get3A_329 : vector<16xi32> to vector<1x16xi32>
    tpu.vector_store %arg7[%swap3A_331, %swap3A_332], %swap3A_335 {strides = array<i32>} : memref<8x128xi32, #tpu.memory_space<vmem>>, vector<1x16xi32>,
    %get3A_336 = arith.constant 0 : i32
    %get3A_337 = arith.constant 0 : i32
    %get3A_338 = arith.index_cast %get3A_336 : i32 to index
    %get3A_339 = arith.index_cast %get3A_337 : i32 to index
    %get3A_340 = arith.constant 112 : index
    %get3A_341 = tpu.vector_load %arg5[%get3A_338, %get3A_339, %get3A_340] {strides = array<i32>} : memref<8x2x128xi32, #tpu.memory_space<vmem>>, vector<1x1x16xi32>,
    %get3A_342 = vector.shape_cast %get3A_341 : vector<1x1x16xi32> to vector<16xi32>
    %mul3A_343 = arith.constant 2 : i32
    %mul3A_344 = vector.broadcast %mul3A_343 : i32 to vector<16xi32>
    %mul3A_345 = arith.muli %get3A_342, %mul3A_344 : vector<16xi32>
    %add3A_346 = arith.addi %mul3A_345, %broadcast_in_dim3A : vector<16xi32>
    %swap3A_347 = arith.constant 0 : i32
    %swap3A_348 = arith.index_cast %swap3A_347 : i32 to index
    %swap3A_349 = arith.constant 112 : index
    %swap3A_350 = tpu.vector_load %arg6[%swap3A_348, %swap3A_349] {strides = array<i32>} : memref<8x128xi32, #tpu.memory_space<vmem>>, vector<1x16xi32>,
    %swap3A_351 = vector.shape_cast %swap3A_350 : vector<1x16xi32> to vector<16xi32>
    %swap3A_352 = vector.shape_cast %add3A_346 : vector<16xi32> to vector<1x16xi32>
    tpu.vector_store %arg6[%swap3A_348, %swap3A_349], %swap3A_352 {strides = array<i32>} : memref<8x128xi32, #tpu.memory_space<vmem>>, vector<1x16xi32>,
    %get3A_353 = arith.constant 0 : i32
    %get3A_354 = arith.constant 1 : i32
    %get3A_355 = arith.index_cast %get3A_353 : i32 to index
    %get3A_356 = arith.index_cast %get3A_354 : i32 to index
    %get3A_357 = arith.constant 112 : index
    %get3A_358 = tpu.vector_load %arg5[%get3A_355, %get3A_356, %get3A_357] {strides = array<i32>} : memref<8x2x128xi32, #tpu.memory_space<vmem>>, vector<1x1x16xi32>,
    %get3A_359 = vector.shape_cast %get3A_358 : vector<1x1x16xi32> to vector<16xi32>
    %swap3A_360 = arith.constant 0 : i32
    %swap3A_361 = arith.index_cast %swap3A_360 : i32 to index
    %swap3A_362 = arith.constant 112 : index
    %swap3A_363 = tpu.vector_load %arg7[%swap3A_361, %swap3A_362] {strides = array<i32>} : memref<8x128xi32, #tpu.memory_space<vmem>>, vector<1x16xi32>,
    %swap3A_364 = vector.shape_cast %swap3A_363 : vector<1x16xi32> to vector<16xi32>
    %swap3A_365 = vector.shape_cast %get3A_359 : vector<16xi32> to vector<1x16xi32>
    tpu.vector_store %arg7[%swap3A_361, %swap3A_362], %swap3A_365 {strides = array<i32>} : memref<8x128xi32, #tpu.memory_space<vmem>>, vector<1x16xi32>,
    %dma_start3A_366 = arith.constant 0 : i32
    %dma_start3A_367 = arith.constant 0 : i32
    %dma_start3A_368 = tpu.memref_slice %arg6[%dma_start3A_366, %dma_start3A_367] : memref<8x128xi32, #tpu.memory_space<vmem>> -> memref<1x128xi32, #tpu.memory_space<vmem>>
    %dma_start3A_369 = tpu.memref_squeeze %dma_start3A_368 : memref<1x128xi32, #tpu.memory_space<vmem>> -> memref<128xi32, #tpu.memory_space<vmem>>
    %dma_start3A_370 = arith.constant 0 : i32
    %dma_start3A_371 = arith.constant 0 : i32
    %dma_start3A_372 = tpu.memref_slice %arg2[%dma_start3A_370, %dma_start3A_371] : memref<20000x64xf32, #tpu.memory_space<hbm>> -> memref<20000x64xf32, #tpu.memory_space<hbm>>
    tpu.enqueue_indirect_dma source(%dma_start3A_372 : memref<20000x64xf32, #tpu.memory_space<hbm>>) target(%arg8 : memref<128x64xf32, #tpu.memory_space<vmem>>) offsets(%dma_start3A_369 : memref<128xi32, #tpu.memory_space<vmem>>) semaphore(%arg21 : memref<!tpu.dma_semaphore, #tpu.memory_space<semaphore_mem>>)
    %add3A_373 = arith.constant 128 : i32
    %add3A_374 = arith.addi %mul3A_0, %add3A_373 : i32
    %dma_wait3A_375 = arith.constant 1 : i32
    %dma_wait3A_376 = arith.constant 0 : i32
    %dma_wait3A_377 = arith.constant 0 : i32
    %dma_wait3A_378 = tpu.memref_slice %arg5[%dma_wait3A_375, %dma_wait3A_376, %dma_wait3A_377] : memref<8x2x128xi32, #tpu.memory_space<vmem>> -> memref<1x2x128xi32, #tpu.memory_space<vmem>>
    %dma_wait3A_379 = tpu.memref_squeeze %dma_wait3A_378 : memref<1x2x128xi32, #tpu.memory_space<vmem>> -> memref<2x128xi32, #tpu.memory_space<vmem>>
    %dma_wait3A_380 = arith.constant 0 : i32
    %dma_wait3A_381 = tpu.memref_slice %arg3[%dma_wait3A_380, %add3A_374] : memref<2x320000xi32, #tpu.memory_space<hbm>> -> memref<2x128xi32, #tpu.memory_space<hbm>>
    %dma_wait3A_382 = arith.constant 0 : i32
    %dma_wait3A_383 = arith.constant 0 : i32
    %dma_wait3A_384 = tpu.memref_slice %arg5[%dma_wait3A_375, %dma_wait3A_382, %dma_wait3A_383] : memref<8x2x128xi32, #tpu.memory_space<vmem>> -> memref<1x2x128xi32, #tpu.memory_space<vmem>>
    %dma_wait3A_385 = tpu.memref_squeeze %dma_wait3A_384 : memref<1x2x128xi32, #tpu.memory_space<vmem>> -> memref<2x128xi32, #tpu.memory_space<vmem>>
    %dma_wait3A_386 = arith.constant 0 : i32
    %dma_wait3A_387 = tpu.memref_slice %arg3[%dma_wait3A_386, %add3A_374] : memref<2x320000xi32, #tpu.memory_space<hbm>> -> memref<2x128xi32, #tpu.memory_space<hbm>>
    tpu.wait_dma2 semaphore(%arg16 : memref<!tpu.dma_semaphore, #tpu.memory_space<semaphore_mem>>) src(%dma_wait3A_387 : memref<2x128xi32, #tpu.memory_space<hbm>>) dst(%dma_wait3A_385 : memref<2x128xi32, #tpu.memory_space<vmem>>)
    %broadcast_in_dim3A_388 = vector.broadcast %arg0 : i32 to vector<16xi32>
    %get3A_389 = arith.constant 1 : i32
    %get3A_390 = arith.constant 0 : i32
    %get3A_391 = arith.index_cast %get3A_389 : i32 to index
    %get3A_392 = arith.index_cast %get3A_390 : i32 to index
    %get3A_393 = arith.constant 0 : index
    %get3A_394 = tpu.vector_load %arg5[%get3A_391, %get3A_392, %get3A_393] {strides = array<i32>} : memref<8x2x128xi32, #tpu.memory_space<vmem>>, vector<1x1x16xi32>,
    %get3A_395 = vector.shape_cast %get3A_394 : vector<1x1x16xi32> to vector<16xi32>
    %mul3A_396 = arith.constant 2 : i32
    %mul3A_397 = vector.broadcast %mul3A_396 : i32 to vector<16xi32>
    %mul3A_398 = arith.muli %get3A_395, %mul3A_397 : vector<16xi32>
    %add3A_399 = arith.addi %mul3A_398, %broadcast_in_dim3A_388 : vector<16xi32>
    %swap3A_400 = arith.constant 1 : i32
    %swap3A_401 = arith.index_cast %swap3A_400 : i32 to index
    %swap3A_402 = arith.constant 0 : index
    %swap3A_403 = tpu.vector_load %arg6[%swap3A_401, %swap3A_402] {strides = array<i32>} : memref<8x128xi32, #tpu.memory_space<vmem>>, vector<1x16xi32>,
    %swap3A_404 = vector.shape_cast %swap3A_403 : vector<1x16xi32> to vector<16xi32>
    %swap3A_405 = vector.shape_cast %add3A_399 : vector<16xi32> to vector<1x16xi32>
    tpu.vector_store %arg6[%swap3A_401, %swap3A_402], %swap3A_405 {strides = array<i32>} : memref<8x128xi32, #tpu.memory_space<vmem>>, vector<1x16xi32>,
    %get3A_406 = arith.constant 1 : i32
    %get3A_407 = arith.constant 1 : i32
    %get3A_408 = arith.index_cast %get3A_406 : i32 to index
    %get3A_409 = arith.index_cast %get3A_407 : i32 to index
    %get3A_410 = arith.constant 0 : index
    %get3A_411 = tpu.vector_load %arg5[%get3A_408, %get3A_409, %get3A_410] {strides = array<i32>} : memref<8x2x128xi32, #tpu.memory_space<vmem>>, vector<1x1x16xi32>,
    %get3A_412 = vector.shape_cast %get3A_411 : vector<1x1x16xi32> to vector<16xi32>
    %swap3A_413 = arith.constant 1 : i32
    %swap3A_414 = arith.index_cast %swap3A_413 : i32 to index
    %swap3A_415 = arith.constant 0 : index
    %swap3A_416 = tpu.vector_load %arg7[%swap3A_414, %swap3A_415] {strides = array<i32>} : memref<8x128xi32, #tpu.memory_space<vmem>>, vector<1x16xi32>,
    %swap3A_417 = vector.shape_cast %swap3A_416 : vector<1x16xi32> to vector<16xi32>
    %swap3A_418 = vector.shape_cast %get3A_412 : vector<16xi32> to vector<1x16xi32>
    tpu.vector_store %arg7[%swap3A_414, %swap3A_415], %swap3A_418 {strides = array<i32>} : memref<8x128xi32, #tpu.memory_space<vmem>>, vector<1x16xi32>,
    %get3A_419 = arith.constant 1 : i32
    %get3A_420 = arith.constant 0 : i32
    %get3A_421 = arith.index_cast %get3A_419 : i32 to index
    %get3A_422 = arith.index_cast %get3A_420 : i32 to index
    %get3A_423 = arith.constant 16 : index
    %get3A_424 = tpu.vector_load %arg5[%get3A_421, %get3A_422, %get3A_423] {strides = array<i32>} : memref<8x2x128xi32, #tpu.memory_space<vmem>>, vector<1x1x16xi32>,
    %get3A_425 = vector.shape_cast %get3A_424 : vector<1x1x16xi32> to vector<16xi32>
    %mul3A_426 = arith.constant 2 : i32
    %mul3A_427 = vector.broadcast %mul3A_426 : i32 to vector<16xi32>
    %mul3A_428 = arith.muli %get3A_425, %mul3A_427 : vector<16xi32>
    %add3A_429 = arith.addi %mul3A_428, %broadcast_in_dim3A_388 : vector<16xi32>
    %swap3A_430 = arith.constant 1 : i32
    %swap3A_431 = arith.index_cast %swap3A_430 : i32 to index
    %swap3A_432 = arith.constant 16 : index
    %swap3A_433 = tpu.vector_load %arg6[%swap3A_431, %swap3A_432] {strides = array<i32>} : memref<8x128xi32, #tpu.memory_space<vmem>>, vector<1x16xi32>,
    %swap3A_434 = vector.shape_cast %swap3A_433 : vector<1x16xi32> to vector<16xi32>
    %swap3A_435 = vector.shape_cast %add3A_429 : vector<16xi32> to vector<1x16xi32>
    tpu.vector_store %arg6[%swap3A_431, %swap3A_432], %swap3A_435 {strides = array<i32>} : memref<8x128xi32, #tpu.memory_space<vmem>>, vector<1x16xi32>,
    %get3A_436 = arith.constant 1 : i32
    %get3A_437 = arith.constant 1 : i32
    %get3A_438 = arith.index_cast %get3A_436 : i32 to index
    %get3A_439 = arith.index_cast %get3A_437 : i32 to index
    %get3A_440 = arith.constant 16 : index
    %get3A_441 = tpu.vector_load %arg5[%get3A_438, %get3A_439, %get3A_440] {strides = array<i32>} : memref<8x2x128xi32, #tpu.memory_space<vmem>>, vector<1x1x16xi32>,
    %get3A_442 = vector.shape_cast %get3A_441 : vector<1x1x16xi32> to vector<16xi32>
    %swap3A_443 = arith.constant 1 : i32
    %swap3A_444 = arith.index_cast %swap3A_443 : i32 to index
    %swap3A_445 = arith.constant 16 : index
    %swap3A_446 = tpu.vector_load %arg7[%swap3A_444, %swap3A_445] {strides = array<i32>} : memref<8x128xi32, #tpu.memory_space<vmem>>, vector<1x16xi32>,
    %swap3A_447 = vector.shape_cast %swap3A_446 : vector<1x16xi32> to vector<16xi32>
    %swap3A_448 = vector.shape_cast %get3A_442 : vector<16xi32> to vector<1x16xi32>
    tpu.vector_store %arg7[%swap3A_444, %swap3A_445], %swap3A_448 {strides = array<i32>} : memref<8x128xi32, #tpu.memory_space<vmem>>, vector<1x16xi32>,
    %get3A_449 = arith.constant 1 : i32
    %get3A_450 = arith.constant 0 : i32
    %get3A_451 = arith.index_cast %get3A_449 : i32 to index
    %get3A_452 = arith.index_cast %get3A_450 : i32 to index
    %get3A_453 = arith.constant 32 : index
    %get3A_454 = tpu.vector_load %arg5[%get3A_451, %get3A_452, %get3A_453] {strides = array<i32>} : memref<8x2x128xi32, #tpu.memory_space<vmem>>, vector<1x1x16xi32>,
    %get3A_455 = vector.shape_cast %get3A_454 : vector<1x1x16xi32> to vector<16xi32>
    %mul3A_456 = arith.constant 2 : i32
    %mul3A_457 = vector.broadcast %mul3A_456 : i32 to vector<16xi32>
    %mul3A_458 = arith.muli %get3A_455, %mul3A_457 : vector<16xi32>
    %add3A_459 = arith.addi %mul3A_458, %broadcast_in_dim3A_388 : vector<16xi32>
    %swap3A_460 = arith.constant 1 : i32
    %swap3A_461 = arith.index_cast %swap3A_460 : i32 to index
    %swap3A_462 = arith.constant 32 : index
    %swap3A_463 = tpu.vector_load %arg6[%swap3A_461, %swap3A_462] {strides = array<i32>} : memref<8x128xi32, #tpu.memory_space<vmem>>, vector<1x16xi32>,
    %swap3A_464 = vector.shape_cast %swap3A_463 : vector<1x16xi32> to vector<16xi32>
    %swap3A_465 = vector.shape_cast %add3A_459 : vector<16xi32> to vector<1x16xi32>
    tpu.vector_store %arg6[%swap3A_461, %swap3A_462], %swap3A_465 {strides = array<i32>} : memref<8x128xi32, #tpu.memory_space<vmem>>, vector<1x16xi32>,
    %get3A_466 = arith.constant 1 : i32
    %get3A_467 = arith.constant 1 : i32
    %get3A_468 = arith.index_cast %get3A_466 : i32 to index
    %get3A_469 = arith.index_cast %get3A_467 : i32 to index
    %get3A_470 = arith.constant 32 : index
    %get3A_471 = tpu.vector_load %arg5[%get3A_468, %get3A_469, %get3A_470] {strides = array<i32>} : memref<8x2x128xi32, #tpu.memory_space<vmem>>, vector<1x1x16xi32>,
    %get3A_472 = vector.shape_cast %get3A_471 : vector<1x1x16xi32> to vector<16xi32>
    %swap3A_473 = arith.constant 1 : i32
    %swap3A_474 = arith.index_cast %swap3A_473 : i32 to index
    %swap3A_475 = arith.constant 32 : index
    %swap3A_476 = tpu.vector_load %arg7[%swap3A_474, %swap3A_475] {strides = array<i32>} : memref<8x128xi32, #tpu.memory_space<vmem>>, vector<1x16xi32>,
    %swap3A_477 = vector.shape_cast %swap3A_476 : vector<1x16xi32> to vector<16xi32>
    %swap3A_478 = vector.shape_cast %get3A_472 : vector<16xi32> to vector<1x16xi32>
    tpu.vector_store %arg7[%swap3A_474, %swap3A_475], %swap3A_478 {strides = array<i32>} : memref<8x128xi32, #tpu.memory_space<vmem>>, vector<1x16xi32>,
    %get3A_479 = arith.constant 1 : i32
    %get3A_480 = arith.constant 0 : i32
    %get3A_481 = arith.index_cast %get3A_479 : i32 to index
    %get3A_482 = arith.index_cast %get3A_480 : i32 to index
    %get3A_483 = arith.constant 48 : index
    %get3A_484 = tpu.vector_load %arg5[%get3A_481, %get3A_482, %get3A_483] {strides = array<i32>} : memref<8x2x128xi32, #tpu.memory_space<vmem>>, vector<1x1x16xi32>,
    %get3A_485 = vector.shape_cast %get3A_484 : vector<1x1x16xi32> to vector<16xi32>
    %mul3A_486 = arith.constant 2 : i32
    %mul3A_487 = vector.broadcast %mul3A_486 : i32 to vector<16xi32>
    %mul3A_488 = arith.muli %get3A_485, %mul3A_487 : vector<16xi32>
    %add3A_489 = arith.addi %mul3A_488, %broadcast_in_dim3A_388 : vector<16xi32>
    %swap3A_490 = arith.constant 1 : i32
    %swap3A_491 = arith.index_cast %swap3A_490 : i32 to index
    %swap3A_492 = arith.constant 48 : index
    %swap3A_493 = tpu.vector_load %arg6[%swap3A_491, %swap3A_492] {strides = array<i32>} : memref<8x128xi32, #tpu.memory_space<vmem>>, vector<1x16xi32>,
    %swap3A_494 = vector.shape_cast %swap3A_493 : vector<1x16xi32> to vector<16xi32>
    %swap3A_495 = vector.shape_cast %add3A_489 : vector<16xi32> to vector<1x16xi32>
    tpu.vector_store %arg6[%swap3A_491, %swap3A_492], %swap3A_495 {strides = array<i32>} : memref<8x128xi32, #tpu.memory_space<vmem>>, vector<1x16xi32>,
    %get3A_496 = arith.constant 1 : i32
    %get3A_497 = arith.constant 1 : i32
    %get3A_498 = arith.index_cast %get3A_496 : i32 to index
    %get3A_499 = arith.index_cast %get3A_497 : i32 to index
    %get3A_500 = arith.constant 48 : index
    %get3A_501 = tpu.vector_load %arg5[%get3A_498, %get3A_499, %get3A_500] {strides = array<i32>} : memref<8x2x128xi32, #tpu.memory_space<vmem>>, vector<1x1x16xi32>,
    %get3A_502 = vector.shape_cast %get3A_501 : vector<1x1x16xi32> to vector<16xi32>
    %swap3A_503 = arith.constant 1 : i32
    %swap3A_504 = arith.index_cast %swap3A_503 : i32 to index
    %swap3A_505 = arith.constant 48 : index
    %swap3A_506 = tpu.vector_load %arg7[%swap3A_504, %swap3A_505] {strides = array<i32>} : memref<8x128xi32, #tpu.memory_space<vmem>>, vector<1x16xi32>,
    %swap3A_507 = vector.shape_cast %swap3A_506 : vector<1x16xi32> to vector<16xi32>
    %swap3A_508 = vector.shape_cast %get3A_502 : vector<16xi32> to vector<1x16xi32>
    tpu.vector_store %arg7[%swap3A_504, %swap3A_505], %swap3A_508 {strides = array<i32>} : memref<8x128xi32, #tpu.memory_space<vmem>>, vector<1x16xi32>,
    %get3A_509 = arith.constant 1 : i32
    %get3A_510 = arith.constant 0 : i32
    %get3A_511 = arith.index_cast %get3A_509 : i32 to index
    %get3A_512 = arith.index_cast %get3A_510 : i32 to index
    %get3A_513 = arith.constant 64 : index
    %get3A_514 = tpu.vector_load %arg5[%get3A_511, %get3A_512, %get3A_513] {strides = array<i32>} : memref<8x2x128xi32, #tpu.memory_space<vmem>>, vector<1x1x16xi32>,
    %get3A_515 = vector.shape_cast %get3A_514 : vector<1x1x16xi32> to vector<16xi32>
    %mul3A_516 = arith.constant 2 : i32
    %mul3A_517 = vector.broadcast %mul3A_516 : i32 to vector<16xi32>
    %mul3A_518 = arith.muli %get3A_515, %mul3A_517 : vector<16xi32>
    %add3A_519 = arith.addi %mul3A_518, %broadcast_in_dim3A_388 : vector<16xi32>
    %swap3A_520 = arith.constant 1 : i32
    %swap3A_521 = arith.index_cast %swap3A_520 : i32 to index
    %swap3A_522 = arith.constant 64 : index
    %swap3A_523 = tpu.vector_load %arg6[%swap3A_521, %swap3A_522] {strides = array<i32>} : memref<8x128xi32, #tpu.memory_space<vmem>>, vector<1x16xi32>,
    %swap3A_524 = vector.shape_cast %swap3A_523 : vector<1x16xi32> to vector<16xi32>
    %swap3A_525 = vector.shape_cast %add3A_519 : vector<16xi32> to vector<1x16xi32>
    tpu.vector_store %arg6[%swap3A_521, %swap3A_522], %swap3A_525 {strides = array<i32>} : memref<8x128xi32, #tpu.memory_space<vmem>>, vector<1x16xi32>,
    %get3A_526 = arith.constant 1 : i32
    %get3A_527 = arith.constant 1 : i32
    %get3A_528 = arith.index_cast %get3A_526 : i32 to index
    %get3A_529 = arith.index_cast %get3A_527 : i32 to index
    %get3A_530 = arith.constant 64 : index
    %get3A_531 = tpu.vector_load %arg5[%get3A_528, %get3A_529, %get3A_530] {strides = array<i32>} : memref<8x2x128xi32, #tpu.memory_space<vmem>>, vector<1x1x16xi32>,
    %get3A_532 = vector.shape_cast %get3A_531 : vector<1x1x16xi32> to vector<16xi32>
    %swap3A_533 = arith.constant 1 : i32
    %swap3A_534 = arith.index_cast %swap3A_533 : i32 to index
    %swap3A_535 = arith.constant 64 : index
    %swap3A_536 = tpu.vector_load %arg7[%swap3A_534, %swap3A_535] {strides = array<i32>} : memref<8x128xi32, #tpu.memory_space<vmem>>, vector<1x16xi32>,
    %swap3A_537 = vector.shape_cast %swap3A_536 : vector<1x16xi32> to vector<16xi32>
    %swap3A_538 = vector.shape_cast %get3A_532 : vector<16xi32> to vector<1x16xi32>
    tpu.vector_store %arg7[%swap3A_534, %swap3A_535], %swap3A_538 {strides = array<i32>} : memref<8x128xi32, #tpu.memory_space<vmem>>, vector<1x16xi32>,
    %get3A_539 = arith.constant 1 : i32
    %get3A_540 = arith.constant 0 : i32
    %get3A_541 = arith.index_cast %get3A_539 : i32 to index
    %get3A_542 = arith.index_cast %get3A_540 : i32 to index
    %get3A_543 = arith.constant 80 : index
    %get3A_544 = tpu.vector_load %arg5[%get3A_541, %get3A_542, %get3A_543] {strides = array<i32>} : memref<8x2x128xi32, #tpu.memory_space<vmem>>, vector<1x1x16xi32>,
    %get3A_545 = vector.shape_cast %get3A_544 : vector<1x1x16xi32> to vector<16xi32>
    %mul3A_546 = arith.constant 2 : i32
    %mul3A_547 = vector.broadcast %mul3A_546 : i32 to vector<16xi32>
    %mul3A_548 = arith.muli %get3A_545, %mul3A_547 : vector<16xi32>
    %add3A_549 = arith.addi %mul3A_548, %broadcast_in_dim3A_388 : vector<16xi32>
    %swap3A_550 = arith.constant 1 : i32
    %swap3A_551 = arith.index_cast %swap3A_550 : i32 to index
    %swap3A_552 = arith.constant 80 : index
    %swap3A_553 = tpu.vector_load %arg6[%swap3A_551, %swap3A_552] {strides = array<i32>} : memref<8x128xi32, #tpu.memory_space<vmem>>, vector<1x16xi32>,
    %swap3A_554 = vector.shape_cast %swap3A_553 : vector<1x16xi32> to vector<16xi32>
    %swap3A_555 = vector.shape_cast %add3A_549 : vector<16xi32> to vector<1x16xi32>
    tpu.vector_store %arg6[%swap3A_551, %swap3A_552], %swap3A_555 {strides = array<i32>} : memref<8x128xi32, #tpu.memory_space<vmem>>, vector<1x16xi32>,
    %get3A_556 = arith.constant 1 : i32
    %get3A_557 = arith.constant 1 : i32
    %get3A_558 = arith.index_cast %get3A_556 : i32 to index
    %get3A_559 = arith.index_cast %get3A_557 : i32 to index
    %get3A_560 = arith.constant 80 : index
    %get3A_561 = tpu.vector_load %arg5[%get3A_558, %get3A_559, %get3A_560] {strides = array<i32>} : memref<8x2x128xi32, #tpu.memory_space<vmem>>, vector<1x1x16xi32>,
    %get3A_562 = vector.shape_cast %get3A_561 : vector<1x1x16xi32> to vector<16xi32>
    %swap3A_563 = arith.constant 1 : i32
    %swap3A_564 = arith.index_cast %swap3A_563 : i32 to index
    %swap3A_565 = arith.constant 80 : index
    %swap3A_566 = tpu.vector_load %arg7[%swap3A_564, %swap3A_565] {strides = array<i32>} : memref<8x128xi32, #tpu.memory_space<vmem>>, vector<1x16xi32>,
    %swap3A_567 = vector.shape_cast %swap3A_566 : vector<1x16xi32> to vector<16xi32>
    %swap3A_568 = vector.shape_cast %get3A_562 : vector<16xi32> to vector<1x16xi32>
    tpu.vector_store %arg7[%swap3A_564, %swap3A_565], %swap3A_568 {strides = array<i32>} : memref<8x128xi32, #tpu.memory_space<vmem>>, vector<1x16xi32>,
    %get3A_569 = arith.constant 1 : i32
    %get3A_570 = arith.constant 0 : i32
    %get3A_571 = arith.index_cast %get3A_569 : i32 to index
    %get3A_572 = arith.index_cast %get3A_570 : i32 to index
    %get3A_573 = arith.constant 96 : index
    %get3A_574 = tpu.vector_load %arg5[%get3A_571, %get3A_572, %get3A_573] {strides = array<i32>} : memref<8x2x128xi32, #tpu.memory_space<vmem>>, vector<1x1x16xi32>,
    %get3A_575 = vector.shape_cast %get3A_574 : vector<1x1x16xi32> to vector<16xi32>
    %mul3A_576 = arith.constant 2 : i32
    %mul3A_577 = vector.broadcast %mul3A_576 : i32 to vector<16xi32>
    %mul3A_578 = arith.muli %get3A_575, %mul3A_577 : vector<16xi32>
    %add3A_579 = arith.addi %mul3A_578, %broadcast_in_dim3A_388 : vector<16xi32>
    %swap3A_580 = arith.constant 1 : i32
    %swap3A_581 = arith.index_cast %swap3A_580 : i32 to index
    %swap3A_582 = arith.constant 96 : index
    %swap3A_583 = tpu.vector_load %arg6[%swap3A_581, %swap3A_582] {strides = array<i32>} : memref<8x128xi32, #tpu.memory_space<vmem>>, vector<1x16xi32>,
    %swap3A_584 = vector.shape_cast %swap3A_583 : vector<1x16xi32> to vector<16xi32>
    %swap3A_585 = vector.shape_cast %add3A_579 : vector<16xi32> to vector<1x16xi32>
    tpu.vector_store %arg6[%swap3A_581, %swap3A_582], %swap3A_585 {strides = array<i32>} : memref<8x128xi32, #tpu.memory_space<vmem>>, vector<1x16xi32>,
    %get3A_586 = arith.constant 1 : i32
    %get3A_587 = arith.constant 1 : i32
    %get3A_588 = arith.index_cast %get3A_586 : i32 to index
    %get3A_589 = arith.index_cast %get3A_587 : i32 to index
    %get3A_590 = arith.constant 96 : index
    %get3A_591 = tpu.vector_load %arg5[%get3A_588, %get3A_589, %get3A_590] {strides = array<i32>} : memref<8x2x128xi32, #tpu.memory_space<vmem>>, vector<1x1x16xi32>,
    %get3A_592 = vector.shape_cast %get3A_591 : vector<1x1x16xi32> to vector<16xi32>
    %swap3A_593 = arith.constant 1 : i32
    %swap3A_594 = arith.index_cast %swap3A_593 : i32 to index
    %swap3A_595 = arith.constant 96 : index
    %swap3A_596 = tpu.vector_load %arg7[%swap3A_594, %swap3A_595] {strides = array<i32>} : memref<8x128xi32, #tpu.memory_space<vmem>>, vector<1x16xi32>,
    %swap3A_597 = vector.shape_cast %swap3A_596 : vector<1x16xi32> to vector<16xi32>
    %swap3A_598 = vector.shape_cast %get3A_592 : vector<16xi32> to vector<1x16xi32>
    tpu.vector_store %arg7[%swap3A_594, %swap3A_595], %swap3A_598 {strides = array<i32>} : memref<8x128xi32, #tpu.memory_space<vmem>>, vector<1x16xi32>,
    %get3A_599 = arith.constant 1 : i32
    %get3A_600 = arith.constant 0 : i32
    %get3A_601 = arith.index_cast %get3A_599 : i32 to index
    %get3A_602 = arith.index_cast %get3A_600 : i32 to index
    %get3A_603 = arith.constant 112 : index
    %get3A_604 = tpu.vector_load %arg5[%get3A_601, %get3A_602, %get3A_603] {strides = array<i32>} : memref<8x2x128xi32, #tpu.memory_space<vmem>>, vector<1x1x16xi32>,
    %get3A_605 = vector.shape_cast %get3A_604 : vector<1x1x16xi32> to vector<16xi32>
    %mul3A_606 = arith.constant 2 : i32
    %mul3A_607 = vector.broadcast %mul3A_606 : i32 to vector<16xi32>
    %mul3A_608 = arith.muli %get3A_605, %mul3A_607 : vector<16xi32>
    %add3A_609 = arith.addi %mul3A_608, %broadcast_in_dim3A_388 : vector<16xi32>
    %swap3A_610 = arith.constant 1 : i32
    %swap3A_611 = arith.index_cast %swap3A_610 : i32 to index
    %swap3A_612 = arith.constant 112 : index
    %swap3A_613 = tpu.vector_load %arg6[%swap3A_611, %swap3A_612] {strides = array<i32>} : memref<8x128xi32, #tpu.memory_space<vmem>>, vector<1x16xi32>,
    %swap3A_614 = vector.shape_cast %swap3A_613 : vector<1x16xi32> to vector<16xi32>
    %swap3A_615 = vector.shape_cast %add3A_609 : vector<16xi32> to vector<1x16xi32>
    tpu.vector_store %arg6[%swap3A_611, %swap3A_612], %swap3A_615 {strides = array<i32>} : memref<8x128xi32, #tpu.memory_space<vmem>>, vector<1x16xi32>,
    %get3A_616 = arith.constant 1 : i32
    %get3A_617 = arith.constant 1 : i32
    %get3A_618 = arith.index_cast %get3A_616 : i32 to index
    %get3A_619 = arith.index_cast %get3A_617 : i32 to index
    %get3A_620 = arith.constant 112 : index
    %get3A_621 = tpu.vector_load %arg5[%get3A_618, %get3A_619, %get3A_620] {strides = array<i32>} : memref<8x2x128xi32, #tpu.memory_space<vmem>>, vector<1x1x16xi32>,
    %get3A_622 = vector.shape_cast %get3A_621 : vector<1x1x16xi32> to vector<16xi32>
    %swap3A_623 = arith.constant 1 : i32
    %swap3A_624 = arith.index_cast %swap3A_623 : i32 to index
    %swap3A_625 = arith.constant 112 : index
    %swap3A_626 = tpu.vector_load %arg7[%swap3A_624, %swap3A_625] {strides = array<i32>} : memref<8x128xi32, #tpu.memory_space<vmem>>, vector<1x16xi32>,
    %swap3A_627 = vector.shape_cast %swap3A_626 : vector<1x16xi32> to vector<16xi32>
    %swap3A_628 = vector.shape_cast %get3A_622 : vector<16xi32> to vector<1x16xi32>
    tpu.vector_store %arg7[%swap3A_624, %swap3A_625], %swap3A_628 {strides = array<i32>} : memref<8x128xi32, #tpu.memory_space<vmem>>, vector<1x16xi32>,
    %dma_start3A_629 = arith.constant 1 : i32
    %dma_start3A_630 = arith.constant 0 : i32
    %dma_start3A_631 = tpu.memref_slice %arg6[%dma_start3A_629, %dma_start3A_630] : memref<8x128xi32, #tpu.memory_space<vmem>> -> memref<1x128xi32, #tpu.memory_space<vmem>>
    %dma_start3A_632 = tpu.memref_squeeze %dma_start3A_631 : memref<1x128xi32, #tpu.memory_space<vmem>> -> memref<128xi32, #tpu.memory_space<vmem>>
    %dma_start3A_633 = arith.constant 0 : i32
    %dma_start3A_634 = arith.constant 0 : i32
    %dma_start3A_635 = tpu.memref_slice %arg2[%dma_start3A_633, %dma_start3A_634] : memref<20000x64xf32, #tpu.memory_space<hbm>> -> memref<20000x64xf32, #tpu.memory_space<hbm>>
    tpu.enqueue_indirect_dma source(%dma_start3A_635 : memref<20000x64xf32, #tpu.memory_space<hbm>>) target(%arg9 : memref<128x64xf32, #tpu.memory_space<vmem>>) offsets(%dma_start3A_632 : memref<128xi32, #tpu.memory_space<vmem>>) semaphore(%arg22 : memref<!tpu.dma_semaphore, #tpu.memory_space<semaphore_mem>>)
    %add3A_636 = arith.constant 256 : i32
    %add3A_637 = arith.addi %mul3A_0, %add3A_636 : i32
    %dma_wait3A_638 = arith.constant 2 : i32
    %dma_wait3A_639 = arith.constant 0 : i32
    %dma_wait3A_640 = arith.constant 0 : i32
    %dma_wait3A_641 = tpu.memref_slice %arg5[%dma_wait3A_638, %dma_wait3A_639, %dma_wait3A_640] : memref<8x2x128xi32, #tpu.memory_space<vmem>> -> memref<1x2x128xi32, #tpu.memory_space<vmem>>
    %dma_wait3A_642 = tpu.memref_squeeze %dma_wait3A_641 : memref<1x2x128xi32, #tpu.memory_space<vmem>> -> memref<2x128xi32, #tpu.memory_space<vmem>>
    %dma_wait3A_643 = arith.constant 0 : i32
    %dma_wait3A_644 = tpu.memref_slice %arg3[%dma_wait3A_643, %add3A_637] : memref<2x320000xi32, #tpu.memory_space<hbm>> -> memref<2x128xi32, #tpu.memory_space<hbm>>
    %dma_wait3A_645 = arith.constant 0 : i32
    %dma_wait3A_646 = arith.constant 0 : i32
    %dma_wait3A_647 = tpu.memref_slice %arg5[%dma_wait3A_638, %dma_wait3A_645, %dma_wait3A_646] : memref<8x2x128xi32, #tpu.memory_space<vmem>> -> memref<1x2x128xi32, #tpu.memory_space<vmem>>
    %dma_wait3A_648 = tpu.memref_squeeze %dma_wait3A_647 : memref<1x2x128xi32, #tpu.memory_space<vmem>> -> memref<2x128xi32, #tpu.memory_space<vmem>>
    %dma_wait3A_649 = arith.constant 0 : i32
    %dma_wait3A_650 = tpu.memref_slice %arg3[%dma_wait3A_649, %add3A_637] : memref<2x320000xi32, #tpu.memory_space<hbm>> -> memref<2x128xi32, #tpu.memory_space<hbm>>
    tpu.wait_dma2 semaphore(%arg17 : memref<!tpu.dma_semaphore, #tpu.memory_space<semaphore_mem>>) src(%dma_wait3A_650 : memref<2x128xi32, #tpu.memory_space<hbm>>) dst(%dma_wait3A_648 : memref<2x128xi32, #tpu.memory_space<vmem>>)
    %broadcast_in_dim3A_651 = vector.broadcast %arg0 : i32 to vector<16xi32>
    %get3A_652 = arith.constant 2 : i32
    %get3A_653 = arith.constant 0 : i32
    %get3A_654 = arith.index_cast %get3A_652 : i32 to index
    %get3A_655 = arith.index_cast %get3A_653 : i32 to index
    %get3A_656 = arith.constant 0 : index
    %get3A_657 = tpu.vector_load %arg5[%get3A_654, %get3A_655, %get3A_656] {strides = array<i32>} : memref<8x2x128xi32, #tpu.memory_space<vmem>>, vector<1x1x16xi32>,
    %get3A_658 = vector.shape_cast %get3A_657 : vector<1x1x16xi32> to vector<16xi32>
    %mul3A_659 = arith.constant 2 : i32
    %mul3A_660 = vector.broadcast %mul3A_659 : i32 to vector<16xi32>
    %mul3A_661 = arith.muli %get3A_658, %mul3A_660 : vector<16xi32>
    %add3A_662 = arith.addi %mul3A_661, %broadcast_in_dim3A_651 : vector<16xi32>
    %swap3A_663 = arith.constant 2 : i32
    %swap3A_664 = arith.index_cast %swap3A_663 : i32 to index
    %swap3A_665 = arith.constant 0 : index
    %swap3A_666 = tpu.vector_load %arg6[%swap3A_664, %swap3A_665] {strides = array<i32>} : memref<8x128xi32, #tpu.memory_space<vmem>>, vector<1x16xi32>,
    %swap3A_667 = vector.shape_cast %swap3A_666 : vector<1x16xi32> to vector<16xi32>
    %swap3A_668 = vector.shape_cast %add3A_662 : vector<16xi32> to vector<1x16xi32>
    tpu.vector_store %arg6[%swap3A_664, %swap3A_665], %swap3A_668 {strides = array<i32>} : memref<8x128xi32, #tpu.memory_space<vmem>>, vector<1x16xi32>,
    %get3A_669 = arith.constant 2 : i32
    %get3A_670 = arith.constant 1 : i32
    %get3A_671 = arith.index_cast %get3A_669 : i32 to index
    %get3A_672 = arith.index_cast %get3A_670 : i32 to index
    %get3A_673 = arith.constant 0 : index
    %get3A_674 = tpu.vector_load %arg5[%get3A_671, %get3A_672, %get3A_673] {strides = array<i32>} : memref<8x2x128xi32, #tpu.memory_space<vmem>>, vector<1x1x16xi32>,
    %get3A_675 = vector.shape_cast %get3A_674 : vector<1x1x16xi32> to vector<16xi32>
    %swap3A_676 = arith.constant 2 : i32
    %swap3A_677 = arith.index_cast %swap3A_676 : i32 to index
    %swap3A_678 = arith.constant 0 : index
    %swap3A_679 = tpu.vector_load %arg7[%swap3A_677, %swap3A_678] {strides = array<i32>} : memref<8x128xi32, #tpu.memory_space<vmem>>, vector<1x16xi32>,
    %swap3A_680 = vector.shape_cast %swap3A_679 : vector<1x16xi32> to vector<16xi32>
    %swap3A_681 = vector.shape_cast %get3A_675 : vector<16xi32> to vector<1x16xi32>
    tpu.vector_store %arg7[%swap3A_677, %swap3A_678], %swap3A_681 {strides = array<i32>} : memref<8x128xi32, #tpu.memory_space<vmem>>, vector<1x16xi32>,
    %get3A_682 = arith.constant 2 : i32
    %get3A_683 = arith.constant 0 : i32
    %get3A_684 = arith.index_cast %get3A_682 : i32 to index
    %get3A_685 = arith.index_cast %get3A_683 : i32 to index
    %get3A_686 = arith.constant 16 : index
    %get3A_687 = tpu.vector_load %arg5[%get3A_684, %get3A_685, %get3A_686] {strides = array<i32>} : memref<8x2x128xi32, #tpu.memory_space<vmem>>, vector<1x1x16xi32>,
    %get3A_688 = vector.shape_cast %get3A_687 : vector<1x1x16xi32> to vector<16xi32>
    %mul3A_689 = arith.constant 2 : i32
    %mul3A_690 = vector.broadcast %mul3A_689 : i32 to vector<16xi32>
    %mul3A_691 = arith.muli %get3A_688, %mul3A_690 : vector<16xi32>
    %add3A_692 = arith.addi %mul3A_691, %broadcast_in_dim3A_651 : vector<16xi32>
    %swap3A_693 = arith.constant 2 : i32
    %swap3A_694 = arith.index_cast %swap3A_693 : i32 to index
    %swap3A_695 = arith.constant 16 : index
    %swap3A_696 = tpu.vector_load %arg6[%swap3A_694, %swap3A_695] {strides = array<i32>} : memref<8x128xi32, #tpu.memory_space<vmem>>, vector<1x16xi32>,
    %swap3A_697 = vector.shape_cast %swap3A_696 : vector<1x16xi32> to vector<16xi32>
    %swap3A_698 = vector.shape_cast %add3A_692 : vector<16xi32> to vector<1x16xi32>
    tpu.vector_store %arg6[%swap3A_694, %swap3A_695], %swap3A_698 {strides = array<i32>} : memref<8x128xi32, #tpu.memory_space<vmem>>, vector<1x16xi32>,
    %get3A_699 = arith.constant 2 : i32
    %get3A_700 = arith.constant 1 : i32
    %get3A_701 = arith.index_cast %get3A_699 : i32 to index
    %get3A_702 = arith.index_cast %get3A_700 : i32 to index
    %get3A_703 = arith.constant 16 : index
    %get3A_704 = tpu.vector_load %arg5[%get3A_701, %get3A_702, %get3A_703] {strides = array<i32>} : memref<8x2x128xi32, #tpu.memory_space<vmem>>, vector<1x1x16xi32>,
    %get3A_705 = vector.shape_cast %get3A_704 : vector<1x1x16xi32> to vector<16xi32>
    %swap3A_706 = arith.constant 2 : i32
    %swap3A_707 = arith.index_cast %swap3A_706 : i32 to index
    %swap3A_708 = arith.constant 16 : index
    %swap3A_709 = tpu.vector_load %arg7[%swap3A_707, %swap3A_708] {strides = array<i32>} : memref<8x128xi32, #tpu.memory_space<vmem>>, vector<1x16xi32>,
    %swap3A_710 = vector.shape_cast %swap3A_709 : vector<1x16xi32> to vector<16xi32>
    %swap3A_711 = vector.shape_cast %get3A_705 : vector<16xi32> to vector<1x16xi32>
    tpu.vector_store %arg7[%swap3A_707, %swap3A_708], %swap3A_711 {strides = array<i32>} : memref<8x128xi32, #tpu.memory_space<vmem>>, vector<1x16xi32>,
    %get3A_712 = arith.constant 2 : i32
    %get3A_713 = arith.constant 0 : i32
    %get3A_714 = arith.index_cast %get3A_712 : i32 to index
    %get3A_715 = arith.index_cast %get3A_713 : i32 to index
    %get3A_716 = arith.constant 32 : index
    %get3A_717 = tpu.vector_load %arg5[%get3A_714, %get3A_715, %get3A_716] {strides = array<i32>} : memref<8x2x128xi32, #tpu.memory_space<vmem>>, vector<1x1x16xi32>,
    %get3A_718 = vector.shape_cast %get3A_717 : vector<1x1x16xi32> to vector<16xi32>
    %mul3A_719 = arith.constant 2 : i32
    %mul3A_720 = vector.broadcast %mul3A_719 : i32 to vector<16xi32>
    %mul3A_721 = arith.muli %get3A_718, %mul3A_720 : vector<16xi32>
    %add3A_722 = arith.addi %mul3A_721, %broadcast_in_dim3A_651 : vector<16xi32>
    %swap3A_723 = arith.constant 2 : i32
    %swap3A_724 = arith.index_cast %swap3A_723 : i32 to index
    %swap3A_725 = arith.constant 32 : index
    %swap3A_726 = tpu.vector_load %arg6[%swap3A_724, %swap3A_725] {strides = array<i32>} : memref<8x128xi32, #tpu.memory_space<vmem>>, vector<1x16xi32>,
    %swap3A_727 = vector.shape_cast %swap3A_726 : vector<1x16xi32> to vector<16xi32>
    %swap3A_728 = vector.shape_cast %add3A_722 : vector<16xi32> to vector<1x16xi32>
    tpu.vector_store %arg6[%swap3A_724, %swap3A_725], %swap3A_728 {strides = array<i32>} : memref<8x128xi32, #tpu.memory_space<vmem>>, vector<1x16xi32>,
    %get3A_729 = arith.constant 2 : i32
    %get3A_730 = arith.constant 1 : i32
    %get3A_731 = arith.index_cast %get3A_729 : i32 to index
    %get3A_732 = arith.index_cast %get3A_730 : i32 to index
    %get3A_733 = arith.constant 32 : index
    %get3A_734 = tpu.vector_load %arg5[%get3A_731, %get3A_732, %get3A_733] {strides = array<i32>} : memref<8x2x128xi32, #tpu.memory_space<vmem>>, vector<1x1x16xi32>,
    %get3A_735 = vector.shape_cast %get3A_734 : vector<1x1x16xi32> to vector<16xi32>
    %swap3A_736 = arith.constant 2 : i32
    %swap3A_737 = arith.index_cast %swap3A_736 : i32 to index
    %swap3A_738 = arith.constant 32 : index
    %swap3A_739 = tpu.vector_load %arg7[%swap3A_737, %swap3A_738] {strides = array<i32>} : memref<8x128xi32, #tpu.memory_space<vmem>>, vector<1x16xi32>,
    %swap3A_740 = vector.shape_cast %swap3A_739 : vector<1x16xi32> to vector<16xi32>
    %swap3A_741 = vector.shape_cast %get3A_735 : vector<16xi32> to vector<1x16xi32>
    tpu.vector_store %arg7[%swap3A_737, %swap3A_738], %swap3A_741 {strides = array<i32>} : memref<8x128xi32, #tpu.memory_space<vmem>>, vector<1x16xi32>,
    %get3A_742 = arith.constant 2 : i32
    %get3A_743 = arith.constant 0 : i32
    %get3A_744 = arith.index_cast %get3A_742 : i32 to index
    %get3A_745 = arith.index_cast %get3A_743 : i32 to index
    %get3A_746 = arith.constant 48 : index
    %get3A_747 = tpu.vector_load %arg5[%get3A_744, %get3A_745, %get3A_746] {strides = array<i32>} : memref<8x2x128xi32, #tpu.memory_space<vmem>>, vector<1x1x16xi32>,
    %get3A_748 = vector.shape_cast %get3A_747 : vector<1x1x16xi32> to vector<16xi32>
    %mul3A_749 = arith.constant 2 : i32
    %mul3A_750 = vector.broadcast %mul3A_749 : i32 to vector<16xi32>
    %mul3A_751 = arith.muli %get3A_748, %mul3A_750 : vector<16xi32>
    %add3A_752 = arith.addi %mul3A_751, %broadcast_in_dim3A_651 : vector<16xi32>
    %swap3A_753 = arith.constant 2 : i32
    %swap3A_754 = arith.index_cast %swap3A_753 : i32 to index
    %swap3A_755 = arith.constant 48 : index
    %swap3A_756 = tpu.vector_load %arg6[%swap3A_754, %swap3A_755] {strides = array<i32>} : memref<8x128xi32, #tpu.memory_space<vmem>>, vector<1x16xi32>,
    %swap3A_757 = vector.shape_cast %swap3A_756 : vector<1x16xi32> to vector<16xi32>
    %swap3A_758 = vector.shape_cast %add3A_752 : vector<16xi32> to vector<1x16xi32>
    tpu.vector_store %arg6[%swap3A_754, %swap3A_755], %swap3A_758 {strides = array<i32>} : memref<8x128xi32, #tpu.memory_space<vmem>>, vector<1x16xi32>,
    %get3A_759 = arith.constant 2 : i32
    %get3A_760 = arith.constant 1 : i32
    %get3A_761 = arith.index_cast %get3A_759 : i32 to index
    %get3A_762 = arith.index_cast %get3A_760 : i32 to index
    %get3A_763 = arith.constant 48 : index
    %get3A_764 = tpu.vector_load %arg5[%get3A_761, %get3A_762, %get3A_763] {strides = array<i32>} : memref<8x2x128xi32, #tpu.memory_space<vmem>>, vector<1x1x16xi32>,
    %get3A_765 = vector.shape_cast %get3A_764 : vector<1x1x16xi32> to vector<16xi32>
    %swap3A_766 = arith.constant 2 : i32
    %swap3A_767 = arith.index_cast %swap3A_766 : i32 to index
    %swap3A_768 = arith.constant 48 : index
    %swap3A_769 = tpu.vector_load %arg7[%swap3A_767, %swap3A_768] {strides = array<i32>} : memref<8x128xi32, #tpu.memory_space<vmem>>, vector<1x16xi32>,
    %swap3A_770 = vector.shape_cast %swap3A_769 : vector<1x16xi32> to vector<16xi32>
    %swap3A_771 = vector.shape_cast %get3A_765 : vector<16xi32> to vector<1x16xi32>
    tpu.vector_store %arg7[%swap3A_767, %swap3A_768], %swap3A_771 {strides = array<i32>} : memref<8x128xi32, #tpu.memory_space<vmem>>, vector<1x16xi32>,
    %get3A_772 = arith.constant 2 : i32
    %get3A_773 = arith.constant 0 : i32
    %get3A_774 = arith.index_cast %get3A_772 : i32 to index
    %get3A_775 = arith.index_cast %get3A_773 : i32 to index
    %get3A_776 = arith.constant 64 : index
    %get3A_777 = tpu.vector_load %arg5[%get3A_774, %get3A_775, %get3A_776] {strides = array<i32>} : memref<8x2x128xi32, #tpu.memory_space<vmem>>, vector<1x1x16xi32>,
    %get3A_778 = vector.shape_cast %get3A_777 : vector<1x1x16xi32> to vector<16xi32>
    %mul3A_779 = arith.constant 2 : i32
    %mul3A_780 = vector.broadcast %mul3A_779 : i32 to vector<16xi32>
    %mul3A_781 = arith.muli %get3A_778, %mul3A_780 : vector<16xi32>
    %add3A_782 = arith.addi %mul3A_781, %broadcast_in_dim3A_651 : vector<16xi32>
    %swap3A_783 = arith.constant 2 : i32
    %swap3A_784 = arith.index_cast %swap3A_783 : i32 to index
    %swap3A_785 = arith.constant 64 : index
    %swap3A_786 = tpu.vector_load %arg6[%swap3A_784, %swap3A_785] {strides = array<i32>} : memref<8x128xi32, #tpu.memory_space<vmem>>, vector<1x16xi32>,
    %swap3A_787 = vector.shape_cast %swap3A_786 : vector<1x16xi32> to vector<16xi32>
    %swap3A_788 = vector.shape_cast %add3A_782 : vector<16xi32> to vector<1x16xi32>
    tpu.vector_store %arg6[%swap3A_784, %swap3A_785], %swap3A_788 {strides = array<i32>} : memref<8x128xi32, #tpu.memory_space<vmem>>, vector<1x16xi32>,
    %get3A_789 = arith.constant 2 : i32
    %get3A_790 = arith.constant 1 : i32
    %get3A_791 = arith.index_cast %get3A_789 : i32 to index
    %get3A_792 = arith.index_cast %get3A_790 : i32 to index
    %get3A_793 = arith.constant 64 : index
    %get3A_794 = tpu.vector_load %arg5[%get3A_791, %get3A_792, %get3A_793] {strides = array<i32>} : memref<8x2x128xi32, #tpu.memory_space<vmem>>, vector<1x1x16xi32>,
    %get3A_795 = vector.shape_cast %get3A_794 : vector<1x1x16xi32> to vector<16xi32>
    %swap3A_796 = arith.constant 2 : i32
    %swap3A_797 = arith.index_cast %swap3A_796 : i32 to index
    %swap3A_798 = arith.constant 64 : index
    %swap3A_799 = tpu.vector_load %arg7[%swap3A_797, %swap3A_798] {strides = array<i32>} : memref<8x128xi32, #tpu.memory_space<vmem>>, vector<1x16xi32>,
    %swap3A_800 = vector.shape_cast %swap3A_799 : vector<1x16xi32> to vector<16xi32>
    %swap3A_801 = vector.shape_cast %get3A_795 : vector<16xi32> to vector<1x16xi32>
    tpu.vector_store %arg7[%swap3A_797, %swap3A_798], %swap3A_801 {strides = array<i32>} : memref<8x128xi32, #tpu.memory_space<vmem>>, vector<1x16xi32>,
    %get3A_802 = arith.constant 2 : i32
    %get3A_803 = arith.constant 0 : i32
    %get3A_804 = arith.index_cast %get3A_802 : i32 to index
    %get3A_805 = arith.index_cast %get3A_803 : i32 to index
    %get3A_806 = arith.constant 80 : index
    %get3A_807 = tpu.vector_load %arg5[%get3A_804, %get3A_805, %get3A_806] {strides = array<i32>} : memref<8x2x128xi32, #tpu.memory_space<vmem>>, vector<1x1x16xi32>,
    %get3A_808 = vector.shape_cast %get3A_807 : vector<1x1x16xi32> to vector<16xi32>
    %mul3A_809 = arith.constant 2 : i32
    %mul3A_810 = vector.broadcast %mul3A_809 : i32 to vector<16xi32>
    %mul3A_811 = arith.muli %get3A_808, %mul3A_810 : vector<16xi32>
    %add3A_812 = arith.addi %mul3A_811, %broadcast_in_dim3A_651 : vector<16xi32>
    %swap3A_813 = arith.constant 2 : i32
    %swap3A_814 = arith.index_cast %swap3A_813 : i32 to index
    %swap3A_815 = arith.constant 80 : index
    %swap3A_816 = tpu.vector_load %arg6[%swap3A_814, %swap3A_815] {strides = array<i32>} : memref<8x128xi32, #tpu.memory_space<vmem>>, vector<1x16xi32>,
    %swap3A_817 = vector.shape_cast %swap3A_816 : vector<1x16xi32> to vector<16xi32>
    %swap3A_818 = vector.shape_cast %add3A_812 : vector<16xi32> to vector<1x16xi32>
    tpu.vector_store %arg6[%swap3A_814, %swap3A_815], %swap3A_818 {strides = array<i32>} : memref<8x128xi32, #tpu.memory_space<vmem>>, vector<1x16xi32>,
    %get3A_819 = arith.constant 2 : i32
    %get3A_820 = arith.constant 1 : i32
    %get3A_821 = arith.index_cast %get3A_819 : i32 to index
    %get3A_822 = arith.index_cast %get3A_820 : i32 to index
    %get3A_823 = arith.constant 80 : index
    %get3A_824 = tpu.vector_load %arg5[%get3A_821, %get3A_822, %get3A_823] {strides = array<i32>} : memref<8x2x128xi32, #tpu.memory_space<vmem>>, vector<1x1x16xi32>,
    %get3A_825 = vector.shape_cast %get3A_824 : vector<1x1x16xi32> to vector<16xi32>
    %swap3A_826 = arith.constant 2 : i32
    %swap3A_827 = arith.index_cast %swap3A_826 : i32 to index
    %swap3A_828 = arith.constant 80 : index
    %swap3A_829 = tpu.vector_load %arg7[%swap3A_827, %swap3A_828] {strides = array<i32>} : memref<8x128xi32, #tpu.memory_space<vmem>>, vector<1x16xi32>,
    %swap3A_830 = vector.shape_cast %swap3A_829 : vector<1x16xi32> to vector<16xi32>
    %swap3A_831 = vector.shape_cast %get3A_825 : vector<16xi32> to vector<1x16xi32>
    tpu.vector_store %arg7[%swap3A_827, %swap3A_828], %swap3A_831 {strides = array<i32>} : memref<8x128xi32, #tpu.memory_space<vmem>>, vector<1x16xi32>,
    %get3A_832 = arith.constant 2 : i32
    %get3A_833 = arith.constant 0 : i32
    %get3A_834 = arith.index_cast %get3A_832 : i32 to index
    %get3A_835 = arith.index_cast %get3A_833 : i32 to index
    %get3A_836 = arith.constant 96 : index
    %get3A_837 = tpu.vector_load %arg5[%get3A_834, %get3A_835, %get3A_836] {strides = array<i32>} : memref<8x2x128xi32, #tpu.memory_space<vmem>>, vector<1x1x16xi32>,
    %get3A_838 = vector.shape_cast %get3A_837 : vector<1x1x16xi32> to vector<16xi32>
    %mul3A_839 = arith.constant 2 : i32
    %mul3A_840 = vector.broadcast %mul3A_839 : i32 to vector<16xi32>
    %mul3A_841 = arith.muli %get3A_838, %mul3A_840 : vector<16xi32>
    %add3A_842 = arith.addi %mul3A_841, %broadcast_in_dim3A_651 : vector<16xi32>
    %swap3A_843 = arith.constant 2 : i32
    %swap3A_844 = arith.index_cast %swap3A_843 : i32 to index
    %swap3A_845 = arith.constant 96 : index
    %swap3A_846 = tpu.vector_load %arg6[%swap3A_844, %swap3A_845] {strides = array<i32>} : memref<8x128xi32, #tpu.memory_space<vmem>>, vector<1x16xi32>,
    %swap3A_847 = vector.shape_cast %swap3A_846 : vector<1x16xi32> to vector<16xi32>
    %swap3A_848 = vector.shape_cast %add3A_842 : vector<16xi32> to vector<1x16xi32>
    tpu.vector_store %arg6[%swap3A_844, %swap3A_845], %swap3A_848 {strides = array<i32>} : memref<8x128xi32, #tpu.memory_space<vmem>>, vector<1x16xi32>,
    %get3A_849 = arith.constant 2 : i32
    %get3A_850 = arith.constant 1 : i32
    %get3A_851 = arith.index_cast %get3A_849 : i32 to index
    %get3A_852 = arith.index_cast %get3A_850 : i32 to index
    %get3A_853 = arith.constant 96 : index
    %get3A_854 = tpu.vector_load %arg5[%get3A_851, %get3A_852, %get3A_853] {strides = array<i32>} : memref<8x2x128xi32, #tpu.memory_space<vmem>>, vector<1x1x16xi32>,
    %get3A_855 = vector.shape_cast %get3A_854 : vector<1x1x16xi32> to vector<16xi32>
    %swap3A_856 = arith.constant 2 : i32
    %swap3A_857 = arith.index_cast %swap3A_856 : i32 to index
    %swap3A_858 = arith.constant 96 : index
    %swap3A_859 = tpu.vector_load %arg7[%swap3A_857, %swap3A_858] {strides = array<i32>} : memref<8x128xi32, #tpu.memory_space<vmem>>, vector<1x16xi32>,
    %swap3A_860 = vector.shape_cast %swap3A_859 : vector<1x16xi32> to vector<16xi32>
    %swap3A_861 = vector.shape_cast %get3A_855 : vector<16xi32> to vector<1x16xi32>
    tpu.vector_store %arg7[%swap3A_857, %swap3A_858], %swap3A_861 {strides = array<i32>} : memref<8x128xi32, #tpu.memory_space<vmem>>, vector<1x16xi32>,
    %get3A_862 = arith.constant 2 : i32
    %get3A_863 = arith.constant 0 : i32
    %get3A_864 = arith.index_cast %get3A_862 : i32 to index
    %get3A_865 = arith.index_cast %get3A_863 : i32 to index
    %get3A_866 = arith.constant 112 : index
    %get3A_867 = tpu.vector_load %arg5[%get3A_864, %get3A_865, %get3A_866] {strides = array<i32>} : memref<8x2x128xi32, #tpu.memory_space<vmem>>, vector<1x1x16xi32>,
    %get3A_868 = vector.shape_cast %get3A_867 : vector<1x1x16xi32> to vector<16xi32>
    %mul3A_869 = arith.constant 2 : i32
    %mul3A_870 = vector.broadcast %mul3A_869 : i32 to vector<16xi32>
    %mul3A_871 = arith.muli %get3A_868, %mul3A_870 : vector<16xi32>
    %add3A_872 = arith.addi %mul3A_871, %broadcast_in_dim3A_651 : vector<16xi32>
    %swap3A_873 = arith.constant 2 : i32
    %swap3A_874 = arith.index_cast %swap3A_873 : i32 to index
    %swap3A_875 = arith.constant 112 : index
    %swap3A_876 = tpu.vector_load %arg6[%swap3A_874, %swap3A_875] {strides = array<i32>} : memref<8x128xi32, #tpu.memory_space<vmem>>, vector<1x16xi32>,
    %swap3A_877 = vector.shape_cast %swap3A_876 : vector<1x16xi32> to vector<16xi32>
    %swap3A_878 = vector.shape_cast %add3A_872 : vector<16xi32> to vector<1x16xi32>
    tpu.vector_store %arg6[%swap3A_874, %swap3A_875], %swap3A_878 {strides = array<i32>} : memref<8x128xi32, #tpu.memory_space<vmem>>, vector<1x16xi32>,
    %get3A_879 = arith.constant 2 : i32
    %get3A_880 = arith.constant 1 : i32
    %get3A_881 = arith.index_cast %get3A_879 : i32 to index
    %get3A_882 = arith.index_cast %get3A_880 : i32 to index
    %get3A_883 = arith.constant 112 : index
    %get3A_884 = tpu.vector_load %arg5[%get3A_881, %get3A_882, %get3A_883] {strides = array<i32>} : memref<8x2x128xi32, #tpu.memory_space<vmem>>, vector<1x1x16xi32>,
    %get3A_885 = vector.shape_cast %get3A_884 : vector<1x1x16xi32> to vector<16xi32>
    %swap3A_886 = arith.constant 2 : i32
    %swap3A_887 = arith.index_cast %swap3A_886 : i32 to index
    %swap3A_888 = arith.constant 112 : index
    %swap3A_889 = tpu.vector_load %arg7[%swap3A_887, %swap3A_888] {strides = array<i32>} : memref<8x128xi32, #tpu.memory_space<vmem>>, vector<1x16xi32>,
    %swap3A_890 = vector.shape_cast %swap3A_889 : vector<1x16xi32> to vector<16xi32>
    %swap3A_891 = vector.shape_cast %get3A_885 : vector<16xi32> to vector<1x16xi32>
    tpu.vector_store %arg7[%swap3A_887, %swap3A_888], %swap3A_891 {strides = array<i32>} : memref<8x128xi32, #tpu.memory_space<vmem>>, vector<1x16xi32>,
    %dma_start3A_892 = arith.constant 2 : i32
    %dma_start3A_893 = arith.constant 0 : i32
    %dma_start3A_894 = tpu.memref_slice %arg6[%dma_start3A_892, %dma_start3A_893] : memref<8x128xi32, #tpu.memory_space<vmem>> -> memref<1x128xi32, #tpu.memory_space<vmem>>
    %dma_start3A_895 = tpu.memref_squeeze %dma_start3A_894 : memref<1x128xi32, #tpu.memory_space<vmem>> -> memref<128xi32, #tpu.memory_space<vmem>>
    %dma_start3A_896 = arith.constant 0 : i32
    %dma_start3A_897 = arith.constant 0 : i32
    %dma_start3A_898 = tpu.memref_slice %arg2[%dma_start3A_896, %dma_start3A_897] : memref<20000x64xf32, #tpu.memory_space<hbm>> -> memref<20000x64xf32, #tpu.memory_space<hbm>>
    tpu.enqueue_indirect_dma source(%dma_start3A_898 : memref<20000x64xf32, #tpu.memory_space<hbm>>) target(%arg10 : memref<128x64xf32, #tpu.memory_space<vmem>>) offsets(%dma_start3A_895 : memref<128xi32, #tpu.memory_space<vmem>>) semaphore(%arg23 : memref<!tpu.dma_semaphore, #tpu.memory_space<semaphore_mem>>)
    %add3A_899 = arith.constant 384 : i32
    %add3A_900 = arith.addi %mul3A_0, %add3A_899 : i32
    %dma_wait3A_901 = arith.constant 3 : i32
    %dma_wait3A_902 = arith.constant 0 : i32
    %dma_wait3A_903 = arith.constant 0 : i32
    %dma_wait3A_904 = tpu.memref_slice %arg5[%dma_wait3A_901, %dma_wait3A_902, %dma_wait3A_903] : memref<8x2x128xi32, #tpu.memory_space<vmem>> -> memref<1x2x128xi32, #tpu.memory_space<vmem>>
    %dma_wait3A_905 = tpu.memref_squeeze %dma_wait3A_904 : memref<1x2x128xi32, #tpu.memory_space<vmem>> -> memref<2x128xi32, #tpu.memory_space<vmem>>
    %dma_wait3A_906 = arith.constant 0 : i32
    %dma_wait3A_907 = tpu.memref_slice %arg3[%dma_wait3A_906, %add3A_900] : memref<2x320000xi32, #tpu.memory_space<hbm>> -> memref<2x128xi32, #tpu.memory_space<hbm>>
    %dma_wait3A_908 = arith.constant 0 : i32
    %dma_wait3A_909 = arith.constant 0 : i32
    %dma_wait3A_910 = tpu.memref_slice %arg5[%dma_wait3A_901, %dma_wait3A_908, %dma_wait3A_909] : memref<8x2x128xi32, #tpu.memory_space<vmem>> -> memref<1x2x128xi32, #tpu.memory_space<vmem>>
    %dma_wait3A_911 = tpu.memref_squeeze %dma_wait3A_910 : memref<1x2x128xi32, #tpu.memory_space<vmem>> -> memref<2x128xi32, #tpu.memory_space<vmem>>
    %dma_wait3A_912 = arith.constant 0 : i32
    %dma_wait3A_913 = tpu.memref_slice %arg3[%dma_wait3A_912, %add3A_900] : memref<2x320000xi32, #tpu.memory_space<hbm>> -> memref<2x128xi32, #tpu.memory_space<hbm>>
    tpu.wait_dma2 semaphore(%arg18 : memref<!tpu.dma_semaphore, #tpu.memory_space<semaphore_mem>>) src(%dma_wait3A_913 : memref<2x128xi32, #tpu.memory_space<hbm>>) dst(%dma_wait3A_911 : memref<2x128xi32, #tpu.memory_space<vmem>>)
    %broadcast_in_dim3A_914 = vector.broadcast %arg0 : i32 to vector<16xi32>
    %get3A_915 = arith.constant 3 : i32
    %get3A_916 = arith.constant 0 : i32
    %get3A_917 = arith.index_cast %get3A_915 : i32 to index
    %get3A_918 = arith.index_cast %get3A_916 : i32 to index
    %get3A_919 = arith.constant 0 : index
    %get3A_920 = tpu.vector_load %arg5[%get3A_917, %get3A_918, %get3A_919] {strides = array<i32>} : memref<8x2x128xi32, #tpu.memory_space<vmem>>, vector<1x1x16xi32>,
    %get3A_921 = vector.shape_cast %get3A_920 : vector<1x1x16xi32> to vector<16xi32>
    %mul3A_922 = arith.constant 2 : i32
    %mul3A_923 = vector.broadcast %mul3A_922 : i32 to vector<16xi32>
    %mul3A_924 = arith.muli %get3A_921, %mul3A_923 : vector<16xi32>
    %add3A_925 = arith.addi %mul3A_924, %broadcast_in_dim3A_914 : vector<16xi32>
    %swap3A_926 = arith.constant 3 : i32
    %swap3A_927 = arith.index_cast %swap3A_926 : i32 to index
    %swap3A_928 = arith.constant 0 : index
    %swap3A_929 = tpu.vector_load %arg6[%swap3A_927, %swap3A_928] {strides = array<i32>} : memref<8x128xi32, #tpu.memory_space<vmem>>, vector<1x16xi32>,
    %swap3A_930 = vector.shape_cast %swap3A_929 : vector<1x16xi32> to vector<16xi32>
    %swap3A_931 = vector.shape_cast %add3A_925 : vector<16xi32> to vector<1x16xi32>
    tpu.vector_store %arg6[%swap3A_927, %swap3A_928], %swap3A_931 {strides = array<i32>} : memref<8x128xi32, #tpu.memory_space<vmem>>, vector<1x16xi32>,
    %get3A_932 = arith.constant 3 : i32
    %get3A_933 = arith.constant 1 : i32
    %get3A_934 = arith.index_cast %get3A_932 : i32 to index
    %get3A_935 = arith.index_cast %get3A_933 : i32 to index
    %get3A_936 = arith.constant 0 : index
    %get3A_937 = tpu.vector_load %arg5[%get3A_934, %get3A_935, %get3A_936] {strides = array<i32>} : memref<8x2x128xi32, #tpu.memory_space<vmem>>, vector<1x1x16xi32>,
    %get3A_938 = vector.shape_cast %get3A_937 : vector<1x1x16xi32> to vector<16xi32>
    %swap3A_939 = arith.constant 3 : i32
    %swap3A_940 = arith.index_cast %swap3A_939 : i32 to index
    %swap3A_941 = arith.constant 0 : index
    %swap3A_942 = tpu.vector_load %arg7[%swap3A_940, %swap3A_941] {strides = array<i32>} : memref<8x128xi32, #tpu.memory_space<vmem>>, vector<1x16xi32>,
    %swap3A_943 = vector.shape_cast %swap3A_942 : vector<1x16xi32> to vector<16xi32>
    %swap3A_944 = vector.shape_cast %get3A_938 : vector<16xi32> to vector<1x16xi32>
    tpu.vector_store %arg7[%swap3A_940, %swap3A_941], %swap3A_944 {strides = array<i32>} : memref<8x128xi32, #tpu.memory_space<vmem>>, vector<1x16xi32>,
    %get3A_945 = arith.constant 3 : i32
    %get3A_946 = arith.constant 0 : i32
    %get3A_947 = arith.index_cast %get3A_945 : i32 to index
    %get3A_948 = arith.index_cast %get3A_946 : i32 to index
    %get3A_949 = arith.constant 16 : index
    %get3A_950 = tpu.vector_load %arg5[%get3A_947, %get3A_948, %get3A_949] {strides = array<i32>} : memref<8x2x128xi32, #tpu.memory_space<vmem>>, vector<1x1x16xi32>,
    %get3A_951 = vector.shape_cast %get3A_950 : vector<1x1x16xi32> to vector<16xi32>
    %mul3A_952 = arith.constant 2 : i32
    %mul3A_953 = vector.broadcast %mul3A_952 : i32 to vector<16xi32>
    %mul3A_954 = arith.muli %get3A_951, %mul3A_953 : vector<16xi32>
    %add3A_955 = arith.addi %mul3A_954, %broadcast_in_dim3A_914 : vector<16xi32>
    %swap3A_956 = arith.constant 3 : i32
    %swap3A_957 = arith.index_cast %swap3A_956 : i32 to index
    %swap3A_958 = arith.constant 16 : index
    %swap3A_959 = tpu.vector_load %arg6[%swap3A_957, %swap3A_958] {strides = array<i32>} : memref<8x128xi32, #tpu.memory_space<vmem>>, vector<1x16xi32>,
    %swap3A_960 = vector.shape_cast %swap3A_959 : vector<1x16xi32> to vector<16xi32>
    %swap3A_961 = vector.shape_cast %add3A_955 : vector<16xi32> to vector<1x16xi32>
    tpu.vector_store %arg6[%swap3A_957, %swap3A_958], %swap3A_961 {strides = array<i32>} : memref<8x128xi32, #tpu.memory_space<vmem>>, vector<1x16xi32>,
    %get3A_962 = arith.constant 3 : i32
    %get3A_963 = arith.constant 1 : i32
    %get3A_964 = arith.index_cast %get3A_962 : i32 to index
    %get3A_965 = arith.index_cast %get3A_963 : i32 to index
    %get3A_966 = arith.constant 16 : index
    %get3A_967 = tpu.vector_load %arg5[%get3A_964, %get3A_965, %get3A_966] {strides = array<i32>} : memref<8x2x128xi32, #tpu.memory_space<vmem>>, vector<1x1x16xi32>,
    %get3A_968 = vector.shape_cast %get3A_967 : vector<1x1x16xi32> to vector<16xi32>
    %swap3A_969 = arith.constant 3 : i32
    %swap3A_970 = arith.index_cast %swap3A_969 : i32 to index
    %swap3A_971 = arith.constant 16 : index
    %swap3A_972 = tpu.vector_load %arg7[%swap3A_970, %swap3A_971] {strides = array<i32>} : memref<8x128xi32, #tpu.memory_space<vmem>>, vector<1x16xi32>,
    %swap3A_973 = vector.shape_cast %swap3A_972 : vector<1x16xi32> to vector<16xi32>
    %swap3A_974 = vector.shape_cast %get3A_968 : vector<16xi32> to vector<1x16xi32>
    tpu.vector_store %arg7[%swap3A_970, %swap3A_971], %swap3A_974 {strides = array<i32>} : memref<8x128xi32, #tpu.memory_space<vmem>>, vector<1x16xi32>,
    %get3A_975 = arith.constant 3 : i32
    %get3A_976 = arith.constant 0 : i32
    %get3A_977 = arith.index_cast %get3A_975 : i32 to index
    %get3A_978 = arith.index_cast %get3A_976 : i32 to index
    %get3A_979 = arith.constant 32 : index
    %get3A_980 = tpu.vector_load %arg5[%get3A_977, %get3A_978, %get3A_979] {strides = array<i32>} : memref<8x2x128xi32, #tpu.memory_space<vmem>>, vector<1x1x16xi32>,
    %get3A_981 = vector.shape_cast %get3A_980 : vector<1x1x16xi32> to vector<16xi32>
    %mul3A_982 = arith.constant 2 : i32
    %mul3A_983 = vector.broadcast %mul3A_982 : i32 to vector<16xi32>
    %mul3A_984 = arith.muli %get3A_981, %mul3A_983 : vector<16xi32>
    %add3A_985 = arith.addi %mul3A_984, %broadcast_in_dim3A_914 : vector<16xi32>
    %swap3A_986 = arith.constant 3 : i32
    %swap3A_987 = arith.index_cast %swap3A_986 : i32 to index
    %swap3A_988 = arith.constant 32 : index
    %swap3A_989 = tpu.vector_load %arg6[%swap3A_987, %swap3A_988] {strides = array<i32>} : memref<8x128xi32, #tpu.memory_space<vmem>>, vector<1x16xi32>,
    %swap3A_990 = vector.shape_cast %swap3A_989 : vector<1x16xi32> to vector<16xi32>
    %swap3A_991 = vector.shape_cast %add3A_985 : vector<16xi32> to vector<1x16xi32>
    tpu.vector_store %arg6[%swap3A_987, %swap3A_988], %swap3A_991 {strides = array<i32>} : memref<8x128xi32, #tpu.memory_space<vmem>>, vector<1x16xi32>,
    %get3A_992 = arith.constant 3 : i32
    %get3A_993 = arith.constant 1 : i32
    %get3A_994 = arith.index_cast %get3A_992 : i32 to index
    %get3A_995 = arith.index_cast %get3A_993 : i32 to index
    %get3A_996 = arith.constant 32 : index
    %get3A_997 = tpu.vector_load %arg5[%get3A_994, %get3A_995, %get3A_996] {strides = array<i32>} : memref<8x2x128xi32, #tpu.memory_space<vmem>>, vector<1x1x16xi32>,
    %get3A_998 = vector.shape_cast %get3A_997 : vector<1x1x16xi32> to vector<16xi32>
    %swap3A_999 = arith.constant 3 : i32
    %swap3A_1000 = arith.index_cast %swap3A_999 : i32 to index
    %swap3A_1001 = arith.constant 32 : index
    %swap3A_1002 = tpu.vector_load %arg7[%swap3A_1000, %swap3A_1001] {strides = array<i32>} : memref<8x128xi32, #tpu.memory_space<vmem>>, vector<1x16xi32>,
    %swap3A_1003 = vector.shape_cast %swap3A_1002 : vector<1x16xi32> to vector<16xi32>
    %swap3A_1004 = vector.shape_cast %get3A_998 : vector<16xi32> to vector<1x16xi32>
    tpu.vector_store %arg7[%swap3A_1000, %swap3A_1001], %swap3A_1004 {strides = array<i32>} : memref<8x128xi32, #tpu.memory_space<vmem>>, vector<1x16xi32>,
    %get3A_1005 = arith.constant 3 : i32
    %get3A_1006 = arith.constant 0 : i32
    %get3A_1007 = arith.index_cast %get3A_1005 : i32 to index
    %get3A_1008 = arith.index_cast %get3A_1006 : i32 to index
    %get3A_1009 = arith.constant 48 : index
    %get3A_1010 = tpu.vector_load %arg5[%get3A_1007, %get3A_1008, %get3A_1009] {strides = array<i32>} : memref<8x2x128xi32, #tpu.memory_space<vmem>>, vector<1x1x16xi32>,
    %get3A_1011 = vector.shape_cast %get3A_1010 : vector<1x1x16xi32> to vector<16xi32>
    %mul3A_1012 = arith.constant 2 : i32
    %mul3A_1013 = vector.broadcast %mul3A_1012 : i32 to vector<16xi32>
    %mul3A_1014 = arith.muli %get3A_1011, %mul3A_1013 : vector<16xi32>
    %add3A_1015 = arith.addi %mul3A_1014, %broadcast_in_dim3A_914 : vector<16xi32>
    %swap3A_1016 = arith.constant 3 : i32
    %swap3A_1017 = arith.index_cast %swap3A_1016 : i32 to index
    %swap3A_1018 = arith.constant 48 : index
    %swap3A_1019 = tpu.vector_load %arg6[%swap3A_1017, %swap3A_1018] {strides = array<i32>} : memref<8x128xi32, #tpu.memory_space<vmem>>, vector<1x16xi32>,
    %swap3A_1020 = vector.shape_cast %swap3A_1019 : vector<1x16xi32> to vector<16xi32>
    %swap3A_1021 = vector.shape_cast %add3A_1015 : vector<16xi32> to vector<1x16xi32>
    tpu.vector_store %arg6[%swap3A_1017, %swap3A_1018], %swap3A_1021 {strides = array<i32>} : memref<8x128xi32, #tpu.memory_space<vmem>>, vector<1x16xi32>,
    %get3A_1022 = arith.constant 3 : i32
    %get3A_1023 = arith.constant 1 : i32
    %get3A_1024 = arith.index_cast %get3A_1022 : i32 to index
    %get3A_1025 = arith.index_cast %get3A_1023 : i32 to index
    %get3A_1026 = arith.constant 48 : index
    %get3A_1027 = tpu.vector_load %arg5[%get3A_1024, %get3A_1025, %get3A_1026] {strides = array<i32>} : memref<8x2x128xi32, #tpu.memory_space<vmem>>, vector<1x1x16xi32>,
    %get3A_1028 = vector.shape_cast %get3A_1027 : vector<1x1x16xi32> to vector<16xi32>
    %swap3A_1029 = arith.constant 3 : i32
    %swap3A_1030 = arith.index_cast %swap3A_1029 : i32 to index
    %swap3A_1031 = arith.constant 48 : index
    %swap3A_1032 = tpu.vector_load %arg7[%swap3A_1030, %swap3A_1031] {strides = array<i32>} : memref<8x128xi32, #tpu.memory_space<vmem>>, vector<1x16xi32>,
    %swap3A_1033 = vector.shape_cast %swap3A_1032 : vector<1x16xi32> to vector<16xi32>
    %swap3A_1034 = vector.shape_cast %get3A_1028 : vector<16xi32> to vector<1x16xi32>
    tpu.vector_store %arg7[%swap3A_1030, %swap3A_1031], %swap3A_1034 {strides = array<i32>} : memref<8x128xi32, #tpu.memory_space<vmem>>, vector<1x16xi32>,
    %get3A_1035 = arith.constant 3 : i32
    %get3A_1036 = arith.constant 0 : i32
    %get3A_1037 = arith.index_cast %get3A_1035 : i32 to index
    %get3A_1038 = arith.index_cast %get3A_1036 : i32 to index
    %get3A_1039 = arith.constant 64 : index
    %get3A_1040 = tpu.vector_load %arg5[%get3A_1037, %get3A_1038, %get3A_1039] {strides = array<i32>} : memref<8x2x128xi32, #tpu.memory_space<vmem>>, vector<1x1x16xi32>,
    %get3A_1041 = vector.shape_cast %get3A_1040 : vector<1x1x16xi32> to vector<16xi32>
    %mul3A_1042 = arith.constant 2 : i32
    %mul3A_1043 = vector.broadcast %mul3A_1042 : i32 to vector<16xi32>
    %mul3A_1044 = arith.muli %get3A_1041, %mul3A_1043 : vector<16xi32>
    %add3A_1045 = arith.addi %mul3A_1044, %broadcast_in_dim3A_914 : vector<16xi32>
    %swap3A_1046 = arith.constant 3 : i32
    %swap3A_1047 = arith.index_cast %swap3A_1046 : i32 to index
    %swap3A_1048 = arith.constant 64 : index
    %swap3A_1049 = tpu.vector_load %arg6[%swap3A_1047, %swap3A_1048] {strides = array<i32>} : memref<8x128xi32, #tpu.memory_space<vmem>>, vector<1x16xi32>,
    %swap3A_1050 = vector.shape_cast %swap3A_1049 : vector<1x16xi32> to vector<16xi32>
    %swap3A_1051 = vector.shape_cast %add3A_1045 : vector<16xi32> to vector<1x16xi32>
    tpu.vector_store %arg6[%swap3A_1047, %swap3A_1048], %swap3A_1051 {strides = array<i32>} : memref<8x128xi32, #tpu.memory_space<vmem>>, vector<1x16xi32>,
    %get3A_1052 = arith.constant 3 : i32
    %get3A_1053 = arith.constant 1 : i32
    %get3A_1054 = arith.index_cast %get3A_1052 : i32 to index
    %get3A_1055 = arith.index_cast %get3A_1053 : i32 to index
    %get3A_1056 = arith.constant 64 : index
    %get3A_1057 = tpu.vector_load %arg5[%get3A_1054, %get3A_1055, %get3A_1056] {strides = array<i32>} : memref<8x2x128xi32, #tpu.memory_space<vmem>>, vector<1x1x16xi32>,
    %get3A_1058 = vector.shape_cast %get3A_1057 : vector<1x1x16xi32> to vector<16xi32>
    %swap3A_1059 = arith.constant 3 : i32
    %swap3A_1060 = arith.index_cast %swap3A_1059 : i32 to index
    %swap3A_1061 = arith.constant 64 : index
    %swap3A_1062 = tpu.vector_load %arg7[%swap3A_1060, %swap3A_1061] {strides = array<i32>} : memref<8x128xi32, #tpu.memory_space<vmem>>, vector<1x16xi32>,
    %swap3A_1063 = vector.shape_cast %swap3A_1062 : vector<1x16xi32> to vector<16xi32>
    %swap3A_1064 = vector.shape_cast %get3A_1058 : vector<16xi32> to vector<1x16xi32>
    tpu.vector_store %arg7[%swap3A_1060, %swap3A_1061], %swap3A_1064 {strides = array<i32>} : memref<8x128xi32, #tpu.memory_space<vmem>>, vector<1x16xi32>,
    %get3A_1065 = arith.constant 3 : i32
    %get3A_1066 = arith.constant 0 : i32
    %get3A_1067 = arith.index_cast %get3A_1065 : i32 to index
    %get3A_1068 = arith.index_cast %get3A_1066 : i32 to index
    %get3A_1069 = arith.constant 80 : index
    %get3A_1070 = tpu.vector_load %arg5[%get3A_1067, %get3A_1068, %get3A_1069] {strides = array<i32>} : memref<8x2x128xi32, #tpu.memory_space<vmem>>, vector<1x1x16xi32>,
    %get3A_1071 = vector.shape_cast %get3A_1070 : vector<1x1x16xi32> to vector<16xi32>
    %mul3A_1072 = arith.constant 2 : i32
    %mul3A_1073 = vector.broadcast %mul3A_1072 : i32 to vector<16xi32>
    %mul3A_1074 = arith.muli %get3A_1071, %mul3A_1073 : vector<16xi32>
    %add3A_1075 = arith.addi %mul3A_1074, %broadcast_in_dim3A_914 : vector<16xi32>
    %swap3A_1076 = arith.constant 3 : i32
    %swap3A_1077 = arith.index_cast %swap3A_1076 : i32 to index
    %swap3A_1078 = arith.constant 80 : index
    %swap3A_1079 = tpu.vector_load %arg6[%swap3A_1077, %swap3A_1078] {strides = array<i32>} : memref<8x128xi32, #tpu.memory_space<vmem>>, vector<1x16xi32>,
    %swap3A_1080 = vector.shape_cast %swap3A_1079 : vector<1x16xi32> to vector<16xi32>
    %swap3A_1081 = vector.shape_cast %add3A_1075 : vector<16xi32> to vector<1x16xi32>
    tpu.vector_store %arg6[%swap3A_1077, %swap3A_1078], %swap3A_1081 {strides = array<i32>} : memref<8x128xi32, #tpu.memory_space<vmem>>, vector<1x16xi32>,
    %get3A_1082 = arith.constant 3 : i32
    %get3A_1083 = arith.constant 1 : i32
    %get3A_1084 = arith.index_cast %get3A_1082 : i32 to index
    %get3A_1085 = arith.index_cast %get3A_1083 : i32 to index
    %get3A_1086 = arith.constant 80 : index
    %get3A_1087 = tpu.vector_load %arg5[%get3A_1084, %get3A_1085, %get3A_1086] {strides = array<i32>} : memref<8x2x128xi32, #tpu.memory_space<vmem>>, vector<1x1x16xi32>,
    %get3A_1088 = vector.shape_cast %get3A_1087 : vector<1x1x16xi32> to vector<16xi32>
    %swap3A_1089 = arith.constant 3 : i32
    %swap3A_1090 = arith.index_cast %swap3A_1089 : i32 to index
    %swap3A_1091 = arith.constant 80 : index
    %swap3A_1092 = tpu.vector_load %arg7[%swap3A_1090, %swap3A_1091] {strides = array<i32>} : memref<8x128xi32, #tpu.memory_space<vmem>>, vector<1x16xi32>,
    %swap3A_1093 = vector.shape_cast %swap3A_1092 : vector<1x16xi32> to vector<16xi32>
    %swap3A_1094 = vector.shape_cast %get3A_1088 : vector<16xi32> to vector<1x16xi32>
    tpu.vector_store %arg7[%swap3A_1090, %swap3A_1091], %swap3A_1094 {strides = array<i32>} : memref<8x128xi32, #tpu.memory_space<vmem>>, vector<1x16xi32>,
    %get3A_1095 = arith.constant 3 : i32
    %get3A_1096 = arith.constant 0 : i32
    %get3A_1097 = arith.index_cast %get3A_1095 : i32 to index
    %get3A_1098 = arith.index_cast %get3A_1096 : i32 to index
    %get3A_1099 = arith.constant 96 : index
    %get3A_1100 = tpu.vector_load %arg5[%get3A_1097, %get3A_1098, %get3A_1099] {strides = array<i32>} : memref<8x2x128xi32, #tpu.memory_space<vmem>>, vector<1x1x16xi32>,
    %get3A_1101 = vector.shape_cast %get3A_1100 : vector<1x1x16xi32> to vector<16xi32>
    %mul3A_1102 = arith.constant 2 : i32
    %mul3A_1103 = vector.broadcast %mul3A_1102 : i32 to vector<16xi32>
    %mul3A_1104 = arith.muli %get3A_1101, %mul3A_1103 : vector<16xi32>
    %add3A_1105 = arith.addi %mul3A_1104, %broadcast_in_dim3A_914 : vector<16xi32>
    %swap3A_1106 = arith.constant 3 : i32
    %swap3A_1107 = arith.index_cast %swap3A_1106 : i32 to index
    %swap3A_1108 = arith.constant 96 : index
    %swap3A_1109 = tpu.vector_load %arg6[%swap3A_1107, %swap3A_1108] {strides = array<i32>} : memref<8x128xi32, #tpu.memory_space<vmem>>, vector<1x16xi32>,
    %swap3A_1110 = vector.shape_cast %swap3A_1109 : vector<1x16xi32> to vector<16xi32>
    %swap3A_1111 = vector.shape_cast %add3A_1105 : vector<16xi32> to vector<1x16xi32>
    tpu.vector_store %arg6[%swap3A_1107, %swap3A_1108], %swap3A_1111 {strides = array<i32>} : memref<8x128xi32, #tpu.memory_space<vmem>>, vector<1x16xi32>,
    %get3A_1112 = arith.constant 3 : i32
    %get3A_1113 = arith.constant 1 : i32
    %get3A_1114 = arith.index_cast %get3A_1112 : i32 to index
    %get3A_1115 = arith.index_cast %get3A_1113 : i32 to index
    %get3A_1116 = arith.constant 96 : index
    %get3A_1117 = tpu.vector_load %arg5[%get3A_1114, %get3A_1115, %get3A_1116] {strides = array<i32>} : memref<8x2x128xi32, #tpu.memory_space<vmem>>, vector<1x1x16xi32>,
    %get3A_1118 = vector.shape_cast %get3A_1117 : vector<1x1x16xi32> to vector<16xi32>
    %swap3A_1119 = arith.constant 3 : i32
    %swap3A_1120 = arith.index_cast %swap3A_1119 : i32 to index
    %swap3A_1121 = arith.constant 96 : index
    %swap3A_1122 = tpu.vector_load %arg7[%swap3A_1120, %swap3A_1121] {strides = array<i32>} : memref<8x128xi32, #tpu.memory_space<vmem>>, vector<1x16xi32>,
    %swap3A_1123 = vector.shape_cast %swap3A_1122 : vector<1x16xi32> to vector<16xi32>
    %swap3A_1124 = vector.shape_cast %get3A_1118 : vector<16xi32> to vector<1x16xi32>
    tpu.vector_store %arg7[%swap3A_1120, %swap3A_1121], %swap3A_1124 {strides = array<i32>} : memref<8x128xi32, #tpu.memory_space<vmem>>, vector<1x16xi32>,
    %get3A_1125 = arith.constant 3 : i32
    %get3A_1126 = arith.constant 0 : i32
    %get3A_1127 = arith.index_cast %get3A_1125 : i32 to index
    %get3A_1128 = arith.index_cast %get3A_1126 : i32 to index
    %get3A_1129 = arith.constant 112 : index
    %get3A_1130 = tpu.vector_load %arg5[%get3A_1127, %get3A_1128, %get3A_1129] {strides = array<i32>} : memref<8x2x128xi32, #tpu.memory_space<vmem>>, vector<1x1x16xi32>,
    %get3A_1131 = vector.shape_cast %get3A_1130 : vector<1x1x16xi32> to vector<16xi32>
    %mul3A_1132 = arith.constant 2 : i32
    %mul3A_1133 = vector.broadcast %mul3A_1132 : i32 to vector<16xi32>
    %mul3A_1134 = arith.muli %get3A_1131, %mul3A_1133 : vector<16xi32>
    %add3A_1135 = arith.addi %mul3A_1134, %broadcast_in_dim3A_914 : vector<16xi32>
    %swap3A_1136 = arith.constant 3 : i32
    %swap3A_1137 = arith.index_cast %swap3A_1136 : i32 to index
    %swap3A_1138 = arith.constant 112 : index
    %swap3A_1139 = tpu.vector_load %arg6[%swap3A_1137, %swap3A_1138] {strides = array<i32>} : memref<8x128xi32, #tpu.memory_space<vmem>>, vector<1x16xi32>,
    %swap3A_1140 = vector.shape_cast %swap3A_1139 : vector<1x16xi32> to vector<16xi32>
    %swap3A_1141 = vector.shape_cast %add3A_1135 : vector<16xi32> to vector<1x16xi32>
    tpu.vector_store %arg6[%swap3A_1137, %swap3A_1138], %swap3A_1141 {strides = array<i32>} : memref<8x128xi32, #tpu.memory_space<vmem>>, vector<1x16xi32>,
    %get3A_1142 = arith.constant 3 : i32
    %get3A_1143 = arith.constant 1 : i32
    %get3A_1144 = arith.index_cast %get3A_1142 : i32 to index
    %get3A_1145 = arith.index_cast %get3A_1143 : i32 to index
    %get3A_1146 = arith.constant 112 : index
    %get3A_1147 = tpu.vector_load %arg5[%get3A_1144, %get3A_1145, %get3A_1146] {strides = array<i32>} : memref<8x2x128xi32, #tpu.memory_space<vmem>>, vector<1x1x16xi32>,
    %get3A_1148 = vector.shape_cast %get3A_1147 : vector<1x1x16xi32> to vector<16xi32>
    %swap3A_1149 = arith.constant 3 : i32
    %swap3A_1150 = arith.index_cast %swap3A_1149 : i32 to index
    %swap3A_1151 = arith.constant 112 : index
    %swap3A_1152 = tpu.vector_load %arg7[%swap3A_1150, %swap3A_1151] {strides = array<i32>} : memref<8x128xi32, #tpu.memory_space<vmem>>, vector<1x16xi32>,
    %swap3A_1153 = vector.shape_cast %swap3A_1152 : vector<1x16xi32> to vector<16xi32>
    %swap3A_1154 = vector.shape_cast %get3A_1148 : vector<16xi32> to vector<1x16xi32>
    tpu.vector_store %arg7[%swap3A_1150, %swap3A_1151], %swap3A_1154 {strides = array<i32>} : memref<8x128xi32, #tpu.memory_space<vmem>>, vector<1x16xi32>,
    %dma_start3A_1155 = arith.constant 3 : i32
    %dma_start3A_1156 = arith.constant 0 : i32
    %dma_start3A_1157 = tpu.memref_slice %arg6[%dma_start3A_1155, %dma_start3A_1156] : memref<8x128xi32, #tpu.memory_space<vmem>> -> memref<1x128xi32, #tpu.memory_space<vmem>>
    %dma_start3A_1158 = tpu.memref_squeeze %dma_start3A_1157 : memref<1x128xi32, #tpu.memory_space<vmem>> -> memref<128xi32, #tpu.memory_space<vmem>>
    %dma_start3A_1159 = arith.constant 0 : i32
    %dma_start3A_1160 = arith.constant 0 : i32
    %dma_start3A_1161 = tpu.memref_slice %arg2[%dma_start3A_1159, %dma_start3A_1160] : memref<20000x64xf32, #tpu.memory_space<hbm>> -> memref<20000x64xf32, #tpu.memory_space<hbm>>
    tpu.enqueue_indirect_dma source(%dma_start3A_1161 : memref<20000x64xf32, #tpu.memory_space<hbm>>) target(%arg11 : memref<128x64xf32, #tpu.memory_space<vmem>>) offsets(%dma_start3A_1158 : memref<128xi32, #tpu.memory_space<vmem>>) semaphore(%arg24 : memref<!tpu.dma_semaphore, #tpu.memory_space<semaphore_mem>>)
    %scan3A_1162 = arith.constant 0 : i32
    %scan3A_1163 = arith.constant 0 : i32
    %scan3A_1164 = arith.constant 26 : i32
    %scan3A_1165 = arith.addi %scan3A_1163, %scan3A_1164 : i32
    %scan3A_1166 = arith.constant 1 : i32
    scf.for %scan3A_1224 = %scan3A_1163 to %scan3A_1165 step %scan3A_1166  : i32 {
      %mul3A_1225 = arith.constant 6 : i32
      %mul3A_1226 = arith.muli %scan3A_1224, %mul3A_1225 : i32
      %add3A_1227 = arith.constant 0 : i32
      %add3A_1228 = arith.addi %mul3A_1226, %add3A_1227 : i32
      %jit3A = arith.constant 8 : i32
      %eq3A_1229 = arith.constant 0 : i32
      %eq3A_1230 = arith.cmpi eq, %jit3A, %eq3A_1229 : i32
      %jit3A_1231 = arith.constant 1 : i32
      %select_n3A = arith.select %eq3A_1230, %jit3A_1231, %jit3A : i32
      %rem3A = arith.remsi %add3A_1228, %select_n3A : i32
      %ne3A = arith.constant 0 : i32
      %ne3A_1232 = arith.cmpi ne, %rem3A, %ne3A : i32
      %lt3A_1233 = arith.constant 0 : i32
      %lt3A_1234 = arith.cmpi slt, %rem3A, %lt3A_1233 : i32
      %lt3A_1235 = arith.constant 0 : i32
      %lt3A_1236 = arith.cmpi slt, %select_n3A, %lt3A_1235 : i32
      %ne3A_1237 = arith.xori %lt3A_1234, %lt3A_1236 : i1
      %and3A = arith.andi %ne3A_1237, %ne3A_1232 : i1
      %add3A_1238 = arith.addi %rem3A, %select_n3A : i32
      %select_n3A_1239 = arith.select %and3A, %add3A_1238, %rem3A : i32
      %dma_wait3A_1240 = arith.constant 0 : i32
      %dma_wait3A_1241 = tpu.memref_slice %arg6[%select_n3A_1239, %dma_wait3A_1240] : memref<8x128xi32, #tpu.memory_space<vmem>> -> memref<1x128xi32, #tpu.memory_space<vmem>>
      %dma_wait3A_1242 = tpu.memref_squeeze %dma_wait3A_1241 : memref<1x128xi32, #tpu.memory_space<vmem>> -> memref<128xi32, #tpu.memory_space<vmem>>
      %dma_wait3A_1243 = arith.constant 0 : i32
      %dma_wait3A_1244 = arith.constant 0 : i32
      %dma_wait3A_1245 = tpu.memref_slice %arg2[%dma_wait3A_1243, %dma_wait3A_1244] : memref<20000x64xf32, #tpu.memory_space<hbm>> -> memref<20000x64xf32, #tpu.memory_space<hbm>>
      tpu.wait_indirect_dma semaphore(%arg21 : memref<!tpu.dma_semaphore, #tpu.memory_space<semaphore_mem>>) src(%dma_wait3A_1245 : memref<20000x64xf32, #tpu.memory_space<hbm>>) dst(%arg8 : memref<128x64xf32, #tpu.memory_space<vmem>>)
      %jit3A_1246 = arith.constant 8 : i32
      %eq3A_1247 = arith.constant 0 : i32
      %eq3A_1248 = arith.cmpi eq, %jit3A_1246, %eq3A_1247 : i32
      %jit3A_1249 = arith.constant 1 : i32
      %select_n3A_1250 = arith.select %eq3A_1248, %jit3A_1249, %jit3A_1246 : i32
      %rem3A_1251 = arith.remsi %add3A_1228, %select_n3A_1250 : i32
      %ne3A_1252 = arith.constant 0 : i32
      %ne3A_1253 = arith.cmpi ne, %rem3A_1251, %ne3A_1252 : i32
      %lt3A_1254 = arith.constant 0 : i32
      %lt3A_1255 = arith.cmpi slt, %rem3A_1251, %lt3A_1254 : i32
      %lt3A_1256 = arith.constant 0 : i32
      %lt3A_1257 = arith.cmpi slt, %select_n3A_1250, %lt3A_1256 : i32
      %ne3A_1258 = arith.xori %lt3A_1255, %lt3A_1257 : i1
      %and3A_1259 = arith.andi %ne3A_1258, %ne3A_1253 : i1
      %add3A_1260 = arith.addi %rem3A_1251, %select_n3A_1250 : i32
      %select_n3A_1261 = arith.select %and3A_1259, %add3A_1260, %rem3A_1251 : i32
      %dma_start3A_1262 = arith.constant 0 : i32
      %dma_start3A_1263 = tpu.memref_slice %arg7[%select_n3A_1261, %dma_start3A_1262] : memref<8x128xi32, #tpu.memory_space<vmem>> -> memref<1x128xi32, #tpu.memory_space<vmem>>
      %dma_start3A_1264 = tpu.memref_squeeze %dma_start3A_1263 : memref<1x128xi32, #tpu.memory_space<vmem>> -> memref<128xi32, #tpu.memory_space<vmem>>
      %dma_start3A_1265 = arith.constant 0 : i32
      %dma_start3A_1266 = arith.constant 0 : i32
      %dma_start3A_1267 = tpu.memref_slice %arg14[%dma_start3A_1265, %dma_start3A_1266] : memref<10240x64xf32, #tpu.memory_space<vmem_shared>> -> memref<10240x64xf32, #tpu.memory_space<vmem_shared>>
      tpu.enqueue_indirect_dma source(%arg8 : memref<128x64xf32, #tpu.memory_space<vmem>>) target(%dma_start3A_1267 : memref<10240x64xf32, #tpu.memory_space<vmem_shared>>) offsets(%dma_start3A_1264 : memref<128xi32, #tpu.memory_space<vmem>>) semaphore(%arg27 : memref<!tpu.dma_semaphore, #tpu.memory_space<semaphore_mem>>) {add = true}
      %add3A_1268 = arith.constant 4 : i32
      %add3A_1269 = arith.addi %add3A_1228, %add3A_1268 : i32
      %lt3A_1270 = arith.constant 156 : i32
      %lt3A_1271 = arith.cmpi slt, %add3A_1269, %lt3A_1270 : i32
      %convert_element_type3A_1272 = arith.extui %lt3A_1271 : i1 to i32
      %cond3A_1273 = arith.constant 0 : i32
      %cond3A_1274 = arith.cmpi ne, %convert_element_type3A_1272, %cond3A_1273 : i32
      scf.if %cond3A_1274 {
        %add3A_1592 = arith.constant 4 : i32
        %add3A_1593 = arith.addi %add3A_1228, %add3A_1592 : i32
        %mul3A_1594 = arith.constant 128 : i32
        %mul3A_1595 = arith.muli %add3A_1593, %mul3A_1594 : i32
        %add3A_1596 = arith.addi %mul3A_0, %mul3A_1595 : i32
        %jit3A_1597 = arith.constant 8 : i32
        %eq3A_1598 = arith.constant 0 : i32
        %eq3A_1599 = arith.cmpi eq, %jit3A_1597, %eq3A_1598 : i32
        %jit3A_1600 = arith.constant 1 : i32
        %select_n3A_1601 = arith.select %eq3A_1599, %jit3A_1600, %jit3A_1597 : i32
        %rem3A_1602 = arith.remsi %add3A_1593, %select_n3A_1601 : i32
        %ne3A_1603 = arith.constant 0 : i32
        %ne3A_1604 = arith.cmpi ne, %rem3A_1602, %ne3A_1603 : i32
        %lt3A_1605 = arith.constant 0 : i32
        %lt3A_1606 = arith.cmpi slt, %rem3A_1602, %lt3A_1605 : i32
        %lt3A_1607 = arith.constant 0 : i32
        %lt3A_1608 = arith.cmpi slt, %select_n3A_1601, %lt3A_1607 : i32
        %ne3A_1609 = arith.xori %lt3A_1606, %lt3A_1608 : i1
        %and3A_1610 = arith.andi %ne3A_1609, %ne3A_1604 : i1
        %add3A_1611 = arith.addi %rem3A_1602, %select_n3A_1601 : i32
        %select_n3A_1612 = arith.select %and3A_1610, %add3A_1611, %rem3A_1602 : i32
        %dma_wait3A_1613 = arith.constant 0 : i32
        %dma_wait3A_1614 = arith.constant 0 : i32
        %dma_wait3A_1615 = tpu.memref_slice %arg5[%select_n3A_1612, %dma_wait3A_1613, %dma_wait3A_1614] : memref<8x2x128xi32, #tpu.memory_space<vmem>> -> memref<1x2x128xi32, #tpu.memory_space<vmem>>
        %dma_wait3A_1616 = tpu.memref_squeeze %dma_wait3A_1615 : memref<1x2x128xi32, #tpu.memory_space<vmem>> -> memref<2x128xi32, #tpu.memory_space<vmem>>
        %dma_wait3A_1617 = arith.constant 0 : i32
        %dma_wait3A_1618 = tpu.memref_slice %arg3[%dma_wait3A_1617, %add3A_1596] : memref<2x320000xi32, #tpu.memory_space<hbm>> -> memref<2x128xi32, #tpu.memory_space<hbm>>
        %dma_wait3A_1619 = arith.constant 0 : i32
        %dma_wait3A_1620 = arith.constant 0 : i32
        %dma_wait3A_1621 = tpu.memref_slice %arg5[%select_n3A_1612, %dma_wait3A_1619, %dma_wait3A_1620] : memref<8x2x128xi32, #tpu.memory_space<vmem>> -> memref<1x2x128xi32, #tpu.memory_space<vmem>>
        %dma_wait3A_1622 = tpu.memref_squeeze %dma_wait3A_1621 : memref<1x2x128xi32, #tpu.memory_space<vmem>> -> memref<2x128xi32, #tpu.memory_space<vmem>>
        %dma_wait3A_1623 = arith.constant 0 : i32
        %dma_wait3A_1624 = tpu.memref_slice %arg3[%dma_wait3A_1623, %add3A_1596] : memref<2x320000xi32, #tpu.memory_space<hbm>> -> memref<2x128xi32, #tpu.memory_space<hbm>>
        tpu.wait_dma2 semaphore(%arg19 : memref<!tpu.dma_semaphore, #tpu.memory_space<semaphore_mem>>) src(%dma_wait3A_1624 : memref<2x128xi32, #tpu.memory_space<hbm>>) dst(%dma_wait3A_1622 : memref<2x128xi32, #tpu.memory_space<vmem>>)
        %add3A_1625 = arith.constant 4 : i32
        %add3A_1626 = arith.addi %add3A_1228, %add3A_1625 : i32
        %jit3A_1627 = arith.constant 8 : i32
        %eq3A_1628 = arith.constant 0 : i32
        %eq3A_1629 = arith.cmpi eq, %jit3A_1627, %eq3A_1628 : i32
        %jit3A_1630 = arith.constant 1 : i32
        %select_n3A_1631 = arith.select %eq3A_1629, %jit3A_1630, %jit3A_1627 : i32
        %rem3A_1632 = arith.remsi %add3A_1626, %select_n3A_1631 : i32
        %ne3A_1633 = arith.constant 0 : i32
        %ne3A_1634 = arith.cmpi ne, %rem3A_1632, %ne3A_1633 : i32
        %lt3A_1635 = arith.constant 0 : i32
        %lt3A_1636 = arith.cmpi slt, %rem3A_1632, %lt3A_1635 : i32
        %lt3A_1637 = arith.constant 0 : i32
        %lt3A_1638 = arith.cmpi slt, %select_n3A_1631, %lt3A_1637 : i32
        %ne3A_1639 = arith.xori %lt3A_1636, %lt3A_1638 : i1
        %and3A_1640 = arith.andi %ne3A_1639, %ne3A_1634 : i1
        %add3A_1641 = arith.addi %rem3A_1632, %select_n3A_1631 : i32
        %select_n3A_1642 = arith.select %and3A_1640, %add3A_1641, %rem3A_1632 : i32
        %broadcast_in_dim3A_1643 = vector.broadcast %arg0 : i32 to vector<16xi32>
        %get3A_1644 = arith.constant 0 : i32
        %get3A_1645 = arith.index_cast %select_n3A_1642 : i32 to index
        %get3A_1646 = arith.index_cast %get3A_1644 : i32 to index
        %get3A_1647 = arith.constant 0 : index
        %get3A_1648 = tpu.vector_load %arg5[%get3A_1645, %get3A_1646, %get3A_1647] {strides = array<i32>} : memref<8x2x128xi32, #tpu.memory_space<vmem>>, vector<1x1x16xi32>,
        %get3A_1649 = vector.shape_cast %get3A_1648 : vector<1x1x16xi32> to vector<16xi32>
        %mul3A_1650 = arith.constant 2 : i32
        %mul3A_1651 = vector.broadcast %mul3A_1650 : i32 to vector<16xi32>
        %mul3A_1652 = arith.muli %get3A_1649, %mul3A_1651 : vector<16xi32>
        %add3A_1653 = arith.addi %mul3A_1652, %broadcast_in_dim3A_1643 : vector<16xi32>
        %swap3A_1654 = arith.index_cast %select_n3A_1642 : i32 to index
        %swap3A_1655 = arith.constant 0 : index
        %swap3A_1656 = tpu.vector_load %arg6[%swap3A_1654, %swap3A_1655] {strides = array<i32>} : memref<8x128xi32, #tpu.memory_space<vmem>>, vector<1x16xi32>,
        %swap3A_1657 = vector.shape_cast %swap3A_1656 : vector<1x16xi32> to vector<16xi32>
        %swap3A_1658 = vector.shape_cast %add3A_1653 : vector<16xi32> to vector<1x16xi32>
        tpu.vector_store %arg6[%swap3A_1654, %swap3A_1655], %swap3A_1658 {strides = array<i32>} : memref<8x128xi32, #tpu.memory_space<vmem>>, vector<1x16xi32>,
        %get3A_1659 = arith.constant 1 : i32
        %get3A_1660 = arith.index_cast %select_n3A_1642 : i32 to index
        %get3A_1661 = arith.index_cast %get3A_1659 : i32 to index
        %get3A_1662 = arith.constant 0 : index
        %get3A_1663 = tpu.vector_load %arg5[%get3A_1660, %get3A_1661, %get3A_1662] {strides = array<i32>} : memref<8x2x128xi32, #tpu.memory_space<vmem>>, vector<1x1x16xi32>,
        %get3A_1664 = vector.shape_cast %get3A_1663 : vector<1x1x16xi32> to vector<16xi32>
        %swap3A_1665 = arith.index_cast %select_n3A_1642 : i32 to index
        %swap3A_1666 = arith.constant 0 : index
        %swap3A_1667 = tpu.vector_load %arg7[%swap3A_1665, %swap3A_1666] {strides = array<i32>} : memref<8x128xi32, #tpu.memory_space<vmem>>, vector<1x16xi32>,
        %swap3A_1668 = vector.shape_cast %swap3A_1667 : vector<1x16xi32> to vector<16xi32>
        %swap3A_1669 = vector.shape_cast %get3A_1664 : vector<16xi32> to vector<1x16xi32>
        tpu.vector_store %arg7[%swap3A_1665, %swap3A_1666], %swap3A_1669 {strides = array<i32>} : memref<8x128xi32, #tpu.memory_space<vmem>>, vector<1x16xi32>,
        %get3A_1670 = arith.constant 0 : i32
        %get3A_1671 = arith.index_cast %select_n3A_1642 : i32 to index
        %get3A_1672 = arith.index_cast %get3A_1670 : i32 to index
        %get3A_1673 = arith.constant 16 : index
        %get3A_1674 = tpu.vector_load %arg5[%get3A_1671, %get3A_1672, %get3A_1673] {strides = array<i32>} : memref<8x2x128xi32, #tpu.memory_space<vmem>>, vector<1x1x16xi32>,
        %get3A_1675 = vector.shape_cast %get3A_1674 : vector<1x1x16xi32> to vector<16xi32>
        %mul3A_1676 = arith.constant 2 : i32
        %mul3A_1677 = vector.broadcast %mul3A_1676 : i32 to vector<16xi32>
        %mul3A_1678 = arith.muli %get3A_1675, %mul3A_1677 : vector<16xi32>
        %add3A_1679 = arith.addi %mul3A_1678, %broadcast_in_dim3A_1643 : vector<16xi32>
        %swap3A_1680 = arith.index_cast %select_n3A_1642 : i32 to index
        %swap3A_1681 = arith.constant 16 : index
        %swap3A_1682 = tpu.vector_load %arg6[%swap3A_1680, %swap3A_1681] {strides = array<i32>} : memref<8x128xi32, #tpu.memory_space<vmem>>, vector<1x16xi32>,
        %swap3A_1683 = vector.shape_cast %swap3A_1682 : vector<1x16xi32> to vector<16xi32>
        %swap3A_1684 = vector.shape_cast %add3A_1679 : vector<16xi32> to vector<1x16xi32>
        tpu.vector_store %arg6[%swap3A_1680, %swap3A_1681], %swap3A_1684 {strides = array<i32>} : memref<8x128xi32, #tpu.memory_space<vmem>>, vector<1x16xi32>,
        %get3A_1685 = arith.constant 1 : i32
        %get3A_1686 = arith.index_cast %select_n3A_1642 : i32 to index
        %get3A_1687 = arith.index_cast %get3A_1685 : i32 to index
        %get3A_1688 = arith.constant 16 : index
        %get3A_1689 = tpu.vector_load %arg5[%get3A_1686, %get3A_1687, %get3A_1688] {strides = array<i32>} : memref<8x2x128xi32, #tpu.memory_space<vmem>>, vector<1x1x16xi32>,
        %get3A_1690 = vector.shape_cast %get3A_1689 : vector<1x1x16xi32> to vector<16xi32>
        %swap3A_1691 = arith.index_cast %select_n3A_1642 : i32 to index
        %swap3A_1692 = arith.constant 16 : index
        %swap3A_1693 = tpu.vector_load %arg7[%swap3A_1691, %swap3A_1692] {strides = array<i32>} : memref<8x128xi32, #tpu.memory_space<vmem>>, vector<1x16xi32>,
        %swap3A_1694 = vector.shape_cast %swap3A_1693 : vector<1x16xi32> to vector<16xi32>
        %swap3A_1695 = vector.shape_cast %get3A_1690 : vector<16xi32> to vector<1x16xi32>
        tpu.vector_store %arg7[%swap3A_1691, %swap3A_1692], %swap3A_1695 {strides = array<i32>} : memref<8x128xi32, #tpu.memory_space<vmem>>, vector<1x16xi32>,
        %get3A_1696 = arith.constant 0 : i32
        %get3A_1697 = arith.index_cast %select_n3A_1642 : i32 to index
        %get3A_1698 = arith.index_cast %get3A_1696 : i32 to index
        %get3A_1699 = arith.constant 32 : index
        %get3A_1700 = tpu.vector_load %arg5[%get3A_1697, %get3A_1698, %get3A_1699] {strides = array<i32>} : memref<8x2x128xi32, #tpu.memory_space<vmem>>, vector<1x1x16xi32>,
        %get3A_1701 = vector.shape_cast %get3A_1700 : vector<1x1x16xi32> to vector<16xi32>
        %mul3A_1702 = arith.constant 2 : i32
        %mul3A_1703 = vector.broadcast %mul3A_1702 : i32 to vector<16xi32>
        %mul3A_1704 = arith.muli %get3A_1701, %mul3A_1703 : vector<16xi32>
        %add3A_1705 = arith.addi %mul3A_1704, %broadcast_in_dim3A_1643 : vector<16xi32>
        %swap3A_1706 = arith.index_cast %select_n3A_1642 : i32 to index
        %swap3A_1707 = arith.constant 32 : index
        %swap3A_1708 = tpu.vector_load %arg6[%swap3A_1706, %swap3A_1707] {strides = array<i32>} : memref<8x128xi32, #tpu.memory_space<vmem>>, vector<1x16xi32>,
        %swap3A_1709 = vector.shape_cast %swap3A_1708 : vector<1x16xi32> to vector<16xi32>
        %swap3A_1710 = vector.shape_cast %add3A_1705 : vector<16xi32> to vector<1x16xi32>
        tpu.vector_store %arg6[%swap3A_1706, %swap3A_1707], %swap3A_1710 {strides = array<i32>} : memref<8x128xi32, #tpu.memory_space<vmem>>, vector<1x16xi32>,
        %get3A_1711 = arith.constant 1 : i32
        %get3A_1712 = arith.index_cast %select_n3A_1642 : i32 to index
        %get3A_1713 = arith.index_cast %get3A_1711 : i32 to index
        %get3A_1714 = arith.constant 32 : index
        %get3A_1715 = tpu.vector_load %arg5[%get3A_1712, %get3A_1713, %get3A_1714] {strides = array<i32>} : memref<8x2x128xi32, #tpu.memory_space<vmem>>, vector<1x1x16xi32>,
        %get3A_1716 = vector.shape_cast %get3A_1715 : vector<1x1x16xi32> to vector<16xi32>
        %swap3A_1717 = arith.index_cast %select_n3A_1642 : i32 to index
        %swap3A_1718 = arith.constant 32 : index
        %swap3A_1719 = tpu.vector_load %arg7[%swap3A_1717, %swap3A_1718] {strides = array<i32>} : memref<8x128xi32, #tpu.memory_space<vmem>>, vector<1x16xi32>,
        %swap3A_1720 = vector.shape_cast %swap3A_1719 : vector<1x16xi32> to vector<16xi32>
        %swap3A_1721 = vector.shape_cast %get3A_1716 : vector<16xi32> to vector<1x16xi32>
        tpu.vector_store %arg7[%swap3A_1717, %swap3A_1718], %swap3A_1721 {strides = array<i32>} : memref<8x128xi32, #tpu.memory_space<vmem>>, vector<1x16xi32>,
        %get3A_1722 = arith.constant 0 : i32
        %get3A_1723 = arith.index_cast %select_n3A_1642 : i32 to index
        %get3A_1724 = arith.index_cast %get3A_1722 : i32 to index
        %get3A_1725 = arith.constant 48 : index
        %get3A_1726 = tpu.vector_load %arg5[%get3A_1723, %get3A_1724, %get3A_1725] {strides = array<i32>} : memref<8x2x128xi32, #tpu.memory_space<vmem>>, vector<1x1x16xi32>,
        %get3A_1727 = vector.shape_cast %get3A_1726 : vector<1x1x16xi32> to vector<16xi32>
        %mul3A_1728 = arith.constant 2 : i32
        %mul3A_1729 = vector.broadcast %mul3A_1728 : i32 to vector<16xi32>
        %mul3A_1730 = arith.muli %get3A_1727, %mul3A_1729 : vector<16xi32>
        %add3A_1731 = arith.addi %mul3A_1730, %broadcast_in_dim3A_1643 : vector<16xi32>
        %swap3A_1732 = arith.index_cast %select_n3A_1642 : i32 to index
        %swap3A_1733 = arith.constant 48 : index
        %swap3A_1734 = tpu.vector_load %arg6[%swap3A_1732, %swap3A_1733] {strides = array<i32>} : memref<8x128xi32, #tpu.memory_space<vmem>>, vector<1x16xi32>,
        %swap3A_1735 = vector.shape_cast %swap3A_1734 : vector<1x16xi32> to vector<16xi32>
        %swap3A_1736 = vector.shape_cast %add3A_1731 : vector<16xi32> to vector<1x16xi32>
        tpu.vector_store %arg6[%swap3A_1732, %swap3A_1733], %swap3A_1736 {strides = array<i32>} : memref<8x128xi32, #tpu.memory_space<vmem>>, vector<1x16xi32>,
        %get3A_1737 = arith.constant 1 : i32
        %get3A_1738 = arith.index_cast %select_n3A_1642 : i32 to index
        %get3A_1739 = arith.index_cast %get3A_1737 : i32 to index
        %get3A_1740 = arith.constant 48 : index
        %get3A_1741 = tpu.vector_load %arg5[%get3A_1738, %get3A_1739, %get3A_1740] {strides = array<i32>} : memref<8x2x128xi32, #tpu.memory_space<vmem>>, vector<1x1x16xi32>,
        %get3A_1742 = vector.shape_cast %get3A_1741 : vector<1x1x16xi32> to vector<16xi32>
        %swap3A_1743 = arith.index_cast %select_n3A_1642 : i32 to index
        %swap3A_1744 = arith.constant 48 : index
        %swap3A_1745 = tpu.vector_load %arg7[%swap3A_1743, %swap3A_1744] {strides = array<i32>} : memref<8x128xi32, #tpu.memory_space<vmem>>, vector<1x16xi32>,
        %swap3A_1746 = vector.shape_cast %swap3A_1745 : vector<1x16xi32> to vector<16xi32>
        %swap3A_1747 = vector.shape_cast %get3A_1742 : vector<16xi32> to vector<1x16xi32>
        tpu.vector_store %arg7[%swap3A_1743, %swap3A_1744], %swap3A_1747 {strides = array<i32>} : memref<8x128xi32, #tpu.memory_space<vmem>>, vector<1x16xi32>,
        %get3A_1748 = arith.constant 0 : i32
        %get3A_1749 = arith.index_cast %select_n3A_1642 : i32 to index
        %get3A_1750 = arith.index_cast %get3A_1748 : i32 to index
        %get3A_1751 = arith.constant 64 : index
        %get3A_1752 = tpu.vector_load %arg5[%get3A_1749, %get3A_1750, %get3A_1751] {strides = array<i32>} : memref<8x2x128xi32, #tpu.memory_space<vmem>>, vector<1x1x16xi32>,
        %get3A_1753 = vector.shape_cast %get3A_1752 : vector<1x1x16xi32> to vector<16xi32>
        %mul3A_1754 = arith.constant 2 : i32
        %mul3A_1755 = vector.broadcast %mul3A_1754 : i32 to vector<16xi32>
        %mul3A_1756 = arith.muli %get3A_1753, %mul3A_1755 : vector<16xi32>
        %add3A_1757 = arith.addi %mul3A_1756, %broadcast_in_dim3A_1643 : vector<16xi32>
        %swap3A_1758 = arith.index_cast %select_n3A_1642 : i32 to index
        %swap3A_1759 = arith.constant 64 : index
        %swap3A_1760 = tpu.vector_load %arg6[%swap3A_1758, %swap3A_1759] {strides = array<i32>} : memref<8x128xi32, #tpu.memory_space<vmem>>, vector<1x16xi32>,
        %swap3A_1761 = vector.shape_cast %swap3A_1760 : vector<1x16xi32> to vector<16xi32>
        %swap3A_1762 = vector.shape_cast %add3A_1757 : vector<16xi32> to vector<1x16xi32>
        tpu.vector_store %arg6[%swap3A_1758, %swap3A_1759], %swap3A_1762 {strides = array<i32>} : memref<8x128xi32, #tpu.memory_space<vmem>>, vector<1x16xi32>,
        %get3A_1763 = arith.constant 1 : i32
        %get3A_1764 = arith.index_cast %select_n3A_1642 : i32 to index
        %get3A_1765 = arith.index_cast %get3A_1763 : i32 to index
        %get3A_1766 = arith.constant 64 : index
        %get3A_1767 = tpu.vector_load %arg5[%get3A_1764, %get3A_1765, %get3A_1766] {strides = array<i32>} : memref<8x2x128xi32, #tpu.memory_space<vmem>>, vector<1x1x16xi32>,
        %get3A_1768 = vector.shape_cast %get3A_1767 : vector<1x1x16xi32> to vector<16xi32>
        %swap3A_1769 = arith.index_cast %select_n3A_1642 : i32 to index
        %swap3A_1770 = arith.constant 64 : index
        %swap3A_1771 = tpu.vector_load %arg7[%swap3A_1769, %swap3A_1770] {strides = array<i32>} : memref<8x128xi32, #tpu.memory_space<vmem>>, vector<1x16xi32>,
        %swap3A_1772 = vector.shape_cast %swap3A_1771 : vector<1x16xi32> to vector<16xi32>
        %swap3A_1773 = vector.shape_cast %get3A_1768 : vector<16xi32> to vector<1x16xi32>
        tpu.vector_store %arg7[%swap3A_1769, %swap3A_1770], %swap3A_1773 {strides = array<i32>} : memref<8x128xi32, #tpu.memory_space<vmem>>, vector<1x16xi32>,
        %get3A_1774 = arith.constant 0 : i32
        %get3A_1775 = arith.index_cast %select_n3A_1642 : i32 to index
        %get3A_1776 = arith.index_cast %get3A_1774 : i32 to index
        %get3A_1777 = arith.constant 80 : index
        %get3A_1778 = tpu.vector_load %arg5[%get3A_1775, %get3A_1776, %get3A_1777] {strides = array<i32>} : memref<8x2x128xi32, #tpu.memory_space<vmem>>, vector<1x1x16xi32>,
        %get3A_1779 = vector.shape_cast %get3A_1778 : vector<1x1x16xi32> to vector<16xi32>
        %mul3A_1780 = arith.constant 2 : i32
        %mul3A_1781 = vector.broadcast %mul3A_1780 : i32 to vector<16xi32>
        %mul3A_1782 = arith.muli %get3A_1779, %mul3A_1781 : vector<16xi32>
        %add3A_1783 = arith.addi %mul3A_1782, %broadcast_in_dim3A_1643 : vector<16xi32>
        %swap3A_1784 = arith.index_cast %select_n3A_1642 : i32 to index
        %swap3A_1785 = arith.constant 80 : index
        %swap3A_1786 = tpu.vector_load %arg6[%swap3A_1784, %swap3A_1785] {strides = array<i32>} : memref<8x128xi32, #tpu.memory_space<vmem>>, vector<1x16xi32>,
        %swap3A_1787 = vector.shape_cast %swap3A_1786 : vector<1x16xi32> to vector<16xi32>
        %swap3A_1788 = vector.shape_cast %add3A_1783 : vector<16xi32> to vector<1x16xi32>
        tpu.vector_store %arg6[%swap3A_1784, %swap3A_1785], %swap3A_1788 {strides = array<i32>} : memref<8x128xi32, #tpu.memory_space<vmem>>, vector<1x16xi32>,
        %get3A_1789 = arith.constant 1 : i32
        %get3A_1790 = arith.index_cast %select_n3A_1642 : i32 to index
        %get3A_1791 = arith.index_cast %get3A_1789 : i32 to index
        %get3A_1792 = arith.constant 80 : index
        %get3A_1793 = tpu.vector_load %arg5[%get3A_1790, %get3A_1791, %get3A_1792] {strides = array<i32>} : memref<8x2x128xi32, #tpu.memory_space<vmem>>, vector<1x1x16xi32>,
        %get3A_1794 = vector.shape_cast %get3A_1793 : vector<1x1x16xi32> to vector<16xi32>
        %swap3A_1795 = arith.index_cast %select_n3A_1642 : i32 to index
        %swap3A_1796 = arith.constant 80 : index
        %swap3A_1797 = tpu.vector_load %arg7[%swap3A_1795, %swap3A_1796] {strides = array<i32>} : memref<8x128xi32, #tpu.memory_space<vmem>>, vector<1x16xi32>,
        %swap3A_1798 = vector.shape_cast %swap3A_1797 : vector<1x16xi32> to vector<16xi32>
        %swap3A_1799 = vector.shape_cast %get3A_1794 : vector<16xi32> to vector<1x16xi32>
        tpu.vector_store %arg7[%swap3A_1795, %swap3A_1796], %swap3A_1799 {strides = array<i32>} : memref<8x128xi32, #tpu.memory_space<vmem>>, vector<1x16xi32>,
        %get3A_1800 = arith.constant 0 : i32
        %get3A_1801 = arith.index_cast %select_n3A_1642 : i32 to index
        %get3A_1802 = arith.index_cast %get3A_1800 : i32 to index
        %get3A_1803 = arith.constant 96 : index
        %get3A_1804 = tpu.vector_load %arg5[%get3A_1801, %get3A_1802, %get3A_1803] {strides = array<i32>} : memref<8x2x128xi32, #tpu.memory_space<vmem>>, vector<1x1x16xi32>,
        %get3A_1805 = vector.shape_cast %get3A_1804 : vector<1x1x16xi32> to vector<16xi32>
        %mul3A_1806 = arith.constant 2 : i32
        %mul3A_1807 = vector.broadcast %mul3A_1806 : i32 to vector<16xi32>
        %mul3A_1808 = arith.muli %get3A_1805, %mul3A_1807 : vector<16xi32>
        %add3A_1809 = arith.addi %mul3A_1808, %broadcast_in_dim3A_1643 : vector<16xi32>
        %swap3A_1810 = arith.index_cast %select_n3A_1642 : i32 to index
        %swap3A_1811 = arith.constant 96 : index
        %swap3A_1812 = tpu.vector_load %arg6[%swap3A_1810, %swap3A_1811] {strides = array<i32>} : memref<8x128xi32, #tpu.memory_space<vmem>>, vector<1x16xi32>,
        %swap3A_1813 = vector.shape_cast %swap3A_1812 : vector<1x16xi32> to vector<16xi32>
        %swap3A_1814 = vector.shape_cast %add3A_1809 : vector<16xi32> to vector<1x16xi32>
        tpu.vector_store %arg6[%swap3A_1810, %swap3A_1811], %swap3A_1814 {strides = array<i32>} : memref<8x128xi32, #tpu.memory_space<vmem>>, vector<1x16xi32>,
        %get3A_1815 = arith.constant 1 : i32
        %get3A_1816 = arith.index_cast %select_n3A_1642 : i32 to index
        %get3A_1817 = arith.index_cast %get3A_1815 : i32 to index
        %get3A_1818 = arith.constant 96 : index
        %get3A_1819 = tpu.vector_load %arg5[%get3A_1816, %get3A_1817, %get3A_1818] {strides = array<i32>} : memref<8x2x128xi32, #tpu.memory_space<vmem>>, vector<1x1x16xi32>,
        %get3A_1820 = vector.shape_cast %get3A_1819 : vector<1x1x16xi32> to vector<16xi32>
        %swap3A_1821 = arith.index_cast %select_n3A_1642 : i32 to index
        %swap3A_1822 = arith.constant 96 : index
        %swap3A_1823 = tpu.vector_load %arg7[%swap3A_1821, %swap3A_1822] {strides = array<i32>} : memref<8x128xi32, #tpu.memory_space<vmem>>, vector<1x16xi32>,
        %swap3A_1824 = vector.shape_cast %swap3A_1823 : vector<1x16xi32> to vector<16xi32>
        %swap3A_1825 = vector.shape_cast %get3A_1820 : vector<16xi32> to vector<1x16xi32>
        tpu.vector_store %arg7[%swap3A_1821, %swap3A_1822], %swap3A_1825 {strides = array<i32>} : memref<8x128xi32, #tpu.memory_space<vmem>>, vector<1x16xi32>,
        %get3A_1826 = arith.constant 0 : i32
        %get3A_1827 = arith.index_cast %select_n3A_1642 : i32 to index
        %get3A_1828 = arith.index_cast %get3A_1826 : i32 to index
        %get3A_1829 = arith.constant 112 : index
        %get3A_1830 = tpu.vector_load %arg5[%get3A_1827, %get3A_1828, %get3A_1829] {strides = array<i32>} : memref<8x2x128xi32, #tpu.memory_space<vmem>>, vector<1x1x16xi32>,
        %get3A_1831 = vector.shape_cast %get3A_1830 : vector<1x1x16xi32> to vector<16xi32>
        %mul3A_1832 = arith.constant 2 : i32
        %mul3A_1833 = vector.broadcast %mul3A_1832 : i32 to vector<16xi32>
        %mul3A_1834 = arith.muli %get3A_1831, %mul3A_1833 : vector<16xi32>
        %add3A_1835 = arith.addi %mul3A_1834, %broadcast_in_dim3A_1643 : vector<16xi32>
        %swap3A_1836 = arith.index_cast %select_n3A_1642 : i32 to index
        %swap3A_1837 = arith.constant 112 : index
        %swap3A_1838 = tpu.vector_load %arg6[%swap3A_1836, %swap3A_1837] {strides = array<i32>} : memref<8x128xi32, #tpu.memory_space<vmem>>, vector<1x16xi32>,
        %swap3A_1839 = vector.shape_cast %swap3A_1838 : vector<1x16xi32> to vector<16xi32>
        %swap3A_1840 = vector.shape_cast %add3A_1835 : vector<16xi32> to vector<1x16xi32>
        tpu.vector_store %arg6[%swap3A_1836, %swap3A_1837], %swap3A_1840 {strides = array<i32>} : memref<8x128xi32, #tpu.memory_space<vmem>>, vector<1x16xi32>,
        %get3A_1841 = arith.constant 1 : i32
        %get3A_1842 = arith.index_cast %select_n3A_1642 : i32 to index
        %get3A_1843 = arith.index_cast %get3A_1841 : i32 to index
        %get3A_1844 = arith.constant 112 : index
        %get3A_1845 = tpu.vector_load %arg5[%get3A_1842, %get3A_1843, %get3A_1844] {strides = array<i32>} : memref<8x2x128xi32, #tpu.memory_space<vmem>>, vector<1x1x16xi32>,
        %get3A_1846 = vector.shape_cast %get3A_1845 : vector<1x1x16xi32> to vector<16xi32>
        %swap3A_1847 = arith.index_cast %select_n3A_1642 : i32 to index
        %swap3A_1848 = arith.constant 112 : index
        %swap3A_1849 = tpu.vector_load %arg7[%swap3A_1847, %swap3A_1848] {strides = array<i32>} : memref<8x128xi32, #tpu.memory_space<vmem>>, vector<1x16xi32>,
        %swap3A_1850 = vector.shape_cast %swap3A_1849 : vector<1x16xi32> to vector<16xi32>
        %swap3A_1851 = vector.shape_cast %get3A_1846 : vector<16xi32> to vector<1x16xi32>
        tpu.vector_store %arg7[%swap3A_1847, %swap3A_1848], %swap3A_1851 {strides = array<i32>} : memref<8x128xi32, #tpu.memory_space<vmem>>, vector<1x16xi32>,
        %ge3A = arith.constant 2 : i32
        %ge3A_1852 = arith.cmpi sge, %add3A_1228, %ge3A : i32
        %convert_element_type3A_1853 = arith.extui %ge3A_1852 : i1 to i32
        %cond3A_1854 = arith.constant 0 : i32
        %cond3A_1855 = arith.cmpi ne, %convert_element_type3A_1853, %cond3A_1854 : i32
        scf.if %cond3A_1855 {
          %dma_wait3A_1880 = arith.constant 0 : i32
          %dma_wait3A_1881 = arith.constant 0 : i32
          %dma_wait3A_1882 = tpu.memref_slice %arg7[%dma_wait3A_1880, %dma_wait3A_1881] : memref<8x128xi32, #tpu.memory_space<vmem>> -> memref<1x128xi32, #tpu.memory_space<vmem>>
          %dma_wait3A_1883 = tpu.memref_squeeze %dma_wait3A_1882 : memref<1x128xi32, #tpu.memory_space<vmem>> -> memref<128xi32, #tpu.memory_space<vmem>>
          %dma_wait3A_1884 = arith.constant 0 : i32
          %dma_wait3A_1885 = arith.constant 0 : i32
          %dma_wait3A_1886 = tpu.memref_slice %arg14[%dma_wait3A_1884, %dma_wait3A_1885] : memref<10240x64xf32, #tpu.memory_space<vmem_shared>> -> memref<10240x64xf32, #tpu.memory_space<vmem_shared>>
          tpu.wait_indirect_dma semaphore(%arg31 : memref<!tpu.dma_semaphore, #tpu.memory_space<semaphore_mem>>) src(%arg12 : memref<128x64xf32, #tpu.memory_space<vmem>>) dst(%dma_wait3A_1886 : memref<10240x64xf32, #tpu.memory_space<vmem_shared>>)
        } else {
        }
        %add3A_1856 = arith.constant 4 : i32
        %add3A_1857 = arith.addi %add3A_1228, %add3A_1856 : i32
        %jit3A_1858 = arith.constant 8 : i32
        %eq3A_1859 = arith.constant 0 : i32
        %eq3A_1860 = arith.cmpi eq, %jit3A_1858, %eq3A_1859 : i32
        %jit3A_1861 = arith.constant 1 : i32
        %select_n3A_1862 = arith.select %eq3A_1860, %jit3A_1861, %jit3A_1858 : i32
        %rem3A_1863 = arith.remsi %add3A_1857, %select_n3A_1862 : i32
        %ne3A_1864 = arith.constant 0 : i32
        %ne3A_1865 = arith.cmpi ne, %rem3A_1863, %ne3A_1864 : i32
        %lt3A_1866 = arith.constant 0 : i32
        %lt3A_1867 = arith.cmpi slt, %rem3A_1863, %lt3A_1866 : i32
        %lt3A_1868 = arith.constant 0 : i32
        %lt3A_1869 = arith.cmpi slt, %select_n3A_1862, %lt3A_1868 : i32
        %ne3A_1870 = arith.xori %lt3A_1867, %lt3A_1869 : i1
        %and3A_1871 = arith.andi %ne3A_1870, %ne3A_1865 : i1
        %add3A_1872 = arith.addi %rem3A_1863, %select_n3A_1862 : i32
        %select_n3A_1873 = arith.select %and3A_1871, %add3A_1872, %rem3A_1863 : i32
        %dma_start3A_1874 = arith.constant 0 : i32
        %dma_start3A_1875 = tpu.memref_slice %arg6[%select_n3A_1873, %dma_start3A_1874] : memref<8x128xi32, #tpu.memory_space<vmem>> -> memref<1x128xi32, #tpu.memory_space<vmem>>
        %dma_start3A_1876 = tpu.memref_squeeze %dma_start3A_1875 : memref<1x128xi32, #tpu.memory_space<vmem>> -> memref<128xi32, #tpu.memory_space<vmem>>
        %dma_start3A_1877 = arith.constant 0 : i32
        %dma_start3A_1878 = arith.constant 0 : i32
        %dma_start3A_1879 = tpu.memref_slice %arg2[%dma_start3A_1877, %dma_start3A_1878] : memref<20000x64xf32, #tpu.memory_space<hbm>> -> memref<20000x64xf32, #tpu.memory_space<hbm>>
        tpu.enqueue_indirect_dma source(%dma_start3A_1879 : memref<20000x64xf32, #tpu.memory_space<hbm>>) target(%arg12 : memref<128x64xf32, #tpu.memory_space<vmem>>) offsets(%dma_start3A_1876 : memref<128xi32, #tpu.memory_space<vmem>>) semaphore(%arg25 : memref<!tpu.dma_semaphore, #tpu.memory_space<semaphore_mem>>)
      } else {
      }
      %add3A_1275 = arith.constant 6 : i32
      %add3A_1276 = arith.addi %add3A_1228, %add3A_1275 : i32
      %lt3A_1277 = arith.constant 156 : i32
      %lt3A_1278 = arith.cmpi slt, %add3A_1276, %lt3A_1277 : i32
      %convert_element_type3A_1279 = arith.extui %lt3A_1278 : i1 to i32
      %cond3A_1280 = arith.constant 0 : i32
      %cond3A_1281 = arith.cmpi ne, %convert_element_type3A_1279, %cond3A_1280 : i32
      scf.if %cond3A_1281 {
        %add3A_1592 = arith.constant 6 : i32
        %add3A_1593 = arith.addi %add3A_1228, %add3A_1592 : i32
        %mul3A_1594 = arith.constant 128 : i32
        %mul3A_1595 = arith.muli %add3A_1593, %mul3A_1594 : i32
        %add3A_1596 = arith.addi %mul3A_0, %mul3A_1595 : i32
        %jit3A_1597 = arith.constant 8 : i32
        %eq3A_1598 = arith.constant 0 : i32
        %eq3A_1599 = arith.cmpi eq, %jit3A_1597, %eq3A_1598 : i32
        %jit3A_1600 = arith.constant 1 : i32
        %select_n3A_1601 = arith.select %eq3A_1599, %jit3A_1600, %jit3A_1597 : i32
        %rem3A_1602 = arith.remsi %add3A_1593, %select_n3A_1601 : i32
        %ne3A_1603 = arith.constant 0 : i32
        %ne3A_1604 = arith.cmpi ne, %rem3A_1602, %ne3A_1603 : i32
        %lt3A_1605 = arith.constant 0 : i32
        %lt3A_1606 = arith.cmpi slt, %rem3A_1602, %lt3A_1605 : i32
        %lt3A_1607 = arith.constant 0 : i32
        %lt3A_1608 = arith.cmpi slt, %select_n3A_1601, %lt3A_1607 : i32
        %ne3A_1609 = arith.xori %lt3A_1606, %lt3A_1608 : i1
        %and3A_1610 = arith.andi %ne3A_1609, %ne3A_1604 : i1
        %add3A_1611 = arith.addi %rem3A_1602, %select_n3A_1601 : i32
        %select_n3A_1612 = arith.select %and3A_1610, %add3A_1611, %rem3A_1602 : i32
        %dma_start3A_1613 = arith.constant 0 : i32
        %dma_start3A_1614 = arith.constant 0 : i32
        %dma_start3A_1615 = tpu.memref_slice %arg5[%select_n3A_1612, %dma_start3A_1613, %dma_start3A_1614] : memref<8x2x128xi32, #tpu.memory_space<vmem>> -> memref<1x2x128xi32, #tpu.memory_space<vmem>>
        %dma_start3A_1616 = tpu.memref_squeeze %dma_start3A_1615 : memref<1x2x128xi32, #tpu.memory_space<vmem>> -> memref<2x128xi32, #tpu.memory_space<vmem>>
        %dma_start3A_1617 = arith.constant 0 : i32
        %dma_start3A_1618 = tpu.memref_slice %arg3[%dma_start3A_1617, %add3A_1596] : memref<2x320000xi32, #tpu.memory_space<hbm>> -> memref<2x128xi32, #tpu.memory_space<hbm>>
        %dma_start3A_1619 = arith.constant 0 : i32
        %dma_start3A_1620 = arith.constant 0 : i32
        %dma_start3A_1621 = tpu.memref_slice %arg5[%select_n3A_1612, %dma_start3A_1619, %dma_start3A_1620] : memref<8x2x128xi32, #tpu.memory_space<vmem>> -> memref<1x2x128xi32, #tpu.memory_space<vmem>>
        %dma_start3A_1622 = tpu.memref_squeeze %dma_start3A_1621 : memref<1x2x128xi32, #tpu.memory_space<vmem>> -> memref<2x128xi32, #tpu.memory_space<vmem>>
        %dma_start3A_1623 = arith.constant 0 : i32
        %dma_start3A_1624 = tpu.memref_slice %arg3[%dma_start3A_1623, %add3A_1596] : memref<2x320000xi32, #tpu.memory_space<hbm>> -> memref<2x128xi32, #tpu.memory_space<hbm>>
        tpu.enqueue_dma source(%dma_start3A_1624 : memref<2x128xi32, #tpu.memory_space<hbm>>) target(%dma_start3A_1622 : memref<2x128xi32, #tpu.memory_space<vmem>>) target_semaphore(%arg15 : memref<!tpu.dma_semaphore, #tpu.memory_space<semaphore_mem>>)
      } else {
      }
      %mul3A_1282 = arith.constant 6 : i32
      %mul3A_1283 = arith.muli %scan3A_1224, %mul3A_1282 : i32
      %add3A_1284 = arith.constant 1 : i32
      %add3A_1285 = arith.addi %mul3A_1283, %add3A_1284 : i32
      %jit3A_1286 = arith.constant 8 : i32
      %eq3A_1287 = arith.constant 0 : i32
      %eq3A_1288 = arith.cmpi eq, %jit3A_1286, %eq3A_1287 : i32
      %jit3A_1289 = arith.constant 1 : i32
      %select_n3A_1290 = arith.select %eq3A_1288, %jit3A_1289, %jit3A_1286 : i32
      %rem3A_1291 = arith.remsi %add3A_1285, %select_n3A_1290 : i32
      %ne3A_1292 = arith.constant 0 : i32
      %ne3A_1293 = arith.cmpi ne, %rem3A_1291, %ne3A_1292 : i32
      %lt3A_1294 = arith.constant 0 : i32
      %lt3A_1295 = arith.cmpi slt, %rem3A_1291, %lt3A_1294 : i32
      %lt3A_1296 = arith.constant 0 : i32
      %lt3A_1297 = arith.cmpi slt, %select_n3A_1290, %lt3A_1296 : i32
      %ne3A_1298 = arith.xori %lt3A_1295, %lt3A_1297 : i1
      %and3A_1299 = arith.andi %ne3A_1298, %ne3A_1293 : i1
      %add3A_1300 = arith.addi %rem3A_1291, %select_n3A_1290 : i32
      %select_n3A_1301 = arith.select %and3A_1299, %add3A_1300, %rem3A_1291 : i32
      %dma_wait3A_1302 = arith.constant 0 : i32
      %dma_wait3A_1303 = tpu.memref_slice %arg6[%select_n3A_1301, %dma_wait3A_1302] : memref<8x128xi32, #tpu.memory_space<vmem>> -> memref<1x128xi32, #tpu.memory_space<vmem>>
      %dma_wait3A_1304 = tpu.memref_squeeze %dma_wait3A_1303 : memref<1x128xi32, #tpu.memory_space<vmem>> -> memref<128xi32, #tpu.memory_space<vmem>>
      %dma_wait3A_1305 = arith.constant 0 : i32
      %dma_wait3A_1306 = arith.constant 0 : i32
      %dma_wait3A_1307 = tpu.memref_slice %arg2[%dma_wait3A_1305, %dma_wait3A_1306] : memref<20000x64xf32, #tpu.memory_space<hbm>> -> memref<20000x64xf32, #tpu.memory_space<hbm>>
      tpu.wait_indirect_dma semaphore(%arg22 : memref<!tpu.dma_semaphore, #tpu.memory_space<semaphore_mem>>) src(%dma_wait3A_1307 : memref<20000x64xf32, #tpu.memory_space<hbm>>) dst(%arg9 : memref<128x64xf32, #tpu.memory_space<vmem>>)
      %jit3A_1308 = arith.constant 8 : i32
      %eq3A_1309 = arith.constant 0 : i32
      %eq3A_1310 = arith.cmpi eq, %jit3A_1308, %eq3A_1309 : i32
      %jit3A_1311 = arith.constant 1 : i32
      %select_n3A_1312 = arith.select %eq3A_1310, %jit3A_1311, %jit3A_1308 : i32
      %rem3A_1313 = arith.remsi %add3A_1285, %select_n3A_1312 : i32
      %ne3A_1314 = arith.constant 0 : i32
      %ne3A_1315 = arith.cmpi ne, %rem3A_1313, %ne3A_1314 : i32
      %lt3A_1316 = arith.constant 0 : i32
      %lt3A_1317 = arith.cmpi slt, %rem3A_1313, %lt3A_1316 : i32
      %lt3A_1318 = arith.constant 0 : i32
      %lt3A_1319 = arith.cmpi slt, %select_n3A_1312, %lt3A_1318 : i32
      %ne3A_1320 = arith.xori %lt3A_1317, %lt3A_1319 : i1
      %and3A_1321 = arith.andi %ne3A_1320, %ne3A_1315 : i1
      %add3A_1322 = arith.addi %rem3A_1313, %select_n3A_1312 : i32
      %select_n3A_1323 = arith.select %and3A_1321, %add3A_1322, %rem3A_1313 : i32
      %dma_start3A_1324 = arith.constant 0 : i32
      %dma_start3A_1325 = tpu.memref_slice %arg7[%select_n3A_1323, %dma_start3A_1324] : memref<8x128xi32, #tpu.memory_space<vmem>> -> memref<1x128xi32, #tpu.memory_space<vmem>>
      %dma_start3A_1326 = tpu.memref_squeeze %dma_start3A_1325 : memref<1x128xi32, #tpu.memory_space<vmem>> -> memref<128xi32, #tpu.memory_space<vmem>>
      %dma_start3A_1327 = arith.constant 0 : i32
      %dma_start3A_1328 = arith.constant 0 : i32
      %dma_start3A_1329 = tpu.memref_slice %arg14[%dma_start3A_1327, %dma_start3A_1328] : memref<10240x64xf32, #tpu.memory_space<vmem_shared>> -> memref<10240x64xf32, #tpu.memory_space<vmem_shared>>
      tpu.enqueue_indirect_dma source(%arg9 : memref<128x64xf32, #tpu.memory_space<vmem>>) target(%dma_start3A_1329 : memref<10240x64xf32, #tpu.memory_space<vmem_shared>>) offsets(%dma_start3A_1326 : memref<128xi32, #tpu.memory_space<vmem>>) semaphore(%arg28 : memref<!tpu.dma_semaphore, #tpu.memory_space<semaphore_mem>>) {add = true}
      %add3A_1330 = arith.constant 4 : i32
      %add3A_1331 = arith.addi %add3A_1285, %add3A_1330 : i32
      %lt3A_1332 = arith.constant 156 : i32
      %lt3A_1333 = arith.cmpi slt, %add3A_1331, %lt3A_1332 : i32
      %convert_element_type3A_1334 = arith.extui %lt3A_1333 : i1 to i32
      %cond3A_1335 = arith.constant 0 : i32
      %cond3A_1336 = arith.cmpi ne, %convert_element_type3A_1334, %cond3A_1335 : i32
      scf.if %cond3A_1336 {
        %add3A_1592 = arith.constant 4 : i32
        %add3A_1593 = arith.addi %add3A_1285, %add3A_1592 : i32
        %mul3A_1594 = arith.constant 128 : i32
        %mul3A_1595 = arith.muli %add3A_1593, %mul3A_1594 : i32
        %add3A_1596 = arith.addi %mul3A_0, %mul3A_1595 : i32
        %jit3A_1597 = arith.constant 8 : i32
        %eq3A_1598 = arith.constant 0 : i32
        %eq3A_1599 = arith.cmpi eq, %jit3A_1597, %eq3A_1598 : i32
        %jit3A_1600 = arith.constant 1 : i32
        %select_n3A_1601 = arith.select %eq3A_1599, %jit3A_1600, %jit3A_1597 : i32
        %rem3A_1602 = arith.remsi %add3A_1593, %select_n3A_1601 : i32
        %ne3A_1603 = arith.constant 0 : i32
        %ne3A_1604 = arith.cmpi ne, %rem3A_1602, %ne3A_1603 : i32
        %lt3A_1605 = arith.constant 0 : i32
        %lt3A_1606 = arith.cmpi slt, %rem3A_1602, %lt3A_1605 : i32
        %lt3A_1607 = arith.constant 0 : i32
        %lt3A_1608 = arith.cmpi slt, %select_n3A_1601, %lt3A_1607 : i32
        %ne3A_1609 = arith.xori %lt3A_1606, %lt3A_1608 : i1
        %and3A_1610 = arith.andi %ne3A_1609, %ne3A_1604 : i1
        %add3A_1611 = arith.addi %rem3A_1602, %select_n3A_1601 : i32
        %select_n3A_1612 = arith.select %and3A_1610, %add3A_1611, %rem3A_1602 : i32
        %dma_wait3A_1613 = arith.constant 0 : i32
        %dma_wait3A_1614 = arith.constant 0 : i32
        %dma_wait3A_1615 = tpu.memref_slice %arg5[%select_n3A_1612, %dma_wait3A_1613, %dma_wait3A_1614] : memref<8x2x128xi32, #tpu.memory_space<vmem>> -> memref<1x2x128xi32, #tpu.memory_space<vmem>>
        %dma_wait3A_1616 = tpu.memref_squeeze %dma_wait3A_1615 : memref<1x2x128xi32, #tpu.memory_space<vmem>> -> memref<2x128xi32, #tpu.memory_space<vmem>>
        %dma_wait3A_1617 = arith.constant 0 : i32
        %dma_wait3A_1618 = tpu.memref_slice %arg3[%dma_wait3A_1617, %add3A_1596] : memref<2x320000xi32, #tpu.memory_space<hbm>> -> memref<2x128xi32, #tpu.memory_space<hbm>>
        %dma_wait3A_1619 = arith.constant 0 : i32
        %dma_wait3A_1620 = arith.constant 0 : i32
        %dma_wait3A_1621 = tpu.memref_slice %arg5[%select_n3A_1612, %dma_wait3A_1619, %dma_wait3A_1620] : memref<8x2x128xi32, #tpu.memory_space<vmem>> -> memref<1x2x128xi32, #tpu.memory_space<vmem>>
        %dma_wait3A_1622 = tpu.memref_squeeze %dma_wait3A_1621 : memref<1x2x128xi32, #tpu.memory_space<vmem>> -> memref<2x128xi32, #tpu.memory_space<vmem>>
        %dma_wait3A_1623 = arith.constant 0 : i32
        %dma_wait3A_1624 = tpu.memref_slice %arg3[%dma_wait3A_1623, %add3A_1596] : memref<2x320000xi32, #tpu.memory_space<hbm>> -> memref<2x128xi32, #tpu.memory_space<hbm>>
        tpu.wait_dma2 semaphore(%arg20 : memref<!tpu.dma_semaphore, #tpu.memory_space<semaphore_mem>>) src(%dma_wait3A_1624 : memref<2x128xi32, #tpu.memory_space<hbm>>) dst(%dma_wait3A_1622 : memref<2x128xi32, #tpu.memory_space<vmem>>)
        %add3A_1625 = arith.constant 4 : i32
        %add3A_1626 = arith.addi %add3A_1285, %add3A_1625 : i32
        %jit3A_1627 = arith.constant 8 : i32
        %eq3A_1628 = arith.constant 0 : i32
        %eq3A_1629 = arith.cmpi eq, %jit3A_1627, %eq3A_1628 : i32
        %jit3A_1630 = arith.constant 1 : i32
        %select_n3A_1631 = arith.select %eq3A_1629, %jit3A_1630, %jit3A_1627 : i32
        %rem3A_1632 = arith.remsi %add3A_1626, %select_n3A_1631 : i32
        %ne3A_1633 = arith.constant 0 : i32
        %ne3A_1634 = arith.cmpi ne, %rem3A_1632, %ne3A_1633 : i32
        %lt3A_1635 = arith.constant 0 : i32
        %lt3A_1636 = arith.cmpi slt, %rem3A_1632, %lt3A_1635 : i32
        %lt3A_1637 = arith.constant 0 : i32
        %lt3A_1638 = arith.cmpi slt, %select_n3A_1631, %lt3A_1637 : i32
        %ne3A_1639 = arith.xori %lt3A_1636, %lt3A_1638 : i1
        %and3A_1640 = arith.andi %ne3A_1639, %ne3A_1634 : i1
        %add3A_1641 = arith.addi %rem3A_1632, %select_n3A_1631 : i32
        %select_n3A_1642 = arith.select %and3A_1640, %add3A_1641, %rem3A_1632 : i32
        %broadcast_in_dim3A_1643 = vector.broadcast %arg0 : i32 to vector<16xi32>
        %get3A_1644 = arith.constant 0 : i32
        %get3A_1645 = arith.index_cast %select_n3A_1642 : i32 to index
        %get3A_1646 = arith.index_cast %get3A_1644 : i32 to index
        %get3A_1647 = arith.constant 0 : index
        %get3A_1648 = tpu.vector_load %arg5[%get3A_1645, %get3A_1646, %get3A_1647] {strides = array<i32>} : memref<8x2x128xi32, #tpu.memory_space<vmem>>, vector<1x1x16xi32>,
        %get3A_1649 = vector.shape_cast %get3A_1648 : vector<1x1x16xi32> to vector<16xi32>
        %mul3A_1650 = arith.constant 2 : i32
        %mul3A_1651 = vector.broadcast %mul3A_1650 : i32 to vector<16xi32>
        %mul3A_1652 = arith.muli %get3A_1649, %mul3A_1651 : vector<16xi32>
        %add3A_1653 = arith.addi %mul3A_1652, %broadcast_in_dim3A_1643 : vector<16xi32>
        %swap3A_1654 = arith.index_cast %select_n3A_1642 : i32 to index
        %swap3A_1655 = arith.constant 0 : index
        %swap3A_1656 = tpu.vector_load %arg6[%swap3A_1654, %swap3A_1655] {strides = array<i32>} : memref<8x128xi32, #tpu.memory_space<vmem>>, vector<1x16xi32>,
        %swap3A_1657 = vector.shape_cast %swap3A_1656 : vector<1x16xi32> to vector<16xi32>
        %swap3A_1658 = vector.shape_cast %add3A_1653 : vector<16xi32> to vector<1x16xi32>
        tpu.vector_store %arg6[%swap3A_1654, %swap3A_1655], %swap3A_1658 {strides = array<i32>} : memref<8x128xi32, #tpu.memory_space<vmem>>, vector<1x16xi32>,
        %get3A_1659 = arith.constant 1 : i32
        %get3A_1660 = arith.index_cast %select_n3A_1642 : i32 to index
        %get3A_1661 = arith.index_cast %get3A_1659 : i32 to index
        %get3A_1662 = arith.constant 0 : index
        %get3A_1663 = tpu.vector_load %arg5[%get3A_1660, %get3A_1661, %get3A_1662] {strides = array<i32>} : memref<8x2x128xi32, #tpu.memory_space<vmem>>, vector<1x1x16xi32>,
        %get3A_1664 = vector.shape_cast %get3A_1663 : vector<1x1x16xi32> to vector<16xi32>
        %swap3A_1665 = arith.index_cast %select_n3A_1642 : i32 to index
        %swap3A_1666 = arith.constant 0 : index
        %swap3A_1667 = tpu.vector_load %arg7[%swap3A_1665, %swap3A_1666] {strides = array<i32>} : memref<8x128xi32, #tpu.memory_space<vmem>>, vector<1x16xi32>,
        %swap3A_1668 = vector.shape_cast %swap3A_1667 : vector<1x16xi32> to vector<16xi32>
        %swap3A_1669 = vector.shape_cast %get3A_1664 : vector<16xi32> to vector<1x16xi32>
        tpu.vector_store %arg7[%swap3A_1665, %swap3A_1666], %swap3A_1669 {strides = array<i32>} : memref<8x128xi32, #tpu.memory_space<vmem>>, vector<1x16xi32>,
        %get3A_1670 = arith.constant 0 : i32
        %get3A_1671 = arith.index_cast %select_n3A_1642 : i32 to index
        %get3A_1672 = arith.index_cast %get3A_1670 : i32 to index
        %get3A_1673 = arith.constant 16 : index
        %get3A_1674 = tpu.vector_load %arg5[%get3A_1671, %get3A_1672, %get3A_1673] {strides = array<i32>} : memref<8x2x128xi32, #tpu.memory_space<vmem>>, vector<1x1x16xi32>,
        %get3A_1675 = vector.shape_cast %get3A_1674 : vector<1x1x16xi32> to vector<16xi32>
        %mul3A_1676 = arith.constant 2 : i32
        %mul3A_1677 = vector.broadcast %mul3A_1676 : i32 to vector<16xi32>
        %mul3A_1678 = arith.muli %get3A_1675, %mul3A_1677 : vector<16xi32>
        %add3A_1679 = arith.addi %mul3A_1678, %broadcast_in_dim3A_1643 : vector<16xi32>
        %swap3A_1680 = arith.index_cast %select_n3A_1642 : i32 to index
        %swap3A_1681 = arith.constant 16 : index
        %swap3A_1682 = tpu.vector_load %arg6[%swap3A_1680, %swap3A_1681] {strides = array<i32>} : memref<8x128xi32, #tpu.memory_space<vmem>>, vector<1x16xi32>,
        %swap3A_1683 = vector.shape_cast %swap3A_1682 : vector<1x16xi32> to vector<16xi32>
        %swap3A_1684 = vector.shape_cast %add3A_1679 : vector<16xi32> to vector<1x16xi32>
        tpu.vector_store %arg6[%swap3A_1680, %swap3A_1681], %swap3A_1684 {strides = array<i32>} : memref<8x128xi32, #tpu.memory_space<vmem>>, vector<1x16xi32>,
        %get3A_1685 = arith.constant 1 : i32
        %get3A_1686 = arith.index_cast %select_n3A_1642 : i32 to index
        %get3A_1687 = arith.index_cast %get3A_1685 : i32 to index
        %get3A_1688 = arith.constant 16 : index
        %get3A_1689 = tpu.vector_load %arg5[%get3A_1686, %get3A_1687, %get3A_1688] {strides = array<i32>} : memref<8x2x128xi32, #tpu.memory_space<vmem>>, vector<1x1x16xi32>,
        %get3A_1690 = vector.shape_cast %get3A_1689 : vector<1x1x16xi32> to vector<16xi32>
        %swap3A_1691 = arith.index_cast %select_n3A_1642 : i32 to index
        %swap3A_1692 = arith.constant 16 : index
        %swap3A_1693 = tpu.vector_load %arg7[%swap3A_1691, %swap3A_1692] {strides = array<i32>} : memref<8x128xi32, #tpu.memory_space<vmem>>, vector<1x16xi32>,
        %swap3A_1694 = vector.shape_cast %swap3A_1693 : vector<1x16xi32> to vector<16xi32>
        %swap3A_1695 = vector.shape_cast %get3A_1690 : vector<16xi32> to vector<1x16xi32>
        tpu.vector_store %arg7[%swap3A_1691, %swap3A_1692], %swap3A_1695 {strides = array<i32>} : memref<8x128xi32, #tpu.memory_space<vmem>>, vector<1x16xi32>,
        %get3A_1696 = arith.constant 0 : i32
        %get3A_1697 = arith.index_cast %select_n3A_1642 : i32 to index
        %get3A_1698 = arith.index_cast %get3A_1696 : i32 to index
        %get3A_1699 = arith.constant 32 : index
        %get3A_1700 = tpu.vector_load %arg5[%get3A_1697, %get3A_1698, %get3A_1699] {strides = array<i32>} : memref<8x2x128xi32, #tpu.memory_space<vmem>>, vector<1x1x16xi32>,
        %get3A_1701 = vector.shape_cast %get3A_1700 : vector<1x1x16xi32> to vector<16xi32>
        %mul3A_1702 = arith.constant 2 : i32
        %mul3A_1703 = vector.broadcast %mul3A_1702 : i32 to vector<16xi32>
        %mul3A_1704 = arith.muli %get3A_1701, %mul3A_1703 : vector<16xi32>
        %add3A_1705 = arith.addi %mul3A_1704, %broadcast_in_dim3A_1643 : vector<16xi32>
        %swap3A_1706 = arith.index_cast %select_n3A_1642 : i32 to index
        %swap3A_1707 = arith.constant 32 : index
        %swap3A_1708 = tpu.vector_load %arg6[%swap3A_1706, %swap3A_1707] {strides = array<i32>} : memref<8x128xi32, #tpu.memory_space<vmem>>, vector<1x16xi32>,
        %swap3A_1709 = vector.shape_cast %swap3A_1708 : vector<1x16xi32> to vector<16xi32>
        %swap3A_1710 = vector.shape_cast %add3A_1705 : vector<16xi32> to vector<1x16xi32>
        tpu.vector_store %arg6[%swap3A_1706, %swap3A_1707], %swap3A_1710 {strides = array<i32>} : memref<8x128xi32, #tpu.memory_space<vmem>>, vector<1x16xi32>,
        %get3A_1711 = arith.constant 1 : i32
        %get3A_1712 = arith.index_cast %select_n3A_1642 : i32 to index
        %get3A_1713 = arith.index_cast %get3A_1711 : i32 to index
        %get3A_1714 = arith.constant 32 : index
        %get3A_1715 = tpu.vector_load %arg5[%get3A_1712, %get3A_1713, %get3A_1714] {strides = array<i32>} : memref<8x2x128xi32, #tpu.memory_space<vmem>>, vector<1x1x16xi32>,
        %get3A_1716 = vector.shape_cast %get3A_1715 : vector<1x1x16xi32> to vector<16xi32>
        %swap3A_1717 = arith.index_cast %select_n3A_1642 : i32 to index
        %swap3A_1718 = arith.constant 32 : index
        %swap3A_1719 = tpu.vector_load %arg7[%swap3A_1717, %swap3A_1718] {strides = array<i32>} : memref<8x128xi32, #tpu.memory_space<vmem>>, vector<1x16xi32>,
        %swap3A_1720 = vector.shape_cast %swap3A_1719 : vector<1x16xi32> to vector<16xi32>
        %swap3A_1721 = vector.shape_cast %get3A_1716 : vector<16xi32> to vector<1x16xi32>
        tpu.vector_store %arg7[%swap3A_1717, %swap3A_1718], %swap3A_1721 {strides = array<i32>} : memref<8x128xi32, #tpu.memory_space<vmem>>, vector<1x16xi32>,
        %get3A_1722 = arith.constant 0 : i32
        %get3A_1723 = arith.index_cast %select_n3A_1642 : i32 to index
        %get3A_1724 = arith.index_cast %get3A_1722 : i32 to index
        %get3A_1725 = arith.constant 48 : index
        %get3A_1726 = tpu.vector_load %arg5[%get3A_1723, %get3A_1724, %get3A_1725] {strides = array<i32>} : memref<8x2x128xi32, #tpu.memory_space<vmem>>, vector<1x1x16xi32>,
        %get3A_1727 = vector.shape_cast %get3A_1726 : vector<1x1x16xi32> to vector<16xi32>
        %mul3A_1728 = arith.constant 2 : i32
        %mul3A_1729 = vector.broadcast %mul3A_1728 : i32 to vector<16xi32>
        %mul3A_1730 = arith.muli %get3A_1727, %mul3A_1729 : vector<16xi32>
        %add3A_1731 = arith.addi %mul3A_1730, %broadcast_in_dim3A_1643 : vector<16xi32>
        %swap3A_1732 = arith.index_cast %select_n3A_1642 : i32 to index
        %swap3A_1733 = arith.constant 48 : index
        %swap3A_1734 = tpu.vector_load %arg6[%swap3A_1732, %swap3A_1733] {strides = array<i32>} : memref<8x128xi32, #tpu.memory_space<vmem>>, vector<1x16xi32>,
        %swap3A_1735 = vector.shape_cast %swap3A_1734 : vector<1x16xi32> to vector<16xi32>
        %swap3A_1736 = vector.shape_cast %add3A_1731 : vector<16xi32> to vector<1x16xi32>
        tpu.vector_store %arg6[%swap3A_1732, %swap3A_1733], %swap3A_1736 {strides = array<i32>} : memref<8x128xi32, #tpu.memory_space<vmem>>, vector<1x16xi32>,
        %get3A_1737 = arith.constant 1 : i32
        %get3A_1738 = arith.index_cast %select_n3A_1642 : i32 to index
        %get3A_1739 = arith.index_cast %get3A_1737 : i32 to index
        %get3A_1740 = arith.constant 48 : index
        %get3A_1741 = tpu.vector_load %arg5[%get3A_1738, %get3A_1739, %get3A_1740] {strides = array<i32>} : memref<8x2x128xi32, #tpu.memory_space<vmem>>, vector<1x1x16xi32>,
        %get3A_1742 = vector.shape_cast %get3A_1741 : vector<1x1x16xi32> to vector<16xi32>
        %swap3A_1743 = arith.index_cast %select_n3A_1642 : i32 to index
        %swap3A_1744 = arith.constant 48 : index
        %swap3A_1745 = tpu.vector_load %arg7[%swap3A_1743, %swap3A_1744] {strides = array<i32>} : memref<8x128xi32, #tpu.memory_space<vmem>>, vector<1x16xi32>,
        %swap3A_1746 = vector.shape_cast %swap3A_1745 : vector<1x16xi32> to vector<16xi32>
        %swap3A_1747 = vector.shape_cast %get3A_1742 : vector<16xi32> to vector<1x16xi32>
        tpu.vector_store %arg7[%swap3A_1743, %swap3A_1744], %swap3A_1747 {strides = array<i32>} : memref<8x128xi32, #tpu.memory_space<vmem>>, vector<1x16xi32>,
        %get3A_1748 = arith.constant 0 : i32
        %get3A_1749 = arith.index_cast %select_n3A_1642 : i32 to index
        %get3A_1750 = arith.index_cast %get3A_1748 : i32 to index
        %get3A_1751 = arith.constant 64 : index
        %get3A_1752 = tpu.vector_load %arg5[%get3A_1749, %get3A_1750, %get3A_1751] {strides = array<i32>} : memref<8x2x128xi32, #tpu.memory_space<vmem>>, vector<1x1x16xi32>,
        %get3A_1753 = vector.shape_cast %get3A_1752 : vector<1x1x16xi32> to vector<16xi32>
        %mul3A_1754 = arith.constant 2 : i32
        %mul3A_1755 = vector.broadcast %mul3A_1754 : i32 to vector<16xi32>
        %mul3A_1756 = arith.muli %get3A_1753, %mul3A_1755 : vector<16xi32>
        %add3A_1757 = arith.addi %mul3A_1756, %broadcast_in_dim3A_1643 : vector<16xi32>
        %swap3A_1758 = arith.index_cast %select_n3A_1642 : i32 to index
        %swap3A_1759 = arith.constant 64 : index
        %swap3A_1760 = tpu.vector_load %arg6[%swap3A_1758, %swap3A_1759] {strides = array<i32>} : memref<8x128xi32, #tpu.memory_space<vmem>>, vector<1x16xi32>,
        %swap3A_1761 = vector.shape_cast %swap3A_1760 : vector<1x16xi32> to vector<16xi32>
        %swap3A_1762 = vector.shape_cast %add3A_1757 : vector<16xi32> to vector<1x16xi32>
        tpu.vector_store %arg6[%swap3A_1758, %swap3A_1759], %swap3A_1762 {strides = array<i32>} : memref<8x128xi32, #tpu.memory_space<vmem>>, vector<1x16xi32>,
        %get3A_1763 = arith.constant 1 : i32
        %get3A_1764 = arith.index_cast %select_n3A_1642 : i32 to index
        %get3A_1765 = arith.index_cast %get3A_1763 : i32 to index
        %get3A_1766 = arith.constant 64 : index
        %get3A_1767 = tpu.vector_load %arg5[%get3A_1764, %get3A_1765, %get3A_1766] {strides = array<i32>} : memref<8x2x128xi32, #tpu.memory_space<vmem>>, vector<1x1x16xi32>,
        %get3A_1768 = vector.shape_cast %get3A_1767 : vector<1x1x16xi32> to vector<16xi32>
        %swap3A_1769 = arith.index_cast %select_n3A_1642 : i32 to index
        %swap3A_1770 = arith.constant 64 : index
        %swap3A_1771 = tpu.vector_load %arg7[%swap3A_1769, %swap3A_1770] {strides = array<i32>} : memref<8x128xi32, #tpu.memory_space<vmem>>, vector<1x16xi32>,
        %swap3A_1772 = vector.shape_cast %swap3A_1771 : vector<1x16xi32> to vector<16xi32>
        %swap3A_1773 = vector.shape_cast %get3A_1768 : vector<16xi32> to vector<1x16xi32>
        tpu.vector_store %arg7[%swap3A_1769, %swap3A_1770], %swap3A_1773 {strides = array<i32>} : memref<8x128xi32, #tpu.memory_space<vmem>>, vector<1x16xi32>,
        %get3A_1774 = arith.constant 0 : i32
        %get3A_1775 = arith.index_cast %select_n3A_1642 : i32 to index
        %get3A_1776 = arith.index_cast %get3A_1774 : i32 to index
        %get3A_1777 = arith.constant 80 : index
        %get3A_1778 = tpu.vector_load %arg5[%get3A_1775, %get3A_1776, %get3A_1777] {strides = array<i32>} : memref<8x2x128xi32, #tpu.memory_space<vmem>>, vector<1x1x16xi32>,
        %get3A_1779 = vector.shape_cast %get3A_1778 : vector<1x1x16xi32> to vector<16xi32>
        %mul3A_1780 = arith.constant 2 : i32
        %mul3A_1781 = vector.broadcast %mul3A_1780 : i32 to vector<16xi32>
        %mul3A_1782 = arith.muli %get3A_1779, %mul3A_1781 : vector<16xi32>
        %add3A_1783 = arith.addi %mul3A_1782, %broadcast_in_dim3A_1643 : vector<16xi32>
        %swap3A_1784 = arith.index_cast %select_n3A_1642 : i32 to index
        %swap3A_1785 = arith.constant 80 : index
        %swap3A_1786 = tpu.vector_load %arg6[%swap3A_1784, %swap3A_1785] {strides = array<i32>} : memref<8x128xi32, #tpu.memory_space<vmem>>, vector<1x16xi32>,
        %swap3A_1787 = vector.shape_cast %swap3A_1786 : vector<1x16xi32> to vector<16xi32>
        %swap3A_1788 = vector.shape_cast %add3A_1783 : vector<16xi32> to vector<1x16xi32>
        tpu.vector_store %arg6[%swap3A_1784, %swap3A_1785], %swap3A_1788 {strides = array<i32>} : memref<8x128xi32, #tpu.memory_space<vmem>>, vector<1x16xi32>,
        %get3A_1789 = arith.constant 1 : i32
        %get3A_1790 = arith.index_cast %select_n3A_1642 : i32 to index
        %get3A_1791 = arith.index_cast %get3A_1789 : i32 to index
        %get3A_1792 = arith.constant 80 : index
        %get3A_1793 = tpu.vector_load %arg5[%get3A_1790, %get3A_1791, %get3A_1792] {strides = array<i32>} : memref<8x2x128xi32, #tpu.memory_space<vmem>>, vector<1x1x16xi32>,
        %get3A_1794 = vector.shape_cast %get3A_1793 : vector<1x1x16xi32> to vector<16xi32>
        %swap3A_1795 = arith.index_cast %select_n3A_1642 : i32 to index
        %swap3A_1796 = arith.constant 80 : index
        %swap3A_1797 = tpu.vector_load %arg7[%swap3A_1795, %swap3A_1796] {strides = array<i32>} : memref<8x128xi32, #tpu.memory_space<vmem>>, vector<1x16xi32>,
        %swap3A_1798 = vector.shape_cast %swap3A_1797 : vector<1x16xi32> to vector<16xi32>
        %swap3A_1799 = vector.shape_cast %get3A_1794 : vector<16xi32> to vector<1x16xi32>
        tpu.vector_store %arg7[%swap3A_1795, %swap3A_1796], %swap3A_1799 {strides = array<i32>} : memref<8x128xi32, #tpu.memory_space<vmem>>, vector<1x16xi32>,
        %get3A_1800 = arith.constant 0 : i32
        %get3A_1801 = arith.index_cast %select_n3A_1642 : i32 to index
        %get3A_1802 = arith.index_cast %get3A_1800 : i32 to index
        %get3A_1803 = arith.constant 96 : index
        %get3A_1804 = tpu.vector_load %arg5[%get3A_1801, %get3A_1802, %get3A_1803] {strides = array<i32>} : memref<8x2x128xi32, #tpu.memory_space<vmem>>, vector<1x1x16xi32>,
        %get3A_1805 = vector.shape_cast %get3A_1804 : vector<1x1x16xi32> to vector<16xi32>
        %mul3A_1806 = arith.constant 2 : i32
        %mul3A_1807 = vector.broadcast %mul3A_1806 : i32 to vector<16xi32>
        %mul3A_1808 = arith.muli %get3A_1805, %mul3A_1807 : vector<16xi32>
        %add3A_1809 = arith.addi %mul3A_1808, %broadcast_in_dim3A_1643 : vector<16xi32>
        %swap3A_1810 = arith.index_cast %select_n3A_1642 : i32 to index
        %swap3A_1811 = arith.constant 96 : index
        %swap3A_1812 = tpu.vector_load %arg6[%swap3A_1810, %swap3A_1811] {strides = array<i32>} : memref<8x128xi32, #tpu.memory_space<vmem>>, vector<1x16xi32>,
        %swap3A_1813 = vector.shape_cast %swap3A_1812 : vector<1x16xi32> to vector<16xi32>
        %swap3A_1814 = vector.shape_cast %add3A_1809 : vector<16xi32> to vector<1x16xi32>
        tpu.vector_store %arg6[%swap3A_1810, %swap3A_1811], %swap3A_1814 {strides = array<i32>} : memref<8x128xi32, #tpu.memory_space<vmem>>, vector<1x16xi32>,
        %get3A_1815 = arith.constant 1 : i32
        %get3A_1816 = arith.index_cast %select_n3A_1642 : i32 to index
        %get3A_1817 = arith.index_cast %get3A_1815 : i32 to index
        %get3A_1818 = arith.constant 96 : index
        %get3A_1819 = tpu.vector_load %arg5[%get3A_1816, %get3A_1817, %get3A_1818] {strides = array<i32>} : memref<8x2x128xi32, #tpu.memory_space<vmem>>, vector<1x1x16xi32>,
        %get3A_1820 = vector.shape_cast %get3A_1819 : vector<1x1x16xi32> to vector<16xi32>
        %swap3A_1821 = arith.index_cast %select_n3A_1642 : i32 to index
        %swap3A_1822 = arith.constant 96 : index
        %swap3A_1823 = tpu.vector_load %arg7[%swap3A_1821, %swap3A_1822] {strides = array<i32>} : memref<8x128xi32, #tpu.memory_space<vmem>>, vector<1x16xi32>,
        %swap3A_1824 = vector.shape_cast %swap3A_1823 : vector<1x16xi32> to vector<16xi32>
        %swap3A_1825 = vector.shape_cast %get3A_1820 : vector<16xi32> to vector<1x16xi32>
        tpu.vector_store %arg7[%swap3A_1821, %swap3A_1822], %swap3A_1825 {strides = array<i32>} : memref<8x128xi32, #tpu.memory_space<vmem>>, vector<1x16xi32>,
        %get3A_1826 = arith.constant 0 : i32
        %get3A_1827 = arith.index_cast %select_n3A_1642 : i32 to index
        %get3A_1828 = arith.index_cast %get3A_1826 : i32 to index
        %get3A_1829 = arith.constant 112 : index
        %get3A_1830 = tpu.vector_load %arg5[%get3A_1827, %get3A_1828, %get3A_1829] {strides = array<i32>} : memref<8x2x128xi32, #tpu.memory_space<vmem>>, vector<1x1x16xi32>,
        %get3A_1831 = vector.shape_cast %get3A_1830 : vector<1x1x16xi32> to vector<16xi32>
        %mul3A_1832 = arith.constant 2 : i32
        %mul3A_1833 = vector.broadcast %mul3A_1832 : i32 to vector<16xi32>
        %mul3A_1834 = arith.muli %get3A_1831, %mul3A_1833 : vector<16xi32>
        %add3A_1835 = arith.addi %mul3A_1834, %broadcast_in_dim3A_1643 : vector<16xi32>
        %swap3A_1836 = arith.index_cast %select_n3A_1642 : i32 to index
        %swap3A_1837 = arith.constant 112 : index
        %swap3A_1838 = tpu.vector_load %arg6[%swap3A_1836, %swap3A_1837] {strides = array<i32>} : memref<8x128xi32, #tpu.memory_space<vmem>>, vector<1x16xi32>,
        %swap3A_1839 = vector.shape_cast %swap3A_1838 : vector<1x16xi32> to vector<16xi32>
        %swap3A_1840 = vector.shape_cast %add3A_1835 : vector<16xi32> to vector<1x16xi32>
        tpu.vector_store %arg6[%swap3A_1836, %swap3A_1837], %swap3A_1840 {strides = array<i32>} : memref<8x128xi32, #tpu.memory_space<vmem>>, vector<1x16xi32>,
        %get3A_1841 = arith.constant 1 : i32
        %get3A_1842 = arith.index_cast %select_n3A_1642 : i32 to index
        %get3A_1843 = arith.index_cast %get3A_1841 : i32 to index
        %get3A_1844 = arith.constant 112 : index
        %get3A_1845 = tpu.vector_load %arg5[%get3A_1842, %get3A_1843, %get3A_1844] {strides = array<i32>} : memref<8x2x128xi32, #tpu.memory_space<vmem>>, vector<1x1x16xi32>,
        %get3A_1846 = vector.shape_cast %get3A_1845 : vector<1x1x16xi32> to vector<16xi32>
        %swap3A_1847 = arith.index_cast %select_n3A_1642 : i32 to index
        %swap3A_1848 = arith.constant 112 : index
        %swap3A_1849 = tpu.vector_load %arg7[%swap3A_1847, %swap3A_1848] {strides = array<i32>} : memref<8x128xi32, #tpu.memory_space<vmem>>, vector<1x16xi32>,
        %swap3A_1850 = vector.shape_cast %swap3A_1849 : vector<1x16xi32> to vector<16xi32>
        %swap3A_1851 = vector.shape_cast %get3A_1846 : vector<16xi32> to vector<1x16xi32>
        tpu.vector_store %arg7[%swap3A_1847, %swap3A_1848], %swap3A_1851 {strides = array<i32>} : memref<8x128xi32, #tpu.memory_space<vmem>>, vector<1x16xi32>,
        %ge3A = arith.constant 2 : i32
        %ge3A_1852 = arith.cmpi sge, %add3A_1285, %ge3A : i32
        %convert_element_type3A_1853 = arith.extui %ge3A_1852 : i1 to i32
        %cond3A_1854 = arith.constant 0 : i32
        %cond3A_1855 = arith.cmpi ne, %convert_element_type3A_1853, %cond3A_1854 : i32
        scf.if %cond3A_1855 {
          %dma_wait3A_1880 = arith.constant 0 : i32
          %dma_wait3A_1881 = arith.constant 0 : i32
          %dma_wait3A_1882 = tpu.memref_slice %arg7[%dma_wait3A_1880, %dma_wait3A_1881] : memref<8x128xi32, #tpu.memory_space<vmem>> -> memref<1x128xi32, #tpu.memory_space<vmem>>
          %dma_wait3A_1883 = tpu.memref_squeeze %dma_wait3A_1882 : memref<1x128xi32, #tpu.memory_space<vmem>> -> memref<128xi32, #tpu.memory_space<vmem>>
          %dma_wait3A_1884 = arith.constant 0 : i32
          %dma_wait3A_1885 = arith.constant 0 : i32
          %dma_wait3A_1886 = tpu.memref_slice %arg14[%dma_wait3A_1884, %dma_wait3A_1885] : memref<10240x64xf32, #tpu.memory_space<vmem_shared>> -> memref<10240x64xf32, #tpu.memory_space<vmem_shared>>
          tpu.wait_indirect_dma semaphore(%arg32 : memref<!tpu.dma_semaphore, #tpu.memory_space<semaphore_mem>>) src(%arg13 : memref<128x64xf32, #tpu.memory_space<vmem>>) dst(%dma_wait3A_1886 : memref<10240x64xf32, #tpu.memory_space<vmem_shared>>)
        } else {
        }
        %add3A_1856 = arith.constant 4 : i32
        %add3A_1857 = arith.addi %add3A_1285, %add3A_1856 : i32
        %jit3A_1858 = arith.constant 8 : i32
        %eq3A_1859 = arith.constant 0 : i32
        %eq3A_1860 = arith.cmpi eq, %jit3A_1858, %eq3A_1859 : i32
        %jit3A_1861 = arith.constant 1 : i32
        %select_n3A_1862 = arith.select %eq3A_1860, %jit3A_1861, %jit3A_1858 : i32
        %rem3A_1863 = arith.remsi %add3A_1857, %select_n3A_1862 : i32
        %ne3A_1864 = arith.constant 0 : i32
        %ne3A_1865 = arith.cmpi ne, %rem3A_1863, %ne3A_1864 : i32
        %lt3A_1866 = arith.constant 0 : i32
        %lt3A_1867 = arith.cmpi slt, %rem3A_1863, %lt3A_1866 : i32
        %lt3A_1868 = arith.constant 0 : i32
        %lt3A_1869 = arith.cmpi slt, %select_n3A_1862, %lt3A_1868 : i32
        %ne3A_1870 = arith.xori %lt3A_1867, %lt3A_1869 : i1
        %and3A_1871 = arith.andi %ne3A_1870, %ne3A_1865 : i1
        %add3A_1872 = arith.addi %rem3A_1863, %select_n3A_1862 : i32
        %select_n3A_1873 = arith.select %and3A_1871, %add3A_1872, %rem3A_1863 : i32
        %dma_start3A_1874 = arith.constant 0 : i32
        %dma_start3A_1875 = tpu.memref_slice %arg6[%select_n3A_1873, %dma_start3A_1874] : memref<8x128xi32, #tpu.memory_space<vmem>> -> memref<1x128xi32, #tpu.memory_space<vmem>>
        %dma_start3A_1876 = tpu.memref_squeeze %dma_start3A_1875 : memref<1x128xi32, #tpu.memory_space<vmem>> -> memref<128xi32, #tpu.memory_space<vmem>>
        %dma_start3A_1877 = arith.constant 0 : i32
        %dma_start3A_1878 = arith.constant 0 : i32
        %dma_start3A_1879 = tpu.memref_slice %arg2[%dma_start3A_1877, %dma_start3A_1878] : memref<20000x64xf32, #tpu.memory_space<hbm>> -> memref<20000x64xf32, #tpu.memory_space<hbm>>
        tpu.enqueue_indirect_dma source(%dma_start3A_1879 : memref<20000x64xf32, #tpu.memory_space<hbm>>) target(%arg13 : memref<128x64xf32, #tpu.memory_space<vmem>>) offsets(%dma_start3A_1876 : memref<128xi32, #tpu.memory_space<vmem>>) semaphore(%arg26 : memref<!tpu.dma_semaphore, #tpu.memory_space<semaphore_mem>>)
      } else {
      }
      %add3A_1337 = arith.constant 6 : i32
      %add3A_1338 = arith.addi %add3A_1285, %add3A_1337 : i32
      %lt3A_1339 = arith.constant 156 : i32
      %lt3A_1340 = arith.cmpi slt, %add3A_1338, %lt3A_1339 : i32
      %convert_element_type3A_1341 = arith.extui %lt3A_1340 : i1 to i32
      %cond3A_1342 = arith.constant 0 : i32
      %cond3A_1343 = arith.cmpi ne, %convert_element_type3A_1341, %cond3A_1342 : i32
      scf.if %cond3A_1343 {
        %add3A_1592 = arith.constant 6 : i32
        %add3A_1593 = arith.addi %add3A_1285, %add3A_1592 : i32
        %mul3A_1594 = arith.constant 128 : i32
        %mul3A_1595 = arith.muli %add3A_1593, %mul3A_1594 : i32
        %add3A_1596 = arith.addi %mul3A_0, %mul3A_1595 : i32
        %jit3A_1597 = arith.constant 8 : i32
        %eq3A_1598 = arith.constant 0 : i32
        %eq3A_1599 = arith.cmpi eq, %jit3A_1597, %eq3A_1598 : i32
        %jit3A_1600 = arith.constant 1 : i32
        %select_n3A_1601 = arith.select %eq3A_1599, %jit3A_1600, %jit3A_1597 : i32
        %rem3A_1602 = arith.remsi %add3A_1593, %select_n3A_1601 : i32
        %ne3A_1603 = arith.constant 0 : i32
        %ne3A_1604 = arith.cmpi ne, %rem3A_1602, %ne3A_1603 : i32
        %lt3A_1605 = arith.constant 0 : i32
        %lt3A_1606 = arith.cmpi slt, %rem3A_1602, %lt3A_1605 : i32
        %lt3A_1607 = arith.constant 0 : i32
        %lt3A_1608 = arith.cmpi slt, %select_n3A_1601, %lt3A_1607 : i32
        %ne3A_1609 = arith.xori %lt3A_1606, %lt3A_1608 : i1
        %and3A_1610 = arith.andi %ne3A_1609, %ne3A_1604 : i1
        %add3A_1611 = arith.addi %rem3A_1602, %select_n3A_1601 : i32
        %select_n3A_1612 = arith.select %and3A_1610, %add3A_1611, %rem3A_1602 : i32
        %dma_start3A_1613 = arith.constant 0 : i32
        %dma_start3A_1614 = arith.constant 0 : i32
        %dma_start3A_1615 = tpu.memref_slice %arg5[%select_n3A_1612, %dma_start3A_1613, %dma_start3A_1614] : memref<8x2x128xi32, #tpu.memory_space<vmem>> -> memref<1x2x128xi32, #tpu.memory_space<vmem>>
        %dma_start3A_1616 = tpu.memref_squeeze %dma_start3A_1615 : memref<1x2x128xi32, #tpu.memory_space<vmem>> -> memref<2x128xi32, #tpu.memory_space<vmem>>
        %dma_start3A_1617 = arith.constant 0 : i32
        %dma_start3A_1618 = tpu.memref_slice %arg3[%dma_start3A_1617, %add3A_1596] : memref<2x320000xi32, #tpu.memory_space<hbm>> -> memref<2x128xi32, #tpu.memory_space<hbm>>
        %dma_start3A_1619 = arith.constant 0 : i32
        %dma_start3A_1620 = arith.constant 0 : i32
        %dma_start3A_1621 = tpu.memref_slice %arg5[%select_n3A_1612, %dma_start3A_1619, %dma_start3A_1620] : memref<8x2x128xi32, #tpu.memory_space<vmem>> -> memref<1x2x128xi32, #tpu.memory_space<vmem>>
        %dma_start3A_1622 = tpu.memref_squeeze %dma_start3A_1621 : memref<1x2x128xi32, #tpu.memory_space<vmem>> -> memref<2x128xi32, #tpu.memory_space<vmem>>
        %dma_start3A_1623 = arith.constant 0 : i32
        %dma_start3A_1624 = tpu.memref_slice %arg3[%dma_start3A_1623, %add3A_1596] : memref<2x320000xi32, #tpu.memory_space<hbm>> -> memref<2x128xi32, #tpu.memory_space<hbm>>
        tpu.enqueue_dma source(%dma_start3A_1624 : memref<2x128xi32, #tpu.memory_space<hbm>>) target(%dma_start3A_1622 : memref<2x128xi32, #tpu.memory_space<vmem>>) target_semaphore(%arg16 : memref<!tpu.dma_semaphore, #tpu.memory_space<semaphore_mem>>)
      } else {
      }
      %mul3A_1344 = arith.constant 6 : i32
      %mul3A_1345 = arith.muli %scan3A_1224, %mul3A_1344 : i32
      %add3A_1346 = arith.constant 2 : i32
      %add3A_1347 = arith.addi %mul3A_1345, %add3A_1346 : i32
      %jit3A_1348 = arith.constant 8 : i32
      %eq3A_1349 = arith.constant 0 : i32
      %eq3A_1350 = arith.cmpi eq, %jit3A_1348, %eq3A_1349 : i32
      %jit3A_1351 = arith.constant 1 : i32
      %select_n3A_1352 = arith.select %eq3A_1350, %jit3A_1351, %jit3A_1348 : i32
      %rem3A_1353 = arith.remsi %add3A_1347, %select_n3A_1352 : i32
      %ne3A_1354 = arith.constant 0 : i32
      %ne3A_1355 = arith.cmpi ne, %rem3A_1353, %ne3A_1354 : i32
      %lt3A_1356 = arith.constant 0 : i32
      %lt3A_1357 = arith.cmpi slt, %rem3A_1353, %lt3A_1356 : i32
      %lt3A_1358 = arith.constant 0 : i32
      %lt3A_1359 = arith.cmpi slt, %select_n3A_1352, %lt3A_1358 : i32
      %ne3A_1360 = arith.xori %lt3A_1357, %lt3A_1359 : i1
      %and3A_1361 = arith.andi %ne3A_1360, %ne3A_1355 : i1
      %add3A_1362 = arith.addi %rem3A_1353, %select_n3A_1352 : i32
      %select_n3A_1363 = arith.select %and3A_1361, %add3A_1362, %rem3A_1353 : i32
      %dma_wait3A_1364 = arith.constant 0 : i32
      %dma_wait3A_1365 = tpu.memref_slice %arg6[%select_n3A_1363, %dma_wait3A_1364] : memref<8x128xi32, #tpu.memory_space<vmem>> -> memref<1x128xi32, #tpu.memory_space<vmem>>
      %dma_wait3A_1366 = tpu.memref_squeeze %dma_wait3A_1365 : memref<1x128xi32, #tpu.memory_space<vmem>> -> memref<128xi32, #tpu.memory_space<vmem>>
      %dma_wait3A_1367 = arith.constant 0 : i32
      %dma_wait3A_1368 = arith.constant 0 : i32
      %dma_wait3A_1369 = tpu.memref_slice %arg2[%dma_wait3A_1367, %dma_wait3A_1368] : memref<20000x64xf32, #tpu.memory_space<hbm>> -> memref<20000x64xf32, #tpu.memory_space<hbm>>
      tpu.wait_indirect_dma semaphore(%arg23 : memref<!tpu.dma_semaphore, #tpu.memory_space<semaphore_mem>>) src(%dma_wait3A_1369 : memref<20000x64xf32, #tpu.memory_space<hbm>>) dst(%arg10 : memref<128x64xf32, #tpu.memory_space<vmem>>)
      %jit3A_1370 = arith.constant 8 : i32
      %eq3A_1371 = arith.constant 0 : i32
      %eq3A_1372 = arith.cmpi eq, %jit3A_1370, %eq3A_1371 : i32
      %jit3A_1373 = arith.constant 1 : i32
      %select_n3A_1374 = arith.select %eq3A_1372, %jit3A_1373, %jit3A_1370 : i32
      %rem3A_1375 = arith.remsi %add3A_1347, %select_n3A_1374 : i32
      %ne3A_1376 = arith.constant 0 : i32
      %ne3A_1377 = arith.cmpi ne, %rem3A_1375, %ne3A_1376 : i32
      %lt3A_1378 = arith.constant 0 : i32
      %lt3A_1379 = arith.cmpi slt, %rem3A_1375, %lt3A_1378 : i32
      %lt3A_1380 = arith.constant 0 : i32
      %lt3A_1381 = arith.cmpi slt, %select_n3A_1374, %lt3A_1380 : i32
      %ne3A_1382 = arith.xori %lt3A_1379, %lt3A_1381 : i1
      %and3A_1383 = arith.andi %ne3A_1382, %ne3A_1377 : i1
      %add3A_1384 = arith.addi %rem3A_1375, %select_n3A_1374 : i32
      %select_n3A_1385 = arith.select %and3A_1383, %add3A_1384, %rem3A_1375 : i32
      %dma_start3A_1386 = arith.constant 0 : i32
      %dma_start3A_1387 = tpu.memref_slice %arg7[%select_n3A_1385, %dma_start3A_1386] : memref<8x128xi32, #tpu.memory_space<vmem>> -> memref<1x128xi32, #tpu.memory_space<vmem>>
      %dma_start3A_1388 = tpu.memref_squeeze %dma_start3A_1387 : memref<1x128xi32, #tpu.memory_space<vmem>> -> memref<128xi32, #tpu.memory_space<vmem>>
      %dma_start3A_1389 = arith.constant 0 : i32
      %dma_start3A_1390 = arith.constant 0 : i32
      %dma_start3A_1391 = tpu.memref_slice %arg14[%dma_start3A_1389, %dma_start3A_1390] : memref<10240x64xf32, #tpu.memory_space<vmem_shared>> -> memref<10240x64xf32, #tpu.memory_space<vmem_shared>>
      tpu.enqueue_indirect_dma source(%arg10 : memref<128x64xf32, #tpu.memory_space<vmem>>) target(%dma_start3A_1391 : memref<10240x64xf32, #tpu.memory_space<vmem_shared>>) offsets(%dma_start3A_1388 : memref<128xi32, #tpu.memory_space<vmem>>) semaphore(%arg29 : memref<!tpu.dma_semaphore, #tpu.memory_space<semaphore_mem>>) {add = true}
      %add3A_1392 = arith.constant 4 : i32
      %add3A_1393 = arith.addi %add3A_1347, %add3A_1392 : i32
      %lt3A_1394 = arith.constant 156 : i32
      %lt3A_1395 = arith.cmpi slt, %add3A_1393, %lt3A_1394 : i32
      %convert_element_type3A_1396 = arith.extui %lt3A_1395 : i1 to i32
      %cond3A_1397 = arith.constant 0 : i32
      %cond3A_1398 = arith.cmpi ne, %convert_element_type3A_1396, %cond3A_1397 : i32
      scf.if %cond3A_1398 {
        %add3A_1592 = arith.constant 4 : i32
        %add3A_1593 = arith.addi %add3A_1347, %add3A_1592 : i32
        %mul3A_1594 = arith.constant 128 : i32
        %mul3A_1595 = arith.muli %add3A_1593, %mul3A_1594 : i32
        %add3A_1596 = arith.addi %mul3A_0, %mul3A_1595 : i32
        %jit3A_1597 = arith.constant 8 : i32
        %eq3A_1598 = arith.constant 0 : i32
        %eq3A_1599 = arith.cmpi eq, %jit3A_1597, %eq3A_1598 : i32
        %jit3A_1600 = arith.constant 1 : i32
        %select_n3A_1601 = arith.select %eq3A_1599, %jit3A_1600, %jit3A_1597 : i32
        %rem3A_1602 = arith.remsi %add3A_1593, %select_n3A_1601 : i32
        %ne3A_1603 = arith.constant 0 : i32
        %ne3A_1604 = arith.cmpi ne, %rem3A_1602, %ne3A_1603 : i32
        %lt3A_1605 = arith.constant 0 : i32
        %lt3A_1606 = arith.cmpi slt, %rem3A_1602, %lt3A_1605 : i32
        %lt3A_1607 = arith.constant 0 : i32
        %lt3A_1608 = arith.cmpi slt, %select_n3A_1601, %lt3A_1607 : i32
        %ne3A_1609 = arith.xori %lt3A_1606, %lt3A_1608 : i1
        %and3A_1610 = arith.andi %ne3A_1609, %ne3A_1604 : i1
        %add3A_1611 = arith.addi %rem3A_1602, %select_n3A_1601 : i32
        %select_n3A_1612 = arith.select %and3A_1610, %add3A_1611, %rem3A_1602 : i32
        %dma_wait3A_1613 = arith.constant 0 : i32
        %dma_wait3A_1614 = arith.constant 0 : i32
        %dma_wait3A_1615 = tpu.memref_slice %arg5[%select_n3A_1612, %dma_wait3A_1613, %dma_wait3A_1614] : memref<8x2x128xi32, #tpu.memory_space<vmem>> -> memref<1x2x128xi32, #tpu.memory_space<vmem>>
        %dma_wait3A_1616 = tpu.memref_squeeze %dma_wait3A_1615 : memref<1x2x128xi32, #tpu.memory_space<vmem>> -> memref<2x128xi32, #tpu.memory_space<vmem>>
        %dma_wait3A_1617 = arith.constant 0 : i32
        %dma_wait3A_1618 = tpu.memref_slice %arg3[%dma_wait3A_1617, %add3A_1596] : memref<2x320000xi32, #tpu.memory_space<hbm>> -> memref<2x128xi32, #tpu.memory_space<hbm>>
        %dma_wait3A_1619 = arith.constant 0 : i32
        %dma_wait3A_1620 = arith.constant 0 : i32
        %dma_wait3A_1621 = tpu.memref_slice %arg5[%select_n3A_1612, %dma_wait3A_1619, %dma_wait3A_1620] : memref<8x2x128xi32, #tpu.memory_space<vmem>> -> memref<1x2x128xi32, #tpu.memory_space<vmem>>
        %dma_wait3A_1622 = tpu.memref_squeeze %dma_wait3A_1621 : memref<1x2x128xi32, #tpu.memory_space<vmem>> -> memref<2x128xi32, #tpu.memory_space<vmem>>
        %dma_wait3A_1623 = arith.constant 0 : i32
        %dma_wait3A_1624 = tpu.memref_slice %arg3[%dma_wait3A_1623, %add3A_1596] : memref<2x320000xi32, #tpu.memory_space<hbm>> -> memref<2x128xi32, #tpu.memory_space<hbm>>
        tpu.wait_dma2 semaphore(%arg15 : memref<!tpu.dma_semaphore, #tpu.memory_space<semaphore_mem>>) src(%dma_wait3A_1624 : memref<2x128xi32, #tpu.memory_space<hbm>>) dst(%dma_wait3A_1622 : memref<2x128xi32, #tpu.memory_space<vmem>>)
        %add3A_1625 = arith.constant 4 : i32
        %add3A_1626 = arith.addi %add3A_1347, %add3A_1625 : i32
        %jit3A_1627 = arith.constant 8 : i32
        %eq3A_1628 = arith.constant 0 : i32
        %eq3A_1629 = arith.cmpi eq, %jit3A_1627, %eq3A_1628 : i32
        %jit3A_1630 = arith.constant 1 : i32
        %select_n3A_1631 = arith.select %eq3A_1629, %jit3A_1630, %jit3A_1627 : i32
        %rem3A_1632 = arith.remsi %add3A_1626, %select_n3A_1631 : i32
        %ne3A_1633 = arith.constant 0 : i32
        %ne3A_1634 = arith.cmpi ne, %rem3A_1632, %ne3A_1633 : i32
        %lt3A_1635 = arith.constant 0 : i32
        %lt3A_1636 = arith.cmpi slt, %rem3A_1632, %lt3A_1635 : i32
        %lt3A_1637 = arith.constant 0 : i32
        %lt3A_1638 = arith.cmpi slt, %select_n3A_1631, %lt3A_1637 : i32
        %ne3A_1639 = arith.xori %lt3A_1636, %lt3A_1638 : i1
        %and3A_1640 = arith.andi %ne3A_1639, %ne3A_1634 : i1
        %add3A_1641 = arith.addi %rem3A_1632, %select_n3A_1631 : i32
        %select_n3A_1642 = arith.select %and3A_1640, %add3A_1641, %rem3A_1632 : i32
        %broadcast_in_dim3A_1643 = vector.broadcast %arg0 : i32 to vector<16xi32>
        %get3A_1644 = arith.constant 0 : i32
        %get3A_1645 = arith.index_cast %select_n3A_1642 : i32 to index
        %get3A_1646 = arith.index_cast %get3A_1644 : i32 to index
        %get3A_1647 = arith.constant 0 : index
        %get3A_1648 = tpu.vector_load %arg5[%get3A_1645, %get3A_1646, %get3A_1647] {strides = array<i32>} : memref<8x2x128xi32, #tpu.memory_space<vmem>>, vector<1x1x16xi32>,
        %get3A_1649 = vector.shape_cast %get3A_1648 : vector<1x1x16xi32> to vector<16xi32>
        %mul3A_1650 = arith.constant 2 : i32
        %mul3A_1651 = vector.broadcast %mul3A_1650 : i32 to vector<16xi32>
        %mul3A_1652 = arith.muli %get3A_1649, %mul3A_1651 : vector<16xi32>
        %add3A_1653 = arith.addi %mul3A_1652, %broadcast_in_dim3A_1643 : vector<16xi32>
        %swap3A_1654 = arith.index_cast %select_n3A_1642 : i32 to index
        %swap3A_1655 = arith.constant 0 : index
        %swap3A_1656 = tpu.vector_load %arg6[%swap3A_1654, %swap3A_1655] {strides = array<i32>} : memref<8x128xi32, #tpu.memory_space<vmem>>, vector<1x16xi32>,
        %swap3A_1657 = vector.shape_cast %swap3A_1656 : vector<1x16xi32> to vector<16xi32>
        %swap3A_1658 = vector.shape_cast %add3A_1653 : vector<16xi32> to vector<1x16xi32>
        tpu.vector_store %arg6[%swap3A_1654, %swap3A_1655], %swap3A_1658 {strides = array<i32>} : memref<8x128xi32, #tpu.memory_space<vmem>>, vector<1x16xi32>,
        %get3A_1659 = arith.constant 1 : i32
        %get3A_1660 = arith.index_cast %select_n3A_1642 : i32 to index
        %get3A_1661 = arith.index_cast %get3A_1659 : i32 to index
        %get3A_1662 = arith.constant 0 : index
        %get3A_1663 = tpu.vector_load %arg5[%get3A_1660, %get3A_1661, %get3A_1662] {strides = array<i32>} : memref<8x2x128xi32, #tpu.memory_space<vmem>>, vector<1x1x16xi32>,
        %get3A_1664 = vector.shape_cast %get3A_1663 : vector<1x1x16xi32> to vector<16xi32>
        %swap3A_1665 = arith.index_cast %select_n3A_1642 : i32 to index
        %swap3A_1666 = arith.constant 0 : index
        %swap3A_1667 = tpu.vector_load %arg7[%swap3A_1665, %swap3A_1666] {strides = array<i32>} : memref<8x128xi32, #tpu.memory_space<vmem>>, vector<1x16xi32>,
        %swap3A_1668 = vector.shape_cast %swap3A_1667 : vector<1x16xi32> to vector<16xi32>
        %swap3A_1669 = vector.shape_cast %get3A_1664 : vector<16xi32> to vector<1x16xi32>
        tpu.vector_store %arg7[%swap3A_1665, %swap3A_1666], %swap3A_1669 {strides = array<i32>} : memref<8x128xi32, #tpu.memory_space<vmem>>, vector<1x16xi32>,
        %get3A_1670 = arith.constant 0 : i32
        %get3A_1671 = arith.index_cast %select_n3A_1642 : i32 to index
        %get3A_1672 = arith.index_cast %get3A_1670 : i32 to index
        %get3A_1673 = arith.constant 16 : index
        %get3A_1674 = tpu.vector_load %arg5[%get3A_1671, %get3A_1672, %get3A_1673] {strides = array<i32>} : memref<8x2x128xi32, #tpu.memory_space<vmem>>, vector<1x1x16xi32>,
        %get3A_1675 = vector.shape_cast %get3A_1674 : vector<1x1x16xi32> to vector<16xi32>
        %mul3A_1676 = arith.constant 2 : i32
        %mul3A_1677 = vector.broadcast %mul3A_1676 : i32 to vector<16xi32>
        %mul3A_1678 = arith.muli %get3A_1675, %mul3A_1677 : vector<16xi32>
        %add3A_1679 = arith.addi %mul3A_1678, %broadcast_in_dim3A_1643 : vector<16xi32>
        %swap3A_1680 = arith.index_cast %select_n3A_1642 : i32 to index
        %swap3A_1681 = arith.constant 16 : index
        %swap3A_1682 = tpu.vector_load %arg6[%swap3A_1680, %swap3A_1681] {strides = array<i32>} : memref<8x128xi32, #tpu.memory_space<vmem>>, vector<1x16xi32>,
        %swap3A_1683 = vector.shape_cast %swap3A_1682 : vector<1x16xi32> to vector<16xi32>
        %swap3A_1684 = vector.shape_cast %add3A_1679 : vector<16xi32> to vector<1x16xi32>
        tpu.vector_store %arg6[%swap3A_1680, %swap3A_1681], %swap3A_1684 {strides = array<i32>} : memref<8x128xi32, #tpu.memory_space<vmem>>, vector<1x16xi32>,
        %get3A_1685 = arith.constant 1 : i32
        %get3A_1686 = arith.index_cast %select_n3A_1642 : i32 to index
        %get3A_1687 = arith.index_cast %get3A_1685 : i32 to index
        %get3A_1688 = arith.constant 16 : index
        %get3A_1689 = tpu.vector_load %arg5[%get3A_1686, %get3A_1687, %get3A_1688] {strides = array<i32>} : memref<8x2x128xi32, #tpu.memory_space<vmem>>, vector<1x1x16xi32>,
        %get3A_1690 = vector.shape_cast %get3A_1689 : vector<1x1x16xi32> to vector<16xi32>
        %swap3A_1691 = arith.index_cast %select_n3A_1642 : i32 to index
        %swap3A_1692 = arith.constant 16 : index
        %swap3A_1693 = tpu.vector_load %arg7[%swap3A_1691, %swap3A_1692] {strides = array<i32>} : memref<8x128xi32, #tpu.memory_space<vmem>>, vector<1x16xi32>,
        %swap3A_1694 = vector.shape_cast %swap3A_1693 : vector<1x16xi32> to vector<16xi32>
        %swap3A_1695 = vector.shape_cast %get3A_1690 : vector<16xi32> to vector<1x16xi32>
        tpu.vector_store %arg7[%swap3A_1691, %swap3A_1692], %swap3A_1695 {strides = array<i32>} : memref<8x128xi32, #tpu.memory_space<vmem>>, vector<1x16xi32>,
        %get3A_1696 = arith.constant 0 : i32
        %get3A_1697 = arith.index_cast %select_n3A_1642 : i32 to index
        %get3A_1698 = arith.index_cast %get3A_1696 : i32 to index
        %get3A_1699 = arith.constant 32 : index
        %get3A_1700 = tpu.vector_load %arg5[%get3A_1697, %get3A_1698, %get3A_1699] {strides = array<i32>} : memref<8x2x128xi32, #tpu.memory_space<vmem>>, vector<1x1x16xi32>,
        %get3A_1701 = vector.shape_cast %get3A_1700 : vector<1x1x16xi32> to vector<16xi32>
        %mul3A_1702 = arith.constant 2 : i32
        %mul3A_1703 = vector.broadcast %mul3A_1702 : i32 to vector<16xi32>
        %mul3A_1704 = arith.muli %get3A_1701, %mul3A_1703 : vector<16xi32>
        %add3A_1705 = arith.addi %mul3A_1704, %broadcast_in_dim3A_1643 : vector<16xi32>
        %swap3A_1706 = arith.index_cast %select_n3A_1642 : i32 to index
        %swap3A_1707 = arith.constant 32 : index
        %swap3A_1708 = tpu.vector_load %arg6[%swap3A_1706, %swap3A_1707] {strides = array<i32>} : memref<8x128xi32, #tpu.memory_space<vmem>>, vector<1x16xi32>,
        %swap3A_1709 = vector.shape_cast %swap3A_1708 : vector<1x16xi32> to vector<16xi32>
        %swap3A_1710 = vector.shape_cast %add3A_1705 : vector<16xi32> to vector<1x16xi32>
        tpu.vector_store %arg6[%swap3A_1706, %swap3A_1707], %swap3A_1710 {strides = array<i32>} : memref<8x128xi32, #tpu.memory_space<vmem>>, vector<1x16xi32>,
        %get3A_1711 = arith.constant 1 : i32
        %get3A_1712 = arith.index_cast %select_n3A_1642 : i32 to index
        %get3A_1713 = arith.index_cast %get3A_1711 : i32 to index
        %get3A_1714 = arith.constant 32 : index
        %get3A_1715 = tpu.vector_load %arg5[%get3A_1712, %get3A_1713, %get3A_1714] {strides = array<i32>} : memref<8x2x128xi32, #tpu.memory_space<vmem>>, vector<1x1x16xi32>,
        %get3A_1716 = vector.shape_cast %get3A_1715 : vector<1x1x16xi32> to vector<16xi32>
        %swap3A_1717 = arith.index_cast %select_n3A_1642 : i32 to index
        %swap3A_1718 = arith.constant 32 : index
        %swap3A_1719 = tpu.vector_load %arg7[%swap3A_1717, %swap3A_1718] {strides = array<i32>} : memref<8x128xi32, #tpu.memory_space<vmem>>, vector<1x16xi32>,
        %swap3A_1720 = vector.shape_cast %swap3A_1719 : vector<1x16xi32> to vector<16xi32>
        %swap3A_1721 = vector.shape_cast %get3A_1716 : vector<16xi32> to vector<1x16xi32>
        tpu.vector_store %arg7[%swap3A_1717, %swap3A_1718], %swap3A_1721 {strides = array<i32>} : memref<8x128xi32, #tpu.memory_space<vmem>>, vector<1x16xi32>,
        %get3A_1722 = arith.constant 0 : i32
        %get3A_1723 = arith.index_cast %select_n3A_1642 : i32 to index
        %get3A_1724 = arith.index_cast %get3A_1722 : i32 to index
        %get3A_1725 = arith.constant 48 : index
        %get3A_1726 = tpu.vector_load %arg5[%get3A_1723, %get3A_1724, %get3A_1725] {strides = array<i32>} : memref<8x2x128xi32, #tpu.memory_space<vmem>>, vector<1x1x16xi32>,
        %get3A_1727 = vector.shape_cast %get3A_1726 : vector<1x1x16xi32> to vector<16xi32>
        %mul3A_1728 = arith.constant 2 : i32
        %mul3A_1729 = vector.broadcast %mul3A_1728 : i32 to vector<16xi32>
        %mul3A_1730 = arith.muli %get3A_1727, %mul3A_1729 : vector<16xi32>
        %add3A_1731 = arith.addi %mul3A_1730, %broadcast_in_dim3A_1643 : vector<16xi32>
        %swap3A_1732 = arith.index_cast %select_n3A_1642 : i32 to index
        %swap3A_1733 = arith.constant 48 : index
        %swap3A_1734 = tpu.vector_load %arg6[%swap3A_1732, %swap3A_1733] {strides = array<i32>} : memref<8x128xi32, #tpu.memory_space<vmem>>, vector<1x16xi32>,
        %swap3A_1735 = vector.shape_cast %swap3A_1734 : vector<1x16xi32> to vector<16xi32>
        %swap3A_1736 = vector.shape_cast %add3A_1731 : vector<16xi32> to vector<1x16xi32>
        tpu.vector_store %arg6[%swap3A_1732, %swap3A_1733], %swap3A_1736 {strides = array<i32>} : memref<8x128xi32, #tpu.memory_space<vmem>>, vector<1x16xi32>,
        %get3A_1737 = arith.constant 1 : i32
        %get3A_1738 = arith.index_cast %select_n3A_1642 : i32 to index
        %get3A_1739 = arith.index_cast %get3A_1737 : i32 to index
        %get3A_1740 = arith.constant 48 : index
        %get3A_1741 = tpu.vector_load %arg5[%get3A_1738, %get3A_1739, %get3A_1740] {strides = array<i32>} : memref<8x2x128xi32, #tpu.memory_space<vmem>>, vector<1x1x16xi32>,
        %get3A_1742 = vector.shape_cast %get3A_1741 : vector<1x1x16xi32> to vector<16xi32>
        %swap3A_1743 = arith.index_cast %select_n3A_1642 : i32 to index
        %swap3A_1744 = arith.constant 48 : index
        %swap3A_1745 = tpu.vector_load %arg7[%swap3A_1743, %swap3A_1744] {strides = array<i32>} : memref<8x128xi32, #tpu.memory_space<vmem>>, vector<1x16xi32>,
        %swap3A_1746 = vector.shape_cast %swap3A_1745 : vector<1x16xi32> to vector<16xi32>
        %swap3A_1747 = vector.shape_cast %get3A_1742 : vector<16xi32> to vector<1x16xi32>
        tpu.vector_store %arg7[%swap3A_1743, %swap3A_1744], %swap3A_1747 {strides = array<i32>} : memref<8x128xi32, #tpu.memory_space<vmem>>, vector<1x16xi32>,
        %get3A_1748 = arith.constant 0 : i32
        %get3A_1749 = arith.index_cast %select_n3A_1642 : i32 to index
        %get3A_1750 = arith.index_cast %get3A_1748 : i32 to index
        %get3A_1751 = arith.constant 64 : index
        %get3A_1752 = tpu.vector_load %arg5[%get3A_1749, %get3A_1750, %get3A_1751] {strides = array<i32>} : memref<8x2x128xi32, #tpu.memory_space<vmem>>, vector<1x1x16xi32>,
        %get3A_1753 = vector.shape_cast %get3A_1752 : vector<1x1x16xi32> to vector<16xi32>
        %mul3A_1754 = arith.constant 2 : i32
        %mul3A_1755 = vector.broadcast %mul3A_1754 : i32 to vector<16xi32>
        %mul3A_1756 = arith.muli %get3A_1753, %mul3A_1755 : vector<16xi32>
        %add3A_1757 = arith.addi %mul3A_1756, %broadcast_in_dim3A_1643 : vector<16xi32>
        %swap3A_1758 = arith.index_cast %select_n3A_1642 : i32 to index
        %swap3A_1759 = arith.constant 64 : index
        %swap3A_1760 = tpu.vector_load %arg6[%swap3A_1758, %swap3A_1759] {strides = array<i32>} : memref<8x128xi32, #tpu.memory_space<vmem>>, vector<1x16xi32>,
        %swap3A_1761 = vector.shape_cast %swap3A_1760 : vector<1x16xi32> to vector<16xi32>
        %swap3A_1762 = vector.shape_cast %add3A_1757 : vector<16xi32> to vector<1x16xi32>
        tpu.vector_store %arg6[%swap3A_1758, %swap3A_1759], %swap3A_1762 {strides = array<i32>} : memref<8x128xi32, #tpu.memory_space<vmem>>, vector<1x16xi32>,
        %get3A_1763 = arith.constant 1 : i32
        %get3A_1764 = arith.index_cast %select_n3A_1642 : i32 to index
        %get3A_1765 = arith.index_cast %get3A_1763 : i32 to index
        %get3A_1766 = arith.constant 64 : index
        %get3A_1767 = tpu.vector_load %arg5[%get3A_1764, %get3A_1765, %get3A_1766] {strides = array<i32>} : memref<8x2x128xi32, #tpu.memory_space<vmem>>, vector<1x1x16xi32>,
        %get3A_1768 = vector.shape_cast %get3A_1767 : vector<1x1x16xi32> to vector<16xi32>
        %swap3A_1769 = arith.index_cast %select_n3A_1642 : i32 to index
        %swap3A_1770 = arith.constant 64 : index
        %swap3A_1771 = tpu.vector_load %arg7[%swap3A_1769, %swap3A_1770] {strides = array<i32>} : memref<8x128xi32, #tpu.memory_space<vmem>>, vector<1x16xi32>,
        %swap3A_1772 = vector.shape_cast %swap3A_1771 : vector<1x16xi32> to vector<16xi32>
        %swap3A_1773 = vector.shape_cast %get3A_1768 : vector<16xi32> to vector<1x16xi32>
        tpu.vector_store %arg7[%swap3A_1769, %swap3A_1770], %swap3A_1773 {strides = array<i32>} : memref<8x128xi32, #tpu.memory_space<vmem>>, vector<1x16xi32>,
        %get3A_1774 = arith.constant 0 : i32
        %get3A_1775 = arith.index_cast %select_n3A_1642 : i32 to index
        %get3A_1776 = arith.index_cast %get3A_1774 : i32 to index
        %get3A_1777 = arith.constant 80 : index
        %get3A_1778 = tpu.vector_load %arg5[%get3A_1775, %get3A_1776, %get3A_1777] {strides = array<i32>} : memref<8x2x128xi32, #tpu.memory_space<vmem>>, vector<1x1x16xi32>,
        %get3A_1779 = vector.shape_cast %get3A_1778 : vector<1x1x16xi32> to vector<16xi32>
        %mul3A_1780 = arith.constant 2 : i32
        %mul3A_1781 = vector.broadcast %mul3A_1780 : i32 to vector<16xi32>
        %mul3A_1782 = arith.muli %get3A_1779, %mul3A_1781 : vector<16xi32>
        %add3A_1783 = arith.addi %mul3A_1782, %broadcast_in_dim3A_1643 : vector<16xi32>
        %swap3A_1784 = arith.index_cast %select_n3A_1642 : i32 to index
        %swap3A_1785 = arith.constant 80 : index
        %swap3A_1786 = tpu.vector_load %arg6[%swap3A_1784, %swap3A_1785] {strides = array<i32>} : memref<8x128xi32, #tpu.memory_space<vmem>>, vector<1x16xi32>,
        %swap3A_1787 = vector.shape_cast %swap3A_1786 : vector<1x16xi32> to vector<16xi32>
        %swap3A_1788 = vector.shape_cast %add3A_1783 : vector<16xi32> to vector<1x16xi32>
        tpu.vector_store %arg6[%swap3A_1784, %swap3A_1785], %swap3A_1788 {strides = array<i32>} : memref<8x128xi32, #tpu.memory_space<vmem>>, vector<1x16xi32>,
        %get3A_1789 = arith.constant 1 : i32
        %get3A_1790 = arith.index_cast %select_n3A_1642 : i32 to index
        %get3A_1791 = arith.index_cast %get3A_1789 : i32 to index
        %get3A_1792 = arith.constant 80 : index
        %get3A_1793 = tpu.vector_load %arg5[%get3A_1790, %get3A_1791, %get3A_1792] {strides = array<i32>} : memref<8x2x128xi32, #tpu.memory_space<vmem>>, vector<1x1x16xi32>,
        %get3A_1794 = vector.shape_cast %get3A_1793 : vector<1x1x16xi32> to vector<16xi32>
        %swap3A_1795 = arith.index_cast %select_n3A_1642 : i32 to index
        %swap3A_1796 = arith.constant 80 : index
        %swap3A_1797 = tpu.vector_load %arg7[%swap3A_1795, %swap3A_1796] {strides = array<i32>} : memref<8x128xi32, #tpu.memory_space<vmem>>, vector<1x16xi32>,
        %swap3A_1798 = vector.shape_cast %swap3A_1797 : vector<1x16xi32> to vector<16xi32>
        %swap3A_1799 = vector.shape_cast %get3A_1794 : vector<16xi32> to vector<1x16xi32>
        tpu.vector_store %arg7[%swap3A_1795, %swap3A_1796], %swap3A_1799 {strides = array<i32>} : memref<8x128xi32, #tpu.memory_space<vmem>>, vector<1x16xi32>,
        %get3A_1800 = arith.constant 0 : i32
        %get3A_1801 = arith.index_cast %select_n3A_1642 : i32 to index
        %get3A_1802 = arith.index_cast %get3A_1800 : i32 to index
        %get3A_1803 = arith.constant 96 : index
        %get3A_1804 = tpu.vector_load %arg5[%get3A_1801, %get3A_1802, %get3A_1803] {strides = array<i32>} : memref<8x2x128xi32, #tpu.memory_space<vmem>>, vector<1x1x16xi32>,
        %get3A_1805 = vector.shape_cast %get3A_1804 : vector<1x1x16xi32> to vector<16xi32>
        %mul3A_1806 = arith.constant 2 : i32
        %mul3A_1807 = vector.broadcast %mul3A_1806 : i32 to vector<16xi32>
        %mul3A_1808 = arith.muli %get3A_1805, %mul3A_1807 : vector<16xi32>
        %add3A_1809 = arith.addi %mul3A_1808, %broadcast_in_dim3A_1643 : vector<16xi32>
        %swap3A_1810 = arith.index_cast %select_n3A_1642 : i32 to index
        %swap3A_1811 = arith.constant 96 : index
        %swap3A_1812 = tpu.vector_load %arg6[%swap3A_1810, %swap3A_1811] {strides = array<i32>} : memref<8x128xi32, #tpu.memory_space<vmem>>, vector<1x16xi32>,
        %swap3A_1813 = vector.shape_cast %swap3A_1812 : vector<1x16xi32> to vector<16xi32>
        %swap3A_1814 = vector.shape_cast %add3A_1809 : vector<16xi32> to vector<1x16xi32>
        tpu.vector_store %arg6[%swap3A_1810, %swap3A_1811], %swap3A_1814 {strides = array<i32>} : memref<8x128xi32, #tpu.memory_space<vmem>>, vector<1x16xi32>,
        %get3A_1815 = arith.constant 1 : i32
        %get3A_1816 = arith.index_cast %select_n3A_1642 : i32 to index
        %get3A_1817 = arith.index_cast %get3A_1815 : i32 to index
        %get3A_1818 = arith.constant 96 : index
        %get3A_1819 = tpu.vector_load %arg5[%get3A_1816, %get3A_1817, %get3A_1818] {strides = array<i32>} : memref<8x2x128xi32, #tpu.memory_space<vmem>>, vector<1x1x16xi32>,
        %get3A_1820 = vector.shape_cast %get3A_1819 : vector<1x1x16xi32> to vector<16xi32>
        %swap3A_1821 = arith.index_cast %select_n3A_1642 : i32 to index
        %swap3A_1822 = arith.constant 96 : index
        %swap3A_1823 = tpu.vector_load %arg7[%swap3A_1821, %swap3A_1822] {strides = array<i32>} : memref<8x128xi32, #tpu.memory_space<vmem>>, vector<1x16xi32>,
        %swap3A_1824 = vector.shape_cast %swap3A_1823 : vector<1x16xi32> to vector<16xi32>
        %swap3A_1825 = vector.shape_cast %get3A_1820 : vector<16xi32> to vector<1x16xi32>
        tpu.vector_store %arg7[%swap3A_1821, %swap3A_1822], %swap3A_1825 {strides = array<i32>} : memref<8x128xi32, #tpu.memory_space<vmem>>, vector<1x16xi32>,
        %get3A_1826 = arith.constant 0 : i32
        %get3A_1827 = arith.index_cast %select_n3A_1642 : i32 to index
        %get3A_1828 = arith.index_cast %get3A_1826 : i32 to index
        %get3A_1829 = arith.constant 112 : index
        %get3A_1830 = tpu.vector_load %arg5[%get3A_1827, %get3A_1828, %get3A_1829] {strides = array<i32>} : memref<8x2x128xi32, #tpu.memory_space<vmem>>, vector<1x1x16xi32>,
        %get3A_1831 = vector.shape_cast %get3A_1830 : vector<1x1x16xi32> to vector<16xi32>
        %mul3A_1832 = arith.constant 2 : i32
        %mul3A_1833 = vector.broadcast %mul3A_1832 : i32 to vector<16xi32>
        %mul3A_1834 = arith.muli %get3A_1831, %mul3A_1833 : vector<16xi32>
        %add3A_1835 = arith.addi %mul3A_1834, %broadcast_in_dim3A_1643 : vector<16xi32>
        %swap3A_1836 = arith.index_cast %select_n3A_1642 : i32 to index
        %swap3A_1837 = arith.constant 112 : index
        %swap3A_1838 = tpu.vector_load %arg6[%swap3A_1836, %swap3A_1837] {strides = array<i32>} : memref<8x128xi32, #tpu.memory_space<vmem>>, vector<1x16xi32>,
        %swap3A_1839 = vector.shape_cast %swap3A_1838 : vector<1x16xi32> to vector<16xi32>
        %swap3A_1840 = vector.shape_cast %add3A_1835 : vector<16xi32> to vector<1x16xi32>
        tpu.vector_store %arg6[%swap3A_1836, %swap3A_1837], %swap3A_1840 {strides = array<i32>} : memref<8x128xi32, #tpu.memory_space<vmem>>, vector<1x16xi32>,
        %get3A_1841 = arith.constant 1 : i32
        %get3A_1842 = arith.index_cast %select_n3A_1642 : i32 to index
        %get3A_1843 = arith.index_cast %get3A_1841 : i32 to index
        %get3A_1844 = arith.constant 112 : index
        %get3A_1845 = tpu.vector_load %arg5[%get3A_1842, %get3A_1843, %get3A_1844] {strides = array<i32>} : memref<8x2x128xi32, #tpu.memory_space<vmem>>, vector<1x1x16xi32>,
        %get3A_1846 = vector.shape_cast %get3A_1845 : vector<1x1x16xi32> to vector<16xi32>
        %swap3A_1847 = arith.index_cast %select_n3A_1642 : i32 to index
        %swap3A_1848 = arith.constant 112 : index
        %swap3A_1849 = tpu.vector_load %arg7[%swap3A_1847, %swap3A_1848] {strides = array<i32>} : memref<8x128xi32, #tpu.memory_space<vmem>>, vector<1x16xi32>,
        %swap3A_1850 = vector.shape_cast %swap3A_1849 : vector<1x16xi32> to vector<16xi32>
        %swap3A_1851 = vector.shape_cast %get3A_1846 : vector<16xi32> to vector<1x16xi32>
        tpu.vector_store %arg7[%swap3A_1847, %swap3A_1848], %swap3A_1851 {strides = array<i32>} : memref<8x128xi32, #tpu.memory_space<vmem>>, vector<1x16xi32>,
        %ge3A = arith.constant 2 : i32
        %ge3A_1852 = arith.cmpi sge, %add3A_1347, %ge3A : i32
        %convert_element_type3A_1853 = arith.extui %ge3A_1852 : i1 to i32
        %cond3A_1854 = arith.constant 0 : i32
        %cond3A_1855 = arith.cmpi ne, %convert_element_type3A_1853, %cond3A_1854 : i32
        scf.if %cond3A_1855 {
          %dma_wait3A_1880 = arith.constant 0 : i32
          %dma_wait3A_1881 = arith.constant 0 : i32
          %dma_wait3A_1882 = tpu.memref_slice %arg7[%dma_wait3A_1880, %dma_wait3A_1881] : memref<8x128xi32, #tpu.memory_space<vmem>> -> memref<1x128xi32, #tpu.memory_space<vmem>>
          %dma_wait3A_1883 = tpu.memref_squeeze %dma_wait3A_1882 : memref<1x128xi32, #tpu.memory_space<vmem>> -> memref<128xi32, #tpu.memory_space<vmem>>
          %dma_wait3A_1884 = arith.constant 0 : i32
          %dma_wait3A_1885 = arith.constant 0 : i32
          %dma_wait3A_1886 = tpu.memref_slice %arg14[%dma_wait3A_1884, %dma_wait3A_1885] : memref<10240x64xf32, #tpu.memory_space<vmem_shared>> -> memref<10240x64xf32, #tpu.memory_space<vmem_shared>>
          tpu.wait_indirect_dma semaphore(%arg27 : memref<!tpu.dma_semaphore, #tpu.memory_space<semaphore_mem>>) src(%arg8 : memref<128x64xf32, #tpu.memory_space<vmem>>) dst(%dma_wait3A_1886 : memref<10240x64xf32, #tpu.memory_space<vmem_shared>>)
        } else {
        }
        %add3A_1856 = arith.constant 4 : i32
        %add3A_1857 = arith.addi %add3A_1347, %add3A_1856 : i32
        %jit3A_1858 = arith.constant 8 : i32
        %eq3A_1859 = arith.constant 0 : i32
        %eq3A_1860 = arith.cmpi eq, %jit3A_1858, %eq3A_1859 : i32
        %jit3A_1861 = arith.constant 1 : i32
        %select_n3A_1862 = arith.select %eq3A_1860, %jit3A_1861, %jit3A_1858 : i32
        %rem3A_1863 = arith.remsi %add3A_1857, %select_n3A_1862 : i32
        %ne3A_1864 = arith.constant 0 : i32
        %ne3A_1865 = arith.cmpi ne, %rem3A_1863, %ne3A_1864 : i32
        %lt3A_1866 = arith.constant 0 : i32
        %lt3A_1867 = arith.cmpi slt, %rem3A_1863, %lt3A_1866 : i32
        %lt3A_1868 = arith.constant 0 : i32
        %lt3A_1869 = arith.cmpi slt, %select_n3A_1862, %lt3A_1868 : i32
        %ne3A_1870 = arith.xori %lt3A_1867, %lt3A_1869 : i1
        %and3A_1871 = arith.andi %ne3A_1870, %ne3A_1865 : i1
        %add3A_1872 = arith.addi %rem3A_1863, %select_n3A_1862 : i32
        %select_n3A_1873 = arith.select %and3A_1871, %add3A_1872, %rem3A_1863 : i32
        %dma_start3A_1874 = arith.constant 0 : i32
        %dma_start3A_1875 = tpu.memref_slice %arg6[%select_n3A_1873, %dma_start3A_1874] : memref<8x128xi32, #tpu.memory_space<vmem>> -> memref<1x128xi32, #tpu.memory_space<vmem>>
        %dma_start3A_1876 = tpu.memref_squeeze %dma_start3A_1875 : memref<1x128xi32, #tpu.memory_space<vmem>> -> memref<128xi32, #tpu.memory_space<vmem>>
        %dma_start3A_1877 = arith.constant 0 : i32
        %dma_start3A_1878 = arith.constant 0 : i32
        %dma_start3A_1879 = tpu.memref_slice %arg2[%dma_start3A_1877, %dma_start3A_1878] : memref<20000x64xf32, #tpu.memory_space<hbm>> -> memref<20000x64xf32, #tpu.memory_space<hbm>>
        tpu.enqueue_indirect_dma source(%dma_start3A_1879 : memref<20000x64xf32, #tpu.memory_space<hbm>>) target(%arg8 : memref<128x64xf32, #tpu.memory_space<vmem>>) offsets(%dma_start3A_1876 : memref<128xi32, #tpu.memory_space<vmem>>) semaphore(%arg21 : memref<!tpu.dma_semaphore, #tpu.memory_space<semaphore_mem>>)
      } else {
      }
      %add3A_1399 = arith.constant 6 : i32
      %add3A_1400 = arith.addi %add3A_1347, %add3A_1399 : i32
      %lt3A_1401 = arith.constant 156 : i32
      %lt3A_1402 = arith.cmpi slt, %add3A_1400, %lt3A_1401 : i32
      %convert_element_type3A_1403 = arith.extui %lt3A_1402 : i1 to i32
      %cond3A_1404 = arith.constant 0 : i32
      %cond3A_1405 = arith.cmpi ne, %convert_element_type3A_1403, %cond3A_1404 : i32
      scf.if %cond3A_1405 {
        %add3A_1592 = arith.constant 6 : i32
        %add3A_1593 = arith.addi %add3A_1347, %add3A_1592 : i32
        %mul3A_1594 = arith.constant 128 : i32
        %mul3A_1595 = arith.muli %add3A_1593, %mul3A_1594 : i32
        %add3A_1596 = arith.addi %mul3A_0, %mul3A_1595 : i32
        %jit3A_1597 = arith.constant 8 : i32
        %eq3A_1598 = arith.constant 0 : i32
        %eq3A_1599 = arith.cmpi eq, %jit3A_1597, %eq3A_1598 : i32
        %jit3A_1600 = arith.constant 1 : i32
        %select_n3A_1601 = arith.select %eq3A_1599, %jit3A_1600, %jit3A_1597 : i32
        %rem3A_1602 = arith.remsi %add3A_1593, %select_n3A_1601 : i32
        %ne3A_1603 = arith.constant 0 : i32
        %ne3A_1604 = arith.cmpi ne, %rem3A_1602, %ne3A_1603 : i32
        %lt3A_1605 = arith.constant 0 : i32
        %lt3A_1606 = arith.cmpi slt, %rem3A_1602, %lt3A_1605 : i32
        %lt3A_1607 = arith.constant 0 : i32
        %lt3A_1608 = arith.cmpi slt, %select_n3A_1601, %lt3A_1607 : i32
        %ne3A_1609 = arith.xori %lt3A_1606, %lt3A_1608 : i1
        %and3A_1610 = arith.andi %ne3A_1609, %ne3A_1604 : i1
        %add3A_1611 = arith.addi %rem3A_1602, %select_n3A_1601 : i32
        %select_n3A_1612 = arith.select %and3A_1610, %add3A_1611, %rem3A_1602 : i32
        %dma_start3A_1613 = arith.constant 0 : i32
        %dma_start3A_1614 = arith.constant 0 : i32
        %dma_start3A_1615 = tpu.memref_slice %arg5[%select_n3A_1612, %dma_start3A_1613, %dma_start3A_1614] : memref<8x2x128xi32, #tpu.memory_space<vmem>> -> memref<1x2x128xi32, #tpu.memory_space<vmem>>
        %dma_start3A_1616 = tpu.memref_squeeze %dma_start3A_1615 : memref<1x2x128xi32, #tpu.memory_space<vmem>> -> memref<2x128xi32, #tpu.memory_space<vmem>>
        %dma_start3A_1617 = arith.constant 0 : i32
        %dma_start3A_1618 = tpu.memref_slice %arg3[%dma_start3A_1617, %add3A_1596] : memref<2x320000xi32, #tpu.memory_space<hbm>> -> memref<2x128xi32, #tpu.memory_space<hbm>>
        %dma_start3A_1619 = arith.constant 0 : i32
        %dma_start3A_1620 = arith.constant 0 : i32
        %dma_start3A_1621 = tpu.memref_slice %arg5[%select_n3A_1612, %dma_start3A_1619, %dma_start3A_1620] : memref<8x2x128xi32, #tpu.memory_space<vmem>> -> memref<1x2x128xi32, #tpu.memory_space<vmem>>
        %dma_start3A_1622 = tpu.memref_squeeze %dma_start3A_1621 : memref<1x2x128xi32, #tpu.memory_space<vmem>> -> memref<2x128xi32, #tpu.memory_space<vmem>>
        %dma_start3A_1623 = arith.constant 0 : i32
        %dma_start3A_1624 = tpu.memref_slice %arg3[%dma_start3A_1623, %add3A_1596] : memref<2x320000xi32, #tpu.memory_space<hbm>> -> memref<2x128xi32, #tpu.memory_space<hbm>>
        tpu.enqueue_dma source(%dma_start3A_1624 : memref<2x128xi32, #tpu.memory_space<hbm>>) target(%dma_start3A_1622 : memref<2x128xi32, #tpu.memory_space<vmem>>) target_semaphore(%arg17 : memref<!tpu.dma_semaphore, #tpu.memory_space<semaphore_mem>>)
      } else {
      }
      %mul3A_1406 = arith.constant 6 : i32
      %mul3A_1407 = arith.muli %scan3A_1224, %mul3A_1406 : i32
      %add3A_1408 = arith.constant 3 : i32
      %add3A_1409 = arith.addi %mul3A_1407, %add3A_1408 : i32
      %jit3A_1410 = arith.constant 8 : i32
      %eq3A_1411 = arith.constant 0 : i32
      %eq3A_1412 = arith.cmpi eq, %jit3A_1410, %eq3A_1411 : i32
      %jit3A_1413 = arith.constant 1 : i32
      %select_n3A_1414 = arith.select %eq3A_1412, %jit3A_1413, %jit3A_1410 : i32
      %rem3A_1415 = arith.remsi %add3A_1409, %select_n3A_1414 : i32
      %ne3A_1416 = arith.constant 0 : i32
      %ne3A_1417 = arith.cmpi ne, %rem3A_1415, %ne3A_1416 : i32
      %lt3A_1418 = arith.constant 0 : i32
      %lt3A_1419 = arith.cmpi slt, %rem3A_1415, %lt3A_1418 : i32
      %lt3A_1420 = arith.constant 0 : i32
      %lt3A_1421 = arith.cmpi slt, %select_n3A_1414, %lt3A_1420 : i32
      %ne3A_1422 = arith.xori %lt3A_1419, %lt3A_1421 : i1
      %and3A_1423 = arith.andi %ne3A_1422, %ne3A_1417 : i1
      %add3A_1424 = arith.addi %rem3A_1415, %select_n3A_1414 : i32
      %select_n3A_1425 = arith.select %and3A_1423, %add3A_1424, %rem3A_1415 : i32
      %dma_wait3A_1426 = arith.constant 0 : i32
      %dma_wait3A_1427 = tpu.memref_slice %arg6[%select_n3A_1425, %dma_wait3A_1426] : memref<8x128xi32, #tpu.memory_space<vmem>> -> memref<1x128xi32, #tpu.memory_space<vmem>>
      %dma_wait3A_1428 = tpu.memref_squeeze %dma_wait3A_1427 : memref<1x128xi32, #tpu.memory_space<vmem>> -> memref<128xi32, #tpu.memory_space<vmem>>
      %dma_wait3A_1429 = arith.constant 0 : i32
      %dma_wait3A_1430 = arith.constant 0 : i32
      %dma_wait3A_1431 = tpu.memref_slice %arg2[%dma_wait3A_1429, %dma_wait3A_1430] : memref<20000x64xf32, #tpu.memory_space<hbm>> -> memref<20000x64xf32, #tpu.memory_space<hbm>>
      tpu.wait_indirect_dma semaphore(%arg24 : memref<!tpu.dma_semaphore, #tpu.memory_space<semaphore_mem>>) src(%dma_wait3A_1431 : memref<20000x64xf32, #tpu.memory_space<hbm>>) dst(%arg11 : memref<128x64xf32, #tpu.memory_space<vmem>>)
      %jit3A_1432 = arith.constant 8 : i32
      %eq3A_1433 = arith.constant 0 : i32
      %eq3A_1434 = arith.cmpi eq, %jit3A_1432, %eq3A_1433 : i32
      %jit3A_1435 = arith.constant 1 : i32
      %select_n3A_1436 = arith.select %eq3A_1434, %jit3A_1435, %jit3A_1432 : i32
      %rem3A_1437 = arith.remsi %add3A_1409, %select_n3A_1436 : i32
      %ne3A_1438 = arith.constant 0 : i32
      %ne3A_1439 = arith.cmpi ne, %rem3A_1437, %ne3A_1438 : i32
      %lt3A_1440 = arith.constant 0 : i32
      %lt3A_1441 = arith.cmpi slt, %rem3A_1437, %lt3A_1440 : i32
      %lt3A_1442 = arith.constant 0 : i32
      %lt3A_1443 = arith.cmpi slt, %select_n3A_1436, %lt3A_1442 : i32
      %ne3A_1444 = arith.xori %lt3A_1441, %lt3A_1443 : i1
      %and3A_1445 = arith.andi %ne3A_1444, %ne3A_1439 : i1
      %add3A_1446 = arith.addi %rem3A_1437, %select_n3A_1436 : i32
      %select_n3A_1447 = arith.select %and3A_1445, %add3A_1446, %rem3A_1437 : i32
      %dma_start3A_1448 = arith.constant 0 : i32
      %dma_start3A_1449 = tpu.memref_slice %arg7[%select_n3A_1447, %dma_start3A_1448] : memref<8x128xi32, #tpu.memory_space<vmem>> -> memref<1x128xi32, #tpu.memory_space<vmem>>
      %dma_start3A_1450 = tpu.memref_squeeze %dma_start3A_1449 : memref<1x128xi32, #tpu.memory_space<vmem>> -> memref<128xi32, #tpu.memory_space<vmem>>
      %dma_start3A_1451 = arith.constant 0 : i32
      %dma_start3A_1452 = arith.constant 0 : i32
      %dma_start3A_1453 = tpu.memref_slice %arg14[%dma_start3A_1451, %dma_start3A_1452] : memref<10240x64xf32, #tpu.memory_space<vmem_shared>> -> memref<10240x64xf32, #tpu.memory_space<vmem_shared>>
      tpu.enqueue_indirect_dma source(%arg11 : memref<128x64xf32, #tpu.memory_space<vmem>>) target(%dma_start3A_1453 : memref<10240x64xf32, #tpu.memory_space<vmem_shared>>) offsets(%dma_start3A_1450 : memref<128xi32, #tpu.memory_space<vmem>>) semaphore(%arg30 : memref<!tpu.dma_semaphore, #tpu.memory_space<semaphore_mem>>) {add = true}
      %add3A_1454 = arith.constant 4 : i32
      %add3A_1455 = arith.addi %add3A_1409, %add3A_1454 : i32
      %lt3A_1456 = arith.constant 156 : i32
      %lt3A_1457 = arith.cmpi slt, %add3A_1455, %lt3A_1456 : i32
      %convert_element_type3A_1458 = arith.extui %lt3A_1457 : i1 to i32
      %cond3A_1459 = arith.constant 0 : i32
      %cond3A_1460 = arith.cmpi ne, %convert_element_type3A_1458, %cond3A_1459 : i32
      scf.if %cond3A_1460 {
        %add3A_1592 = arith.constant 4 : i32
        %add3A_1593 = arith.addi %add3A_1409, %add3A_1592 : i32
        %mul3A_1594 = arith.constant 128 : i32
        %mul3A_1595 = arith.muli %add3A_1593, %mul3A_1594 : i32
        %add3A_1596 = arith.addi %mul3A_0, %mul3A_1595 : i32
        %jit3A_1597 = arith.constant 8 : i32
        %eq3A_1598 = arith.constant 0 : i32
        %eq3A_1599 = arith.cmpi eq, %jit3A_1597, %eq3A_1598 : i32
        %jit3A_1600 = arith.constant 1 : i32
        %select_n3A_1601 = arith.select %eq3A_1599, %jit3A_1600, %jit3A_1597 : i32
        %rem3A_1602 = arith.remsi %add3A_1593, %select_n3A_1601 : i32
        %ne3A_1603 = arith.constant 0 : i32
        %ne3A_1604 = arith.cmpi ne, %rem3A_1602, %ne3A_1603 : i32
        %lt3A_1605 = arith.constant 0 : i32
        %lt3A_1606 = arith.cmpi slt, %rem3A_1602, %lt3A_1605 : i32
        %lt3A_1607 = arith.constant 0 : i32
        %lt3A_1608 = arith.cmpi slt, %select_n3A_1601, %lt3A_1607 : i32
        %ne3A_1609 = arith.xori %lt3A_1606, %lt3A_1608 : i1
        %and3A_1610 = arith.andi %ne3A_1609, %ne3A_1604 : i1
        %add3A_1611 = arith.addi %rem3A_1602, %select_n3A_1601 : i32
        %select_n3A_1612 = arith.select %and3A_1610, %add3A_1611, %rem3A_1602 : i32
        %dma_wait3A_1613 = arith.constant 0 : i32
        %dma_wait3A_1614 = arith.constant 0 : i32
        %dma_wait3A_1615 = tpu.memref_slice %arg5[%select_n3A_1612, %dma_wait3A_1613, %dma_wait3A_1614] : memref<8x2x128xi32, #tpu.memory_space<vmem>> -> memref<1x2x128xi32, #tpu.memory_space<vmem>>
        %dma_wait3A_1616 = tpu.memref_squeeze %dma_wait3A_1615 : memref<1x2x128xi32, #tpu.memory_space<vmem>> -> memref<2x128xi32, #tpu.memory_space<vmem>>
        %dma_wait3A_1617 = arith.constant 0 : i32
        %dma_wait3A_1618 = tpu.memref_slice %arg3[%dma_wait3A_1617, %add3A_1596] : memref<2x320000xi32, #tpu.memory_space<hbm>> -> memref<2x128xi32, #tpu.memory_space<hbm>>
        %dma_wait3A_1619 = arith.constant 0 : i32
        %dma_wait3A_1620 = arith.constant 0 : i32
        %dma_wait3A_1621 = tpu.memref_slice %arg5[%select_n3A_1612, %dma_wait3A_1619, %dma_wait3A_1620] : memref<8x2x128xi32, #tpu.memory_space<vmem>> -> memref<1x2x128xi32, #tpu.memory_space<vmem>>
        %dma_wait3A_1622 = tpu.memref_squeeze %dma_wait3A_1621 : memref<1x2x128xi32, #tpu.memory_space<vmem>> -> memref<2x128xi32, #tpu.memory_space<vmem>>
        %dma_wait3A_1623 = arith.constant 0 : i32
        %dma_wait3A_1624 = tpu.memref_slice %arg3[%dma_wait3A_1623, %add3A_1596] : memref<2x320000xi32, #tpu.memory_space<hbm>> -> memref<2x128xi32, #tpu.memory_space<hbm>>
        tpu.wait_dma2 semaphore(%arg16 : memref<!tpu.dma_semaphore, #tpu.memory_space<semaphore_mem>>) src(%dma_wait3A_1624 : memref<2x128xi32, #tpu.memory_space<hbm>>) dst(%dma_wait3A_1622 : memref<2x128xi32, #tpu.memory_space<vmem>>)
        %add3A_1625 = arith.constant 4 : i32
        %add3A_1626 = arith.addi %add3A_1409, %add3A_1625 : i32
        %jit3A_1627 = arith.constant 8 : i32
        %eq3A_1628 = arith.constant 0 : i32
        %eq3A_1629 = arith.cmpi eq, %jit3A_1627, %eq3A_1628 : i32
        %jit3A_1630 = arith.constant 1 : i32
        %select_n3A_1631 = arith.select %eq3A_1629, %jit3A_1630, %jit3A_1627 : i32
        %rem3A_1632 = arith.remsi %add3A_1626, %select_n3A_1631 : i32
        %ne3A_1633 = arith.constant 0 : i32
        %ne3A_1634 = arith.cmpi ne, %rem3A_1632, %ne3A_1633 : i32
        %lt3A_1635 = arith.constant 0 : i32
        %lt3A_1636 = arith.cmpi slt, %rem3A_1632, %lt3A_1635 : i32
        %lt3A_1637 = arith.constant 0 : i32
        %lt3A_1638 = arith.cmpi slt, %select_n3A_1631, %lt3A_1637 : i32
        %ne3A_1639 = arith.xori %lt3A_1636, %lt3A_1638 : i1
        %and3A_1640 = arith.andi %ne3A_1639, %ne3A_1634 : i1
        %add3A_1641 = arith.addi %rem3A_1632, %select_n3A_1631 : i32
        %select_n3A_1642 = arith.select %and3A_1640, %add3A_1641, %rem3A_1632 : i32
        %broadcast_in_dim3A_1643 = vector.broadcast %arg0 : i32 to vector<16xi32>
        %get3A_1644 = arith.constant 0 : i32
        %get3A_1645 = arith.index_cast %select_n3A_1642 : i32 to index
        %get3A_1646 = arith.index_cast %get3A_1644 : i32 to index
        %get3A_1647 = arith.constant 0 : index
        %get3A_1648 = tpu.vector_load %arg5[%get3A_1645, %get3A_1646, %get3A_1647] {strides = array<i32>} : memref<8x2x128xi32, #tpu.memory_space<vmem>>, vector<1x1x16xi32>,
        %get3A_1649 = vector.shape_cast %get3A_1648 : vector<1x1x16xi32> to vector<16xi32>
        %mul3A_1650 = arith.constant 2 : i32
        %mul3A_1651 = vector.broadcast %mul3A_1650 : i32 to vector<16xi32>
        %mul3A_1652 = arith.muli %get3A_1649, %mul3A_1651 : vector<16xi32>
        %add3A_1653 = arith.addi %mul3A_1652, %broadcast_in_dim3A_1643 : vector<16xi32>
        %swap3A_1654 = arith.index_cast %select_n3A_1642 : i32 to index
        %swap3A_1655 = arith.constant 0 : index
        %swap3A_1656 = tpu.vector_load %arg6[%swap3A_1654, %swap3A_1655] {strides = array<i32>} : memref<8x128xi32, #tpu.memory_space<vmem>>, vector<1x16xi32>,
        %swap3A_1657 = vector.shape_cast %swap3A_1656 : vector<1x16xi32> to vector<16xi32>
        %swap3A_1658 = vector.shape_cast %add3A_1653 : vector<16xi32> to vector<1x16xi32>
        tpu.vector_store %arg6[%swap3A_1654, %swap3A_1655], %swap3A_1658 {strides = array<i32>} : memref<8x128xi32, #tpu.memory_space<vmem>>, vector<1x16xi32>,
        %get3A_1659 = arith.constant 1 : i32
        %get3A_1660 = arith.index_cast %select_n3A_1642 : i32 to index
        %get3A_1661 = arith.index_cast %get3A_1659 : i32 to index
        %get3A_1662 = arith.constant 0 : index
        %get3A_1663 = tpu.vector_load %arg5[%get3A_1660, %get3A_1661, %get3A_1662] {strides = array<i32>} : memref<8x2x128xi32, #tpu.memory_space<vmem>>, vector<1x1x16xi32>,
        %get3A_1664 = vector.shape_cast %get3A_1663 : vector<1x1x16xi32> to vector<16xi32>
        %swap3A_1665 = arith.index_cast %select_n3A_1642 : i32 to index
        %swap3A_1666 = arith.constant 0 : index
        %swap3A_1667 = tpu.vector_load %arg7[%swap3A_1665, %swap3A_1666] {strides = array<i32>} : memref<8x128xi32, #tpu.memory_space<vmem>>, vector<1x16xi32>,
        %swap3A_1668 = vector.shape_cast %swap3A_1667 : vector<1x16xi32> to vector<16xi32>
        %swap3A_1669 = vector.shape_cast %get3A_1664 : vector<16xi32> to vector<1x16xi32>
        tpu.vector_store %arg7[%swap3A_1665, %swap3A_1666], %swap3A_1669 {strides = array<i32>} : memref<8x128xi32, #tpu.memory_space<vmem>>, vector<1x16xi32>,
        %get3A_1670 = arith.constant 0 : i32
        %get3A_1671 = arith.index_cast %select_n3A_1642 : i32 to index
        %get3A_1672 = arith.index_cast %get3A_1670 : i32 to index
        %get3A_1673 = arith.constant 16 : index
        %get3A_1674 = tpu.vector_load %arg5[%get3A_1671, %get3A_1672, %get3A_1673] {strides = array<i32>} : memref<8x2x128xi32, #tpu.memory_space<vmem>>, vector<1x1x16xi32>,
        %get3A_1675 = vector.shape_cast %get3A_1674 : vector<1x1x16xi32> to vector<16xi32>
        %mul3A_1676 = arith.constant 2 : i32
        %mul3A_1677 = vector.broadcast %mul3A_1676 : i32 to vector<16xi32>
        %mul3A_1678 = arith.muli %get3A_1675, %mul3A_1677 : vector<16xi32>
        %add3A_1679 = arith.addi %mul3A_1678, %broadcast_in_dim3A_1643 : vector<16xi32>
        %swap3A_1680 = arith.index_cast %select_n3A_1642 : i32 to index
        %swap3A_1681 = arith.constant 16 : index
        %swap3A_1682 = tpu.vector_load %arg6[%swap3A_1680, %swap3A_1681] {strides = array<i32>} : memref<8x128xi32, #tpu.memory_space<vmem>>, vector<1x16xi32>,
        %swap3A_1683 = vector.shape_cast %swap3A_1682 : vector<1x16xi32> to vector<16xi32>
        %swap3A_1684 = vector.shape_cast %add3A_1679 : vector<16xi32> to vector<1x16xi32>
        tpu.vector_store %arg6[%swap3A_1680, %swap3A_1681], %swap3A_1684 {strides = array<i32>} : memref<8x128xi32, #tpu.memory_space<vmem>>, vector<1x16xi32>,
        %get3A_1685 = arith.constant 1 : i32
        %get3A_1686 = arith.index_cast %select_n3A_1642 : i32 to index
        %get3A_1687 = arith.index_cast %get3A_1685 : i32 to index
        %get3A_1688 = arith.constant 16 : index
        %get3A_1689 = tpu.vector_load %arg5[%get3A_1686, %get3A_1687, %get3A_1688] {strides = array<i32>} : memref<8x2x128xi32, #tpu.memory_space<vmem>>, vector<1x1x16xi32>,
        %get3A_1690 = vector.shape_cast %get3A_1689 : vector<1x1x16xi32> to vector<16xi32>
        %swap3A_1691 = arith.index_cast %select_n3A_1642 : i32 to index
        %swap3A_1692 = arith.constant 16 : index
        %swap3A_1693 = tpu.vector_load %arg7[%swap3A_1691, %swap3A_1692] {strides = array<i32>} : memref<8x128xi32, #tpu.memory_space<vmem>>, vector<1x16xi32>,
        %swap3A_1694 = vector.shape_cast %swap3A_1693 : vector<1x16xi32> to vector<16xi32>
        %swap3A_1695 = vector.shape_cast %get3A_1690 : vector<16xi32> to vector<1x16xi32>
        tpu.vector_store %arg7[%swap3A_1691, %swap3A_1692], %swap3A_1695 {strides = array<i32>} : memref<8x128xi32, #tpu.memory_space<vmem>>, vector<1x16xi32>,
        %get3A_1696 = arith.constant 0 : i32
        %get3A_1697 = arith.index_cast %select_n3A_1642 : i32 to index
        %get3A_1698 = arith.index_cast %get3A_1696 : i32 to index
        %get3A_1699 = arith.constant 32 : index
        %get3A_1700 = tpu.vector_load %arg5[%get3A_1697, %get3A_1698, %get3A_1699] {strides = array<i32>} : memref<8x2x128xi32, #tpu.memory_space<vmem>>, vector<1x1x16xi32>,
        %get3A_1701 = vector.shape_cast %get3A_1700 : vector<1x1x16xi32> to vector<16xi32>
        %mul3A_1702 = arith.constant 2 : i32
        %mul3A_1703 = vector.broadcast %mul3A_1702 : i32 to vector<16xi32>
        %mul3A_1704 = arith.muli %get3A_1701, %mul3A_1703 : vector<16xi32>
        %add3A_1705 = arith.addi %mul3A_1704, %broadcast_in_dim3A_1643 : vector<16xi32>
        %swap3A_1706 = arith.index_cast %select_n3A_1642 : i32 to index
        %swap3A_1707 = arith.constant 32 : index
        %swap3A_1708 = tpu.vector_load %arg6[%swap3A_1706, %swap3A_1707] {strides = array<i32>} : memref<8x128xi32, #tpu.memory_space<vmem>>, vector<1x16xi32>,
        %swap3A_1709 = vector.shape_cast %swap3A_1708 : vector<1x16xi32> to vector<16xi32>
        %swap3A_1710 = vector.shape_cast %add3A_1705 : vector<16xi32> to vector<1x16xi32>
        tpu.vector_store %arg6[%swap3A_1706, %swap3A_1707], %swap3A_1710 {strides = array<i32>} : memref<8x128xi32, #tpu.memory_space<vmem>>, vector<1x16xi32>,
        %get3A_1711 = arith.constant 1 : i32
        %get3A_1712 = arith.index_cast %select_n3A_1642 : i32 to index
        %get3A_1713 = arith.index_cast %get3A_1711 : i32 to index
        %get3A_1714 = arith.constant 32 : index
        %get3A_1715 = tpu.vector_load %arg5[%get3A_1712, %get3A_1713, %get3A_1714] {strides = array<i32>} : memref<8x2x128xi32, #tpu.memory_space<vmem>>, vector<1x1x16xi32>,
        %get3A_1716 = vector.shape_cast %get3A_1715 : vector<1x1x16xi32> to vector<16xi32>
        %swap3A_1717 = arith.index_cast %select_n3A_1642 : i32 to index
        %swap3A_1718 = arith.constant 32 : index
        %swap3A_1719 = tpu.vector_load %arg7[%swap3A_1717, %swap3A_1718] {strides = array<i32>} : memref<8x128xi32, #tpu.memory_space<vmem>>, vector<1x16xi32>,
        %swap3A_1720 = vector.shape_cast %swap3A_1719 : vector<1x16xi32> to vector<16xi32>
        %swap3A_1721 = vector.shape_cast %get3A_1716 : vector<16xi32> to vector<1x16xi32>
        tpu.vector_store %arg7[%swap3A_1717, %swap3A_1718], %swap3A_1721 {strides = array<i32>} : memref<8x128xi32, #tpu.memory_space<vmem>>, vector<1x16xi32>,
        %get3A_1722 = arith.constant 0 : i32
        %get3A_1723 = arith.index_cast %select_n3A_1642 : i32 to index
        %get3A_1724 = arith.index_cast %get3A_1722 : i32 to index
        %get3A_1725 = arith.constant 48 : index
        %get3A_1726 = tpu.vector_load %arg5[%get3A_1723, %get3A_1724, %get3A_1725] {strides = array<i32>} : memref<8x2x128xi32, #tpu.memory_space<vmem>>, vector<1x1x16xi32>,
        %get3A_1727 = vector.shape_cast %get3A_1726 : vector<1x1x16xi32> to vector<16xi32>
        %mul3A_1728 = arith.constant 2 : i32
        %mul3A_1729 = vector.broadcast %mul3A_1728 : i32 to vector<16xi32>
        %mul3A_1730 = arith.muli %get3A_1727, %mul3A_1729 : vector<16xi32>
        %add3A_1731 = arith.addi %mul3A_1730, %broadcast_in_dim3A_1643 : vector<16xi32>
        %swap3A_1732 = arith.index_cast %select_n3A_1642 : i32 to index
        %swap3A_1733 = arith.constant 48 : index
        %swap3A_1734 = tpu.vector_load %arg6[%swap3A_1732, %swap3A_1733] {strides = array<i32>} : memref<8x128xi32, #tpu.memory_space<vmem>>, vector<1x16xi32>,
        %swap3A_1735 = vector.shape_cast %swap3A_1734 : vector<1x16xi32> to vector<16xi32>
        %swap3A_1736 = vector.shape_cast %add3A_1731 : vector<16xi32> to vector<1x16xi32>
        tpu.vector_store %arg6[%swap3A_1732, %swap3A_1733], %swap3A_1736 {strides = array<i32>} : memref<8x128xi32, #tpu.memory_space<vmem>>, vector<1x16xi32>,
        %get3A_1737 = arith.constant 1 : i32
        %get3A_1738 = arith.index_cast %select_n3A_1642 : i32 to index
        %get3A_1739 = arith.index_cast %get3A_1737 : i32 to index
        %get3A_1740 = arith.constant 48 : index
        %get3A_1741 = tpu.vector_load %arg5[%get3A_1738, %get3A_1739, %get3A_1740] {strides = array<i32>} : memref<8x2x128xi32, #tpu.memory_space<vmem>>, vector<1x1x16xi32>,
        %get3A_1742 = vector.shape_cast %get3A_1741 : vector<1x1x16xi32> to vector<16xi32>
        %swap3A_1743 = arith.index_cast %select_n3A_1642 : i32 to index
        %swap3A_1744 = arith.constant 48 : index
        %swap3A_1745 = tpu.vector_load %arg7[%swap3A_1743, %swap3A_1744] {strides = array<i32>} : memref<8x128xi32, #tpu.memory_space<vmem>>, vector<1x16xi32>,
        %swap3A_1746 = vector.shape_cast %swap3A_1745 : vector<1x16xi32> to vector<16xi32>
        %swap3A_1747 = vector.shape_cast %get3A_1742 : vector<16xi32> to vector<1x16xi32>
        tpu.vector_store %arg7[%swap3A_1743, %swap3A_1744], %swap3A_1747 {strides = array<i32>} : memref<8x128xi32, #tpu.memory_space<vmem>>, vector<1x16xi32>,
        %get3A_1748 = arith.constant 0 : i32
        %get3A_1749 = arith.index_cast %select_n3A_1642 : i32 to index
        %get3A_1750 = arith.index_cast %get3A_1748 : i32 to index
        %get3A_1751 = arith.constant 64 : index
        %get3A_1752 = tpu.vector_load %arg5[%get3A_1749, %get3A_1750, %get3A_1751] {strides = array<i32>} : memref<8x2x128xi32, #tpu.memory_space<vmem>>, vector<1x1x16xi32>,
        %get3A_1753 = vector.shape_cast %get3A_1752 : vector<1x1x16xi32> to vector<16xi32>
        %mul3A_1754 = arith.constant 2 : i32
        %mul3A_1755 = vector.broadcast %mul3A_1754 : i32 to vector<16xi32>
        %mul3A_1756 = arith.muli %get3A_1753, %mul3A_1755 : vector<16xi32>
        %add3A_1757 = arith.addi %mul3A_1756, %broadcast_in_dim3A_1643 : vector<16xi32>
        %swap3A_1758 = arith.index_cast %select_n3A_1642 : i32 to index
        %swap3A_1759 = arith.constant 64 : index
        %swap3A_1760 = tpu.vector_load %arg6[%swap3A_1758, %swap3A_1759] {strides = array<i32>} : memref<8x128xi32, #tpu.memory_space<vmem>>, vector<1x16xi32>,
        %swap3A_1761 = vector.shape_cast %swap3A_1760 : vector<1x16xi32> to vector<16xi32>
        %swap3A_1762 = vector.shape_cast %add3A_1757 : vector<16xi32> to vector<1x16xi32>
        tpu.vector_store %arg6[%swap3A_1758, %swap3A_1759], %swap3A_1762 {strides = array<i32>} : memref<8x128xi32, #tpu.memory_space<vmem>>, vector<1x16xi32>,
        %get3A_1763 = arith.constant 1 : i32
        %get3A_1764 = arith.index_cast %select_n3A_1642 : i32 to index
        %get3A_1765 = arith.index_cast %get3A_1763 : i32 to index
        %get3A_1766 = arith.constant 64 : index
        %get3A_1767 = tpu.vector_load %arg5[%get3A_1764, %get3A_1765, %get3A_1766] {strides = array<i32>} : memref<8x2x128xi32, #tpu.memory_space<vmem>>, vector<1x1x16xi32>,
        %get3A_1768 = vector.shape_cast %get3A_1767 : vector<1x1x16xi32> to vector<16xi32>
        %swap3A_1769 = arith.index_cast %select_n3A_1642 : i32 to index
        %swap3A_1770 = arith.constant 64 : index
        %swap3A_1771 = tpu.vector_load %arg7[%swap3A_1769, %swap3A_1770] {strides = array<i32>} : memref<8x128xi32, #tpu.memory_space<vmem>>, vector<1x16xi32>,
        %swap3A_1772 = vector.shape_cast %swap3A_1771 : vector<1x16xi32> to vector<16xi32>
        %swap3A_1773 = vector.shape_cast %get3A_1768 : vector<16xi32> to vector<1x16xi32>
        tpu.vector_store %arg7[%swap3A_1769, %swap3A_1770], %swap3A_1773 {strides = array<i32>} : memref<8x128xi32, #tpu.memory_space<vmem>>, vector<1x16xi32>,
        %get3A_1774 = arith.constant 0 : i32
        %get3A_1775 = arith.index_cast %select_n3A_1642 : i32 to index
        %get3A_1776 = arith.index_cast %get3A_1774 : i32 to index
        %get3A_1777 = arith.constant 80 : index
        %get3A_1778 = tpu.vector_load %arg5[%get3A_1775, %get3A_1776, %get3A_1777] {strides = array<i32>} : memref<8x2x128xi32, #tpu.memory_space<vmem>>, vector<1x1x16xi32>,
        %get3A_1779 = vector.shape_cast %get3A_1778 : vector<1x1x16xi32> to vector<16xi32>
        %mul3A_1780 = arith.constant 2 : i32
        %mul3A_1781 = vector.broadcast %mul3A_1780 : i32 to vector<16xi32>
        %mul3A_1782 = arith.muli %get3A_1779, %mul3A_1781 : vector<16xi32>
        %add3A_1783 = arith.addi %mul3A_1782, %broadcast_in_dim3A_1643 : vector<16xi32>
        %swap3A_1784 = arith.index_cast %select_n3A_1642 : i32 to index
        %swap3A_1785 = arith.constant 80 : index
        %swap3A_1786 = tpu.vector_load %arg6[%swap3A_1784, %swap3A_1785] {strides = array<i32>} : memref<8x128xi32, #tpu.memory_space<vmem>>, vector<1x16xi32>,
        %swap3A_1787 = vector.shape_cast %swap3A_1786 : vector<1x16xi32> to vector<16xi32>
        %swap3A_1788 = vector.shape_cast %add3A_1783 : vector<16xi32> to vector<1x16xi32>
        tpu.vector_store %arg6[%swap3A_1784, %swap3A_1785], %swap3A_1788 {strides = array<i32>} : memref<8x128xi32, #tpu.memory_space<vmem>>, vector<1x16xi32>,
        %get3A_1789 = arith.constant 1 : i32
        %get3A_1790 = arith.index_cast %select_n3A_1642 : i32 to index
        %get3A_1791 = arith.index_cast %get3A_1789 : i32 to index
        %get3A_1792 = arith.constant 80 : index
        %get3A_1793 = tpu.vector_load %arg5[%get3A_1790, %get3A_1791, %get3A_1792] {strides = array<i32>} : memref<8x2x128xi32, #tpu.memory_space<vmem>>, vector<1x1x16xi32>,
        %get3A_1794 = vector.shape_cast %get3A_1793 : vector<1x1x16xi32> to vector<16xi32>
        %swap3A_1795 = arith.index_cast %select_n3A_1642 : i32 to index
        %swap3A_1796 = arith.constant 80 : index
        %swap3A_1797 = tpu.vector_load %arg7[%swap3A_1795, %swap3A_1796] {strides = array<i32>} : memref<8x128xi32, #tpu.memory_space<vmem>>, vector<1x16xi32>,
        %swap3A_1798 = vector.shape_cast %swap3A_1797 : vector<1x16xi32> to vector<16xi32>
        %swap3A_1799 = vector.shape_cast %get3A_1794 : vector<16xi32> to vector<1x16xi32>
        tpu.vector_store %arg7[%swap3A_1795, %swap3A_1796], %swap3A_1799 {strides = array<i32>} : memref<8x128xi32, #tpu.memory_space<vmem>>, vector<1x16xi32>,
        %get3A_1800 = arith.constant 0 : i32
        %get3A_1801 = arith.index_cast %select_n3A_1642 : i32 to index
        %get3A_1802 = arith.index_cast %get3A_1800 : i32 to index
        %get3A_1803 = arith.constant 96 : index
        %get3A_1804 = tpu.vector_load %arg5[%get3A_1801, %get3A_1802, %get3A_1803] {strides = array<i32>} : memref<8x2x128xi32, #tpu.memory_space<vmem>>, vector<1x1x16xi32>,
        %get3A_1805 = vector.shape_cast %get3A_1804 : vector<1x1x16xi32> to vector<16xi32>
        %mul3A_1806 = arith.constant 2 : i32
        %mul3A_1807 = vector.broadcast %mul3A_1806 : i32 to vector<16xi32>
        %mul3A_1808 = arith.muli %get3A_1805, %mul3A_1807 : vector<16xi32>
        %add3A_1809 = arith.addi %mul3A_1808, %broadcast_in_dim3A_1643 : vector<16xi32>
        %swap3A_1810 = arith.index_cast %select_n3A_1642 : i32 to index
        %swap3A_1811 = arith.constant 96 : index
        %swap3A_1812 = tpu.vector_load %arg6[%swap3A_1810, %swap3A_1811] {strides = array<i32>} : memref<8x128xi32, #tpu.memory_space<vmem>>, vector<1x16xi32>,
        %swap3A_1813 = vector.shape_cast %swap3A_1812 : vector<1x16xi32> to vector<16xi32>
        %swap3A_1814 = vector.shape_cast %add3A_1809 : vector<16xi32> to vector<1x16xi32>
        tpu.vector_store %arg6[%swap3A_1810, %swap3A_1811], %swap3A_1814 {strides = array<i32>} : memref<8x128xi32, #tpu.memory_space<vmem>>, vector<1x16xi32>,
        %get3A_1815 = arith.constant 1 : i32
        %get3A_1816 = arith.index_cast %select_n3A_1642 : i32 to index
        %get3A_1817 = arith.index_cast %get3A_1815 : i32 to index
        %get3A_1818 = arith.constant 96 : index
        %get3A_1819 = tpu.vector_load %arg5[%get3A_1816, %get3A_1817, %get3A_1818] {strides = array<i32>} : memref<8x2x128xi32, #tpu.memory_space<vmem>>, vector<1x1x16xi32>,
        %get3A_1820 = vector.shape_cast %get3A_1819 : vector<1x1x16xi32> to vector<16xi32>
        %swap3A_1821 = arith.index_cast %select_n3A_1642 : i32 to index
        %swap3A_1822 = arith.constant 96 : index
        %swap3A_1823 = tpu.vector_load %arg7[%swap3A_1821, %swap3A_1822] {strides = array<i32>} : memref<8x128xi32, #tpu.memory_space<vmem>>, vector<1x16xi32>,
        %swap3A_1824 = vector.shape_cast %swap3A_1823 : vector<1x16xi32> to vector<16xi32>
        %swap3A_1825 = vector.shape_cast %get3A_1820 : vector<16xi32> to vector<1x16xi32>
        tpu.vector_store %arg7[%swap3A_1821, %swap3A_1822], %swap3A_1825 {strides = array<i32>} : memref<8x128xi32, #tpu.memory_space<vmem>>, vector<1x16xi32>,
        %get3A_1826 = arith.constant 0 : i32
        %get3A_1827 = arith.index_cast %select_n3A_1642 : i32 to index
        %get3A_1828 = arith.index_cast %get3A_1826 : i32 to index
        %get3A_1829 = arith.constant 112 : index
        %get3A_1830 = tpu.vector_load %arg5[%get3A_1827, %get3A_1828, %get3A_1829] {strides = array<i32>} : memref<8x2x128xi32, #tpu.memory_space<vmem>>, vector<1x1x16xi32>,
        %get3A_1831 = vector.shape_cast %get3A_1830 : vector<1x1x16xi32> to vector<16xi32>
        %mul3A_1832 = arith.constant 2 : i32
        %mul3A_1833 = vector.broadcast %mul3A_1832 : i32 to vector<16xi32>
        %mul3A_1834 = arith.muli %get3A_1831, %mul3A_1833 : vector<16xi32>
        %add3A_1835 = arith.addi %mul3A_1834, %broadcast_in_dim3A_1643 : vector<16xi32>
        %swap3A_1836 = arith.index_cast %select_n3A_1642 : i32 to index
        %swap3A_1837 = arith.constant 112 : index
        %swap3A_1838 = tpu.vector_load %arg6[%swap3A_1836, %swap3A_1837] {strides = array<i32>} : memref<8x128xi32, #tpu.memory_space<vmem>>, vector<1x16xi32>,
        %swap3A_1839 = vector.shape_cast %swap3A_1838 : vector<1x16xi32> to vector<16xi32>
        %swap3A_1840 = vector.shape_cast %add3A_1835 : vector<16xi32> to vector<1x16xi32>
        tpu.vector_store %arg6[%swap3A_1836, %swap3A_1837], %swap3A_1840 {strides = array<i32>} : memref<8x128xi32, #tpu.memory_space<vmem>>, vector<1x16xi32>,
        %get3A_1841 = arith.constant 1 : i32
        %get3A_1842 = arith.index_cast %select_n3A_1642 : i32 to index
        %get3A_1843 = arith.index_cast %get3A_1841 : i32 to index
        %get3A_1844 = arith.constant 112 : index
        %get3A_1845 = tpu.vector_load %arg5[%get3A_1842, %get3A_1843, %get3A_1844] {strides = array<i32>} : memref<8x2x128xi32, #tpu.memory_space<vmem>>, vector<1x1x16xi32>,
        %get3A_1846 = vector.shape_cast %get3A_1845 : vector<1x1x16xi32> to vector<16xi32>
        %swap3A_1847 = arith.index_cast %select_n3A_1642 : i32 to index
        %swap3A_1848 = arith.constant 112 : index
        %swap3A_1849 = tpu.vector_load %arg7[%swap3A_1847, %swap3A_1848] {strides = array<i32>} : memref<8x128xi32, #tpu.memory_space<vmem>>, vector<1x16xi32>,
        %swap3A_1850 = vector.shape_cast %swap3A_1849 : vector<1x16xi32> to vector<16xi32>
        %swap3A_1851 = vector.shape_cast %get3A_1846 : vector<16xi32> to vector<1x16xi32>
        tpu.vector_store %arg7[%swap3A_1847, %swap3A_1848], %swap3A_1851 {strides = array<i32>} : memref<8x128xi32, #tpu.memory_space<vmem>>, vector<1x16xi32>,
        %ge3A = arith.constant 2 : i32
        %ge3A_1852 = arith.cmpi sge, %add3A_1409, %ge3A : i32
        %convert_element_type3A_1853 = arith.extui %ge3A_1852 : i1 to i32
        %cond3A_1854 = arith.constant 0 : i32
        %cond3A_1855 = arith.cmpi ne, %convert_element_type3A_1853, %cond3A_1854 : i32
        scf.if %cond3A_1855 {
          %dma_wait3A_1880 = arith.constant 0 : i32
          %dma_wait3A_1881 = arith.constant 0 : i32
          %dma_wait3A_1882 = tpu.memref_slice %arg7[%dma_wait3A_1880, %dma_wait3A_1881] : memref<8x128xi32, #tpu.memory_space<vmem>> -> memref<1x128xi32, #tpu.memory_space<vmem>>
          %dma_wait3A_1883 = tpu.memref_squeeze %dma_wait3A_1882 : memref<1x128xi32, #tpu.memory_space<vmem>> -> memref<128xi32, #tpu.memory_space<vmem>>
          %dma_wait3A_1884 = arith.constant 0 : i32
          %dma_wait3A_1885 = arith.constant 0 : i32
          %dma_wait3A_1886 = tpu.memref_slice %arg14[%dma_wait3A_1884, %dma_wait3A_1885] : memref<10240x64xf32, #tpu.memory_space<vmem_shared>> -> memref<10240x64xf32, #tpu.memory_space<vmem_shared>>
          tpu.wait_indirect_dma semaphore(%arg28 : memref<!tpu.dma_semaphore, #tpu.memory_space<semaphore_mem>>) src(%arg9 : memref<128x64xf32, #tpu.memory_space<vmem>>) dst(%dma_wait3A_1886 : memref<10240x64xf32, #tpu.memory_space<vmem_shared>>)
        } else {
        }
        %add3A_1856 = arith.constant 4 : i32
        %add3A_1857 = arith.addi %add3A_1409, %add3A_1856 : i32
        %jit3A_1858 = arith.constant 8 : i32
        %eq3A_1859 = arith.constant 0 : i32
        %eq3A_1860 = arith.cmpi eq, %jit3A_1858, %eq3A_1859 : i32
        %jit3A_1861 = arith.constant 1 : i32
        %select_n3A_1862 = arith.select %eq3A_1860, %jit3A_1861, %jit3A_1858 : i32
        %rem3A_1863 = arith.remsi %add3A_1857, %select_n3A_1862 : i32
        %ne3A_1864 = arith.constant 0 : i32
        %ne3A_1865 = arith.cmpi ne, %rem3A_1863, %ne3A_1864 : i32
        %lt3A_1866 = arith.constant 0 : i32
        %lt3A_1867 = arith.cmpi slt, %rem3A_1863, %lt3A_1866 : i32
        %lt3A_1868 = arith.constant 0 : i32
        %lt3A_1869 = arith.cmpi slt, %select_n3A_1862, %lt3A_1868 : i32
        %ne3A_1870 = arith.xori %lt3A_1867, %lt3A_1869 : i1
        %and3A_1871 = arith.andi %ne3A_1870, %ne3A_1865 : i1
        %add3A_1872 = arith.addi %rem3A_1863, %select_n3A_1862 : i32
        %select_n3A_1873 = arith.select %and3A_1871, %add3A_1872, %rem3A_1863 : i32
        %dma_start3A_1874 = arith.constant 0 : i32
        %dma_start3A_1875 = tpu.memref_slice %arg6[%select_n3A_1873, %dma_start3A_1874] : memref<8x128xi32, #tpu.memory_space<vmem>> -> memref<1x128xi32, #tpu.memory_space<vmem>>
        %dma_start3A_1876 = tpu.memref_squeeze %dma_start3A_1875 : memref<1x128xi32, #tpu.memory_space<vmem>> -> memref<128xi32, #tpu.memory_space<vmem>>
        %dma_start3A_1877 = arith.constant 0 : i32
        %dma_start3A_1878 = arith.constant 0 : i32
        %dma_start3A_1879 = tpu.memref_slice %arg2[%dma_start3A_1877, %dma_start3A_1878] : memref<20000x64xf32, #tpu.memory_space<hbm>> -> memref<20000x64xf32, #tpu.memory_space<hbm>>
        tpu.enqueue_indirect_dma source(%dma_start3A_1879 : memref<20000x64xf32, #tpu.memory_space<hbm>>) target(%arg9 : memref<128x64xf32, #tpu.memory_space<vmem>>) offsets(%dma_start3A_1876 : memref<128xi32, #tpu.memory_space<vmem>>) semaphore(%arg22 : memref<!tpu.dma_semaphore, #tpu.memory_space<semaphore_mem>>)
      } else {
      }
      %add3A_1461 = arith.constant 6 : i32
      %add3A_1462 = arith.addi %add3A_1409, %add3A_1461 : i32
      %lt3A_1463 = arith.constant 156 : i32
      %lt3A_1464 = arith.cmpi slt, %add3A_1462, %lt3A_1463 : i32
      %convert_element_type3A_1465 = arith.extui %lt3A_1464 : i1 to i32
      %cond3A_1466 = arith.constant 0 : i32
      %cond3A_1467 = arith.cmpi ne, %convert_element_type3A_1465, %cond3A_1466 : i32
      scf.if %cond3A_1467 {
        %add3A_1592 = arith.constant 6 : i32
        %add3A_1593 = arith.addi %add3A_1409, %add3A_1592 : i32
        %mul3A_1594 = arith.constant 128 : i32
        %mul3A_1595 = arith.muli %add3A_1593, %mul3A_1594 : i32
        %add3A_1596 = arith.addi %mul3A_0, %mul3A_1595 : i32
        %jit3A_1597 = arith.constant 8 : i32
        %eq3A_1598 = arith.constant 0 : i32
        %eq3A_1599 = arith.cmpi eq, %jit3A_1597, %eq3A_1598 : i32
        %jit3A_1600 = arith.constant 1 : i32
        %select_n3A_1601 = arith.select %eq3A_1599, %jit3A_1600, %jit3A_1597 : i32
        %rem3A_1602 = arith.remsi %add3A_1593, %select_n3A_1601 : i32
        %ne3A_1603 = arith.constant 0 : i32
        %ne3A_1604 = arith.cmpi ne, %rem3A_1602, %ne3A_1603 : i32
        %lt3A_1605 = arith.constant 0 : i32
        %lt3A_1606 = arith.cmpi slt, %rem3A_1602, %lt3A_1605 : i32
        %lt3A_1607 = arith.constant 0 : i32
        %lt3A_1608 = arith.cmpi slt, %select_n3A_1601, %lt3A_1607 : i32
        %ne3A_1609 = arith.xori %lt3A_1606, %lt3A_1608 : i1
        %and3A_1610 = arith.andi %ne3A_1609, %ne3A_1604 : i1
        %add3A_1611 = arith.addi %rem3A_1602, %select_n3A_1601 : i32
        %select_n3A_1612 = arith.select %and3A_1610, %add3A_1611, %rem3A_1602 : i32
        %dma_start3A_1613 = arith.constant 0 : i32
        %dma_start3A_1614 = arith.constant 0 : i32
        %dma_start3A_1615 = tpu.memref_slice %arg5[%select_n3A_1612, %dma_start3A_1613, %dma_start3A_1614] : memref<8x2x128xi32, #tpu.memory_space<vmem>> -> memref<1x2x128xi32, #tpu.memory_space<vmem>>
        %dma_start3A_1616 = tpu.memref_squeeze %dma_start3A_1615 : memref<1x2x128xi32, #tpu.memory_space<vmem>> -> memref<2x128xi32, #tpu.memory_space<vmem>>
        %dma_start3A_1617 = arith.constant 0 : i32
        %dma_start3A_1618 = tpu.memref_slice %arg3[%dma_start3A_1617, %add3A_1596] : memref<2x320000xi32, #tpu.memory_space<hbm>> -> memref<2x128xi32, #tpu.memory_space<hbm>>
        %dma_start3A_1619 = arith.constant 0 : i32
        %dma_start3A_1620 = arith.constant 0 : i32
        %dma_start3A_1621 = tpu.memref_slice %arg5[%select_n3A_1612, %dma_start3A_1619, %dma_start3A_1620] : memref<8x2x128xi32, #tpu.memory_space<vmem>> -> memref<1x2x128xi32, #tpu.memory_space<vmem>>
        %dma_start3A_1622 = tpu.memref_squeeze %dma_start3A_1621 : memref<1x2x128xi32, #tpu.memory_space<vmem>> -> memref<2x128xi32, #tpu.memory_space<vmem>>
        %dma_start3A_1623 = arith.constant 0 : i32
        %dma_start3A_1624 = tpu.memref_slice %arg3[%dma_start3A_1623, %add3A_1596] : memref<2x320000xi32, #tpu.memory_space<hbm>> -> memref<2x128xi32, #tpu.memory_space<hbm>>
        tpu.enqueue_dma source(%dma_start3A_1624 : memref<2x128xi32, #tpu.memory_space<hbm>>) target(%dma_start3A_1622 : memref<2x128xi32, #tpu.memory_space<vmem>>) target_semaphore(%arg18 : memref<!tpu.dma_semaphore, #tpu.memory_space<semaphore_mem>>)
      } else {
      }
      %mul3A_1468 = arith.constant 6 : i32
      %mul3A_1469 = arith.muli %scan3A_1224, %mul3A_1468 : i32
      %add3A_1470 = arith.constant 4 : i32
      %add3A_1471 = arith.addi %mul3A_1469, %add3A_1470 : i32
      %jit3A_1472 = arith.constant 8 : i32
      %eq3A_1473 = arith.constant 0 : i32
      %eq3A_1474 = arith.cmpi eq, %jit3A_1472, %eq3A_1473 : i32
      %jit3A_1475 = arith.constant 1 : i32
      %select_n3A_1476 = arith.select %eq3A_1474, %jit3A_1475, %jit3A_1472 : i32
      %rem3A_1477 = arith.remsi %add3A_1471, %select_n3A_1476 : i32
      %ne3A_1478 = arith.constant 0 : i32
      %ne3A_1479 = arith.cmpi ne, %rem3A_1477, %ne3A_1478 : i32
      %lt3A_1480 = arith.constant 0 : i32
      %lt3A_1481 = arith.cmpi slt, %rem3A_1477, %lt3A_1480 : i32
      %lt3A_1482 = arith.constant 0 : i32
      %lt3A_1483 = arith.cmpi slt, %select_n3A_1476, %lt3A_1482 : i32
      %ne3A_1484 = arith.xori %lt3A_1481, %lt3A_1483 : i1
      %and3A_1485 = arith.andi %ne3A_1484, %ne3A_1479 : i1
      %add3A_1486 = arith.addi %rem3A_1477, %select_n3A_1476 : i32
      %select_n3A_1487 = arith.select %and3A_1485, %add3A_1486, %rem3A_1477 : i32
      %dma_wait3A_1488 = arith.constant 0 : i32
      %dma_wait3A_1489 = tpu.memref_slice %arg6[%select_n3A_1487, %dma_wait3A_1488] : memref<8x128xi32, #tpu.memory_space<vmem>> -> memref<1x128xi32, #tpu.memory_space<vmem>>
      %dma_wait3A_1490 = tpu.memref_squeeze %dma_wait3A_1489 : memref<1x128xi32, #tpu.memory_space<vmem>> -> memref<128xi32, #tpu.memory_space<vmem>>
      %dma_wait3A_1491 = arith.constant 0 : i32
      %dma_wait3A_1492 = arith.constant 0 : i32
      %dma_wait3A_1493 = tpu.memref_slice %arg2[%dma_wait3A_1491, %dma_wait3A_1492] : memref<20000x64xf32, #tpu.memory_space<hbm>> -> memref<20000x64xf32, #tpu.memory_space<hbm>>
      tpu.wait_indirect_dma semaphore(%arg25 : memref<!tpu.dma_semaphore, #tpu.memory_space<semaphore_mem>>) src(%dma_wait3A_1493 : memref<20000x64xf32, #tpu.memory_space<hbm>>) dst(%arg12 : memref<128x64xf32, #tpu.memory_space<vmem>>)
      %jit3A_1494 = arith.constant 8 : i32
      %eq3A_1495 = arith.constant 0 : i32
      %eq3A_1496 = arith.cmpi eq, %jit3A_1494, %eq3A_1495 : i32
      %jit3A_1497 = arith.constant 1 : i32
      %select_n3A_1498 = arith.select %eq3A_1496, %jit3A_1497, %jit3A_1494 : i32
      %rem3A_1499 = arith.remsi %add3A_1471, %select_n3A_1498 : i32
      %ne3A_1500 = arith.constant 0 : i32
      %ne3A_1501 = arith.cmpi ne, %rem3A_1499, %ne3A_1500 : i32
      %lt3A_1502 = arith.constant 0 : i32
      %lt3A_1503 = arith.cmpi slt, %rem3A_1499, %lt3A_1502 : i32
      %lt3A_1504 = arith.constant 0 : i32
      %lt3A_1505 = arith.cmpi slt, %select_n3A_1498, %lt3A_1504 : i32
      %ne3A_1506 = arith.xori %lt3A_1503, %lt3A_1505 : i1
      %and3A_1507 = arith.andi %ne3A_1506, %ne3A_1501 : i1
      %add3A_1508 = arith.addi %rem3A_1499, %select_n3A_1498 : i32
      %select_n3A_1509 = arith.select %and3A_1507, %add3A_1508, %rem3A_1499 : i32
      %dma_start3A_1510 = arith.constant 0 : i32
      %dma_start3A_1511 = tpu.memref_slice %arg7[%select_n3A_1509, %dma_start3A_1510] : memref<8x128xi32, #tpu.memory_space<vmem>> -> memref<1x128xi32, #tpu.memory_space<vmem>>
      %dma_start3A_1512 = tpu.memref_squeeze %dma_start3A_1511 : memref<1x128xi32, #tpu.memory_space<vmem>> -> memref<128xi32, #tpu.memory_space<vmem>>
      %dma_start3A_1513 = arith.constant 0 : i32
      %dma_start3A_1514 = arith.constant 0 : i32
      %dma_start3A_1515 = tpu.memref_slice %arg14[%dma_start3A_1513, %dma_start3A_1514] : memref<10240x64xf32, #tpu.memory_space<vmem_shared>> -> memref<10240x64xf32, #tpu.memory_space<vmem_shared>>
      tpu.enqueue_indirect_dma source(%arg12 : memref<128x64xf32, #tpu.memory_space<vmem>>) target(%dma_start3A_1515 : memref<10240x64xf32, #tpu.memory_space<vmem_shared>>) offsets(%dma_start3A_1512 : memref<128xi32, #tpu.memory_space<vmem>>) semaphore(%arg31 : memref<!tpu.dma_semaphore, #tpu.memory_space<semaphore_mem>>) {add = true}
      %add3A_1516 = arith.constant 4 : i32
      %add3A_1517 = arith.addi %add3A_1471, %add3A_1516 : i32
      %lt3A_1518 = arith.constant 156 : i32
      %lt3A_1519 = arith.cmpi slt, %add3A_1517, %lt3A_1518 : i32
      %convert_element_type3A_1520 = arith.extui %lt3A_1519 : i1 to i32
      %cond3A_1521 = arith.constant 0 : i32
      %cond3A_1522 = arith.cmpi ne, %convert_element_type3A_1520, %cond3A_1521 : i32
      scf.if %cond3A_1522 {
        %add3A_1592 = arith.constant 4 : i32
        %add3A_1593 = arith.addi %add3A_1471, %add3A_1592 : i32
        %mul3A_1594 = arith.constant 128 : i32
        %mul3A_1595 = arith.muli %add3A_1593, %mul3A_1594 : i32
        %add3A_1596 = arith.addi %mul3A_0, %mul3A_1595 : i32
        %jit3A_1597 = arith.constant 8 : i32
        %eq3A_1598 = arith.constant 0 : i32
        %eq3A_1599 = arith.cmpi eq, %jit3A_1597, %eq3A_1598 : i32
        %jit3A_1600 = arith.constant 1 : i32
        %select_n3A_1601 = arith.select %eq3A_1599, %jit3A_1600, %jit3A_1597 : i32
        %rem3A_1602 = arith.remsi %add3A_1593, %select_n3A_1601 : i32
        %ne3A_1603 = arith.constant 0 : i32
        %ne3A_1604 = arith.cmpi ne, %rem3A_1602, %ne3A_1603 : i32
        %lt3A_1605 = arith.constant 0 : i32
        %lt3A_1606 = arith.cmpi slt, %rem3A_1602, %lt3A_1605 : i32
        %lt3A_1607 = arith.constant 0 : i32
        %lt3A_1608 = arith.cmpi slt, %select_n3A_1601, %lt3A_1607 : i32
        %ne3A_1609 = arith.xori %lt3A_1606, %lt3A_1608 : i1
        %and3A_1610 = arith.andi %ne3A_1609, %ne3A_1604 : i1
        %add3A_1611 = arith.addi %rem3A_1602, %select_n3A_1601 : i32
        %select_n3A_1612 = arith.select %and3A_1610, %add3A_1611, %rem3A_1602 : i32
        %dma_wait3A_1613 = arith.constant 0 : i32
        %dma_wait3A_1614 = arith.constant 0 : i32
        %dma_wait3A_1615 = tpu.memref_slice %arg5[%select_n3A_1612, %dma_wait3A_1613, %dma_wait3A_1614] : memref<8x2x128xi32, #tpu.memory_space<vmem>> -> memref<1x2x128xi32, #tpu.memory_space<vmem>>
        %dma_wait3A_1616 = tpu.memref_squeeze %dma_wait3A_1615 : memref<1x2x128xi32, #tpu.memory_space<vmem>> -> memref<2x128xi32, #tpu.memory_space<vmem>>
        %dma_wait3A_1617 = arith.constant 0 : i32
        %dma_wait3A_1618 = tpu.memref_slice %arg3[%dma_wait3A_1617, %add3A_1596] : memref<2x320000xi32, #tpu.memory_space<hbm>> -> memref<2x128xi32, #tpu.memory_space<hbm>>
        %dma_wait3A_1619 = arith.constant 0 : i32
        %dma_wait3A_1620 = arith.constant 0 : i32
        %dma_wait3A_1621 = tpu.memref_slice %arg5[%select_n3A_1612, %dma_wait3A_1619, %dma_wait3A_1620] : memref<8x2x128xi32, #tpu.memory_space<vmem>> -> memref<1x2x128xi32, #tpu.memory_space<vmem>>
        %dma_wait3A_1622 = tpu.memref_squeeze %dma_wait3A_1621 : memref<1x2x128xi32, #tpu.memory_space<vmem>> -> memref<2x128xi32, #tpu.memory_space<vmem>>
        %dma_wait3A_1623 = arith.constant 0 : i32
        %dma_wait3A_1624 = tpu.memref_slice %arg3[%dma_wait3A_1623, %add3A_1596] : memref<2x320000xi32, #tpu.memory_space<hbm>> -> memref<2x128xi32, #tpu.memory_space<hbm>>
        tpu.wait_dma2 semaphore(%arg17 : memref<!tpu.dma_semaphore, #tpu.memory_space<semaphore_mem>>) src(%dma_wait3A_1624 : memref<2x128xi32, #tpu.memory_space<hbm>>) dst(%dma_wait3A_1622 : memref<2x128xi32, #tpu.memory_space<vmem>>)
        %add3A_1625 = arith.constant 4 : i32
        %add3A_1626 = arith.addi %add3A_1471, %add3A_1625 : i32
        %jit3A_1627 = arith.constant 8 : i32
        %eq3A_1628 = arith.constant 0 : i32
        %eq3A_1629 = arith.cmpi eq, %jit3A_1627, %eq3A_1628 : i32
        %jit3A_1630 = arith.constant 1 : i32
        %select_n3A_1631 = arith.select %eq3A_1629, %jit3A_1630, %jit3A_1627 : i32
        %rem3A_1632 = arith.remsi %add3A_1626, %select_n3A_1631 : i32
        %ne3A_1633 = arith.constant 0 : i32
        %ne3A_1634 = arith.cmpi ne, %rem3A_1632, %ne3A_1633 : i32
        %lt3A_1635 = arith.constant 0 : i32
        %lt3A_1636 = arith.cmpi slt, %rem3A_1632, %lt3A_1635 : i32
        %lt3A_1637 = arith.constant 0 : i32
        %lt3A_1638 = arith.cmpi slt, %select_n3A_1631, %lt3A_1637 : i32
        %ne3A_1639 = arith.xori %lt3A_1636, %lt3A_1638 : i1
        %and3A_1640 = arith.andi %ne3A_1639, %ne3A_1634 : i1
        %add3A_1641 = arith.addi %rem3A_1632, %select_n3A_1631 : i32
        %select_n3A_1642 = arith.select %and3A_1640, %add3A_1641, %rem3A_1632 : i32
        %broadcast_in_dim3A_1643 = vector.broadcast %arg0 : i32 to vector<16xi32>
        %get3A_1644 = arith.constant 0 : i32
        %get3A_1645 = arith.index_cast %select_n3A_1642 : i32 to index
        %get3A_1646 = arith.index_cast %get3A_1644 : i32 to index
        %get3A_1647 = arith.constant 0 : index
        %get3A_1648 = tpu.vector_load %arg5[%get3A_1645, %get3A_1646, %get3A_1647] {strides = array<i32>} : memref<8x2x128xi32, #tpu.memory_space<vmem>>, vector<1x1x16xi32>,
        %get3A_1649 = vector.shape_cast %get3A_1648 : vector<1x1x16xi32> to vector<16xi32>
        %mul3A_1650 = arith.constant 2 : i32
        %mul3A_1651 = vector.broadcast %mul3A_1650 : i32 to vector<16xi32>
        %mul3A_1652 = arith.muli %get3A_1649, %mul3A_1651 : vector<16xi32>
        %add3A_1653 = arith.addi %mul3A_1652, %broadcast_in_dim3A_1643 : vector<16xi32>
        %swap3A_1654 = arith.index_cast %select_n3A_1642 : i32 to index
        %swap3A_1655 = arith.constant 0 : index
        %swap3A_1656 = tpu.vector_load %arg6[%swap3A_1654, %swap3A_1655] {strides = array<i32>} : memref<8x128xi32, #tpu.memory_space<vmem>>, vector<1x16xi32>,
        %swap3A_1657 = vector.shape_cast %swap3A_1656 : vector<1x16xi32> to vector<16xi32>
        %swap3A_1658 = vector.shape_cast %add3A_1653 : vector<16xi32> to vector<1x16xi32>
        tpu.vector_store %arg6[%swap3A_1654, %swap3A_1655], %swap3A_1658 {strides = array<i32>} : memref<8x128xi32, #tpu.memory_space<vmem>>, vector<1x16xi32>,
        %get3A_1659 = arith.constant 1 : i32
        %get3A_1660 = arith.index_cast %select_n3A_1642 : i32 to index
        %get3A_1661 = arith.index_cast %get3A_1659 : i32 to index
        %get3A_1662 = arith.constant 0 : index
        %get3A_1663 = tpu.vector_load %arg5[%get3A_1660, %get3A_1661, %get3A_1662] {strides = array<i32>} : memref<8x2x128xi32, #tpu.memory_space<vmem>>, vector<1x1x16xi32>,
        %get3A_1664 = vector.shape_cast %get3A_1663 : vector<1x1x16xi32> to vector<16xi32>
        %swap3A_1665 = arith.index_cast %select_n3A_1642 : i32 to index
        %swap3A_1666 = arith.constant 0 : index
        %swap3A_1667 = tpu.vector_load %arg7[%swap3A_1665, %swap3A_1666] {strides = array<i32>} : memref<8x128xi32, #tpu.memory_space<vmem>>, vector<1x16xi32>,
        %swap3A_1668 = vector.shape_cast %swap3A_1667 : vector<1x16xi32> to vector<16xi32>
        %swap3A_1669 = vector.shape_cast %get3A_1664 : vector<16xi32> to vector<1x16xi32>
        tpu.vector_store %arg7[%swap3A_1665, %swap3A_1666], %swap3A_1669 {strides = array<i32>} : memref<8x128xi32, #tpu.memory_space<vmem>>, vector<1x16xi32>,
        %get3A_1670 = arith.constant 0 : i32
        %get3A_1671 = arith.index_cast %select_n3A_1642 : i32 to index
        %get3A_1672 = arith.index_cast %get3A_1670 : i32 to index
        %get3A_1673 = arith.constant 16 : index
        %get3A_1674 = tpu.vector_load %arg5[%get3A_1671, %get3A_1672, %get3A_1673] {strides = array<i32>} : memref<8x2x128xi32, #tpu.memory_space<vmem>>, vector<1x1x16xi32>,
        %get3A_1675 = vector.shape_cast %get3A_1674 : vector<1x1x16xi32> to vector<16xi32>
        %mul3A_1676 = arith.constant 2 : i32
        %mul3A_1677 = vector.broadcast %mul3A_1676 : i32 to vector<16xi32>
        %mul3A_1678 = arith.muli %get3A_1675, %mul3A_1677 : vector<16xi32>
        %add3A_1679 = arith.addi %mul3A_1678, %broadcast_in_dim3A_1643 : vector<16xi32>
        %swap3A_1680 = arith.index_cast %select_n3A_1642 : i32 to index
        %swap3A_1681 = arith.constant 16 : index
        %swap3A_1682 = tpu.vector_load %arg6[%swap3A_1680, %swap3A_1681] {strides = array<i32>} : memref<8x128xi32, #tpu.memory_space<vmem>>, vector<1x16xi32>,
        %swap3A_1683 = vector.shape_cast %swap3A_1682 : vector<1x16xi32> to vector<16xi32>
        %swap3A_1684 = vector.shape_cast %add3A_1679 : vector<16xi32> to vector<1x16xi32>
        tpu.vector_store %arg6[%swap3A_1680, %swap3A_1681], %swap3A_1684 {strides = array<i32>} : memref<8x128xi32, #tpu.memory_space<vmem>>, vector<1x16xi32>,
        %get3A_1685 = arith.constant 1 : i32
        %get3A_1686 = arith.index_cast %select_n3A_1642 : i32 to index
        %get3A_1687 = arith.index_cast %get3A_1685 : i32 to index
        %get3A_1688 = arith.constant 16 : index
        %get3A_1689 = tpu.vector_load %arg5[%get3A_1686, %get3A_1687, %get3A_1688] {strides = array<i32>} : memref<8x2x128xi32, #tpu.memory_space<vmem>>, vector<1x1x16xi32>,
        %get3A_1690 = vector.shape_cast %get3A_1689 : vector<1x1x16xi32> to vector<16xi32>
        %swap3A_1691 = arith.index_cast %select_n3A_1642 : i32 to index
        %swap3A_1692 = arith.constant 16 : index
        %swap3A_1693 = tpu.vector_load %arg7[%swap3A_1691, %swap3A_1692] {strides = array<i32>} : memref<8x128xi32, #tpu.memory_space<vmem>>, vector<1x16xi32>,
        %swap3A_1694 = vector.shape_cast %swap3A_1693 : vector<1x16xi32> to vector<16xi32>
        %swap3A_1695 = vector.shape_cast %get3A_1690 : vector<16xi32> to vector<1x16xi32>
        tpu.vector_store %arg7[%swap3A_1691, %swap3A_1692], %swap3A_1695 {strides = array<i32>} : memref<8x128xi32, #tpu.memory_space<vmem>>, vector<1x16xi32>,
        %get3A_1696 = arith.constant 0 : i32
        %get3A_1697 = arith.index_cast %select_n3A_1642 : i32 to index
        %get3A_1698 = arith.index_cast %get3A_1696 : i32 to index
        %get3A_1699 = arith.constant 32 : index
        %get3A_1700 = tpu.vector_load %arg5[%get3A_1697, %get3A_1698, %get3A_1699] {strides = array<i32>} : memref<8x2x128xi32, #tpu.memory_space<vmem>>, vector<1x1x16xi32>,
        %get3A_1701 = vector.shape_cast %get3A_1700 : vector<1x1x16xi32> to vector<16xi32>
        %mul3A_1702 = arith.constant 2 : i32
        %mul3A_1703 = vector.broadcast %mul3A_1702 : i32 to vector<16xi32>
        %mul3A_1704 = arith.muli %get3A_1701, %mul3A_1703 : vector<16xi32>
        %add3A_1705 = arith.addi %mul3A_1704, %broadcast_in_dim3A_1643 : vector<16xi32>
        %swap3A_1706 = arith.index_cast %select_n3A_1642 : i32 to index
        %swap3A_1707 = arith.constant 32 : index
        %swap3A_1708 = tpu.vector_load %arg6[%swap3A_1706, %swap3A_1707] {strides = array<i32>} : memref<8x128xi32, #tpu.memory_space<vmem>>, vector<1x16xi32>,
        %swap3A_1709 = vector.shape_cast %swap3A_1708 : vector<1x16xi32> to vector<16xi32>
        %swap3A_1710 = vector.shape_cast %add3A_1705 : vector<16xi32> to vector<1x16xi32>
        tpu.vector_store %arg6[%swap3A_1706, %swap3A_1707], %swap3A_1710 {strides = array<i32>} : memref<8x128xi32, #tpu.memory_space<vmem>>, vector<1x16xi32>,
        %get3A_1711 = arith.constant 1 : i32
        %get3A_1712 = arith.index_cast %select_n3A_1642 : i32 to index
        %get3A_1713 = arith.index_cast %get3A_1711 : i32 to index
        %get3A_1714 = arith.constant 32 : index
        %get3A_1715 = tpu.vector_load %arg5[%get3A_1712, %get3A_1713, %get3A_1714] {strides = array<i32>} : memref<8x2x128xi32, #tpu.memory_space<vmem>>, vector<1x1x16xi32>,
        %get3A_1716 = vector.shape_cast %get3A_1715 : vector<1x1x16xi32> to vector<16xi32>
        %swap3A_1717 = arith.index_cast %select_n3A_1642 : i32 to index
        %swap3A_1718 = arith.constant 32 : index
        %swap3A_1719 = tpu.vector_load %arg7[%swap3A_1717, %swap3A_1718] {strides = array<i32>} : memref<8x128xi32, #tpu.memory_space<vmem>>, vector<1x16xi32>,
        %swap3A_1720 = vector.shape_cast %swap3A_1719 : vector<1x16xi32> to vector<16xi32>
        %swap3A_1721 = vector.shape_cast %get3A_1716 : vector<16xi32> to vector<1x16xi32>
        tpu.vector_store %arg7[%swap3A_1717, %swap3A_1718], %swap3A_1721 {strides = array<i32>} : memref<8x128xi32, #tpu.memory_space<vmem>>, vector<1x16xi32>,
        %get3A_1722 = arith.constant 0 : i32
        %get3A_1723 = arith.index_cast %select_n3A_1642 : i32 to index
        %get3A_1724 = arith.index_cast %get3A_1722 : i32 to index
        %get3A_1725 = arith.constant 48 : index
        %get3A_1726 = tpu.vector_load %arg5[%get3A_1723, %get3A_1724, %get3A_1725] {strides = array<i32>} : memref<8x2x128xi32, #tpu.memory_space<vmem>>, vector<1x1x16xi32>,
        %get3A_1727 = vector.shape_cast %get3A_1726 : vector<1x1x16xi32> to vector<16xi32>
        %mul3A_1728 = arith.constant 2 : i32
        %mul3A_1729 = vector.broadcast %mul3A_1728 : i32 to vector<16xi32>
        %mul3A_1730 = arith.muli %get3A_1727, %mul3A_1729 : vector<16xi32>
        %add3A_1731 = arith.addi %mul3A_1730, %broadcast_in_dim3A_1643 : vector<16xi32>
        %swap3A_1732 = arith.index_cast %select_n3A_1642 : i32 to index
        %swap3A_1733 = arith.constant 48 : index
        %swap3A_1734 = tpu.vector_load %arg6[%swap3A_1732, %swap3A_1733] {strides = array<i32>} : memref<8x128xi32, #tpu.memory_space<vmem>>, vector<1x16xi32>,
        %swap3A_1735 = vector.shape_cast %swap3A_1734 : vector<1x16xi32> to vector<16xi32>
        %swap3A_1736 = vector.shape_cast %add3A_1731 : vector<16xi32> to vector<1x16xi32>
        tpu.vector_store %arg6[%swap3A_1732, %swap3A_1733], %swap3A_1736 {strides = array<i32>} : memref<8x128xi32, #tpu.memory_space<vmem>>, vector<1x16xi32>,
        %get3A_1737 = arith.constant 1 : i32
        %get3A_1738 = arith.index_cast %select_n3A_1642 : i32 to index
        %get3A_1739 = arith.index_cast %get3A_1737 : i32 to index
        %get3A_1740 = arith.constant 48 : index
        %get3A_1741 = tpu.vector_load %arg5[%get3A_1738, %get3A_1739, %get3A_1740] {strides = array<i32>} : memref<8x2x128xi32, #tpu.memory_space<vmem>>, vector<1x1x16xi32>,
        %get3A_1742 = vector.shape_cast %get3A_1741 : vector<1x1x16xi32> to vector<16xi32>
        %swap3A_1743 = arith.index_cast %select_n3A_1642 : i32 to index
        %swap3A_1744 = arith.constant 48 : index
        %swap3A_1745 = tpu.vector_load %arg7[%swap3A_1743, %swap3A_1744] {strides = array<i32>} : memref<8x128xi32, #tpu.memory_space<vmem>>, vector<1x16xi32>,
        %swap3A_1746 = vector.shape_cast %swap3A_1745 : vector<1x16xi32> to vector<16xi32>
        %swap3A_1747 = vector.shape_cast %get3A_1742 : vector<16xi32> to vector<1x16xi32>
        tpu.vector_store %arg7[%swap3A_1743, %swap3A_1744], %swap3A_1747 {strides = array<i32>} : memref<8x128xi32, #tpu.memory_space<vmem>>, vector<1x16xi32>,
        %get3A_1748 = arith.constant 0 : i32
        %get3A_1749 = arith.index_cast %select_n3A_1642 : i32 to index
        %get3A_1750 = arith.index_cast %get3A_1748 : i32 to index
        %get3A_1751 = arith.constant 64 : index
        %get3A_1752 = tpu.vector_load %arg5[%get3A_1749, %get3A_1750, %get3A_1751] {strides = array<i32>} : memref<8x2x128xi32, #tpu.memory_space<vmem>>, vector<1x1x16xi32>,
        %get3A_1753 = vector.shape_cast %get3A_1752 : vector<1x1x16xi32> to vector<16xi32>
        %mul3A_1754 = arith.constant 2 : i32
        %mul3A_1755 = vector.broadcast %mul3A_1754 : i32 to vector<16xi32>
        %mul3A_1756 = arith.muli %get3A_1753, %mul3A_1755 : vector<16xi32>
        %add3A_1757 = arith.addi %mul3A_1756, %broadcast_in_dim3A_1643 : vector<16xi32>
        %swap3A_1758 = arith.index_cast %select_n3A_1642 : i32 to index
        %swap3A_1759 = arith.constant 64 : index
        %swap3A_1760 = tpu.vector_load %arg6[%swap3A_1758, %swap3A_1759] {strides = array<i32>} : memref<8x128xi32, #tpu.memory_space<vmem>>, vector<1x16xi32>,
        %swap3A_1761 = vector.shape_cast %swap3A_1760 : vector<1x16xi32> to vector<16xi32>
        %swap3A_1762 = vector.shape_cast %add3A_1757 : vector<16xi32> to vector<1x16xi32>
        tpu.vector_store %arg6[%swap3A_1758, %swap3A_1759], %swap3A_1762 {strides = array<i32>} : memref<8x128xi32, #tpu.memory_space<vmem>>, vector<1x16xi32>,
        %get3A_1763 = arith.constant 1 : i32
        %get3A_1764 = arith.index_cast %select_n3A_1642 : i32 to index
        %get3A_1765 = arith.index_cast %get3A_1763 : i32 to index
        %get3A_1766 = arith.constant 64 : index
        %get3A_1767 = tpu.vector_load %arg5[%get3A_1764, %get3A_1765, %get3A_1766] {strides = array<i32>} : memref<8x2x128xi32, #tpu.memory_space<vmem>>, vector<1x1x16xi32>,
        %get3A_1768 = vector.shape_cast %get3A_1767 : vector<1x1x16xi32> to vector<16xi32>
        %swap3A_1769 = arith.index_cast %select_n3A_1642 : i32 to index
        %swap3A_1770 = arith.constant 64 : index
        %swap3A_1771 = tpu.vector_load %arg7[%swap3A_1769, %swap3A_1770] {strides = array<i32>} : memref<8x128xi32, #tpu.memory_space<vmem>>, vector<1x16xi32>,
        %swap3A_1772 = vector.shape_cast %swap3A_1771 : vector<1x16xi32> to vector<16xi32>
        %swap3A_1773 = vector.shape_cast %get3A_1768 : vector<16xi32> to vector<1x16xi32>
        tpu.vector_store %arg7[%swap3A_1769, %swap3A_1770], %swap3A_1773 {strides = array<i32>} : memref<8x128xi32, #tpu.memory_space<vmem>>, vector<1x16xi32>,
        %get3A_1774 = arith.constant 0 : i32
        %get3A_1775 = arith.index_cast %select_n3A_1642 : i32 to index
        %get3A_1776 = arith.index_cast %get3A_1774 : i32 to index
        %get3A_1777 = arith.constant 80 : index
        %get3A_1778 = tpu.vector_load %arg5[%get3A_1775, %get3A_1776, %get3A_1777] {strides = array<i32>} : memref<8x2x128xi32, #tpu.memory_space<vmem>>, vector<1x1x16xi32>,
        %get3A_1779 = vector.shape_cast %get3A_1778 : vector<1x1x16xi32> to vector<16xi32>
        %mul3A_1780 = arith.constant 2 : i32
        %mul3A_1781 = vector.broadcast %mul3A_1780 : i32 to vector<16xi32>
        %mul3A_1782 = arith.muli %get3A_1779, %mul3A_1781 : vector<16xi32>
        %add3A_1783 = arith.addi %mul3A_1782, %broadcast_in_dim3A_1643 : vector<16xi32>
        %swap3A_1784 = arith.index_cast %select_n3A_1642 : i32 to index
        %swap3A_1785 = arith.constant 80 : index
        %swap3A_1786 = tpu.vector_load %arg6[%swap3A_1784, %swap3A_1785] {strides = array<i32>} : memref<8x128xi32, #tpu.memory_space<vmem>>, vector<1x16xi32>,
        %swap3A_1787 = vector.shape_cast %swap3A_1786 : vector<1x16xi32> to vector<16xi32>
        %swap3A_1788 = vector.shape_cast %add3A_1783 : vector<16xi32> to vector<1x16xi32>
        tpu.vector_store %arg6[%swap3A_1784, %swap3A_1785], %swap3A_1788 {strides = array<i32>} : memref<8x128xi32, #tpu.memory_space<vmem>>, vector<1x16xi32>,
        %get3A_1789 = arith.constant 1 : i32
        %get3A_1790 = arith.index_cast %select_n3A_1642 : i32 to index
        %get3A_1791 = arith.index_cast %get3A_1789 : i32 to index
        %get3A_1792 = arith.constant 80 : index
        %get3A_1793 = tpu.vector_load %arg5[%get3A_1790, %get3A_1791, %get3A_1792] {strides = array<i32>} : memref<8x2x128xi32, #tpu.memory_space<vmem>>, vector<1x1x16xi32>,
        %get3A_1794 = vector.shape_cast %get3A_1793 : vector<1x1x16xi32> to vector<16xi32>
        %swap3A_1795 = arith.index_cast %select_n3A_1642 : i32 to index
        %swap3A_1796 = arith.constant 80 : index
        %swap3A_1797 = tpu.vector_load %arg7[%swap3A_1795, %swap3A_1796] {strides = array<i32>} : memref<8x128xi32, #tpu.memory_space<vmem>>, vector<1x16xi32>,
        %swap3A_1798 = vector.shape_cast %swap3A_1797 : vector<1x16xi32> to vector<16xi32>
        %swap3A_1799 = vector.shape_cast %get3A_1794 : vector<16xi32> to vector<1x16xi32>
        tpu.vector_store %arg7[%swap3A_1795, %swap3A_1796], %swap3A_1799 {strides = array<i32>} : memref<8x128xi32, #tpu.memory_space<vmem>>, vector<1x16xi32>,
        %get3A_1800 = arith.constant 0 : i32
        %get3A_1801 = arith.index_cast %select_n3A_1642 : i32 to index
        %get3A_1802 = arith.index_cast %get3A_1800 : i32 to index
        %get3A_1803 = arith.constant 96 : index
        %get3A_1804 = tpu.vector_load %arg5[%get3A_1801, %get3A_1802, %get3A_1803] {strides = array<i32>} : memref<8x2x128xi32, #tpu.memory_space<vmem>>, vector<1x1x16xi32>,
        %get3A_1805 = vector.shape_cast %get3A_1804 : vector<1x1x16xi32> to vector<16xi32>
        %mul3A_1806 = arith.constant 2 : i32
        %mul3A_1807 = vector.broadcast %mul3A_1806 : i32 to vector<16xi32>
        %mul3A_1808 = arith.muli %get3A_1805, %mul3A_1807 : vector<16xi32>
        %add3A_1809 = arith.addi %mul3A_1808, %broadcast_in_dim3A_1643 : vector<16xi32>
        %swap3A_1810 = arith.index_cast %select_n3A_1642 : i32 to index
        %swap3A_1811 = arith.constant 96 : index
        %swap3A_1812 = tpu.vector_load %arg6[%swap3A_1810, %swap3A_1811] {strides = array<i32>} : memref<8x128xi32, #tpu.memory_space<vmem>>, vector<1x16xi32>,
        %swap3A_1813 = vector.shape_cast %swap3A_1812 : vector<1x16xi32> to vector<16xi32>
        %swap3A_1814 = vector.shape_cast %add3A_1809 : vector<16xi32> to vector<1x16xi32>
        tpu.vector_store %arg6[%swap3A_1810, %swap3A_1811], %swap3A_1814 {strides = array<i32>} : memref<8x128xi32, #tpu.memory_space<vmem>>, vector<1x16xi32>,
        %get3A_1815 = arith.constant 1 : i32
        %get3A_1816 = arith.index_cast %select_n3A_1642 : i32 to index
        %get3A_1817 = arith.index_cast %get3A_1815 : i32 to index
        %get3A_1818 = arith.constant 96 : index
        %get3A_1819 = tpu.vector_load %arg5[%get3A_1816, %get3A_1817, %get3A_1818] {strides = array<i32>} : memref<8x2x128xi32, #tpu.memory_space<vmem>>, vector<1x1x16xi32>,
        %get3A_1820 = vector.shape_cast %get3A_1819 : vector<1x1x16xi32> to vector<16xi32>
        %swap3A_1821 = arith.index_cast %select_n3A_1642 : i32 to index
        %swap3A_1822 = arith.constant 96 : index
        %swap3A_1823 = tpu.vector_load %arg7[%swap3A_1821, %swap3A_1822] {strides = array<i32>} : memref<8x128xi32, #tpu.memory_space<vmem>>, vector<1x16xi32>,
        %swap3A_1824 = vector.shape_cast %swap3A_1823 : vector<1x16xi32> to vector<16xi32>
        %swap3A_1825 = vector.shape_cast %get3A_1820 : vector<16xi32> to vector<1x16xi32>
        tpu.vector_store %arg7[%swap3A_1821, %swap3A_1822], %swap3A_1825 {strides = array<i32>} : memref<8x128xi32, #tpu.memory_space<vmem>>, vector<1x16xi32>,
        %get3A_1826 = arith.constant 0 : i32
        %get3A_1827 = arith.index_cast %select_n3A_1642 : i32 to index
        %get3A_1828 = arith.index_cast %get3A_1826 : i32 to index
        %get3A_1829 = arith.constant 112 : index
        %get3A_1830 = tpu.vector_load %arg5[%get3A_1827, %get3A_1828, %get3A_1829] {strides = array<i32>} : memref<8x2x128xi32, #tpu.memory_space<vmem>>, vector<1x1x16xi32>,
        %get3A_1831 = vector.shape_cast %get3A_1830 : vector<1x1x16xi32> to vector<16xi32>
        %mul3A_1832 = arith.constant 2 : i32
        %mul3A_1833 = vector.broadcast %mul3A_1832 : i32 to vector<16xi32>
        %mul3A_1834 = arith.muli %get3A_1831, %mul3A_1833 : vector<16xi32>
        %add3A_1835 = arith.addi %mul3A_1834, %broadcast_in_dim3A_1643 : vector<16xi32>
        %swap3A_1836 = arith.index_cast %select_n3A_1642 : i32 to index
        %swap3A_1837 = arith.constant 112 : index
        %swap3A_1838 = tpu.vector_load %arg6[%swap3A_1836, %swap3A_1837] {strides = array<i32>} : memref<8x128xi32, #tpu.memory_space<vmem>>, vector<1x16xi32>,
        %swap3A_1839 = vector.shape_cast %swap3A_1838 : vector<1x16xi32> to vector<16xi32>
        %swap3A_1840 = vector.shape_cast %add3A_1835 : vector<16xi32> to vector<1x16xi32>
        tpu.vector_store %arg6[%swap3A_1836, %swap3A_1837], %swap3A_1840 {strides = array<i32>} : memref<8x128xi32, #tpu.memory_space<vmem>>, vector<1x16xi32>,
        %get3A_1841 = arith.constant 1 : i32
        %get3A_1842 = arith.index_cast %select_n3A_1642 : i32 to index
        %get3A_1843 = arith.index_cast %get3A_1841 : i32 to index
        %get3A_1844 = arith.constant 112 : index
        %get3A_1845 = tpu.vector_load %arg5[%get3A_1842, %get3A_1843, %get3A_1844] {strides = array<i32>} : memref<8x2x128xi32, #tpu.memory_space<vmem>>, vector<1x1x16xi32>,
        %get3A_1846 = vector.shape_cast %get3A_1845 : vector<1x1x16xi32> to vector<16xi32>
        %swap3A_1847 = arith.index_cast %select_n3A_1642 : i32 to index
        %swap3A_1848 = arith.constant 112 : index
        %swap3A_1849 = tpu.vector_load %arg7[%swap3A_1847, %swap3A_1848] {strides = array<i32>} : memref<8x128xi32, #tpu.memory_space<vmem>>, vector<1x16xi32>,
        %swap3A_1850 = vector.shape_cast %swap3A_1849 : vector<1x16xi32> to vector<16xi32>
        %swap3A_1851 = vector.shape_cast %get3A_1846 : vector<16xi32> to vector<1x16xi32>
        tpu.vector_store %arg7[%swap3A_1847, %swap3A_1848], %swap3A_1851 {strides = array<i32>} : memref<8x128xi32, #tpu.memory_space<vmem>>, vector<1x16xi32>,
        %ge3A = arith.constant 2 : i32
        %ge3A_1852 = arith.cmpi sge, %add3A_1471, %ge3A : i32
        %convert_element_type3A_1853 = arith.extui %ge3A_1852 : i1 to i32
        %cond3A_1854 = arith.constant 0 : i32
        %cond3A_1855 = arith.cmpi ne, %convert_element_type3A_1853, %cond3A_1854 : i32
        scf.if %cond3A_1855 {
          %dma_wait3A_1880 = arith.constant 0 : i32
          %dma_wait3A_1881 = arith.constant 0 : i32
          %dma_wait3A_1882 = tpu.memref_slice %arg7[%dma_wait3A_1880, %dma_wait3A_1881] : memref<8x128xi32, #tpu.memory_space<vmem>> -> memref<1x128xi32, #tpu.memory_space<vmem>>
          %dma_wait3A_1883 = tpu.memref_squeeze %dma_wait3A_1882 : memref<1x128xi32, #tpu.memory_space<vmem>> -> memref<128xi32, #tpu.memory_space<vmem>>
          %dma_wait3A_1884 = arith.constant 0 : i32
          %dma_wait3A_1885 = arith.constant 0 : i32
          %dma_wait3A_1886 = tpu.memref_slice %arg14[%dma_wait3A_1884, %dma_wait3A_1885] : memref<10240x64xf32, #tpu.memory_space<vmem_shared>> -> memref<10240x64xf32, #tpu.memory_space<vmem_shared>>
          tpu.wait_indirect_dma semaphore(%arg29 : memref<!tpu.dma_semaphore, #tpu.memory_space<semaphore_mem>>) src(%arg10 : memref<128x64xf32, #tpu.memory_space<vmem>>) dst(%dma_wait3A_1886 : memref<10240x64xf32, #tpu.memory_space<vmem_shared>>)
        } else {
        }
        %add3A_1856 = arith.constant 4 : i32
        %add3A_1857 = arith.addi %add3A_1471, %add3A_1856 : i32
        %jit3A_1858 = arith.constant 8 : i32
        %eq3A_1859 = arith.constant 0 : i32
        %eq3A_1860 = arith.cmpi eq, %jit3A_1858, %eq3A_1859 : i32
        %jit3A_1861 = arith.constant 1 : i32
        %select_n3A_1862 = arith.select %eq3A_1860, %jit3A_1861, %jit3A_1858 : i32
        %rem3A_1863 = arith.remsi %add3A_1857, %select_n3A_1862 : i32
        %ne3A_1864 = arith.constant 0 : i32
        %ne3A_1865 = arith.cmpi ne, %rem3A_1863, %ne3A_1864 : i32
        %lt3A_1866 = arith.constant 0 : i32
        %lt3A_1867 = arith.cmpi slt, %rem3A_1863, %lt3A_1866 : i32
        %lt3A_1868 = arith.constant 0 : i32
        %lt3A_1869 = arith.cmpi slt, %select_n3A_1862, %lt3A_1868 : i32
        %ne3A_1870 = arith.xori %lt3A_1867, %lt3A_1869 : i1
        %and3A_1871 = arith.andi %ne3A_1870, %ne3A_1865 : i1
        %add3A_1872 = arith.addi %rem3A_1863, %select_n3A_1862 : i32
        %select_n3A_1873 = arith.select %and3A_1871, %add3A_1872, %rem3A_1863 : i32
        %dma_start3A_1874 = arith.constant 0 : i32
        %dma_start3A_1875 = tpu.memref_slice %arg6[%select_n3A_1873, %dma_start3A_1874] : memref<8x128xi32, #tpu.memory_space<vmem>> -> memref<1x128xi32, #tpu.memory_space<vmem>>
        %dma_start3A_1876 = tpu.memref_squeeze %dma_start3A_1875 : memref<1x128xi32, #tpu.memory_space<vmem>> -> memref<128xi32, #tpu.memory_space<vmem>>
        %dma_start3A_1877 = arith.constant 0 : i32
        %dma_start3A_1878 = arith.constant 0 : i32
        %dma_start3A_1879 = tpu.memref_slice %arg2[%dma_start3A_1877, %dma_start3A_1878] : memref<20000x64xf32, #tpu.memory_space<hbm>> -> memref<20000x64xf32, #tpu.memory_space<hbm>>
        tpu.enqueue_indirect_dma source(%dma_start3A_1879 : memref<20000x64xf32, #tpu.memory_space<hbm>>) target(%arg10 : memref<128x64xf32, #tpu.memory_space<vmem>>) offsets(%dma_start3A_1876 : memref<128xi32, #tpu.memory_space<vmem>>) semaphore(%arg23 : memref<!tpu.dma_semaphore, #tpu.memory_space<semaphore_mem>>)
      } else {
      }
      %add3A_1523 = arith.constant 6 : i32
      %add3A_1524 = arith.addi %add3A_1471, %add3A_1523 : i32
      %lt3A_1525 = arith.constant 156 : i32
      %lt3A_1526 = arith.cmpi slt, %add3A_1524, %lt3A_1525 : i32
      %convert_element_type3A_1527 = arith.extui %lt3A_1526 : i1 to i32
      %cond3A_1528 = arith.constant 0 : i32
      %cond3A_1529 = arith.cmpi ne, %convert_element_type3A_1527, %cond3A_1528 : i32
      scf.if %cond3A_1529 {
        %add3A_1592 = arith.constant 6 : i32
        %add3A_1593 = arith.addi %add3A_1471, %add3A_1592 : i32
        %mul3A_1594 = arith.constant 128 : i32
        %mul3A_1595 = arith.muli %add3A_1593, %mul3A_1594 : i32
        %add3A_1596 = arith.addi %mul3A_0, %mul3A_1595 : i32
        %jit3A_1597 = arith.constant 8 : i32
        %eq3A_1598 = arith.constant 0 : i32
        %eq3A_1599 = arith.cmpi eq, %jit3A_1597, %eq3A_1598 : i32
        %jit3A_1600 = arith.constant 1 : i32
        %select_n3A_1601 = arith.select %eq3A_1599, %jit3A_1600, %jit3A_1597 : i32
        %rem3A_1602 = arith.remsi %add3A_1593, %select_n3A_1601 : i32
        %ne3A_1603 = arith.constant 0 : i32
        %ne3A_1604 = arith.cmpi ne, %rem3A_1602, %ne3A_1603 : i32
        %lt3A_1605 = arith.constant 0 : i32
        %lt3A_1606 = arith.cmpi slt, %rem3A_1602, %lt3A_1605 : i32
        %lt3A_1607 = arith.constant 0 : i32
        %lt3A_1608 = arith.cmpi slt, %select_n3A_1601, %lt3A_1607 : i32
        %ne3A_1609 = arith.xori %lt3A_1606, %lt3A_1608 : i1
        %and3A_1610 = arith.andi %ne3A_1609, %ne3A_1604 : i1
        %add3A_1611 = arith.addi %rem3A_1602, %select_n3A_1601 : i32
        %select_n3A_1612 = arith.select %and3A_1610, %add3A_1611, %rem3A_1602 : i32
        %dma_start3A_1613 = arith.constant 0 : i32
        %dma_start3A_1614 = arith.constant 0 : i32
        %dma_start3A_1615 = tpu.memref_slice %arg5[%select_n3A_1612, %dma_start3A_1613, %dma_start3A_1614] : memref<8x2x128xi32, #tpu.memory_space<vmem>> -> memref<1x2x128xi32, #tpu.memory_space<vmem>>
        %dma_start3A_1616 = tpu.memref_squeeze %dma_start3A_1615 : memref<1x2x128xi32, #tpu.memory_space<vmem>> -> memref<2x128xi32, #tpu.memory_space<vmem>>
        %dma_start3A_1617 = arith.constant 0 : i32
        %dma_start3A_1618 = tpu.memref_slice %arg3[%dma_start3A_1617, %add3A_1596] : memref<2x320000xi32, #tpu.memory_space<hbm>> -> memref<2x128xi32, #tpu.memory_space<hbm>>
        %dma_start3A_1619 = arith.constant 0 : i32
        %dma_start3A_1620 = arith.constant 0 : i32
        %dma_start3A_1621 = tpu.memref_slice %arg5[%select_n3A_1612, %dma_start3A_1619, %dma_start3A_1620] : memref<8x2x128xi32, #tpu.memory_space<vmem>> -> memref<1x2x128xi32, #tpu.memory_space<vmem>>
        %dma_start3A_1622 = tpu.memref_squeeze %dma_start3A_1621 : memref<1x2x128xi32, #tpu.memory_space<vmem>> -> memref<2x128xi32, #tpu.memory_space<vmem>>
        %dma_start3A_1623 = arith.constant 0 : i32
        %dma_start3A_1624 = tpu.memref_slice %arg3[%dma_start3A_1623, %add3A_1596] : memref<2x320000xi32, #tpu.memory_space<hbm>> -> memref<2x128xi32, #tpu.memory_space<hbm>>
        tpu.enqueue_dma source(%dma_start3A_1624 : memref<2x128xi32, #tpu.memory_space<hbm>>) target(%dma_start3A_1622 : memref<2x128xi32, #tpu.memory_space<vmem>>) target_semaphore(%arg19 : memref<!tpu.dma_semaphore, #tpu.memory_space<semaphore_mem>>)
      } else {
      }
      %mul3A_1530 = arith.constant 6 : i32
      %mul3A_1531 = arith.muli %scan3A_1224, %mul3A_1530 : i32
      %add3A_1532 = arith.constant 5 : i32
      %add3A_1533 = arith.addi %mul3A_1531, %add3A_1532 : i32
      %jit3A_1534 = arith.constant 8 : i32
      %eq3A_1535 = arith.constant 0 : i32
      %eq3A_1536 = arith.cmpi eq, %jit3A_1534, %eq3A_1535 : i32
      %jit3A_1537 = arith.constant 1 : i32
      %select_n3A_1538 = arith.select %eq3A_1536, %jit3A_1537, %jit3A_1534 : i32
      %rem3A_1539 = arith.remsi %add3A_1533, %select_n3A_1538 : i32
      %ne3A_1540 = arith.constant 0 : i32
      %ne3A_1541 = arith.cmpi ne, %rem3A_1539, %ne3A_1540 : i32
      %lt3A_1542 = arith.constant 0 : i32
      %lt3A_1543 = arith.cmpi slt, %rem3A_1539, %lt3A_1542 : i32
      %lt3A_1544 = arith.constant 0 : i32
      %lt3A_1545 = arith.cmpi slt, %select_n3A_1538, %lt3A_1544 : i32
      %ne3A_1546 = arith.xori %lt3A_1543, %lt3A_1545 : i1
      %and3A_1547 = arith.andi %ne3A_1546, %ne3A_1541 : i1
      %add3A_1548 = arith.addi %rem3A_1539, %select_n3A_1538 : i32
      %select_n3A_1549 = arith.select %and3A_1547, %add3A_1548, %rem3A_1539 : i32
      %dma_wait3A_1550 = arith.constant 0 : i32
      %dma_wait3A_1551 = tpu.memref_slice %arg6[%select_n3A_1549, %dma_wait3A_1550] : memref<8x128xi32, #tpu.memory_space<vmem>> -> memref<1x128xi32, #tpu.memory_space<vmem>>
      %dma_wait3A_1552 = tpu.memref_squeeze %dma_wait3A_1551 : memref<1x128xi32, #tpu.memory_space<vmem>> -> memref<128xi32, #tpu.memory_space<vmem>>
      %dma_wait3A_1553 = arith.constant 0 : i32
      %dma_wait3A_1554 = arith.constant 0 : i32
      %dma_wait3A_1555 = tpu.memref_slice %arg2[%dma_wait3A_1553, %dma_wait3A_1554] : memref<20000x64xf32, #tpu.memory_space<hbm>> -> memref<20000x64xf32, #tpu.memory_space<hbm>>
      tpu.wait_indirect_dma semaphore(%arg26 : memref<!tpu.dma_semaphore, #tpu.memory_space<semaphore_mem>>) src(%dma_wait3A_1555 : memref<20000x64xf32, #tpu.memory_space<hbm>>) dst(%arg13 : memref<128x64xf32, #tpu.memory_space<vmem>>)
      %jit3A_1556 = arith.constant 8 : i32
      %eq3A_1557 = arith.constant 0 : i32
      %eq3A_1558 = arith.cmpi eq, %jit3A_1556, %eq3A_1557 : i32
      %jit3A_1559 = arith.constant 1 : i32
      %select_n3A_1560 = arith.select %eq3A_1558, %jit3A_1559, %jit3A_1556 : i32
      %rem3A_1561 = arith.remsi %add3A_1533, %select_n3A_1560 : i32
      %ne3A_1562 = arith.constant 0 : i32
      %ne3A_1563 = arith.cmpi ne, %rem3A_1561, %ne3A_1562 : i32
      %lt3A_1564 = arith.constant 0 : i32
      %lt3A_1565 = arith.cmpi slt, %rem3A_1561, %lt3A_1564 : i32
      %lt3A_1566 = arith.constant 0 : i32
      %lt3A_1567 = arith.cmpi slt, %select_n3A_1560, %lt3A_1566 : i32
      %ne3A_1568 = arith.xori %lt3A_1565, %lt3A_1567 : i1
      %and3A_1569 = arith.andi %ne3A_1568, %ne3A_1563 : i1
      %add3A_1570 = arith.addi %rem3A_1561, %select_n3A_1560 : i32
      %select_n3A_1571 = arith.select %and3A_1569, %add3A_1570, %rem3A_1561 : i32
      %dma_start3A_1572 = arith.constant 0 : i32
      %dma_start3A_1573 = tpu.memref_slice %arg7[%select_n3A_1571, %dma_start3A_1572] : memref<8x128xi32, #tpu.memory_space<vmem>> -> memref<1x128xi32, #tpu.memory_space<vmem>>
      %dma_start3A_1574 = tpu.memref_squeeze %dma_start3A_1573 : memref<1x128xi32, #tpu.memory_space<vmem>> -> memref<128xi32, #tpu.memory_space<vmem>>
      %dma_start3A_1575 = arith.constant 0 : i32
      %dma_start3A_1576 = arith.constant 0 : i32
      %dma_start3A_1577 = tpu.memref_slice %arg14[%dma_start3A_1575, %dma_start3A_1576] : memref<10240x64xf32, #tpu.memory_space<vmem_shared>> -> memref<10240x64xf32, #tpu.memory_space<vmem_shared>>
      tpu.enqueue_indirect_dma source(%arg13 : memref<128x64xf32, #tpu.memory_space<vmem>>) target(%dma_start3A_1577 : memref<10240x64xf32, #tpu.memory_space<vmem_shared>>) offsets(%dma_start3A_1574 : memref<128xi32, #tpu.memory_space<vmem>>) semaphore(%arg32 : memref<!tpu.dma_semaphore, #tpu.memory_space<semaphore_mem>>) {add = true}
      %add3A_1578 = arith.constant 4 : i32
      %add3A_1579 = arith.addi %add3A_1533, %add3A_1578 : i32
      %lt3A_1580 = arith.constant 156 : i32
      %lt3A_1581 = arith.cmpi slt, %add3A_1579, %lt3A_1580 : i32
      %convert_element_type3A_1582 = arith.extui %lt3A_1581 : i1 to i32
      %cond3A_1583 = arith.constant 0 : i32
      %cond3A_1584 = arith.cmpi ne, %convert_element_type3A_1582, %cond3A_1583 : i32
      scf.if %cond3A_1584 {
        %add3A_1592 = arith.constant 4 : i32
        %add3A_1593 = arith.addi %add3A_1533, %add3A_1592 : i32
        %mul3A_1594 = arith.constant 128 : i32
        %mul3A_1595 = arith.muli %add3A_1593, %mul3A_1594 : i32
        %add3A_1596 = arith.addi %mul3A_0, %mul3A_1595 : i32
        %jit3A_1597 = arith.constant 8 : i32
        %eq3A_1598 = arith.constant 0 : i32
        %eq3A_1599 = arith.cmpi eq, %jit3A_1597, %eq3A_1598 : i32
        %jit3A_1600 = arith.constant 1 : i32
        %select_n3A_1601 = arith.select %eq3A_1599, %jit3A_1600, %jit3A_1597 : i32
        %rem3A_1602 = arith.remsi %add3A_1593, %select_n3A_1601 : i32
        %ne3A_1603 = arith.constant 0 : i32
        %ne3A_1604 = arith.cmpi ne, %rem3A_1602, %ne3A_1603 : i32
        %lt3A_1605 = arith.constant 0 : i32
        %lt3A_1606 = arith.cmpi slt, %rem3A_1602, %lt3A_1605 : i32
        %lt3A_1607 = arith.constant 0 : i32
        %lt3A_1608 = arith.cmpi slt, %select_n3A_1601, %lt3A_1607 : i32
        %ne3A_1609 = arith.xori %lt3A_1606, %lt3A_1608 : i1
        %and3A_1610 = arith.andi %ne3A_1609, %ne3A_1604 : i1
        %add3A_1611 = arith.addi %rem3A_1602, %select_n3A_1601 : i32
        %select_n3A_1612 = arith.select %and3A_1610, %add3A_1611, %rem3A_1602 : i32
        %dma_wait3A_1613 = arith.constant 0 : i32
        %dma_wait3A_1614 = arith.constant 0 : i32
        %dma_wait3A_1615 = tpu.memref_slice %arg5[%select_n3A_1612, %dma_wait3A_1613, %dma_wait3A_1614] : memref<8x2x128xi32, #tpu.memory_space<vmem>> -> memref<1x2x128xi32, #tpu.memory_space<vmem>>
        %dma_wait3A_1616 = tpu.memref_squeeze %dma_wait3A_1615 : memref<1x2x128xi32, #tpu.memory_space<vmem>> -> memref<2x128xi32, #tpu.memory_space<vmem>>
        %dma_wait3A_1617 = arith.constant 0 : i32
        %dma_wait3A_1618 = tpu.memref_slice %arg3[%dma_wait3A_1617, %add3A_1596] : memref<2x320000xi32, #tpu.memory_space<hbm>> -> memref<2x128xi32, #tpu.memory_space<hbm>>
        %dma_wait3A_1619 = arith.constant 0 : i32
        %dma_wait3A_1620 = arith.constant 0 : i32
        %dma_wait3A_1621 = tpu.memref_slice %arg5[%select_n3A_1612, %dma_wait3A_1619, %dma_wait3A_1620] : memref<8x2x128xi32, #tpu.memory_space<vmem>> -> memref<1x2x128xi32, #tpu.memory_space<vmem>>
        %dma_wait3A_1622 = tpu.memref_squeeze %dma_wait3A_1621 : memref<1x2x128xi32, #tpu.memory_space<vmem>> -> memref<2x128xi32, #tpu.memory_space<vmem>>
        %dma_wait3A_1623 = arith.constant 0 : i32
        %dma_wait3A_1624 = tpu.memref_slice %arg3[%dma_wait3A_1623, %add3A_1596] : memref<2x320000xi32, #tpu.memory_space<hbm>> -> memref<2x128xi32, #tpu.memory_space<hbm>>
        tpu.wait_dma2 semaphore(%arg18 : memref<!tpu.dma_semaphore, #tpu.memory_space<semaphore_mem>>) src(%dma_wait3A_1624 : memref<2x128xi32, #tpu.memory_space<hbm>>) dst(%dma_wait3A_1622 : memref<2x128xi32, #tpu.memory_space<vmem>>)
        %add3A_1625 = arith.constant 4 : i32
        %add3A_1626 = arith.addi %add3A_1533, %add3A_1625 : i32
        %jit3A_1627 = arith.constant 8 : i32
        %eq3A_1628 = arith.constant 0 : i32
        %eq3A_1629 = arith.cmpi eq, %jit3A_1627, %eq3A_1628 : i32
        %jit3A_1630 = arith.constant 1 : i32
        %select_n3A_1631 = arith.select %eq3A_1629, %jit3A_1630, %jit3A_1627 : i32
        %rem3A_1632 = arith.remsi %add3A_1626, %select_n3A_1631 : i32
        %ne3A_1633 = arith.constant 0 : i32
        %ne3A_1634 = arith.cmpi ne, %rem3A_1632, %ne3A_1633 : i32
        %lt3A_1635 = arith.constant 0 : i32
        %lt3A_1636 = arith.cmpi slt, %rem3A_1632, %lt3A_1635 : i32
        %lt3A_1637 = arith.constant 0 : i32
        %lt3A_1638 = arith.cmpi slt, %select_n3A_1631, %lt3A_1637 : i32
        %ne3A_1639 = arith.xori %lt3A_1636, %lt3A_1638 : i1
        %and3A_1640 = arith.andi %ne3A_1639, %ne3A_1634 : i1
        %add3A_1641 = arith.addi %rem3A_1632, %select_n3A_1631 : i32
        %select_n3A_1642 = arith.select %and3A_1640, %add3A_1641, %rem3A_1632 : i32
        %broadcast_in_dim3A_1643 = vector.broadcast %arg0 : i32 to vector<16xi32>
        %get3A_1644 = arith.constant 0 : i32
        %get3A_1645 = arith.index_cast %select_n3A_1642 : i32 to index
        %get3A_1646 = arith.index_cast %get3A_1644 : i32 to index
        %get3A_1647 = arith.constant 0 : index
        %get3A_1648 = tpu.vector_load %arg5[%get3A_1645, %get3A_1646, %get3A_1647] {strides = array<i32>} : memref<8x2x128xi32, #tpu.memory_space<vmem>>, vector<1x1x16xi32>,
        %get3A_1649 = vector.shape_cast %get3A_1648 : vector<1x1x16xi32> to vector<16xi32>
        %mul3A_1650 = arith.constant 2 : i32
        %mul3A_1651 = vector.broadcast %mul3A_1650 : i32 to vector<16xi32>
        %mul3A_1652 = arith.muli %get3A_1649, %mul3A_1651 : vector<16xi32>
        %add3A_1653 = arith.addi %mul3A_1652, %broadcast_in_dim3A_1643 : vector<16xi32>
        %swap3A_1654 = arith.index_cast %select_n3A_1642 : i32 to index
        %swap3A_1655 = arith.constant 0 : index
        %swap3A_1656 = tpu.vector_load %arg6[%swap3A_1654, %swap3A_1655] {strides = array<i32>} : memref<8x128xi32, #tpu.memory_space<vmem>>, vector<1x16xi32>,
        %swap3A_1657 = vector.shape_cast %swap3A_1656 : vector<1x16xi32> to vector<16xi32>
        %swap3A_1658 = vector.shape_cast %add3A_1653 : vector<16xi32> to vector<1x16xi32>
        tpu.vector_store %arg6[%swap3A_1654, %swap3A_1655], %swap3A_1658 {strides = array<i32>} : memref<8x128xi32, #tpu.memory_space<vmem>>, vector<1x16xi32>,
        %get3A_1659 = arith.constant 1 : i32
        %get3A_1660 = arith.index_cast %select_n3A_1642 : i32 to index
        %get3A_1661 = arith.index_cast %get3A_1659 : i32 to index
        %get3A_1662 = arith.constant 0 : index
        %get3A_1663 = tpu.vector_load %arg5[%get3A_1660, %get3A_1661, %get3A_1662] {strides = array<i32>} : memref<8x2x128xi32, #tpu.memory_space<vmem>>, vector<1x1x16xi32>,
        %get3A_1664 = vector.shape_cast %get3A_1663 : vector<1x1x16xi32> to vector<16xi32>
        %swap3A_1665 = arith.index_cast %select_n3A_1642 : i32 to index
        %swap3A_1666 = arith.constant 0 : index
        %swap3A_1667 = tpu.vector_load %arg7[%swap3A_1665, %swap3A_1666] {strides = array<i32>} : memref<8x128xi32, #tpu.memory_space<vmem>>, vector<1x16xi32>,
        %swap3A_1668 = vector.shape_cast %swap3A_1667 : vector<1x16xi32> to vector<16xi32>
        %swap3A_1669 = vector.shape_cast %get3A_1664 : vector<16xi32> to vector<1x16xi32>
        tpu.vector_store %arg7[%swap3A_1665, %swap3A_1666], %swap3A_1669 {strides = array<i32>} : memref<8x128xi32, #tpu.memory_space<vmem>>, vector<1x16xi32>,
        %get3A_1670 = arith.constant 0 : i32
        %get3A_1671 = arith.index_cast %select_n3A_1642 : i32 to index
        %get3A_1672 = arith.index_cast %get3A_1670 : i32 to index
        %get3A_1673 = arith.constant 16 : index
        %get3A_1674 = tpu.vector_load %arg5[%get3A_1671, %get3A_1672, %get3A_1673] {strides = array<i32>} : memref<8x2x128xi32, #tpu.memory_space<vmem>>, vector<1x1x16xi32>,
        %get3A_1675 = vector.shape_cast %get3A_1674 : vector<1x1x16xi32> to vector<16xi32>
        %mul3A_1676 = arith.constant 2 : i32
        %mul3A_1677 = vector.broadcast %mul3A_1676 : i32 to vector<16xi32>
        %mul3A_1678 = arith.muli %get3A_1675, %mul3A_1677 : vector<16xi32>
        %add3A_1679 = arith.addi %mul3A_1678, %broadcast_in_dim3A_1643 : vector<16xi32>
        %swap3A_1680 = arith.index_cast %select_n3A_1642 : i32 to index
        %swap3A_1681 = arith.constant 16 : index
        %swap3A_1682 = tpu.vector_load %arg6[%swap3A_1680, %swap3A_1681] {strides = array<i32>} : memref<8x128xi32, #tpu.memory_space<vmem>>, vector<1x16xi32>,
        %swap3A_1683 = vector.shape_cast %swap3A_1682 : vector<1x16xi32> to vector<16xi32>
        %swap3A_1684 = vector.shape_cast %add3A_1679 : vector<16xi32> to vector<1x16xi32>
        tpu.vector_store %arg6[%swap3A_1680, %swap3A_1681], %swap3A_1684 {strides = array<i32>} : memref<8x128xi32, #tpu.memory_space<vmem>>, vector<1x16xi32>,
        %get3A_1685 = arith.constant 1 : i32
        %get3A_1686 = arith.index_cast %select_n3A_1642 : i32 to index
        %get3A_1687 = arith.index_cast %get3A_1685 : i32 to index
        %get3A_1688 = arith.constant 16 : index
        %get3A_1689 = tpu.vector_load %arg5[%get3A_1686, %get3A_1687, %get3A_1688] {strides = array<i32>} : memref<8x2x128xi32, #tpu.memory_space<vmem>>, vector<1x1x16xi32>,
        %get3A_1690 = vector.shape_cast %get3A_1689 : vector<1x1x16xi32> to vector<16xi32>
        %swap3A_1691 = arith.index_cast %select_n3A_1642 : i32 to index
        %swap3A_1692 = arith.constant 16 : index
        %swap3A_1693 = tpu.vector_load %arg7[%swap3A_1691, %swap3A_1692] {strides = array<i32>} : memref<8x128xi32, #tpu.memory_space<vmem>>, vector<1x16xi32>,
        %swap3A_1694 = vector.shape_cast %swap3A_1693 : vector<1x16xi32> to vector<16xi32>
        %swap3A_1695 = vector.shape_cast %get3A_1690 : vector<16xi32> to vector<1x16xi32>
        tpu.vector_store %arg7[%swap3A_1691, %swap3A_1692], %swap3A_1695 {strides = array<i32>} : memref<8x128xi32, #tpu.memory_space<vmem>>, vector<1x16xi32>,
        %get3A_1696 = arith.constant 0 : i32
        %get3A_1697 = arith.index_cast %select_n3A_1642 : i32 to index
        %get3A_1698 = arith.index_cast %get3A_1696 : i32 to index
        %get3A_1699 = arith.constant 32 : index
        %get3A_1700 = tpu.vector_load %arg5[%get3A_1697, %get3A_1698, %get3A_1699] {strides = array<i32>} : memref<8x2x128xi32, #tpu.memory_space<vmem>>, vector<1x1x16xi32>,
        %get3A_1701 = vector.shape_cast %get3A_1700 : vector<1x1x16xi32> to vector<16xi32>
        %mul3A_1702 = arith.constant 2 : i32
        %mul3A_1703 = vector.broadcast %mul3A_1702 : i32 to vector<16xi32>
        %mul3A_1704 = arith.muli %get3A_1701, %mul3A_1703 : vector<16xi32>
        %add3A_1705 = arith.addi %mul3A_1704, %broadcast_in_dim3A_1643 : vector<16xi32>
        %swap3A_1706 = arith.index_cast %select_n3A_1642 : i32 to index
        %swap3A_1707 = arith.constant 32 : index
        %swap3A_1708 = tpu.vector_load %arg6[%swap3A_1706, %swap3A_1707] {strides = array<i32>} : memref<8x128xi32, #tpu.memory_space<vmem>>, vector<1x16xi32>,
        %swap3A_1709 = vector.shape_cast %swap3A_1708 : vector<1x16xi32> to vector<16xi32>
        %swap3A_1710 = vector.shape_cast %add3A_1705 : vector<16xi32> to vector<1x16xi32>
        tpu.vector_store %arg6[%swap3A_1706, %swap3A_1707], %swap3A_1710 {strides = array<i32>} : memref<8x128xi32, #tpu.memory_space<vmem>>, vector<1x16xi32>,
        %get3A_1711 = arith.constant 1 : i32
        %get3A_1712 = arith.index_cast %select_n3A_1642 : i32 to index
        %get3A_1713 = arith.index_cast %get3A_1711 : i32 to index
        %get3A_1714 = arith.constant 32 : index
        %get3A_1715 = tpu.vector_load %arg5[%get3A_1712, %get3A_1713, %get3A_1714] {strides = array<i32>} : memref<8x2x128xi32, #tpu.memory_space<vmem>>, vector<1x1x16xi32>,
        %get3A_1716 = vector.shape_cast %get3A_1715 : vector<1x1x16xi32> to vector<16xi32>
        %swap3A_1717 = arith.index_cast %select_n3A_1642 : i32 to index
        %swap3A_1718 = arith.constant 32 : index
        %swap3A_1719 = tpu.vector_load %arg7[%swap3A_1717, %swap3A_1718] {strides = array<i32>} : memref<8x128xi32, #tpu.memory_space<vmem>>, vector<1x16xi32>,
        %swap3A_1720 = vector.shape_cast %swap3A_1719 : vector<1x16xi32> to vector<16xi32>
        %swap3A_1721 = vector.shape_cast %get3A_1716 : vector<16xi32> to vector<1x16xi32>
        tpu.vector_store %arg7[%swap3A_1717, %swap3A_1718], %swap3A_1721 {strides = array<i32>} : memref<8x128xi32, #tpu.memory_space<vmem>>, vector<1x16xi32>,
        %get3A_1722 = arith.constant 0 : i32
        %get3A_1723 = arith.index_cast %select_n3A_1642 : i32 to index
        %get3A_1724 = arith.index_cast %get3A_1722 : i32 to index
        %get3A_1725 = arith.constant 48 : index
        %get3A_1726 = tpu.vector_load %arg5[%get3A_1723, %get3A_1724, %get3A_1725] {strides = array<i32>} : memref<8x2x128xi32, #tpu.memory_space<vmem>>, vector<1x1x16xi32>,
        %get3A_1727 = vector.shape_cast %get3A_1726 : vector<1x1x16xi32> to vector<16xi32>
        %mul3A_1728 = arith.constant 2 : i32
        %mul3A_1729 = vector.broadcast %mul3A_1728 : i32 to vector<16xi32>
        %mul3A_1730 = arith.muli %get3A_1727, %mul3A_1729 : vector<16xi32>
        %add3A_1731 = arith.addi %mul3A_1730, %broadcast_in_dim3A_1643 : vector<16xi32>
        %swap3A_1732 = arith.index_cast %select_n3A_1642 : i32 to index
        %swap3A_1733 = arith.constant 48 : index
        %swap3A_1734 = tpu.vector_load %arg6[%swap3A_1732, %swap3A_1733] {strides = array<i32>} : memref<8x128xi32, #tpu.memory_space<vmem>>, vector<1x16xi32>,
        %swap3A_1735 = vector.shape_cast %swap3A_1734 : vector<1x16xi32> to vector<16xi32>
        %swap3A_1736 = vector.shape_cast %add3A_1731 : vector<16xi32> to vector<1x16xi32>
        tpu.vector_store %arg6[%swap3A_1732, %swap3A_1733], %swap3A_1736 {strides = array<i32>} : memref<8x128xi32, #tpu.memory_space<vmem>>, vector<1x16xi32>,
        %get3A_1737 = arith.constant 1 : i32
        %get3A_1738 = arith.index_cast %select_n3A_1642 : i32 to index
        %get3A_1739 = arith.index_cast %get3A_1737 : i32 to index
        %get3A_1740 = arith.constant 48 : index
        %get3A_1741 = tpu.vector_load %arg5[%get3A_1738, %get3A_1739, %get3A_1740] {strides = array<i32>} : memref<8x2x128xi32, #tpu.memory_space<vmem>>, vector<1x1x16xi32>,
        %get3A_1742 = vector.shape_cast %get3A_1741 : vector<1x1x16xi32> to vector<16xi32>
        %swap3A_1743 = arith.index_cast %select_n3A_1642 : i32 to index
        %swap3A_1744 = arith.constant 48 : index
        %swap3A_1745 = tpu.vector_load %arg7[%swap3A_1743, %swap3A_1744] {strides = array<i32>} : memref<8x128xi32, #tpu.memory_space<vmem>>, vector<1x16xi32>,
        %swap3A_1746 = vector.shape_cast %swap3A_1745 : vector<1x16xi32> to vector<16xi32>
        %swap3A_1747 = vector.shape_cast %get3A_1742 : vector<16xi32> to vector<1x16xi32>
        tpu.vector_store %arg7[%swap3A_1743, %swap3A_1744], %swap3A_1747 {strides = array<i32>} : memref<8x128xi32, #tpu.memory_space<vmem>>, vector<1x16xi32>,
        %get3A_1748 = arith.constant 0 : i32
        %get3A_1749 = arith.index_cast %select_n3A_1642 : i32 to index
        %get3A_1750 = arith.index_cast %get3A_1748 : i32 to index
        %get3A_1751 = arith.constant 64 : index
        %get3A_1752 = tpu.vector_load %arg5[%get3A_1749, %get3A_1750, %get3A_1751] {strides = array<i32>} : memref<8x2x128xi32, #tpu.memory_space<vmem>>, vector<1x1x16xi32>,
        %get3A_1753 = vector.shape_cast %get3A_1752 : vector<1x1x16xi32> to vector<16xi32>
        %mul3A_1754 = arith.constant 2 : i32
        %mul3A_1755 = vector.broadcast %mul3A_1754 : i32 to vector<16xi32>
        %mul3A_1756 = arith.muli %get3A_1753, %mul3A_1755 : vector<16xi32>
        %add3A_1757 = arith.addi %mul3A_1756, %broadcast_in_dim3A_1643 : vector<16xi32>
        %swap3A_1758 = arith.index_cast %select_n3A_1642 : i32 to index
        %swap3A_1759 = arith.constant 64 : index
        %swap3A_1760 = tpu.vector_load %arg6[%swap3A_1758, %swap3A_1759] {strides = array<i32>} : memref<8x128xi32, #tpu.memory_space<vmem>>, vector<1x16xi32>,
        %swap3A_1761 = vector.shape_cast %swap3A_1760 : vector<1x16xi32> to vector<16xi32>
        %swap3A_1762 = vector.shape_cast %add3A_1757 : vector<16xi32> to vector<1x16xi32>
        tpu.vector_store %arg6[%swap3A_1758, %swap3A_1759], %swap3A_1762 {strides = array<i32>} : memref<8x128xi32, #tpu.memory_space<vmem>>, vector<1x16xi32>,
        %get3A_1763 = arith.constant 1 : i32
        %get3A_1764 = arith.index_cast %select_n3A_1642 : i32 to index
        %get3A_1765 = arith.index_cast %get3A_1763 : i32 to index
        %get3A_1766 = arith.constant 64 : index
        %get3A_1767 = tpu.vector_load %arg5[%get3A_1764, %get3A_1765, %get3A_1766] {strides = array<i32>} : memref<8x2x128xi32, #tpu.memory_space<vmem>>, vector<1x1x16xi32>,
        %get3A_1768 = vector.shape_cast %get3A_1767 : vector<1x1x16xi32> to vector<16xi32>
        %swap3A_1769 = arith.index_cast %select_n3A_1642 : i32 to index
        %swap3A_1770 = arith.constant 64 : index
        %swap3A_1771 = tpu.vector_load %arg7[%swap3A_1769, %swap3A_1770] {strides = array<i32>} : memref<8x128xi32, #tpu.memory_space<vmem>>, vector<1x16xi32>,
        %swap3A_1772 = vector.shape_cast %swap3A_1771 : vector<1x16xi32> to vector<16xi32>
        %swap3A_1773 = vector.shape_cast %get3A_1768 : vector<16xi32> to vector<1x16xi32>
        tpu.vector_store %arg7[%swap3A_1769, %swap3A_1770], %swap3A_1773 {strides = array<i32>} : memref<8x128xi32, #tpu.memory_space<vmem>>, vector<1x16xi32>,
        %get3A_1774 = arith.constant 0 : i32
        %get3A_1775 = arith.index_cast %select_n3A_1642 : i32 to index
        %get3A_1776 = arith.index_cast %get3A_1774 : i32 to index
        %get3A_1777 = arith.constant 80 : index
        %get3A_1778 = tpu.vector_load %arg5[%get3A_1775, %get3A_1776, %get3A_1777] {strides = array<i32>} : memref<8x2x128xi32, #tpu.memory_space<vmem>>, vector<1x1x16xi32>,
        %get3A_1779 = vector.shape_cast %get3A_1778 : vector<1x1x16xi32> to vector<16xi32>
        %mul3A_1780 = arith.constant 2 : i32
        %mul3A_1781 = vector.broadcast %mul3A_1780 : i32 to vector<16xi32>
        %mul3A_1782 = arith.muli %get3A_1779, %mul3A_1781 : vector<16xi32>
        %add3A_1783 = arith.addi %mul3A_1782, %broadcast_in_dim3A_1643 : vector<16xi32>
        %swap3A_1784 = arith.index_cast %select_n3A_1642 : i32 to index
        %swap3A_1785 = arith.constant 80 : index
        %swap3A_1786 = tpu.vector_load %arg6[%swap3A_1784, %swap3A_1785] {strides = array<i32>} : memref<8x128xi32, #tpu.memory_space<vmem>>, vector<1x16xi32>,
        %swap3A_1787 = vector.shape_cast %swap3A_1786 : vector<1x16xi32> to vector<16xi32>
        %swap3A_1788 = vector.shape_cast %add3A_1783 : vector<16xi32> to vector<1x16xi32>
        tpu.vector_store %arg6[%swap3A_1784, %swap3A_1785], %swap3A_1788 {strides = array<i32>} : memref<8x128xi32, #tpu.memory_space<vmem>>, vector<1x16xi32>,
        %get3A_1789 = arith.constant 1 : i32
        %get3A_1790 = arith.index_cast %select_n3A_1642 : i32 to index
        %get3A_1791 = arith.index_cast %get3A_1789 : i32 to index
        %get3A_1792 = arith.constant 80 : index
        %get3A_1793 = tpu.vector_load %arg5[%get3A_1790, %get3A_1791, %get3A_1792] {strides = array<i32>} : memref<8x2x128xi32, #tpu.memory_space<vmem>>, vector<1x1x16xi32>,
        %get3A_1794 = vector.shape_cast %get3A_1793 : vector<1x1x16xi32> to vector<16xi32>
        %swap3A_1795 = arith.index_cast %select_n3A_1642 : i32 to index
        %swap3A_1796 = arith.constant 80 : index
        %swap3A_1797 = tpu.vector_load %arg7[%swap3A_1795, %swap3A_1796] {strides = array<i32>} : memref<8x128xi32, #tpu.memory_space<vmem>>, vector<1x16xi32>,
        %swap3A_1798 = vector.shape_cast %swap3A_1797 : vector<1x16xi32> to vector<16xi32>
        %swap3A_1799 = vector.shape_cast %get3A_1794 : vector<16xi32> to vector<1x16xi32>
        tpu.vector_store %arg7[%swap3A_1795, %swap3A_1796], %swap3A_1799 {strides = array<i32>} : memref<8x128xi32, #tpu.memory_space<vmem>>, vector<1x16xi32>,
        %get3A_1800 = arith.constant 0 : i32
        %get3A_1801 = arith.index_cast %select_n3A_1642 : i32 to index
        %get3A_1802 = arith.index_cast %get3A_1800 : i32 to index
        %get3A_1803 = arith.constant 96 : index
        %get3A_1804 = tpu.vector_load %arg5[%get3A_1801, %get3A_1802, %get3A_1803] {strides = array<i32>} : memref<8x2x128xi32, #tpu.memory_space<vmem>>, vector<1x1x16xi32>,
        %get3A_1805 = vector.shape_cast %get3A_1804 : vector<1x1x16xi32> to vector<16xi32>
        %mul3A_1806 = arith.constant 2 : i32
        %mul3A_1807 = vector.broadcast %mul3A_1806 : i32 to vector<16xi32>
        %mul3A_1808 = arith.muli %get3A_1805, %mul3A_1807 : vector<16xi32>
        %add3A_1809 = arith.addi %mul3A_1808, %broadcast_in_dim3A_1643 : vector<16xi32>
        %swap3A_1810 = arith.index_cast %select_n3A_1642 : i32 to index
        %swap3A_1811 = arith.constant 96 : index
        %swap3A_1812 = tpu.vector_load %arg6[%swap3A_1810, %swap3A_1811] {strides = array<i32>} : memref<8x128xi32, #tpu.memory_space<vmem>>, vector<1x16xi32>,
        %swap3A_1813 = vector.shape_cast %swap3A_1812 : vector<1x16xi32> to vector<16xi32>
        %swap3A_1814 = vector.shape_cast %add3A_1809 : vector<16xi32> to vector<1x16xi32>
        tpu.vector_store %arg6[%swap3A_1810, %swap3A_1811], %swap3A_1814 {strides = array<i32>} : memref<8x128xi32, #tpu.memory_space<vmem>>, vector<1x16xi32>,
        %get3A_1815 = arith.constant 1 : i32
        %get3A_1816 = arith.index_cast %select_n3A_1642 : i32 to index
        %get3A_1817 = arith.index_cast %get3A_1815 : i32 to index
        %get3A_1818 = arith.constant 96 : index
        %get3A_1819 = tpu.vector_load %arg5[%get3A_1816, %get3A_1817, %get3A_1818] {strides = array<i32>} : memref<8x2x128xi32, #tpu.memory_space<vmem>>, vector<1x1x16xi32>,
        %get3A_1820 = vector.shape_cast %get3A_1819 : vector<1x1x16xi32> to vector<16xi32>
        %swap3A_1821 = arith.index_cast %select_n3A_1642 : i32 to index
        %swap3A_1822 = arith.constant 96 : index
        %swap3A_1823 = tpu.vector_load %arg7[%swap3A_1821, %swap3A_1822] {strides = array<i32>} : memref<8x128xi32, #tpu.memory_space<vmem>>, vector<1x16xi32>,
        %swap3A_1824 = vector.shape_cast %swap3A_1823 : vector<1x16xi32> to vector<16xi32>
        %swap3A_1825 = vector.shape_cast %get3A_1820 : vector<16xi32> to vector<1x16xi32>
        tpu.vector_store %arg7[%swap3A_1821, %swap3A_1822], %swap3A_1825 {strides = array<i32>} : memref<8x128xi32, #tpu.memory_space<vmem>>, vector<1x16xi32>,
        %get3A_1826 = arith.constant 0 : i32
        %get3A_1827 = arith.index_cast %select_n3A_1642 : i32 to index
        %get3A_1828 = arith.index_cast %get3A_1826 : i32 to index
        %get3A_1829 = arith.constant 112 : index
        %get3A_1830 = tpu.vector_load %arg5[%get3A_1827, %get3A_1828, %get3A_1829] {strides = array<i32>} : memref<8x2x128xi32, #tpu.memory_space<vmem>>, vector<1x1x16xi32>,
        %get3A_1831 = vector.shape_cast %get3A_1830 : vector<1x1x16xi32> to vector<16xi32>
        %mul3A_1832 = arith.constant 2 : i32
        %mul3A_1833 = vector.broadcast %mul3A_1832 : i32 to vector<16xi32>
        %mul3A_1834 = arith.muli %get3A_1831, %mul3A_1833 : vector<16xi32>
        %add3A_1835 = arith.addi %mul3A_1834, %broadcast_in_dim3A_1643 : vector<16xi32>
        %swap3A_1836 = arith.index_cast %select_n3A_1642 : i32 to index
        %swap3A_1837 = arith.constant 112 : index
        %swap3A_1838 = tpu.vector_load %arg6[%swap3A_1836, %swap3A_1837] {strides = array<i32>} : memref<8x128xi32, #tpu.memory_space<vmem>>, vector<1x16xi32>,
        %swap3A_1839 = vector.shape_cast %swap3A_1838 : vector<1x16xi32> to vector<16xi32>
        %swap3A_1840 = vector.shape_cast %add3A_1835 : vector<16xi32> to vector<1x16xi32>
        tpu.vector_store %arg6[%swap3A_1836, %swap3A_1837], %swap3A_1840 {strides = array<i32>} : memref<8x128xi32, #tpu.memory_space<vmem>>, vector<1x16xi32>,
        %get3A_1841 = arith.constant 1 : i32
        %get3A_1842 = arith.index_cast %select_n3A_1642 : i32 to index
        %get3A_1843 = arith.index_cast %get3A_1841 : i32 to index
        %get3A_1844 = arith.constant 112 : index
        %get3A_1845 = tpu.vector_load %arg5[%get3A_1842, %get3A_1843, %get3A_1844] {strides = array<i32>} : memref<8x2x128xi32, #tpu.memory_space<vmem>>, vector<1x1x16xi32>,
        %get3A_1846 = vector.shape_cast %get3A_1845 : vector<1x1x16xi32> to vector<16xi32>
        %swap3A_1847 = arith.index_cast %select_n3A_1642 : i32 to index
        %swap3A_1848 = arith.constant 112 : index
        %swap3A_1849 = tpu.vector_load %arg7[%swap3A_1847, %swap3A_1848] {strides = array<i32>} : memref<8x128xi32, #tpu.memory_space<vmem>>, vector<1x16xi32>,
        %swap3A_1850 = vector.shape_cast %swap3A_1849 : vector<1x16xi32> to vector<16xi32>
        %swap3A_1851 = vector.shape_cast %get3A_1846 : vector<16xi32> to vector<1x16xi32>
        tpu.vector_store %arg7[%swap3A_1847, %swap3A_1848], %swap3A_1851 {strides = array<i32>} : memref<8x128xi32, #tpu.memory_space<vmem>>, vector<1x16xi32>,
        %ge3A = arith.constant 2 : i32
        %ge3A_1852 = arith.cmpi sge, %add3A_1533, %ge3A : i32
        %convert_element_type3A_1853 = arith.extui %ge3A_1852 : i1 to i32
        %cond3A_1854 = arith.constant 0 : i32
        %cond3A_1855 = arith.cmpi ne, %convert_element_type3A_1853, %cond3A_1854 : i32
        scf.if %cond3A_1855 {
          %dma_wait3A_1880 = arith.constant 0 : i32
          %dma_wait3A_1881 = arith.constant 0 : i32
          %dma_wait3A_1882 = tpu.memref_slice %arg7[%dma_wait3A_1880, %dma_wait3A_1881] : memref<8x128xi32, #tpu.memory_space<vmem>> -> memref<1x128xi32, #tpu.memory_space<vmem>>
          %dma_wait3A_1883 = tpu.memref_squeeze %dma_wait3A_1882 : memref<1x128xi32, #tpu.memory_space<vmem>> -> memref<128xi32, #tpu.memory_space<vmem>>
          %dma_wait3A_1884 = arith.constant 0 : i32
          %dma_wait3A_1885 = arith.constant 0 : i32
          %dma_wait3A_1886 = tpu.memref_slice %arg14[%dma_wait3A_1884, %dma_wait3A_1885] : memref<10240x64xf32, #tpu.memory_space<vmem_shared>> -> memref<10240x64xf32, #tpu.memory_space<vmem_shared>>
          tpu.wait_indirect_dma semaphore(%arg30 : memref<!tpu.dma_semaphore, #tpu.memory_space<semaphore_mem>>) src(%arg11 : memref<128x64xf32, #tpu.memory_space<vmem>>) dst(%dma_wait3A_1886 : memref<10240x64xf32, #tpu.memory_space<vmem_shared>>)
        } else {
        }
        %add3A_1856 = arith.constant 4 : i32
        %add3A_1857 = arith.addi %add3A_1533, %add3A_1856 : i32
        %jit3A_1858 = arith.constant 8 : i32
        %eq3A_1859 = arith.constant 0 : i32
        %eq3A_1860 = arith.cmpi eq, %jit3A_1858, %eq3A_1859 : i32
        %jit3A_1861 = arith.constant 1 : i32
        %select_n3A_1862 = arith.select %eq3A_1860, %jit3A_1861, %jit3A_1858 : i32
        %rem3A_1863 = arith.remsi %add3A_1857, %select_n3A_1862 : i32
        %ne3A_1864 = arith.constant 0 : i32
        %ne3A_1865 = arith.cmpi ne, %rem3A_1863, %ne3A_1864 : i32
        %lt3A_1866 = arith.constant 0 : i32
        %lt3A_1867 = arith.cmpi slt, %rem3A_1863, %lt3A_1866 : i32
        %lt3A_1868 = arith.constant 0 : i32
        %lt3A_1869 = arith.cmpi slt, %select_n3A_1862, %lt3A_1868 : i32
        %ne3A_1870 = arith.xori %lt3A_1867, %lt3A_1869 : i1
        %and3A_1871 = arith.andi %ne3A_1870, %ne3A_1865 : i1
        %add3A_1872 = arith.addi %rem3A_1863, %select_n3A_1862 : i32
        %select_n3A_1873 = arith.select %and3A_1871, %add3A_1872, %rem3A_1863 : i32
        %dma_start3A_1874 = arith.constant 0 : i32
        %dma_start3A_1875 = tpu.memref_slice %arg6[%select_n3A_1873, %dma_start3A_1874] : memref<8x128xi32, #tpu.memory_space<vmem>> -> memref<1x128xi32, #tpu.memory_space<vmem>>
        %dma_start3A_1876 = tpu.memref_squeeze %dma_start3A_1875 : memref<1x128xi32, #tpu.memory_space<vmem>> -> memref<128xi32, #tpu.memory_space<vmem>>
        %dma_start3A_1877 = arith.constant 0 : i32
        %dma_start3A_1878 = arith.constant 0 : i32
        %dma_start3A_1879 = tpu.memref_slice %arg2[%dma_start3A_1877, %dma_start3A_1878] : memref<20000x64xf32, #tpu.memory_space<hbm>> -> memref<20000x64xf32, #tpu.memory_space<hbm>>
        tpu.enqueue_indirect_dma source(%dma_start3A_1879 : memref<20000x64xf32, #tpu.memory_space<hbm>>) target(%arg11 : memref<128x64xf32, #tpu.memory_space<vmem>>) offsets(%dma_start3A_1876 : memref<128xi32, #tpu.memory_space<vmem>>) semaphore(%arg24 : memref<!tpu.dma_semaphore, #tpu.memory_space<semaphore_mem>>)
      } else {
      }
      %add3A_1585 = arith.constant 6 : i32
      %add3A_1586 = arith.addi %add3A_1533, %add3A_1585 : i32
      %lt3A_1587 = arith.constant 156 : i32
      %lt3A_1588 = arith.cmpi slt, %add3A_1586, %lt3A_1587 : i32
      %convert_element_type3A_1589 = arith.extui %lt3A_1588 : i1 to i32
      %cond3A_1590 = arith.constant 0 : i32
      %cond3A_1591 = arith.cmpi ne, %convert_element_type3A_1589, %cond3A_1590 : i32
      scf.if %cond3A_1591 {
        %add3A_1592 = arith.constant 6 : i32
        %add3A_1593 = arith.addi %add3A_1533, %add3A_1592 : i32
        %mul3A_1594 = arith.constant 128 : i32
        %mul3A_1595 = arith.muli %add3A_1593, %mul3A_1594 : i32
        %add3A_1596 = arith.addi %mul3A_0, %mul3A_1595 : i32
        %jit3A_1597 = arith.constant 8 : i32
        %eq3A_1598 = arith.constant 0 : i32
        %eq3A_1599 = arith.cmpi eq, %jit3A_1597, %eq3A_1598 : i32
        %jit3A_1600 = arith.constant 1 : i32
        %select_n3A_1601 = arith.select %eq3A_1599, %jit3A_1600, %jit3A_1597 : i32
        %rem3A_1602 = arith.remsi %add3A_1593, %select_n3A_1601 : i32
        %ne3A_1603 = arith.constant 0 : i32
        %ne3A_1604 = arith.cmpi ne, %rem3A_1602, %ne3A_1603 : i32
        %lt3A_1605 = arith.constant 0 : i32
        %lt3A_1606 = arith.cmpi slt, %rem3A_1602, %lt3A_1605 : i32
        %lt3A_1607 = arith.constant 0 : i32
        %lt3A_1608 = arith.cmpi slt, %select_n3A_1601, %lt3A_1607 : i32
        %ne3A_1609 = arith.xori %lt3A_1606, %lt3A_1608 : i1
        %and3A_1610 = arith.andi %ne3A_1609, %ne3A_1604 : i1
        %add3A_1611 = arith.addi %rem3A_1602, %select_n3A_1601 : i32
        %select_n3A_1612 = arith.select %and3A_1610, %add3A_1611, %rem3A_1602 : i32
        %dma_start3A_1613 = arith.constant 0 : i32
        %dma_start3A_1614 = arith.constant 0 : i32
        %dma_start3A_1615 = tpu.memref_slice %arg5[%select_n3A_1612, %dma_start3A_1613, %dma_start3A_1614] : memref<8x2x128xi32, #tpu.memory_space<vmem>> -> memref<1x2x128xi32, #tpu.memory_space<vmem>>
        %dma_start3A_1616 = tpu.memref_squeeze %dma_start3A_1615 : memref<1x2x128xi32, #tpu.memory_space<vmem>> -> memref<2x128xi32, #tpu.memory_space<vmem>>
        %dma_start3A_1617 = arith.constant 0 : i32
        %dma_start3A_1618 = tpu.memref_slice %arg3[%dma_start3A_1617, %add3A_1596] : memref<2x320000xi32, #tpu.memory_space<hbm>> -> memref<2x128xi32, #tpu.memory_space<hbm>>
        %dma_start3A_1619 = arith.constant 0 : i32
        %dma_start3A_1620 = arith.constant 0 : i32
        %dma_start3A_1621 = tpu.memref_slice %arg5[%select_n3A_1612, %dma_start3A_1619, %dma_start3A_1620] : memref<8x2x128xi32, #tpu.memory_space<vmem>> -> memref<1x2x128xi32, #tpu.memory_space<vmem>>
        %dma_start3A_1622 = tpu.memref_squeeze %dma_start3A_1621 : memref<1x2x128xi32, #tpu.memory_space<vmem>> -> memref<2x128xi32, #tpu.memory_space<vmem>>
        %dma_start3A_1623 = arith.constant 0 : i32
        %dma_start3A_1624 = tpu.memref_slice %arg3[%dma_start3A_1623, %add3A_1596] : memref<2x320000xi32, #tpu.memory_space<hbm>> -> memref<2x128xi32, #tpu.memory_space<hbm>>
        tpu.enqueue_dma source(%dma_start3A_1624 : memref<2x128xi32, #tpu.memory_space<hbm>>) target(%dma_start3A_1622 : memref<2x128xi32, #tpu.memory_space<vmem>>) target_semaphore(%arg20 : memref<!tpu.dma_semaphore, #tpu.memory_space<semaphore_mem>>)
      } else {
      }
    }
    %scan3A_1167 = arith.constant 26 : i32
    %dma_wait3A_1168 = arith.constant 0 : i32
    %dma_wait3A_1169 = arith.constant 0 : i32
    %dma_wait3A_1170 = tpu.memref_slice %arg7[%dma_wait3A_1168, %dma_wait3A_1169] : memref<8x128xi32, #tpu.memory_space<vmem>> -> memref<1x128xi32, #tpu.memory_space<vmem>>
    %dma_wait3A_1171 = tpu.memref_squeeze %dma_wait3A_1170 : memref<1x128xi32, #tpu.memory_space<vmem>> -> memref<128xi32, #tpu.memory_space<vmem>>
    %dma_wait3A_1172 = arith.constant 0 : i32
    %dma_wait3A_1173 = arith.constant 0 : i32
    %dma_wait3A_1174 = tpu.memref_slice %arg14[%dma_wait3A_1172, %dma_wait3A_1173] : memref<10240x64xf32, #tpu.memory_space<vmem_shared>> -> memref<10240x64xf32, #tpu.memory_space<vmem_shared>>
    tpu.wait_indirect_dma semaphore(%arg27 : memref<!tpu.dma_semaphore, #tpu.memory_space<semaphore_mem>>) src(%arg8 : memref<128x64xf32, #tpu.memory_space<vmem>>) dst(%dma_wait3A_1174 : memref<10240x64xf32, #tpu.memory_space<vmem_shared>>)
    %dma_wait3A_1175 = arith.constant 0 : i32
    %dma_wait3A_1176 = arith.constant 0 : i32
    %dma_wait3A_1177 = tpu.memref_slice %arg7[%dma_wait3A_1175, %dma_wait3A_1176] : memref<8x128xi32, #tpu.memory_space<vmem>> -> memref<1x128xi32, #tpu.memory_space<vmem>>
    %dma_wait3A_1178 = tpu.memref_squeeze %dma_wait3A_1177 : memref<1x128xi32, #tpu.memory_space<vmem>> -> memref<128xi32, #tpu.memory_space<vmem>>
    %dma_wait3A_1179 = arith.constant 0 : i32
    %dma_wait3A_1180 = arith.constant 0 : i32
    %dma_wait3A_1181 = tpu.memref_slice %arg14[%dma_wait3A_1179, %dma_wait3A_1180] : memref<10240x64xf32, #tpu.memory_space<vmem_shared>> -> memref<10240x64xf32, #tpu.memory_space<vmem_shared>>
    tpu.wait_indirect_dma semaphore(%arg28 : memref<!tpu.dma_semaphore, #tpu.memory_space<semaphore_mem>>) src(%arg9 : memref<128x64xf32, #tpu.memory_space<vmem>>) dst(%dma_wait3A_1181 : memref<10240x64xf32, #tpu.memory_space<vmem_shared>>)
    %dma_wait3A_1182 = arith.constant 0 : i32
    %dma_wait3A_1183 = arith.constant 0 : i32
    %dma_wait3A_1184 = tpu.memref_slice %arg7[%dma_wait3A_1182, %dma_wait3A_1183] : memref<8x128xi32, #tpu.memory_space<vmem>> -> memref<1x128xi32, #tpu.memory_space<vmem>>
    %dma_wait3A_1185 = tpu.memref_squeeze %dma_wait3A_1184 : memref<1x128xi32, #tpu.memory_space<vmem>> -> memref<128xi32, #tpu.memory_space<vmem>>
    %dma_wait3A_1186 = arith.constant 0 : i32
    %dma_wait3A_1187 = arith.constant 0 : i32
    %dma_wait3A_1188 = tpu.memref_slice %arg14[%dma_wait3A_1186, %dma_wait3A_1187] : memref<10240x64xf32, #tpu.memory_space<vmem_shared>> -> memref<10240x64xf32, #tpu.memory_space<vmem_shared>>
    tpu.wait_indirect_dma semaphore(%arg29 : memref<!tpu.dma_semaphore, #tpu.memory_space<semaphore_mem>>) src(%arg10 : memref<128x64xf32, #tpu.memory_space<vmem>>) dst(%dma_wait3A_1188 : memref<10240x64xf32, #tpu.memory_space<vmem_shared>>)
    %dma_wait3A_1189 = arith.constant 0 : i32
    %dma_wait3A_1190 = arith.constant 0 : i32
    %dma_wait3A_1191 = tpu.memref_slice %arg7[%dma_wait3A_1189, %dma_wait3A_1190] : memref<8x128xi32, #tpu.memory_space<vmem>> -> memref<1x128xi32, #tpu.memory_space<vmem>>
    %dma_wait3A_1192 = tpu.memref_squeeze %dma_wait3A_1191 : memref<1x128xi32, #tpu.memory_space<vmem>> -> memref<128xi32, #tpu.memory_space<vmem>>
    %dma_wait3A_1193 = arith.constant 0 : i32
    %dma_wait3A_1194 = arith.constant 0 : i32
    %dma_wait3A_1195 = tpu.memref_slice %arg14[%dma_wait3A_1193, %dma_wait3A_1194] : memref<10240x64xf32, #tpu.memory_space<vmem_shared>> -> memref<10240x64xf32, #tpu.memory_space<vmem_shared>>
    tpu.wait_indirect_dma semaphore(%arg30 : memref<!tpu.dma_semaphore, #tpu.memory_space<semaphore_mem>>) src(%arg11 : memref<128x64xf32, #tpu.memory_space<vmem>>) dst(%dma_wait3A_1195 : memref<10240x64xf32, #tpu.memory_space<vmem_shared>>)
    %dma_wait3A_1196 = arith.constant 0 : i32
    %dma_wait3A_1197 = arith.constant 0 : i32
    %dma_wait3A_1198 = tpu.memref_slice %arg7[%dma_wait3A_1196, %dma_wait3A_1197] : memref<8x128xi32, #tpu.memory_space<vmem>> -> memref<1x128xi32, #tpu.memory_space<vmem>>
    %dma_wait3A_1199 = tpu.memref_squeeze %dma_wait3A_1198 : memref<1x128xi32, #tpu.memory_space<vmem>> -> memref<128xi32, #tpu.memory_space<vmem>>
    %dma_wait3A_1200 = arith.constant 0 : i32
    %dma_wait3A_1201 = arith.constant 0 : i32
    %dma_wait3A_1202 = tpu.memref_slice %arg14[%dma_wait3A_1200, %dma_wait3A_1201] : memref<10240x64xf32, #tpu.memory_space<vmem_shared>> -> memref<10240x64xf32, #tpu.memory_space<vmem_shared>>
    tpu.wait_indirect_dma semaphore(%arg31 : memref<!tpu.dma_semaphore, #tpu.memory_space<semaphore_mem>>) src(%arg12 : memref<128x64xf32, #tpu.memory_space<vmem>>) dst(%dma_wait3A_1202 : memref<10240x64xf32, #tpu.memory_space<vmem_shared>>)
    %dma_wait3A_1203 = arith.constant 0 : i32
    %dma_wait3A_1204 = arith.constant 0 : i32
    %dma_wait3A_1205 = tpu.memref_slice %arg7[%dma_wait3A_1203, %dma_wait3A_1204] : memref<8x128xi32, #tpu.memory_space<vmem>> -> memref<1x128xi32, #tpu.memory_space<vmem>>
    %dma_wait3A_1206 = tpu.memref_squeeze %dma_wait3A_1205 : memref<1x128xi32, #tpu.memory_space<vmem>> -> memref<128xi32, #tpu.memory_space<vmem>>
    %dma_wait3A_1207 = arith.constant 0 : i32
    %dma_wait3A_1208 = arith.constant 0 : i32
    %dma_wait3A_1209 = tpu.memref_slice %arg14[%dma_wait3A_1207, %dma_wait3A_1208] : memref<10240x64xf32, #tpu.memory_space<vmem_shared>> -> memref<10240x64xf32, #tpu.memory_space<vmem_shared>>
    tpu.wait_indirect_dma semaphore(%arg32 : memref<!tpu.dma_semaphore, #tpu.memory_space<semaphore_mem>>) src(%arg13 : memref<128x64xf32, #tpu.memory_space<vmem>>) dst(%dma_wait3A_1209 : memref<10240x64xf32, #tpu.memory_space<vmem_shared>>)
    %lt3A = arith.constant 4 : i32
    %lt3A_1210 = arith.cmpi slt, %arg1, %lt3A : i32
    %convert_element_type3A = arith.extui %lt3A_1210 : i1 to i32
    %cond3A = arith.constant 0 : i32
    %cond3A_1211 = arith.cmpi ne, %convert_element_type3A, %cond3A : i32
    scf.if %cond3A_1211 {
      %mul3A_1224 = arith.constant 128 : i32
      %mul3A_1225 = arith.muli %arg1, %mul3A_1224 : i32
      %add3A_1226 = arith.constant 319488 : i32
      %add3A_1227 = arith.addi %add3A_1226, %mul3A_1225 : i32
      %run_scoped3A = arith.constant 0 : i32
      "tpu.region"() ({
        %run_scoped3A_1484 = tpu.sem_alloc : memref<!tpu.dma_semaphore, #tpu.memory_space<semaphore_mem>>
        %dma_start3A_1485 = arith.constant 0 : i32
        %dma_start3A_1486 = arith.constant 0 : i32
        %dma_start3A_1487 = tpu.memref_slice %arg5[%run_scoped3A, %dma_start3A_1485, %dma_start3A_1486] : memref<8x2x128xi32, #tpu.memory_space<vmem>> -> memref<1x2x128xi32, #tpu.memory_space<vmem>>
        %dma_start3A_1488 = tpu.memref_squeeze %dma_start3A_1487 : memref<1x2x128xi32, #tpu.memory_space<vmem>> -> memref<2x128xi32, #tpu.memory_space<vmem>>
        %dma_start3A_1489 = arith.constant 0 : i32
        %dma_start3A_1490 = tpu.memref_slice %arg3[%dma_start3A_1489, %add3A_1227] : memref<2x320000xi32, #tpu.memory_space<hbm>> -> memref<2x128xi32, #tpu.memory_space<hbm>>
        %dma_start3A_1491 = arith.constant 0 : i32
        %dma_start3A_1492 = arith.constant 0 : i32
        %dma_start3A_1493 = tpu.memref_slice %arg5[%run_scoped3A, %dma_start3A_1491, %dma_start3A_1492] : memref<8x2x128xi32, #tpu.memory_space<vmem>> -> memref<1x2x128xi32, #tpu.memory_space<vmem>>
        %dma_start3A_1494 = tpu.memref_squeeze %dma_start3A_1493 : memref<1x2x128xi32, #tpu.memory_space<vmem>> -> memref<2x128xi32, #tpu.memory_space<vmem>>
        %dma_start3A_1495 = arith.constant 0 : i32
        %dma_start3A_1496 = tpu.memref_slice %arg3[%dma_start3A_1495, %add3A_1227] : memref<2x320000xi32, #tpu.memory_space<hbm>> -> memref<2x128xi32, #tpu.memory_space<hbm>>
        tpu.enqueue_dma source(%dma_start3A_1496 : memref<2x128xi32, #tpu.memory_space<hbm>>) target(%dma_start3A_1494 : memref<2x128xi32, #tpu.memory_space<vmem>>) target_semaphore(%run_scoped3A_1484 : memref<!tpu.dma_semaphore, #tpu.memory_space<semaphore_mem>>)
        %dma_wait3A_1497 = arith.constant 0 : i32
        %dma_wait3A_1498 = arith.constant 0 : i32
        %dma_wait3A_1499 = tpu.memref_slice %arg5[%run_scoped3A, %dma_wait3A_1497, %dma_wait3A_1498] : memref<8x2x128xi32, #tpu.memory_space<vmem>> -> memref<1x2x128xi32, #tpu.memory_space<vmem>>
        %dma_wait3A_1500 = tpu.memref_squeeze %dma_wait3A_1499 : memref<1x2x128xi32, #tpu.memory_space<vmem>> -> memref<2x128xi32, #tpu.memory_space<vmem>>
        %dma_wait3A_1501 = arith.constant 0 : i32
        %dma_wait3A_1502 = tpu.memref_slice %arg3[%dma_wait3A_1501, %add3A_1227] : memref<2x320000xi32, #tpu.memory_space<hbm>> -> memref<2x128xi32, #tpu.memory_space<hbm>>
        %dma_wait3A_1503 = arith.constant 0 : i32
        %dma_wait3A_1504 = arith.constant 0 : i32
        %dma_wait3A_1505 = tpu.memref_slice %arg5[%run_scoped3A, %dma_wait3A_1503, %dma_wait3A_1504] : memref<8x2x128xi32, #tpu.memory_space<vmem>> -> memref<1x2x128xi32, #tpu.memory_space<vmem>>
        %dma_wait3A_1506 = tpu.memref_squeeze %dma_wait3A_1505 : memref<1x2x128xi32, #tpu.memory_space<vmem>> -> memref<2x128xi32, #tpu.memory_space<vmem>>
        %dma_wait3A_1507 = arith.constant 0 : i32
        %dma_wait3A_1508 = tpu.memref_slice %arg3[%dma_wait3A_1507, %add3A_1227] : memref<2x320000xi32, #tpu.memory_space<hbm>> -> memref<2x128xi32, #tpu.memory_space<hbm>>
        tpu.wait_dma2 semaphore(%run_scoped3A_1484 : memref<!tpu.dma_semaphore, #tpu.memory_space<semaphore_mem>>) src(%dma_wait3A_1508 : memref<2x128xi32, #tpu.memory_space<hbm>>) dst(%dma_wait3A_1506 : memref<2x128xi32, #tpu.memory_space<vmem>>)
        tpu.yield
      }) : () -> ()
      %broadcast_in_dim3A_1228 = vector.broadcast %arg0 : i32 to vector<16xi32>
      %get3A_1229 = arith.constant 0 : i32
      %get3A_1230 = arith.constant 0 : i32
      %get3A_1231 = arith.index_cast %get3A_1229 : i32 to index
      %get3A_1232 = arith.index_cast %get3A_1230 : i32 to index
      %get3A_1233 = arith.constant 0 : index
      %get3A_1234 = tpu.vector_load %arg5[%get3A_1231, %get3A_1232, %get3A_1233] {strides = array<i32>} : memref<8x2x128xi32, #tpu.memory_space<vmem>>, vector<1x1x16xi32>,
      %get3A_1235 = vector.shape_cast %get3A_1234 : vector<1x1x16xi32> to vector<16xi32>
      %mul3A_1236 = arith.constant 2 : i32
      %mul3A_1237 = vector.broadcast %mul3A_1236 : i32 to vector<16xi32>
      %mul3A_1238 = arith.muli %get3A_1235, %mul3A_1237 : vector<16xi32>
      %add3A_1239 = arith.addi %mul3A_1238, %broadcast_in_dim3A_1228 : vector<16xi32>
      %swap3A_1240 = arith.constant 0 : i32
      %swap3A_1241 = arith.index_cast %swap3A_1240 : i32 to index
      %swap3A_1242 = arith.constant 0 : index
      %swap3A_1243 = tpu.vector_load %arg6[%swap3A_1241, %swap3A_1242] {strides = array<i32>} : memref<8x128xi32, #tpu.memory_space<vmem>>, vector<1x16xi32>,
      %swap3A_1244 = vector.shape_cast %swap3A_1243 : vector<1x16xi32> to vector<16xi32>
      %swap3A_1245 = vector.shape_cast %add3A_1239 : vector<16xi32> to vector<1x16xi32>
      tpu.vector_store %arg6[%swap3A_1241, %swap3A_1242], %swap3A_1245 {strides = array<i32>} : memref<8x128xi32, #tpu.memory_space<vmem>>, vector<1x16xi32>,
      %get3A_1246 = arith.constant 0 : i32
      %get3A_1247 = arith.constant 1 : i32
      %get3A_1248 = arith.index_cast %get3A_1246 : i32 to index
      %get3A_1249 = arith.index_cast %get3A_1247 : i32 to index
      %get3A_1250 = arith.constant 0 : index
      %get3A_1251 = tpu.vector_load %arg5[%get3A_1248, %get3A_1249, %get3A_1250] {strides = array<i32>} : memref<8x2x128xi32, #tpu.memory_space<vmem>>, vector<1x1x16xi32>,
      %get3A_1252 = vector.shape_cast %get3A_1251 : vector<1x1x16xi32> to vector<16xi32>
      %swap3A_1253 = arith.constant 0 : i32
      %swap3A_1254 = arith.index_cast %swap3A_1253 : i32 to index
      %swap3A_1255 = arith.constant 0 : index
      %swap3A_1256 = tpu.vector_load %arg7[%swap3A_1254, %swap3A_1255] {strides = array<i32>} : memref<8x128xi32, #tpu.memory_space<vmem>>, vector<1x16xi32>,
      %swap3A_1257 = vector.shape_cast %swap3A_1256 : vector<1x16xi32> to vector<16xi32>
      %swap3A_1258 = vector.shape_cast %get3A_1252 : vector<16xi32> to vector<1x16xi32>
      tpu.vector_store %arg7[%swap3A_1254, %swap3A_1255], %swap3A_1258 {strides = array<i32>} : memref<8x128xi32, #tpu.memory_space<vmem>>, vector<1x16xi32>,
      %get3A_1259 = arith.constant 0 : i32
      %get3A_1260 = arith.constant 0 : i32
      %get3A_1261 = arith.index_cast %get3A_1259 : i32 to index
      %get3A_1262 = arith.index_cast %get3A_1260 : i32 to index
      %get3A_1263 = arith.constant 16 : index
      %get3A_1264 = tpu.vector_load %arg5[%get3A_1261, %get3A_1262, %get3A_1263] {strides = array<i32>} : memref<8x2x128xi32, #tpu.memory_space<vmem>>, vector<1x1x16xi32>,
      %get3A_1265 = vector.shape_cast %get3A_1264 : vector<1x1x16xi32> to vector<16xi32>
      %mul3A_1266 = arith.constant 2 : i32
      %mul3A_1267 = vector.broadcast %mul3A_1266 : i32 to vector<16xi32>
      %mul3A_1268 = arith.muli %get3A_1265, %mul3A_1267 : vector<16xi32>
      %add3A_1269 = arith.addi %mul3A_1268, %broadcast_in_dim3A_1228 : vector<16xi32>
      %swap3A_1270 = arith.constant 0 : i32
      %swap3A_1271 = arith.index_cast %swap3A_1270 : i32 to index
      %swap3A_1272 = arith.constant 16 : index
      %swap3A_1273 = tpu.vector_load %arg6[%swap3A_1271, %swap3A_1272] {strides = array<i32>} : memref<8x128xi32, #tpu.memory_space<vmem>>, vector<1x16xi32>,
      %swap3A_1274 = vector.shape_cast %swap3A_1273 : vector<1x16xi32> to vector<16xi32>
      %swap3A_1275 = vector.shape_cast %add3A_1269 : vector<16xi32> to vector<1x16xi32>
      tpu.vector_store %arg6[%swap3A_1271, %swap3A_1272], %swap3A_1275 {strides = array<i32>} : memref<8x128xi32, #tpu.memory_space<vmem>>, vector<1x16xi32>,
      %get3A_1276 = arith.constant 0 : i32
      %get3A_1277 = arith.constant 1 : i32
      %get3A_1278 = arith.index_cast %get3A_1276 : i32 to index
      %get3A_1279 = arith.index_cast %get3A_1277 : i32 to index
      %get3A_1280 = arith.constant 16 : index
      %get3A_1281 = tpu.vector_load %arg5[%get3A_1278, %get3A_1279, %get3A_1280] {strides = array<i32>} : memref<8x2x128xi32, #tpu.memory_space<vmem>>, vector<1x1x16xi32>,
      %get3A_1282 = vector.shape_cast %get3A_1281 : vector<1x1x16xi32> to vector<16xi32>
      %swap3A_1283 = arith.constant 0 : i32
      %swap3A_1284 = arith.index_cast %swap3A_1283 : i32 to index
      %swap3A_1285 = arith.constant 16 : index
      %swap3A_1286 = tpu.vector_load %arg7[%swap3A_1284, %swap3A_1285] {strides = array<i32>} : memref<8x128xi32, #tpu.memory_space<vmem>>, vector<1x16xi32>,
      %swap3A_1287 = vector.shape_cast %swap3A_1286 : vector<1x16xi32> to vector<16xi32>
      %swap3A_1288 = vector.shape_cast %get3A_1282 : vector<16xi32> to vector<1x16xi32>
      tpu.vector_store %arg7[%swap3A_1284, %swap3A_1285], %swap3A_1288 {strides = array<i32>} : memref<8x128xi32, #tpu.memory_space<vmem>>, vector<1x16xi32>,
      %get3A_1289 = arith.constant 0 : i32
      %get3A_1290 = arith.constant 0 : i32
      %get3A_1291 = arith.index_cast %get3A_1289 : i32 to index
      %get3A_1292 = arith.index_cast %get3A_1290 : i32 to index
      %get3A_1293 = arith.constant 32 : index
      %get3A_1294 = tpu.vector_load %arg5[%get3A_1291, %get3A_1292, %get3A_1293] {strides = array<i32>} : memref<8x2x128xi32, #tpu.memory_space<vmem>>, vector<1x1x16xi32>,
      %get3A_1295 = vector.shape_cast %get3A_1294 : vector<1x1x16xi32> to vector<16xi32>
      %mul3A_1296 = arith.constant 2 : i32
      %mul3A_1297 = vector.broadcast %mul3A_1296 : i32 to vector<16xi32>
      %mul3A_1298 = arith.muli %get3A_1295, %mul3A_1297 : vector<16xi32>
      %add3A_1299 = arith.addi %mul3A_1298, %broadcast_in_dim3A_1228 : vector<16xi32>
      %swap3A_1300 = arith.constant 0 : i32
      %swap3A_1301 = arith.index_cast %swap3A_1300 : i32 to index
      %swap3A_1302 = arith.constant 32 : index
      %swap3A_1303 = tpu.vector_load %arg6[%swap3A_1301, %swap3A_1302] {strides = array<i32>} : memref<8x128xi32, #tpu.memory_space<vmem>>, vector<1x16xi32>,
      %swap3A_1304 = vector.shape_cast %swap3A_1303 : vector<1x16xi32> to vector<16xi32>
      %swap3A_1305 = vector.shape_cast %add3A_1299 : vector<16xi32> to vector<1x16xi32>
      tpu.vector_store %arg6[%swap3A_1301, %swap3A_1302], %swap3A_1305 {strides = array<i32>} : memref<8x128xi32, #tpu.memory_space<vmem>>, vector<1x16xi32>,
      %get3A_1306 = arith.constant 0 : i32
      %get3A_1307 = arith.constant 1 : i32
      %get3A_1308 = arith.index_cast %get3A_1306 : i32 to index
      %get3A_1309 = arith.index_cast %get3A_1307 : i32 to index
      %get3A_1310 = arith.constant 32 : index
      %get3A_1311 = tpu.vector_load %arg5[%get3A_1308, %get3A_1309, %get3A_1310] {strides = array<i32>} : memref<8x2x128xi32, #tpu.memory_space<vmem>>, vector<1x1x16xi32>,
      %get3A_1312 = vector.shape_cast %get3A_1311 : vector<1x1x16xi32> to vector<16xi32>
      %swap3A_1313 = arith.constant 0 : i32
      %swap3A_1314 = arith.index_cast %swap3A_1313 : i32 to index
      %swap3A_1315 = arith.constant 32 : index
      %swap3A_1316 = tpu.vector_load %arg7[%swap3A_1314, %swap3A_1315] {strides = array<i32>} : memref<8x128xi32, #tpu.memory_space<vmem>>, vector<1x16xi32>,
      %swap3A_1317 = vector.shape_cast %swap3A_1316 : vector<1x16xi32> to vector<16xi32>
      %swap3A_1318 = vector.shape_cast %get3A_1312 : vector<16xi32> to vector<1x16xi32>
      tpu.vector_store %arg7[%swap3A_1314, %swap3A_1315], %swap3A_1318 {strides = array<i32>} : memref<8x128xi32, #tpu.memory_space<vmem>>, vector<1x16xi32>,
      %get3A_1319 = arith.constant 0 : i32
      %get3A_1320 = arith.constant 0 : i32
      %get3A_1321 = arith.index_cast %get3A_1319 : i32 to index
      %get3A_1322 = arith.index_cast %get3A_1320 : i32 to index
      %get3A_1323 = arith.constant 48 : index
      %get3A_1324 = tpu.vector_load %arg5[%get3A_1321, %get3A_1322, %get3A_1323] {strides = array<i32>} : memref<8x2x128xi32, #tpu.memory_space<vmem>>, vector<1x1x16xi32>,
      %get3A_1325 = vector.shape_cast %get3A_1324 : vector<1x1x16xi32> to vector<16xi32>
      %mul3A_1326 = arith.constant 2 : i32
      %mul3A_1327 = vector.broadcast %mul3A_1326 : i32 to vector<16xi32>
      %mul3A_1328 = arith.muli %get3A_1325, %mul3A_1327 : vector<16xi32>
      %add3A_1329 = arith.addi %mul3A_1328, %broadcast_in_dim3A_1228 : vector<16xi32>
      %swap3A_1330 = arith.constant 0 : i32
      %swap3A_1331 = arith.index_cast %swap3A_1330 : i32 to index
      %swap3A_1332 = arith.constant 48 : index
      %swap3A_1333 = tpu.vector_load %arg6[%swap3A_1331, %swap3A_1332] {strides = array<i32>} : memref<8x128xi32, #tpu.memory_space<vmem>>, vector<1x16xi32>,
      %swap3A_1334 = vector.shape_cast %swap3A_1333 : vector<1x16xi32> to vector<16xi32>
      %swap3A_1335 = vector.shape_cast %add3A_1329 : vector<16xi32> to vector<1x16xi32>
      tpu.vector_store %arg6[%swap3A_1331, %swap3A_1332], %swap3A_1335 {strides = array<i32>} : memref<8x128xi32, #tpu.memory_space<vmem>>, vector<1x16xi32>,
      %get3A_1336 = arith.constant 0 : i32
      %get3A_1337 = arith.constant 1 : i32
      %get3A_1338 = arith.index_cast %get3A_1336 : i32 to index
      %get3A_1339 = arith.index_cast %get3A_1337 : i32 to index
      %get3A_1340 = arith.constant 48 : index
      %get3A_1341 = tpu.vector_load %arg5[%get3A_1338, %get3A_1339, %get3A_1340] {strides = array<i32>} : memref<8x2x128xi32, #tpu.memory_space<vmem>>, vector<1x1x16xi32>,
      %get3A_1342 = vector.shape_cast %get3A_1341 : vector<1x1x16xi32> to vector<16xi32>
      %swap3A_1343 = arith.constant 0 : i32
      %swap3A_1344 = arith.index_cast %swap3A_1343 : i32 to index
      %swap3A_1345 = arith.constant 48 : index
      %swap3A_1346 = tpu.vector_load %arg7[%swap3A_1344, %swap3A_1345] {strides = array<i32>} : memref<8x128xi32, #tpu.memory_space<vmem>>, vector<1x16xi32>,
      %swap3A_1347 = vector.shape_cast %swap3A_1346 : vector<1x16xi32> to vector<16xi32>
      %swap3A_1348 = vector.shape_cast %get3A_1342 : vector<16xi32> to vector<1x16xi32>
      tpu.vector_store %arg7[%swap3A_1344, %swap3A_1345], %swap3A_1348 {strides = array<i32>} : memref<8x128xi32, #tpu.memory_space<vmem>>, vector<1x16xi32>,
      %get3A_1349 = arith.constant 0 : i32
      %get3A_1350 = arith.constant 0 : i32
      %get3A_1351 = arith.index_cast %get3A_1349 : i32 to index
      %get3A_1352 = arith.index_cast %get3A_1350 : i32 to index
      %get3A_1353 = arith.constant 64 : index
      %get3A_1354 = tpu.vector_load %arg5[%get3A_1351, %get3A_1352, %get3A_1353] {strides = array<i32>} : memref<8x2x128xi32, #tpu.memory_space<vmem>>, vector<1x1x16xi32>,
      %get3A_1355 = vector.shape_cast %get3A_1354 : vector<1x1x16xi32> to vector<16xi32>
      %mul3A_1356 = arith.constant 2 : i32
      %mul3A_1357 = vector.broadcast %mul3A_1356 : i32 to vector<16xi32>
      %mul3A_1358 = arith.muli %get3A_1355, %mul3A_1357 : vector<16xi32>
      %add3A_1359 = arith.addi %mul3A_1358, %broadcast_in_dim3A_1228 : vector<16xi32>
      %swap3A_1360 = arith.constant 0 : i32
      %swap3A_1361 = arith.index_cast %swap3A_1360 : i32 to index
      %swap3A_1362 = arith.constant 64 : index
      %swap3A_1363 = tpu.vector_load %arg6[%swap3A_1361, %swap3A_1362] {strides = array<i32>} : memref<8x128xi32, #tpu.memory_space<vmem>>, vector<1x16xi32>,
      %swap3A_1364 = vector.shape_cast %swap3A_1363 : vector<1x16xi32> to vector<16xi32>
      %swap3A_1365 = vector.shape_cast %add3A_1359 : vector<16xi32> to vector<1x16xi32>
      tpu.vector_store %arg6[%swap3A_1361, %swap3A_1362], %swap3A_1365 {strides = array<i32>} : memref<8x128xi32, #tpu.memory_space<vmem>>, vector<1x16xi32>,
      %get3A_1366 = arith.constant 0 : i32
      %get3A_1367 = arith.constant 1 : i32
      %get3A_1368 = arith.index_cast %get3A_1366 : i32 to index
      %get3A_1369 = arith.index_cast %get3A_1367 : i32 to index
      %get3A_1370 = arith.constant 64 : index
      %get3A_1371 = tpu.vector_load %arg5[%get3A_1368, %get3A_1369, %get3A_1370] {strides = array<i32>} : memref<8x2x128xi32, #tpu.memory_space<vmem>>, vector<1x1x16xi32>,
      %get3A_1372 = vector.shape_cast %get3A_1371 : vector<1x1x16xi32> to vector<16xi32>
      %swap3A_1373 = arith.constant 0 : i32
      %swap3A_1374 = arith.index_cast %swap3A_1373 : i32 to index
      %swap3A_1375 = arith.constant 64 : index
      %swap3A_1376 = tpu.vector_load %arg7[%swap3A_1374, %swap3A_1375] {strides = array<i32>} : memref<8x128xi32, #tpu.memory_space<vmem>>, vector<1x16xi32>,
      %swap3A_1377 = vector.shape_cast %swap3A_1376 : vector<1x16xi32> to vector<16xi32>
      %swap3A_1378 = vector.shape_cast %get3A_1372 : vector<16xi32> to vector<1x16xi32>
      tpu.vector_store %arg7[%swap3A_1374, %swap3A_1375], %swap3A_1378 {strides = array<i32>} : memref<8x128xi32, #tpu.memory_space<vmem>>, vector<1x16xi32>,
      %get3A_1379 = arith.constant 0 : i32
      %get3A_1380 = arith.constant 0 : i32
      %get3A_1381 = arith.index_cast %get3A_1379 : i32 to index
      %get3A_1382 = arith.index_cast %get3A_1380 : i32 to index
      %get3A_1383 = arith.constant 80 : index
      %get3A_1384 = tpu.vector_load %arg5[%get3A_1381, %get3A_1382, %get3A_1383] {strides = array<i32>} : memref<8x2x128xi32, #tpu.memory_space<vmem>>, vector<1x1x16xi32>,
      %get3A_1385 = vector.shape_cast %get3A_1384 : vector<1x1x16xi32> to vector<16xi32>
      %mul3A_1386 = arith.constant 2 : i32
      %mul3A_1387 = vector.broadcast %mul3A_1386 : i32 to vector<16xi32>
      %mul3A_1388 = arith.muli %get3A_1385, %mul3A_1387 : vector<16xi32>
      %add3A_1389 = arith.addi %mul3A_1388, %broadcast_in_dim3A_1228 : vector<16xi32>
      %swap3A_1390 = arith.constant 0 : i32
      %swap3A_1391 = arith.index_cast %swap3A_1390 : i32 to index
      %swap3A_1392 = arith.constant 80 : index
      %swap3A_1393 = tpu.vector_load %arg6[%swap3A_1391, %swap3A_1392] {strides = array<i32>} : memref<8x128xi32, #tpu.memory_space<vmem>>, vector<1x16xi32>,
      %swap3A_1394 = vector.shape_cast %swap3A_1393 : vector<1x16xi32> to vector<16xi32>
      %swap3A_1395 = vector.shape_cast %add3A_1389 : vector<16xi32> to vector<1x16xi32>
      tpu.vector_store %arg6[%swap3A_1391, %swap3A_1392], %swap3A_1395 {strides = array<i32>} : memref<8x128xi32, #tpu.memory_space<vmem>>, vector<1x16xi32>,
      %get3A_1396 = arith.constant 0 : i32
      %get3A_1397 = arith.constant 1 : i32
      %get3A_1398 = arith.index_cast %get3A_1396 : i32 to index
      %get3A_1399 = arith.index_cast %get3A_1397 : i32 to index
      %get3A_1400 = arith.constant 80 : index
      %get3A_1401 = tpu.vector_load %arg5[%get3A_1398, %get3A_1399, %get3A_1400] {strides = array<i32>} : memref<8x2x128xi32, #tpu.memory_space<vmem>>, vector<1x1x16xi32>,
      %get3A_1402 = vector.shape_cast %get3A_1401 : vector<1x1x16xi32> to vector<16xi32>
      %swap3A_1403 = arith.constant 0 : i32
      %swap3A_1404 = arith.index_cast %swap3A_1403 : i32 to index
      %swap3A_1405 = arith.constant 80 : index
      %swap3A_1406 = tpu.vector_load %arg7[%swap3A_1404, %swap3A_1405] {strides = array<i32>} : memref<8x128xi32, #tpu.memory_space<vmem>>, vector<1x16xi32>,
      %swap3A_1407 = vector.shape_cast %swap3A_1406 : vector<1x16xi32> to vector<16xi32>
      %swap3A_1408 = vector.shape_cast %get3A_1402 : vector<16xi32> to vector<1x16xi32>
      tpu.vector_store %arg7[%swap3A_1404, %swap3A_1405], %swap3A_1408 {strides = array<i32>} : memref<8x128xi32, #tpu.memory_space<vmem>>, vector<1x16xi32>,
      %get3A_1409 = arith.constant 0 : i32
      %get3A_1410 = arith.constant 0 : i32
      %get3A_1411 = arith.index_cast %get3A_1409 : i32 to index
      %get3A_1412 = arith.index_cast %get3A_1410 : i32 to index
      %get3A_1413 = arith.constant 96 : index
      %get3A_1414 = tpu.vector_load %arg5[%get3A_1411, %get3A_1412, %get3A_1413] {strides = array<i32>} : memref<8x2x128xi32, #tpu.memory_space<vmem>>, vector<1x1x16xi32>,
      %get3A_1415 = vector.shape_cast %get3A_1414 : vector<1x1x16xi32> to vector<16xi32>
      %mul3A_1416 = arith.constant 2 : i32
      %mul3A_1417 = vector.broadcast %mul3A_1416 : i32 to vector<16xi32>
      %mul3A_1418 = arith.muli %get3A_1415, %mul3A_1417 : vector<16xi32>
      %add3A_1419 = arith.addi %mul3A_1418, %broadcast_in_dim3A_1228 : vector<16xi32>
      %swap3A_1420 = arith.constant 0 : i32
      %swap3A_1421 = arith.index_cast %swap3A_1420 : i32 to index
      %swap3A_1422 = arith.constant 96 : index
      %swap3A_1423 = tpu.vector_load %arg6[%swap3A_1421, %swap3A_1422] {strides = array<i32>} : memref<8x128xi32, #tpu.memory_space<vmem>>, vector<1x16xi32>,
      %swap3A_1424 = vector.shape_cast %swap3A_1423 : vector<1x16xi32> to vector<16xi32>
      %swap3A_1425 = vector.shape_cast %add3A_1419 : vector<16xi32> to vector<1x16xi32>
      tpu.vector_store %arg6[%swap3A_1421, %swap3A_1422], %swap3A_1425 {strides = array<i32>} : memref<8x128xi32, #tpu.memory_space<vmem>>, vector<1x16xi32>,
      %get3A_1426 = arith.constant 0 : i32
      %get3A_1427 = arith.constant 1 : i32
      %get3A_1428 = arith.index_cast %get3A_1426 : i32 to index
      %get3A_1429 = arith.index_cast %get3A_1427 : i32 to index
      %get3A_1430 = arith.constant 96 : index
      %get3A_1431 = tpu.vector_load %arg5[%get3A_1428, %get3A_1429, %get3A_1430] {strides = array<i32>} : memref<8x2x128xi32, #tpu.memory_space<vmem>>, vector<1x1x16xi32>,
      %get3A_1432 = vector.shape_cast %get3A_1431 : vector<1x1x16xi32> to vector<16xi32>
      %swap3A_1433 = arith.constant 0 : i32
      %swap3A_1434 = arith.index_cast %swap3A_1433 : i32 to index
      %swap3A_1435 = arith.constant 96 : index
      %swap3A_1436 = tpu.vector_load %arg7[%swap3A_1434, %swap3A_1435] {strides = array<i32>} : memref<8x128xi32, #tpu.memory_space<vmem>>, vector<1x16xi32>,
      %swap3A_1437 = vector.shape_cast %swap3A_1436 : vector<1x16xi32> to vector<16xi32>
      %swap3A_1438 = vector.shape_cast %get3A_1432 : vector<16xi32> to vector<1x16xi32>
      tpu.vector_store %arg7[%swap3A_1434, %swap3A_1435], %swap3A_1438 {strides = array<i32>} : memref<8x128xi32, #tpu.memory_space<vmem>>, vector<1x16xi32>,
      %get3A_1439 = arith.constant 0 : i32
      %get3A_1440 = arith.constant 0 : i32
      %get3A_1441 = arith.index_cast %get3A_1439 : i32 to index
      %get3A_1442 = arith.index_cast %get3A_1440 : i32 to index
      %get3A_1443 = arith.constant 112 : index
      %get3A_1444 = tpu.vector_load %arg5[%get3A_1441, %get3A_1442, %get3A_1443] {strides = array<i32>} : memref<8x2x128xi32, #tpu.memory_space<vmem>>, vector<1x1x16xi32>,
      %get3A_1445 = vector.shape_cast %get3A_1444 : vector<1x1x16xi32> to vector<16xi32>
      %mul3A_1446 = arith.constant 2 : i32
      %mul3A_1447 = vector.broadcast %mul3A_1446 : i32 to vector<16xi32>
      %mul3A_1448 = arith.muli %get3A_1445, %mul3A_1447 : vector<16xi32>
      %add3A_1449 = arith.addi %mul3A_1448, %broadcast_in_dim3A_1228 : vector<16xi32>
      %swap3A_1450 = arith.constant 0 : i32
      %swap3A_1451 = arith.index_cast %swap3A_1450 : i32 to index
      %swap3A_1452 = arith.constant 112 : index
      %swap3A_1453 = tpu.vector_load %arg6[%swap3A_1451, %swap3A_1452] {strides = array<i32>} : memref<8x128xi32, #tpu.memory_space<vmem>>, vector<1x16xi32>,
      %swap3A_1454 = vector.shape_cast %swap3A_1453 : vector<1x16xi32> to vector<16xi32>
      %swap3A_1455 = vector.shape_cast %add3A_1449 : vector<16xi32> to vector<1x16xi32>
      tpu.vector_store %arg6[%swap3A_1451, %swap3A_1452], %swap3A_1455 {strides = array<i32>} : memref<8x128xi32, #tpu.memory_space<vmem>>, vector<1x16xi32>,
      %get3A_1456 = arith.constant 0 : i32
      %get3A_1457 = arith.constant 1 : i32
      %get3A_1458 = arith.index_cast %get3A_1456 : i32 to index
      %get3A_1459 = arith.index_cast %get3A_1457 : i32 to index
      %get3A_1460 = arith.constant 112 : index
      %get3A_1461 = tpu.vector_load %arg5[%get3A_1458, %get3A_1459, %get3A_1460] {strides = array<i32>} : memref<8x2x128xi32, #tpu.memory_space<vmem>>, vector<1x1x16xi32>,
      %get3A_1462 = vector.shape_cast %get3A_1461 : vector<1x1x16xi32> to vector<16xi32>
      %swap3A_1463 = arith.constant 0 : i32
      %swap3A_1464 = arith.index_cast %swap3A_1463 : i32 to index
      %swap3A_1465 = arith.constant 112 : index
      %swap3A_1466 = tpu.vector_load %arg7[%swap3A_1464, %swap3A_1465] {strides = array<i32>} : memref<8x128xi32, #tpu.memory_space<vmem>>, vector<1x16xi32>,
      %swap3A_1467 = vector.shape_cast %swap3A_1466 : vector<1x16xi32> to vector<16xi32>
      %swap3A_1468 = vector.shape_cast %get3A_1462 : vector<16xi32> to vector<1x16xi32>
      tpu.vector_store %arg7[%swap3A_1464, %swap3A_1465], %swap3A_1468 {strides = array<i32>} : memref<8x128xi32, #tpu.memory_space<vmem>>, vector<1x16xi32>,
      %dma_start3A_1469 = arith.constant 0 : i32
      %dma_start3A_1470 = arith.constant 0 : i32
      %dma_start3A_1471 = tpu.memref_slice %arg6[%dma_start3A_1469, %dma_start3A_1470] : memref<8x128xi32, #tpu.memory_space<vmem>> -> memref<1x128xi32, #tpu.memory_space<vmem>>
      %dma_start3A_1472 = tpu.memref_squeeze %dma_start3A_1471 : memref<1x128xi32, #tpu.memory_space<vmem>> -> memref<128xi32, #tpu.memory_space<vmem>>
      %dma_start3A_1473 = arith.constant 0 : i32
      %dma_start3A_1474 = arith.constant 0 : i32
      %dma_start3A_1475 = tpu.memref_slice %arg2[%dma_start3A_1473, %dma_start3A_1474] : memref<20000x64xf32, #tpu.memory_space<hbm>> -> memref<20000x64xf32, #tpu.memory_space<hbm>>
      tpu.enqueue_indirect_dma source(%dma_start3A_1475 : memref<20000x64xf32, #tpu.memory_space<hbm>>) target(%arg8 : memref<128x64xf32, #tpu.memory_space<vmem>>) offsets(%dma_start3A_1472 : memref<128xi32, #tpu.memory_space<vmem>>) semaphore(%arg21 : memref<!tpu.dma_semaphore, #tpu.memory_space<semaphore_mem>>)
      %dma_wait3A_1476 = arith.constant 0 : i32
      %dma_wait3A_1477 = arith.constant 0 : i32
      %dma_wait3A_1478 = tpu.memref_slice %arg6[%dma_wait3A_1476, %dma_wait3A_1477] : memref<8x128xi32, #tpu.memory_space<vmem>> -> memref<1x128xi32, #tpu.memory_space<vmem>>
      %dma_wait3A_1479 = tpu.memref_squeeze %dma_wait3A_1478 : memref<1x128xi32, #tpu.memory_space<vmem>> -> memref<128xi32, #tpu.memory_space<vmem>>
      %dma_wait3A_1480 = arith.constant 0 : i32
      %dma_wait3A_1481 = arith.constant 0 : i32
      %dma_wait3A_1482 = tpu.memref_slice %arg2[%dma_wait3A_1480, %dma_wait3A_1481] : memref<20000x64xf32, #tpu.memory_space<hbm>> -> memref<20000x64xf32, #tpu.memory_space<hbm>>
      tpu.wait_indirect_dma semaphore(%arg21 : memref<!tpu.dma_semaphore, #tpu.memory_space<semaphore_mem>>) src(%dma_wait3A_1482 : memref<20000x64xf32, #tpu.memory_space<hbm>>) dst(%arg8 : memref<128x64xf32, #tpu.memory_space<vmem>>)
      %run_scoped3A_1483 = arith.constant 0 : i32
      "tpu.region"() ({
        %run_scoped3A_1484 = tpu.sem_alloc : memref<!tpu.dma_semaphore, #tpu.memory_space<semaphore_mem>>
        %dma_start3A_1485 = arith.constant 0 : i32
        %dma_start3A_1486 = tpu.memref_slice %arg7[%run_scoped3A_1483, %dma_start3A_1485] : memref<8x128xi32, #tpu.memory_space<vmem>> -> memref<1x128xi32, #tpu.memory_space<vmem>>
        %dma_start3A_1487 = tpu.memref_squeeze %dma_start3A_1486 : memref<1x128xi32, #tpu.memory_space<vmem>> -> memref<128xi32, #tpu.memory_space<vmem>>
        %dma_start3A_1488 = arith.constant 0 : i32
        %dma_start3A_1489 = arith.constant 0 : i32
        %dma_start3A_1490 = tpu.memref_slice %arg14[%dma_start3A_1488, %dma_start3A_1489] : memref<10240x64xf32, #tpu.memory_space<vmem_shared>> -> memref<10240x64xf32, #tpu.memory_space<vmem_shared>>
        tpu.enqueue_indirect_dma source(%arg8 : memref<128x64xf32, #tpu.memory_space<vmem>>) target(%dma_start3A_1490 : memref<10240x64xf32, #tpu.memory_space<vmem_shared>>) offsets(%dma_start3A_1487 : memref<128xi32, #tpu.memory_space<vmem>>) semaphore(%run_scoped3A_1484 : memref<!tpu.dma_semaphore, #tpu.memory_space<semaphore_mem>>) {add = true}
        %dma_wait3A_1491 = arith.constant 0 : i32
        %dma_wait3A_1492 = tpu.memref_slice %arg7[%run_scoped3A_1483, %dma_wait3A_1491] : memref<8x128xi32, #tpu.memory_space<vmem>> -> memref<1x128xi32, #tpu.memory_space<vmem>>
        %dma_wait3A_1493 = tpu.memref_squeeze %dma_wait3A_1492 : memref<1x128xi32, #tpu.memory_space<vmem>> -> memref<128xi32, #tpu.memory_space<vmem>>
        %dma_wait3A_1494 = arith.constant 0 : i32
        %dma_wait3A_1495 = arith.constant 0 : i32
        %dma_wait3A_1496 = tpu.memref_slice %arg14[%dma_wait3A_1494, %dma_wait3A_1495] : memref<10240x64xf32, #tpu.memory_space<vmem_shared>> -> memref<10240x64xf32, #tpu.memory_space<vmem_shared>>
        tpu.wait_indirect_dma semaphore(%run_scoped3A_1484 : memref<!tpu.dma_semaphore, #tpu.memory_space<semaphore_mem>>) src(%arg8 : memref<128x64xf32, #tpu.memory_space<vmem>>) dst(%dma_wait3A_1496 : memref<10240x64xf32, #tpu.memory_space<vmem_shared>>)
        tpu.yield
      }) : () -> ()
    } else {
    }
    %barrier3A_1212 = arith.constant 0 : index
    tpu.barrier barrier_id(%barrier3A_1212)
    %mul3A_1213 = arith.constant 640 : i32
    %mul3A_1214 = arith.muli %arg1, %mul3A_1213 : i32
    %lt3A_1215 = arith.constant 15 : i32
    %lt3A_1216 = arith.cmpi slt, %arg1, %lt3A_1215 : i32
    %convert_element_type3A_1217 = arith.extui %lt3A_1216 : i1 to i32
    %cond3A_1218 = arith.constant 0 : i32
    %cond3A_1219 = arith.cmpi ne, %convert_element_type3A_1217, %cond3A_1218 : i32
    scf.if %cond3A_1219 {
      %mul3A_1224 = arith.constant 64 : i32
      %mul3A_1225 = arith.muli %arg0, %mul3A_1224 : i32
      "tpu.region"() ({
        %run_scoped3A = tpu.sem_alloc : memref<!tpu.dma_semaphore, #tpu.memory_space<semaphore_mem>>
        %dma_start3A_1226 = tpu.memref_slice %arg4[%mul3A_1214, %mul3A_1225] : memref<10000x128xf32, #tpu.memory_space<hbm>> -> memref<640x64xf32, #tpu.memory_space<hbm>>
        %dma_start3A_1227 = arith.constant 0 : i32
        %dma_start3A_1228 = tpu.memref_slice %arg14[%mul3A_1214, %dma_start3A_1227] : memref<10240x64xf32, #tpu.memory_space<vmem_shared>> -> memref<640x64xf32, #tpu.memory_space<vmem_shared>>
        tpu.enqueue_dma source(%dma_start3A_1228 : memref<640x64xf32, #tpu.memory_space<vmem_shared>>) target(%dma_start3A_1226 : memref<640x64xf32, #tpu.memory_space<hbm>>) target_semaphore(%run_scoped3A : memref<!tpu.dma_semaphore, #tpu.memory_space<semaphore_mem>>)
        %dma_wait3A_1229 = tpu.memref_slice %arg4[%mul3A_1214, %mul3A_1225] : memref<10000x128xf32, #tpu.memory_space<hbm>> -> memref<640x64xf32, #tpu.memory_space<hbm>>
        %dma_wait3A_1230 = arith.constant 0 : i32
        %dma_wait3A_1231 = tpu.memref_slice %arg14[%mul3A_1214, %dma_wait3A_1230] : memref<10240x64xf32, #tpu.memory_space<vmem_shared>> -> memref<640x64xf32, #tpu.memory_space<vmem_shared>>
        tpu.wait_dma2 semaphore(%run_scoped3A : memref<!tpu.dma_semaphore, #tpu.memory_space<semaphore_mem>>) src(%dma_wait3A_1231 : memref<640x64xf32, #tpu.memory_space<vmem_shared>>) dst(%dma_wait3A_1229 : memref<640x64xf32, #tpu.memory_space<hbm>>)
        tpu.yield
      }) : () -> ()
    } else {
    }
    %eq3A = arith.constant 15 : i32
    %eq3A_1220 = arith.cmpi eq, %arg1, %eq3A : i32
    %convert_element_type3A_1221 = arith.extui %eq3A_1220 : i1 to i32
    %cond3A_1222 = arith.constant 0 : i32
    %cond3A_1223 = arith.cmpi ne, %convert_element_type3A_1221, %cond3A_1222 : i32
    scf.if %cond3A_1223 {
      %mul3A_1224 = arith.constant 64 : i32
      %mul3A_1225 = arith.muli %arg0, %mul3A_1224 : i32
      "tpu.region"() ({
        %run_scoped3A = tpu.sem_alloc : memref<!tpu.dma_semaphore, #tpu.memory_space<semaphore_mem>>
        %dma_start3A_1226 = arith.constant 9600 : i32
        %dma_start3A_1227 = tpu.memref_slice %arg4[%dma_start3A_1226, %mul3A_1225] : memref<10000x128xf32, #tpu.memory_space<hbm>> -> memref<400x64xf32, #tpu.memory_space<hbm>>
        %dma_start3A_1228 = arith.constant 9600 : i32
        %dma_start3A_1229 = arith.constant 0 : i32
        %dma_start3A_1230 = tpu.memref_slice %arg14[%dma_start3A_1228, %dma_start3A_1229] : memref<10240x64xf32, #tpu.memory_space<vmem_shared>> -> memref<400x64xf32, #tpu.memory_space<vmem_shared>>
        tpu.enqueue_dma source(%dma_start3A_1230 : memref<400x64xf32, #tpu.memory_space<vmem_shared>>) target(%dma_start3A_1227 : memref<400x64xf32, #tpu.memory_space<hbm>>) target_semaphore(%run_scoped3A : memref<!tpu.dma_semaphore, #tpu.memory_space<semaphore_mem>>)
        %dma_wait3A_1231 = arith.constant 9600 : i32
        %dma_wait3A_1232 = tpu.memref_slice %arg4[%dma_wait3A_1231, %mul3A_1225] : memref<10000x128xf32, #tpu.memory_space<hbm>> -> memref<400x64xf32, #tpu.memory_space<hbm>>
        %dma_wait3A_1233 = arith.constant 9600 : i32
        %dma_wait3A_1234 = arith.constant 0 : i32
        %dma_wait3A_1235 = tpu.memref_slice %arg14[%dma_wait3A_1233, %dma_wait3A_1234] : memref<10240x64xf32, #tpu.memory_space<vmem_shared>> -> memref<400x64xf32, #tpu.memory_space<vmem_shared>>
        tpu.wait_dma2 semaphore(%run_scoped3A : memref<!tpu.dma_semaphore, #tpu.memory_space<semaphore_mem>>) src(%dma_wait3A_1235 : memref<400x64xf32, #tpu.memory_space<vmem_shared>>) dst(%dma_wait3A_1232 : memref<400x64xf32, #tpu.memory_space<hbm>>)
        tpu.yield
      }) : () -> ()
    } else {
    }
    return
  }
}

</mosaic_0001>

<sc_bundles>
// kernel: kernel.3.cloned.1.call-start
scs
__scs_entry_jumppad:
0x0: {  	(pc) =	sbr.rel $0x88, $3  }
0x1: {  	(tag) =	ssettag $0x0;
	lr =	simm.s32 $0x1  }
0x2: {  	[smem:$0x3F9F] =	sst lr;
	_ =	strace $0xD0000000  }
0x3: {  	_ = 	snop  }
0x4: {  	_ = 	snop  }
0x5: {  	_ = 	snop  }
0x6: {  	_ = 	snop  }
0x7: {  	_ = 	snop  }
__scs_overlays_trampoline_lowered:
0x8: {  	[smem:$0x3FAE] =	sst s0  }
0x9: {  	[smem:$0x3FAF] =	sst s1  }
0xa: {  	[smem:$0x3FB0] =	sst s2  }
0xb: {  	[smem:$0x3FB1] =	sst s3  }
0xc: {  	[smem:$0x3FB2] =	sst s4  }
0xd: {  	[smem:$0x3FB3] =	sst s5  }
0xe: {  	[smem:$0x3FB4] =	sst s6  }
0xf: {  	[smem:$0x3FB5] =	sst s7  }
0x10: {  	[smem:$0x3FB6] =	sst s8  }
0x11: {  	[smem:$0x3FB7] =	sst s9;
	s0 =	simm.s32 @!p0 $0x0  }
0x12: {  	s1 =	sld [smem:$0x3F9D];
	s0 =	simm.s32 @p0 $0x1  }
0x13: {  	[smem:$0x3FB8] =	sst s0;
	s0 =	simm.s32 @!p1 $0x0  }
0x14: {  	s2 =	sld [smem:$0x3F9C];
	s0 =	simm.s32 @p1 $0x1  }
0x15: {  	[smem:$0x3FB9] =	sst s0;
	s0 =	simm.s32 @!p2 $0x0  }
0x16: {  	s3 =	sld [smem:$0x3FDB];
	s0 =	simm.s32 @p2 $0x1  }
0x17: {  	s4 =	simm.s32 $0x1BF5;
	[smem:$0x3FBB] =	sst s0  }
0x18: {  	s0 =	sld [smem:$0x3F9E];
	_ =	swait.ge [sflag:s4], $0x0  }
0x19: {  	s7 =	sld [smem:$0x3F9F]  }
0x1a: {  	s8 =	sadd.s32 $0xFFFFE003, lr  }
0x1b: {  	s9 =	sadd.s32 $0xFFFFFEF7, lr;
	s5 =	simm.s32 $0xFFFFFFFF;
	p2 =	slt.u32 s8, $0xFFFFF086  }
0x1c: {  	p1 =	slt.u32 s9, $0xF7A;
	s5 =	simm.s32 @!p2 $0x0  }
0x1d: {  	s5 =	simm.s32 @p1 $0x1;
	p0 =	seq.s32 s7, s2  }
0x1e: {  	s7 =	smul.u32 @!p0 $0xF7A, s2;
	p2 =	seq.s32 @!p0 s5, $0x0  }
0x1f: {  	s9 =	smul.u32 $0xF7A, s1;
	s8 =	simm.s32 @!p0 $0x1BF5;
	p2 =	por !p2, p0  }
0x20: {  	[sflag:s8] =	ssyncset.s32 @!p0 $0xFFFFF086;
	s6 =	sadd.s32 @!p0 s3, s7;
	s7 =	simm.s32 @!p0 $0x108  }
0x21: {  	s3 =	sadd.s32 s3, s9;
	s6 =	sadd.s32 @!p0 $0x88, s6;
	s7 =	simm.s32 @p2 $0x1082  }
0x22: {  	[simem:s7], [sflag:s8] =	dma.local @!p0 [hbm:s6], $0xF7A  }
0x23: {  	s9 =	sor.u32 $0xD0000000, s2;
	s6 =	simm.s32 $0x108;
	_ =	swait.ge @!p0 [sflag:s8], $0x0  }
0x24: {  	s3 =	sadd.s32 $0x88, s3;
	s6 =	simm.s32 @!p1 $0x1082;
	[sflag:s4] =	ssyncset.s32 $0xFFFFF086  }
0x25: {  	[simem:s6], [sflag:s4] =	dma.local [hbm:s3], $0xF7A  }
0x26: {  	[smem:$0x3F9F] =	sst s1;
	(tag) =	ssettag s2;
	_ =	strace s9  }
0x27: {  	s1 =	sld [smem:$0x3FAF]  }
0x28: {  	s2 =	sld [smem:$0x3FB0]  }
0x29: {  	s4 =	sld [smem:$0x3FB2]  }
0x2a: {  	p0 =	seq.s32 s5, $0x0;
	s5 =	sld [smem:$0x3FB3]  }
0x2b: {  	s6 =	sld [smem:$0x3FB4]  }
0x2c: {  	s7 =	sld [smem:$0x3FB5]  }
0x2d: {  	s3 =	simm.s32 $0x108;
	s8 =	sld [smem:$0x3FB6]  }
0x2e: {  	s3 =	simm.s32 @!p0 $0x1082;
	s9 =	sld [smem:$0x3FB7]  }
0x2f: {  	lr =	sadd.s32 s0, s3;
	s0 =	sld [smem:$0x3FAE]  }
0x30: {  	s3 =	sld [smem:$0x3FB1]  }
0x31: {  	[smem:$0x3FBA] =	sst s10  }
0x32: {  	s10 =	sld [smem:$0x3FB8];
	_ =	sdelay $0x3  }
0x33: {  	p0 =	seq.s32 s10, $0x1;
	s10 =	sld [smem:$0x3FBA];
	_ =	sdelay $0x3  }
0x34: {  	[smem:$0x3FBA] =	sst s10  }
0x35: {  	s10 =	sld [smem:$0x3FB9];
	_ =	sdelay $0x3  }
0x36: {  	p1 =	seq.s32 s10, $0x1;
	s10 =	sld [smem:$0x3FBA];
	_ =	sdelay $0x3  }
0x37: {  	[smem:$0x3FBA] =	sst s10  }
0x38: {  	s10 =	sld [smem:$0x3FBB]  }
0x39: {  	_ = 	snop;
	(pc) =	sbr.ind lr, $3  }
0x3a: {  	_ = 	snop  }
0x3b: {  	_ = 	snop  }
0x3c: {  	p2 =	seq.s32 s10, $0x1;
	s10 =	sld [smem:$0x3FBA]  }
0x3d: {  	_ =	shalt  }
0x3e: {  	_ =	shalt  }
0x3f: {  	_ =	shalt  }
0x40: {  	_ =	shalt  }
0x41: {  	_ =	shalt  }
0x42: {  	_ =	shalt  }
0x43: {  	_ =	shalt  }
0x44: {  	_ =	shalt  }
0x45: {  	_ =	shalt  }
0x46: {  	_ =	shalt  }
0x47: {  	_ =	shalt  }
0x48: {  	_ =	shalt  }
0x49: {  	_ =	shalt  }
0x4a: {  	_ =	shalt  }
0x4b: {  	_ =	shalt  }
0x4c: {  	_ =	shalt  }
0x4d: {  	_ =	shalt  }
0x4e: {  	_ =	shalt  }
0x4f: {  	_ =	shalt  }
0x50: {  	_ =	shalt  }
0x51: {  	_ =	shalt  }
0x52: {  	_ =	shalt  }
0x53: {  	_ =	shalt  }
0x54: {  	_ =	shalt  }
0x55: {  	_ =	shalt  }
0x56: {  	_ =	shalt  }
0x57: {  	_ =	shalt  }
0x58: {  	_ =	shalt  }
0x59: {  	_ =	shalt  }
0x5a: {  	_ =	shalt  }
0x5b: {  	_ =	shalt  }
0x5c: {  	_ =	shalt  }
0x5d: {  	_ =	shalt  }
0x5e: {  	_ =	shalt  }
0x5f: {  	_ =	shalt  }
0x60: {  	_ =	shalt  }
0x61: {  	_ =	shalt  }
0x62: {  	_ =	shalt  }
0x63: {  	_ =	shalt  }
0x64: {  	_ =	shalt  }
0x65: {  	_ =	shalt  }
0x66: {  	_ =	shalt  }
0x67: {  	_ =	shalt  }
0x68: {  	_ =	shalt  }
0x69: {  	_ =	shalt  }
0x6a: {  	_ =	shalt  }
0x6b: {  	_ =	shalt  }
0x6c: {  	_ =	shalt  }
0x6d: {  	_ =	shalt  }
0x6e: {  	_ =	shalt  }
0x6f: {  	_ =	shalt  }
0x70: {  	_ =	shalt  }
0x71: {  	_ =	shalt  }
0x72: {  	_ =	shalt  }
0x73: {  	_ =	shalt  }
0x74: {  	_ =	shalt  }
0x75: {  	_ =	shalt  }
0x76: {  	_ =	shalt  }
0x77: {  	_ =	shalt  }
0x78: {  	_ =	shalt  }
0x79: {  	_ =	shalt  }
0x7a: {  	_ =	shalt  }
0x7b: {  	_ =	shalt  }
0x7c: {  	_ =	shalt  }
0x7d: {  	_ =	shalt  }
0x7e: {  	_ =	shalt  }
0x7f: {  	_ =	shalt  }
0x80: {  	_ =	shalt  }
0x81: {  	_ =	shalt  }
0x82: {  	_ =	shalt  }
0x83: {  	_ =	shalt  }
0x84: {  	_ =	shalt  }
0x85: {  	_ =	shalt  }
0x86: {  	_ =	shalt  }
0x87: {  	_ =	shalt  }
.Lfunc_end0:
.L_simem_size_0:
called_computation_lowered:
.L_overlay_start_0:
0x88: {  	s2 =	sld [smem:$0x3FD9]  }
0x89: {  	s3 =	sld [smem:$0x3FFE];
	_ =	sdelay $0x1  }
0x8a: {  	s1 =	srdreg.scid  }
0x8b: {  	s0 =	sand.u32 $0x1, s1  }
0x8c: {  	s17 =	sshll.u32 s0, $0xA;
	s2 =	sadd.s32 s3, s2  }
0x8d: {  	s2 =	sadd.s32 s2, s17  }
0x8e: {  	[smem:$0x3FC6] =	sst s2  }
0x8f: {  	_ = 	snop  }
0x90: {  	s2 =	sld [smem:$0x3FC9]  }
0x91: {  	s18 =	sld [smem:$0x3FD0];
	(tm) =	ssettm $0x1  }
0x92: {  	s4 =	sld [smem:$0x3FFB];
	_ =	sdelay $0x3  }
0x93: {  	_ =	strace s4  }
0x94: {  	s4 =	sld [smem:$0x3FFC];
	_ =	sdelay $0x3  }
0x95: {  	_ =	strace s4  }
0x96: {  	s4 =	sld [smem:$0x3FFD];
	_ =	sdelay $0x3  }
0x97: {  	_ =	strace s4  }
0x98: {  	_ =	strace $0x8FFFFFFF  }
0x99: {  	s19 =	sld [smem:$0x3FDB];
	_ =	sdelay $0x1  }
0x9a: {  	s5 =	simm.s32 $_scs_section_size  }
0x9b: {  	s6 =	simm.s32 $_size__tile_overlayer_lowered;
	s7 =	simm.s32 $_tile_overlayer_lowered  }
0x9c: {  	s22 =	simm.s32 $0x1BFF;
	s21 =	sshll.u32 s7, $0x1;
	s4 =	sadd.s32 s5, s19  }
0x9d: {  	s8 =	simm.s32 $0x0;
	s20 =	sshll.u32 s6, $0x1;
	s6 =	sadd.s32 s21, s4  }
0x9e: {  	[timem:s8], [sflag:s22] =	dma.local [hbm:s6], s20  }
0x9f: {  	_ =	swait.ge [sflag:s22], s20  }
0xa0: {  	s5 =	ssub.s32 $0x0, s20;
	[sflag:s22] =	ssyncset.done $0x0  }
0xa1: {  	[sflag:s22] =	ssyncadd.s32 s5;
	_ =	sdelay $0x1  }
0xa2: {  	s23 =	simm.s32 $0x1B8B  }
0xa3: {  	_ =	swait.ge [sflag:s23], $0x1  }
0xa4: {  	[sflag:s23] =	ssyncset.done $0x0  }
0xa5: {  	s25 =	simm.s32 $0x1B8E;
	s24 =	sld [smem:$0x3FFE];
	[sflag:s23] =	ssyncadd.s32 $0xFFFFFFFF  }
0xa6: {  	s26 =	simm.s32 $execute0_lowered;
	[smem:$0x3FD2] =	sst s25  }
0xa7: {  	s6 =	sshll.u32 s26, $0x1;
	_ =	strace $0x80000046;
	[dreg:$0x1] =	wrdreg $0xFFFFFFFF  }
0xa8: {  	s28 =	simm.s32 $_size_execute0_lowered;
	s4 =	sadd.s32 s4, s6;
	[dreg:$0x0] =	wrdreg $0x0  }
0xa9: {  	s6 =	sshll.u32 s28, $0x1;
	[dreg:$0x2] =	wrdreg s4  }
0xaa: {  	[dreg:$0x3] =	wrdreg s6  }
0xab: {  	[dreg:$0x4] =	wrdreg $0xC0  }
0xac: {  	_ =	task [dreg:s8], $0x5FFFF  }
0xad: {  	[dreg:$0x1] =	wrdreg $0xFFFFFFFF  }
0xae: {  	[dreg:$0x0] =	wrdreg $0x60  }
0xaf: {  	[dreg:$0x2] =	wrdreg s2  }
0xb0: {  	[dreg:$0x3] =	wrdreg s24  }
0xb1: {  	[dreg:$0x4] =	wrdreg s18  }
0xb2: {  	[dreg:$0x5] =	wrdreg $0xD0000  }
0xb3: {  	[dreg:$0x6] =	wrdreg $0x9  }
0xb4: {  	_ =	task.clear_ibuf [dreg:s8], $0x7FFFF;
	_ =	strace $0x90000046  }
0xb5: {  	s29 =	simm.s32 $0x9;
	_ =	strace $0x80000048  }
0xb6: {  	_ =	swait.ge [sflag:s29], $0x1  }
0xb7: {  	[sflag:s29] =	ssyncadd.s32 $0xFFFFFFFF  }
0xb8: {  	_ =	strace $0x90000048  }
0xb9: {  	_ =	sfence  }
0xba: {  	s30 =	sld [smem:$0x0];
	_ =	sdelay $0x2  }
0xbb: {  	s31 =	sshll.u32 s1, $0xD;
	s1 =	sshrl.u32 s1, $0x2  }
0xbc: {  	s3 =	sand.u32 $0x4000, s31;
	s1 =	sadd.s32 s1, s30  }
0xbd: {  	s0 =	sor.u32 s3, s0;
	s1 =	sshll.u32 s1, $0x11  }
0xbe: {  	s0 =	sor.u32 s1, s0  }
0xbf: {  	s0 =	sadd.s32 $0x8F2B, s0  }
0xc0: {  	[sflag:s0] =	ssyncadd.remote.s32 $0x1  }
0xc1: {  	_ =	sfence.sel $0xFFFF  }
0xc2: {  	[dreg:$0x0] =	wrdreg $0xFFFFFFFF;
	(pc) =	sbr.abs _section_cstart, $3  }
0xc3: {  	[dreg:$0x1] =	wrdreg $0xFFFFFFFF  }
0xc4: {  	_ =	task.clear_ibuf [dreg:s8], $0x2FFFF;
	_ =	strace $0x9FFFFFFF  }
0xc5: {  	(tm) =	ssettm $0x7FFFFFFF  }
tec
execute0_lowered:
.L_overlay_start_1:
0x0: {  	(tag) =	ssettag $0x1  }
0x1: {  	s1 =	rddreg [dreg:$0x0]  }
0x2: {  	s0 =	rddreg [dreg:$0x1]  }
0x3: {  	s2 =	rddreg [dreg:$0x2];
	s9 =	stileid.u32  }
0x4: {  	s3 =	rddreg [dreg:$0x3];
	s5 =	simm.s32 $0x0;
	s10 =	smul.u32 $0x28000, s9  }
0x5: {  	s4 =	srdreg.scid;
	s28 =	simm.s32 $0x4E200;
	s8 =	smul.u32 $0x4E00, s9  }
0x6: {  	s31 =	simm.s32 $0x7000;
	[smem:$0x7FF] =	sst s5;
	s21 =	smul.u32 $0x14000, s9  }
0x7: {  	s5 =	sand.u32 $0x1, s4;
	s22 =	sshll.u32 s9, $0x4;
	s24 =	smul.u32 $0x9C0, s9  }
0x8: {  	s25 =	sadd.s32 $0x96000, s3;
	p0 =	sgt.u32 s9, $0x3;
	p1 =	seq.s32 s9, $0xF  }
0x9: {  	s9 =	simm.s32 $0x8;
	_ =	strace $0x80000047;
	s6 =	ssub.s32 $0x2, s5  }
0xa: {  	s18 =	sshll.u32 s5, $0x3;
	s23 =	sshll.u32 s5, $0x6;
	s30 =	sshrl.u32 s25, $0x3  }
0xb: {  	v0 =	vmov s5;
	s5 =	simm.s32 $0x0;
	s7 =	sshrl.u32 s6, $0x1;
	[dreg:$0x5] =	wrdreg s8  }
0xc: {  	s4 =	sshrl.u32 s10, $0x2;
	s10 =	sadd.s32 $0x400, s0;
	[dreg:$0x17] =	wrdreg s30  }
0xd: {  	s14 =	sshrl.u32 s8, $0x3;
	s12 =	sadd.s32 s4, s3;
	[dreg:$0x6] =	wrdreg s10  }
0xe: {  	s8 =	simm.s32 $0x9000;
	s16 =	sadd.s32 s10, s14;
	[dreg:$0x7] =	wrdreg s12  }
0xf: {  	s11 =	ssub.s32 s6, s7;
	s4 =	sadd.s32 $0x2000, s12;
	[dreg:$0xc] =	wrdreg s16  }
0x10: {  	s26 =	sadd.s32 s24, s10;
	s13 =	sadd.s32 $0x4000, s12;
	[dreg:$0x8] =	wrdreg s4  }
0x11: {  	s24 =	simm.s32 $0x1;
	s15 =	sadd.s32 $0x6000, s12;
	[dreg:$0x9] =	wrdreg s13  }
0x12: {  	s14 =	simm.s32 $0xA;
	s6 =	sadd.s32 $0x8000, s12;
	[dreg:$0xa] =	wrdreg s15  }
0x13: {  	s17 =	sadd.s32 $0x20, s16;
	s19 =	sadd.s32 $0x30, s16;
	[dreg:$0xb] =	wrdreg s6  }
0x14: {  	s20 =	sadd.s32 $0x40, s16;
	s0 =	smax.u32 s11, $0x1;
	[dreg:$0xe] =	wrdreg s17  }
0x15: {  	s29 =	sadd.s32 $0xB0, s26;
	s26 =	simm.s32 $0x80;
	[dreg:$0xf] =	wrdreg s19  }
0x16: {  	s11 =	simm.s32 $0xB000;
	s12 =	simm.s32 $0x10;
	[dreg:$0x10] =	wrdreg s20  }
0x17: {  	s4 =	sadd.s32 $0x10, s16;
	s6 =	sadd.s32 $0x50, s16;
	[dreg:$0x15] =	wrdreg s0  }
0x18: {  	[dreg:$0x16] =	wrdreg s29;
	s19 =	simm.s32 $0x13;
	s20 =	simm.s32 $0x5  }
0x19: {  	s13 =	simm.s32 $0x9;
	s15 =	simm.s32 $0xB;
	s16 =	simm.s32 $0xC  }
0x1a: {  	s17 =	simm.s32 $0xD;
	[dreg:$0xd] =	wrdreg s4;
	s4 =	sadd.s32 s18, s2  }
0x1b: {  	[dreg:$0x11] =	wrdreg s6;
	s6 =	sadd.s32 s22, s10;
	s18 =	simm.s32 $0x4  }
.Ltmp0:
0x1c: {  	s10 =	simm.s32 $0x6;
	s4 =	sadd.s32 $0x25800, s4;
	(pc) =	sbr.rel .LBB2_1-.Ltmp0, $4  }
0x1d: {  	s6 =	sadd.s32 $0x9C00, s6;
	[dreg:$0x12] =	wrdreg s4;
	s4 =	sor.u32 s23, s21  }
0x1e: {  	s22 =	simm.s32 $0xF;
	[dreg:$0x13] =	wrdreg s6;
	s4 =	sshrl.u32 s4, $0x3  }
0x1f: {  	s23 =	simm.s32 $0x1000;
	s21 =	simm.s32 $0xE;
	s2 =	sadd.s32 s2, s4  }
0x20: {  	v1 =	vimm.f32 $0.0e+00;
	s4 =	simm.s32 $0x11;
	[dreg:$0x14] =	wrdreg s2;
	s2 =	simm.s32 $0x7  }
.LBB2_19:
0x21: {  	s0 =	rddreg [dreg:$0x12]  }
0x22: {  	s5 =	rddreg [dreg:$0x17];
	s6 =	simm.s32 $0x1FD3  }
0x23: {  	[hbm:s0@s12], [sflag:s6] =	dma.strided [spmem:s5@s9], $0xC80, s24, $0x8   }
0x24: {  	_ =	swait.ge [sflag:s19], $0xC80  }
0x25: {  	[sflag:s19] =	ssyncset.done $0x0  }
0x26: {  	s5 =	rddreg [dreg:$0x18];
	[sflag:s19] =	ssyncadd.s32 $0xFFFFF380  }
.LBB2_20:
0x27: {  	s5 =	sadd.s32 $0x1, s5;
	s0 =	rddreg [dreg:$0x15]  }
0x28: {  	p2 =	sne.s32 s5, s0  }
.Ltmp1:
0x29: {  	_ = 	snop;
	(pc) =	sbr.rel @!p2 .LBB2_21-.Ltmp1, $1  }
0x2a: {  	_ =	sdelay $0x3  }
.LBB2_1:
0x2b: {  	s6 =	simm.s32 $0x0  }
0x2c: {  	s30 =	sand.u32 $0x7F00, s6  }
0x2d: {  	[dreg:$0x18] =	wrdreg s5;
	s6 =	sand.u32 $0x30, s6;
	s7 =	sshrl.u32 s30, $0x2  }
0x2e: {  	s5 =	simm.s32 $0x40;
	s7 =	sor.u32 s6, s7;
	s6 =	simm.s32 $0x0  }
.LBB2_2:
0x2f: {  	p2 =	sne.s32 s5, $0x7FC0  }
0x30: {  	[tilespmem:s7+$0x1000] =	vst v1;
	s6 =	sadd.s32 $0x10, s6;
	s7 =	smov.u32 s5;
	s5 =	sadd.s32 $0x40, s5  }
.Ltmp2:
0x31: {  	(pc) =	sbr.rel @p2 .LBB2_2-.Ltmp2, $4  }
0x32: {  	_ = 	snop  }
0x33: {  	s7 =	sand.u32 $0x7F00, s7  }
0x34: {  	s25 =	sand.u32 $0x30, s6;
	s7 =	sshrl.u32 s7, $0x2  }
0x35: {  	s7 =	sor.u32 s25, s7  }
0x36: {  	[tilespmem:s7+$0x1000] =	vst v1;
	s0 =	rddreg [dreg:$0x7]  }
0x37: {  	[spmem:s0] =	stream.linear.scatter [tilespmem:s23], [sflag:$0x13], $0x2000, $0x38;
	[tilespmem:$0x17000] =	vst v63  }
0x38: {  	_ =	swait.ge [sflag:s19], $0x2000  }
0x39: {  	[sflag:s19] =	ssyncset.done $0x0  }
0x3a: {  	s7 =	rddreg [dreg:$0x8];
	[sflag:s19] =	ssyncadd.s32 $0xFFFFE000  }
0x3b: {  	[spmem:s7] =	stream.linear.scatter [tilespmem:s23], [sflag:$0x13], $0x2000, $0x38;
	[tilespmem:$0x17000] =	vst v63  }
0x3c: {  	_ =	swait.ge [sflag:s19], $0x2000  }
0x3d: {  	[sflag:s19] =	ssyncset.done $0x0  }
0x3e: {  	s25 =	rddreg [dreg:$0x9];
	[sflag:s19] =	ssyncadd.s32 $0xFFFFE000  }
0x3f: {  	[spmem:s25] =	stream.linear.scatter [tilespmem:s23], [sflag:$0x13], $0x2000, $0x38;
	[tilespmem:$0x17000] =	vst v63  }
0x40: {  	_ =	swait.ge [sflag:s19], $0x2000  }
0x41: {  	[sflag:s19] =	ssyncset.done $0x0  }
0x42: {  	s29 =	rddreg [dreg:$0xa];
	[sflag:s19] =	ssyncadd.s32 $0xFFFFE000  }
0x43: {  	[spmem:s29] =	stream.linear.scatter [tilespmem:s23], [sflag:$0x13], $0x2000, $0x38;
	[tilespmem:$0x17000] =	vst v63  }
0x44: {  	_ =	swait.ge [sflag:s19], $0x2000  }
0x45: {  	[sflag:s19] =	ssyncset.done $0x0  }
0x46: {  	s30 =	rddreg [dreg:$0xb];
	[sflag:s19] =	ssyncadd.s32 $0xFFFFE000  }
0x47: {  	[spmem:s30] =	stream.linear.scatter [tilespmem:s23], [sflag:$0x13], $0x2000, $0x38;
	[tilespmem:$0x17000] =	vst v63  }
0x48: {  	_ =	swait.ge [sflag:s19], $0x2000  }
0x49: {  	[sflag:s19] =	ssyncset.done $0x0  }
0x4a: {  	[sflag:s19] =	ssyncadd.s32 $0xFFFFE000  }
0x4b: {  	[bflag:$0x0] =	sbarrier.arrive $0xFFFF  }
0x4c: {  	s7 =	simm.s32 $0x0;
	s5 =	rddreg [dreg:$0xc]  }
0x4d: {  	[tilespmem:s7], [sflag:$0x1] =	stream.strided.gather [hbm4b:s5+s26], $0x100, s28, s26, $0x38;
	[tilespmem:$0x17000] =	vst v63  }
0x4e: {  	s6 =	rddreg [dreg:$0xd];
	s5 =	simm.s32 $0x100  }
0x4f: {  	[tilespmem:s5], [sflag:$0x2] =	stream.strided.gather [hbm4b:s6+s26], $0x100, s28, s26, $0x38;
	[tilespmem:$0x17000] =	vst v63  }
0x50: {  	s25 =	simm.s32 $0x200;
	s19 =	rddreg [dreg:$0xe]  }
0x51: {  	[tilespmem:s25], [sflag:$0x3] =	stream.strided.gather [hbm4b:s19+s26], $0x100, s28, s26, $0x38;
	[tilespmem:$0x17000] =	vst v63  }
0x52: {  	s30 =	simm.s32 $0x300;
	s29 =	rddreg [dreg:$0xf]  }
0x53: {  	[tilespmem:s30], [sflag:$0x4] =	stream.strided.gather [hbm4b:s29+s26], $0x100, s28, s26, $0x38;
	[tilespmem:$0x17000] =	vst v63  }
0x54: {  	s5 =	rddreg [dreg:$0x10];
	s6 =	simm.s32 $0x400  }
0x55: {  	[tilespmem:s6], [sflag:$0x5] =	stream.strided.gather [hbm4b:s5+s26], $0x100, s28, s26, $0x38;
	[tilespmem:$0x17000] =	vst v63  }
0x56: {  	s19 =	rddreg [dreg:$0x11];
	s25 =	simm.s32 $0x500  }
0x57: {  	[tilespmem:s25], [sflag:$0x6] =	stream.strided.gather [hbm4b:s19+s26], $0x100, s28, s26, $0x38;
	[tilespmem:$0x17000] =	vst v63  }
0x58: {  	_ =	swait.ge [sflag:s24], $0x100  }
0x59: {  	[sflag:s24] =	ssyncset.done $0x0  }
0x5a: {  	[sflag:s24] =	ssyncadd.s32 $0xFFFFFF00  }
0x5b: {  	v2 =	vld [tilespmem:$0x0];
	_ =	sdelay $0x1  }
0x5c: {  	v3 =	vld [tilespmem:$0x10]  }
0x5d: {  	v4 =	vld [tilespmem:$0x80]  }
0x5e: {  	v5 =	vld [tilespmem:$0x20]  }
0x5f: {  	v6 =	vld [tilespmem:$0x90];
	v2 =	vshll.u32 v2, $0x1  }
0x60: {  	v7 =	vld [tilespmem:$0x30];
	v2 =	vor.u32 v0, v2  }
0x61: {  	[tilespmem:$0x800] =	vst v2;
	v2 =	vshll.u32 v3, $0x1;
	v3 =	vld [tilespmem:$0xA0]  }
0x62: {  	v24 =	vld [tilespmem:$0x40];
	[tilespmem:$0xC00] =	vst v4;
	v2 =	vor.u32 v0, v2  }
0x63: {  	v25 =	vld [tilespmem:$0xB0];
	[tilespmem:$0x810] =	vst v2;
	v2 =	vshll.u32 v5, $0x1  }
0x64: {  	v26 =	vld [tilespmem:$0x50];
	[tilespmem:$0xC10] =	vst v6;
	v2 =	vor.u32 v0, v2  }
0x65: {  	v27 =	vld [tilespmem:$0xC0];
	[tilespmem:$0x820] =	vst v2;
	v2 =	vshll.u32 v7, $0x1  }
0x66: {  	[tilespmem:$0xC20] =	vst v3;
	v2 =	vor.u32 v0, v2;
	v3 =	vld [tilespmem:$0x60]  }
0x67: {  	v28 =	vld [tilespmem:$0xD0];
	[tilespmem:$0x830] =	vst v2;
	v2 =	vshll.u32 v24, $0x1  }
0x68: {  	v29 =	vld [tilespmem:$0x70];
	[tilespmem:$0xC30] =	vst v25;
	v2 =	vor.u32 v0, v2  }
0x69: {  	v30 =	vld [tilespmem:$0xE0];
	[tilespmem:$0x840] =	vst v2;
	v2 =	vshll.u32 v26, $0x1  }
0x6a: {  	[tilespmem:$0xC40] =	vst v27;
	v2 =	vor.u32 v0, v2  }
0x6b: {  	[tilespmem:$0x850] =	vst v2;
	v2 =	vshll.u32 v3, $0x1;
	v3 =	vld [tilespmem:$0xF0]  }
0x6c: {  	[tilespmem:$0xC50] =	vst v28;
	v2 =	vor.u32 v0, v2  }
0x6d: {  	[tilespmem:$0x860] =	vst v2;
	v2 =	vshll.u32 v29, $0x1  }
0x6e: {  	[tilespmem:$0xC60] =	vst v30;
	v2 =	vor.u32 v0, v2  }
0x6f: {  	[tilespmem:$0x870] =	vst v2  }
0x70: {  	s29 =	simm.s32 $0x800;
	s30 =	simm.s32 $0x2;
	[tilespmem:$0xC70] =	vst v3  }
0x71: {  	[tilespmem:s23], [sflag:$0x7] =	stream.indirect.gather [hbm4b:s1+s26], $0x40, s29, s26, $0xb8;
	[tilespmem:$0x17000] =	vst v63  }
0x72: {  	_ =	swait.ge [sflag:s30], $0x100  }
0x73: {  	[sflag:s30] =	ssyncset.done $0x0  }
0x74: {  	[sflag:s30] =	ssyncadd.s32 $0xFFFFFF00  }
0x75: {  	v2 =	vld [tilespmem:$0x100];
	_ =	sdelay $0x1  }
0x76: {  	v3 =	vld [tilespmem:$0x110]  }
0x77: {  	v31 =	vld [tilespmem:$0x180]  }
0x78: {  	v32 =	vld [tilespmem:$0x120]  }
0x79: {  	v33 =	vld [tilespmem:$0x190];
	v2 =	vshll.u32 v2, $0x1  }
0x7a: {  	v34 =	vld [tilespmem:$0x130];
	v2 =	vor.u32 v0, v2  }
0x7b: {  	[tilespmem:$0x880] =	vst v2;
	v2 =	vshll.u32 v3, $0x1;
	v3 =	vld [tilespmem:$0x1A0]  }
0x7c: {  	v35 =	vld [tilespmem:$0x140];
	[tilespmem:$0xC80] =	vst v31;
	v2 =	vor.u32 v0, v2  }
0x7d: {  	v36 =	vld [tilespmem:$0x1B0];
	[tilespmem:$0x890] =	vst v2;
	v2 =	vshll.u32 v32, $0x1  }
0x7e: {  	v37 =	vld [tilespmem:$0x150];
	[tilespmem:$0xC90] =	vst v33;
	v2 =	vor.u32 v0, v2  }
0x7f: {  	v38 =	vld [tilespmem:$0x1C0];
	[tilespmem:$0x8A0] =	vst v2;
	v2 =	vshll.u32 v34, $0x1  }
0x80: {  	[tilespmem:$0xCA0] =	vst v3;
	v2 =	vor.u32 v0, v2;
	v3 =	vld [tilespmem:$0x160]  }
0x81: {  	v39 =	vld [tilespmem:$0x1D0];
	[tilespmem:$0x8B0] =	vst v2;
	v2 =	vshll.u32 v35, $0x1  }
0x82: {  	v40 =	vld [tilespmem:$0x170];
	[tilespmem:$0xCB0] =	vst v36;
	v2 =	vor.u32 v0, v2  }
0x83: {  	v41 =	vld [tilespmem:$0x1E0];
	[tilespmem:$0x8C0] =	vst v2;
	v2 =	vshll.u32 v37, $0x1  }
0x84: {  	[tilespmem:$0xCC0] =	vst v38;
	v2 =	vor.u32 v0, v2  }
0x85: {  	[tilespmem:$0x8D0] =	vst v2;
	v2 =	vshll.u32 v3, $0x1;
	v3 =	vld [tilespmem:$0x1F0]  }
0x86: {  	[tilespmem:$0xCD0] =	vst v39;
	v2 =	vor.u32 v0, v2  }
0x87: {  	[tilespmem:$0x8E0] =	vst v2;
	v2 =	vshll.u32 v40, $0x1  }
0x88: {  	[tilespmem:$0xCE0] =	vst v41;
	v2 =	vor.u32 v0, v2  }
0x89: {  	[tilespmem:$0x8F0] =	vst v2  }
0x8a: {  	s5 =	simm.s32 $0x880;
	s6 =	simm.s32 $0x3000;
	s19 =	simm.s32 $0x3;
	[tilespmem:$0xCF0] =	vst v3  }
0x8b: {  	[tilespmem:s6], [sflag:$0x8] =	stream.indirect.gather [hbm4b:s1+s26], $0x40, s5, s26, $0xb8;
	[tilespmem:$0x17000] =	vst v63  }
0x8c: {  	_ =	swait.ge [sflag:s19], $0x100  }
0x8d: {  	[sflag:s19] =	ssyncset.done $0x0  }
0x8e: {  	[sflag:s19] =	ssyncadd.s32 $0xFFFFFF00  }
0x8f: {  	v2 =	vld [tilespmem:$0x200];
	_ =	sdelay $0x1  }
0x90: {  	v3 =	vld [tilespmem:$0x210]  }
0x91: {  	v42 =	vld [tilespmem:$0x280]  }
0x92: {  	v43 =	vld [tilespmem:$0x220]  }
0x93: {  	v44 =	vld [tilespmem:$0x290];
	v2 =	vshll.u32 v2, $0x1  }
0x94: {  	v45 =	vld [tilespmem:$0x230];
	v2 =	vor.u32 v0, v2  }
0x95: {  	[tilespmem:$0x900] =	vst v2;
	v2 =	vshll.u32 v3, $0x1;
	v3 =	vld [tilespmem:$0x2A0]  }
0x96: {  	v46 =	vld [tilespmem:$0x240];
	[tilespmem:$0xD00] =	vst v42;
	v2 =	vor.u32 v0, v2  }
0x97: {  	v47 =	vld [tilespmem:$0x2B0];
	[tilespmem:$0x910] =	vst v2;
	v2 =	vshll.u32 v43, $0x1  }
0x98: {  	v48 =	vld [tilespmem:$0x250];
	[tilespmem:$0xD10] =	vst v44;
	v2 =	vor.u32 v0, v2  }
0x99: {  	v49 =	vld [tilespmem:$0x2C0];
	[tilespmem:$0x920] =	vst v2;
	v2 =	vshll.u32 v45, $0x1  }
0x9a: {  	[tilespmem:$0xD20] =	vst v3;
	v2 =	vor.u32 v0, v2;
	v3 =	vld [tilespmem:$0x260]  }
0x9b: {  	v50 =	vld [tilespmem:$0x2D0];
	[tilespmem:$0x930] =	vst v2;
	v2 =	vshll.u32 v46, $0x1  }
0x9c: {  	v51 =	vld [tilespmem:$0x270];
	[tilespmem:$0xD30] =	vst v47;
	v2 =	vor.u32 v0, v2  }
0x9d: {  	v52 =	vld [tilespmem:$0x2E0];
	[tilespmem:$0x940] =	vst v2;
	v2 =	vshll.u32 v48, $0x1  }
0x9e: {  	[tilespmem:$0xD40] =	vst v49;
	v2 =	vor.u32 v0, v2  }
0x9f: {  	[tilespmem:$0x950] =	vst v2;
	v2 =	vshll.u32 v3, $0x1;
	v3 =	vld [tilespmem:$0x2F0]  }
0xa0: {  	[tilespmem:$0xD50] =	vst v50;
	v2 =	vor.u32 v0, v2  }
0xa1: {  	[tilespmem:$0x960] =	vst v2;
	v2 =	vshll.u32 v51, $0x1  }
0xa2: {  	[tilespmem:$0xD60] =	vst v52;
	v2 =	vor.u32 v0, v2  }
0xa3: {  	[tilespmem:$0x970] =	vst v2  }
0xa4: {  	s25 =	simm.s32 $0x900;
	s29 =	simm.s32 $0x5000;
	[tilespmem:$0xD70] =	vst v3  }
0xa5: {  	[tilespmem:s29], [sflag:$0x9] =	stream.indirect.gather [hbm4b:s1+s26], $0x40, s25, s26, $0xb8;
	[tilespmem:$0x17000] =	vst v63  }
0xa6: {  	_ =	swait.ge [sflag:s18], $0x100  }
0xa7: {  	[sflag:s18] =	ssyncset.done $0x0  }
0xa8: {  	[sflag:s18] =	ssyncadd.s32 $0xFFFFFF00  }
0xa9: {  	v2 =	vld [tilespmem:$0x300];
	_ =	sdelay $0x1  }
0xaa: {  	v3 =	vld [tilespmem:$0x310]  }
0xab: {  	v53 =	vld [tilespmem:$0x380]  }
0xac: {  	v54 =	vld [tilespmem:$0x320]  }
0xad: {  	v55 =	vld [tilespmem:$0x390];
	v2 =	vshll.u32 v2, $0x1  }
0xae: {  	v56 =	vld [tilespmem:$0x330];
	v2 =	vor.u32 v0, v2  }
0xaf: {  	[tilespmem:$0x980] =	vst v2;
	v2 =	vshll.u32 v3, $0x1;
	v3 =	vld [tilespmem:$0x3A0]  }
0xb0: {  	v57 =	vld [tilespmem:$0x340];
	[tilespmem:$0xD80] =	vst v53;
	v2 =	vor.u32 v0, v2  }
0xb1: {  	v58 =	vld [tilespmem:$0x3B0];
	[tilespmem:$0x990] =	vst v2;
	v2 =	vshll.u32 v54, $0x1  }
0xb2: {  	v59 =	vld [tilespmem:$0x350];
	[tilespmem:$0xD90] =	vst v55;
	v2 =	vor.u32 v0, v2  }
0xb3: {  	v60 =	vld [tilespmem:$0x3C0];
	[tilespmem:$0x9A0] =	vst v2;
	v2 =	vshll.u32 v56, $0x1  }
0xb4: {  	[tilespmem:$0xDA0] =	vst v3;
	v2 =	vor.u32 v0, v2;
	v3 =	vld [tilespmem:$0x360]  }
0xb5: {  	v61 =	vld [tilespmem:$0x3D0];
	[tilespmem:$0x9B0] =	vst v2;
	v2 =	vshll.u32 v57, $0x1  }
0xb6: {  	v62 =	vld [tilespmem:$0x370];
	[tilespmem:$0xDB0] =	vst v58;
	v2 =	vor.u32 v0, v2  }
0xb7: {  	v63 =	vld [tilespmem:$0x3E0];
	[tilespmem:$0x9C0] =	vst v2;
	v2 =	vshll.u32 v59, $0x1  }
0xb8: {  	[tilespmem:$0xDC0] =	vst v60;
	v2 =	vor.u32 v0, v2  }
0xb9: {  	[tilespmem:$0x9D0] =	vst v2;
	v2 =	vshll.u32 v3, $0x1;
	v3 =	vld [tilespmem:$0x3F0]  }
0xba: {  	[tilespmem:$0xDD0] =	vst v61;
	v2 =	vor.u32 v0, v2  }
.Ltmp3:
0xbb: {  	[tilespmem:$0x9E0] =	vst v2;
	v2 =	vshll.u32 v62, $0x1;
	(pc) =	sbr.rel .LBB2_4-.Ltmp3, $4  }
0xbc: {  	[tilespmem:$0xDE0] =	vst v63;
	v2 =	vor.u32 v0, v2  }
0xbd: {  	s30 =	simm.s32 $0x980;
	[tilespmem:$0x9F0] =	vst v2  }
0xbe: {  	s6 =	simm.s32 $0x0;
	s25 =	simm.s32 $0x9;
	s5 =	rddreg [dreg:$0x16];
	[tilespmem:$0xDF0] =	vst v3  }
0xbf: {  	[tilespmem:s31], [sflag:$0xA] =	stream.indirect.gather [hbm4b:s1+s26], $0x40, s30, s26, $0xb8;
	[tilespmem:$0x17000] =	vst v63  }
.LBB2_13:
0xc0: {  	_ =	swait.ge [sflag:s15], $0x2000  }
0xc1: {  	[sflag:s15] =	ssyncset.done $0x0  }
0xc2: {  	s19 =	sor.u32 $0xC00, s30;
	[sflag:s15] =	ssyncadd.s32 $0xFFFFE000  }
0xc3: {  	[spmem:s3] =	stream.indirect.scatter.add.f32 [tilespmem:s8], [sflag:$0x11], $0x40, s19, s26, $0xb8;
	[tilespmem:$0x17000] =	vst v63  }
0xc4: {  	s30 =	sadd.s32 $0x280, s7;
	_ =	swait.ge [sflag:s16], $0x2000  }
0xc5: {  	s19 =	sand.u32 $0x380, s30;
	[sflag:s16] =	ssyncset.done $0x0  }
0xc6: {  	s19 =	sor.u32 $0xC00, s19;
	[sflag:s16] =	ssyncadd.s32 $0xFFFFE000  }
0xc7: {  	[spmem:s3] =	stream.indirect.scatter.add.f32 [tilespmem:s11], [sflag:$0x12], $0x40, s19, s26, $0xb8;
	[tilespmem:$0x17000] =	vst v63  }
.LBB2_14:
0xc8: {  	s25 =	sadd.s32 $0x6, s25  }
0xc9: {  	p2 =	sne.s32 s25, $0xA5  }
.Ltmp4:
0xca: {  	_ = 	snop;
	(pc) =	sbr.rel @!p2 .LBB2_15-.Ltmp4, $2  }
0xcb: {  	_ =	sdelay $0x2  }
0xcc: {  	s6 =	sadd.s32 $0x600, s6;
	s5 =	sadd.s32 $0x60, s5;
	s7 =	sadd.s32 $0x300, s7  }
.LBB2_4:
0xcd: {  	_ =	swait.ge [sflag:s2], $0x2000  }
0xce: {  	s30 =	sand.u32 $0x300, s7;
	[sflag:s2] =	ssyncset.done $0x0  }
0xcf: {  	s31 =	sor.u32 $0xC00, s30;
	[sflag:s2] =	ssyncadd.s32 $0xFFFFE000  }
0xd0: {  	[spmem:s3] =	stream.indirect.scatter.add.f32 [tilespmem:s23], [sflag:$0xD], $0x40, s31, s26, $0xb8;
	[tilespmem:$0x17000] =	vst v63  }
0xd1: {  	s31 =	sadd.s32 $0xFFFFFFFB, s25;
	_ =	swait.ge [sflag:s20], $0x100  }
0xd2: {  	s31 =	sand.u32 $0x6, s31;
	[sflag:s20] =	ssyncset.done $0x0  }
0xd3: {  	s19 =	sshll.u32 s31, $0x8;
	[sflag:s20] =	ssyncadd.s32 $0xFFFFFF00  }
0xd4: {  	v2 =	vld [tilespmem:s19+$0x0];
	_ =	sdelay $0x4  }
0xd5: {  	v2 =	vshll.u32 v2, $0x1  }
0xd6: {  	s29 =	sshll.u32 s31, $0x7;
	v2 =	vor.u32 v0, v2  }
0xd7: {  	[tilespmem:s29+$0x800] =	vst v2  }
0xd8: {  	v2 =	vld [tilespmem:s19+$0x80];
	_ =	sdelay $0x4  }
0xd9: {  	[tilespmem:s29+$0xC00] =	vst v2  }
0xda: {  	v2 =	vld [tilespmem:s19+$0x10];
	_ =	sdelay $0x4  }
0xdb: {  	v2 =	vshll.u32 v2, $0x1  }
0xdc: {  	v2 =	vor.u32 v0, v2  }
0xdd: {  	[tilespmem:s29+$0x810] =	vst v2  }
0xde: {  	v2 =	vld [tilespmem:s19+$0x90];
	_ =	sdelay $0x4  }
0xdf: {  	[tilespmem:s29+$0xC10] =	vst v2  }
0xe0: {  	v2 =	vld [tilespmem:s19+$0x20];
	_ =	sdelay $0x4  }
0xe1: {  	v2 =	vshll.u32 v2, $0x1  }
0xe2: {  	v2 =	vor.u32 v0, v2  }
0xe3: {  	[tilespmem:s29+$0x820] =	vst v2  }
0xe4: {  	v2 =	vld [tilespmem:s19+$0xA0];
	_ =	sdelay $0x4  }
0xe5: {  	[tilespmem:s29+$0xC20] =	vst v2  }
0xe6: {  	v2 =	vld [tilespmem:s19+$0x30];
	_ =	sdelay $0x4  }
0xe7: {  	v2 =	vshll.u32 v2, $0x1  }
0xe8: {  	v2 =	vor.u32 v0, v2  }
0xe9: {  	[tilespmem:s29+$0x830] =	vst v2  }
0xea: {  	v2 =	vld [tilespmem:s19+$0xB0];
	_ =	sdelay $0x4  }
0xeb: {  	[tilespmem:s29+$0xC30] =	vst v2  }
0xec: {  	v2 =	vld [tilespmem:s19+$0x40];
	_ =	sdelay $0x4  }
0xed: {  	v2 =	vshll.u32 v2, $0x1  }
0xee: {  	v2 =	vor.u32 v0, v2  }
0xef: {  	[tilespmem:s29+$0x840] =	vst v2  }
0xf0: {  	v2 =	vld [tilespmem:s19+$0xC0];
	_ =	sdelay $0x4  }
0xf1: {  	[tilespmem:s29+$0xC40] =	vst v2  }
0xf2: {  	v2 =	vld [tilespmem:s19+$0x50];
	_ =	sdelay $0x4  }
0xf3: {  	v2 =	vshll.u32 v2, $0x1  }
0xf4: {  	v2 =	vor.u32 v0, v2  }
0xf5: {  	[tilespmem:s29+$0x850] =	vst v2  }
0xf6: {  	v2 =	vld [tilespmem:s19+$0xD0];
	_ =	sdelay $0x4  }
0xf7: {  	[tilespmem:s29+$0xC50] =	vst v2  }
0xf8: {  	v2 =	vld [tilespmem:s19+$0x60];
	_ =	sdelay $0x4  }
0xf9: {  	v2 =	vshll.u32 v2, $0x1  }
0xfa: {  	v2 =	vor.u32 v0, v2  }
0xfb: {  	[tilespmem:s29+$0x860] =	vst v2  }
0xfc: {  	v2 =	vld [tilespmem:s19+$0xE0];
	_ =	sdelay $0x4  }
0xfd: {  	[tilespmem:s29+$0xC60] =	vst v2  }
0xfe: {  	v2 =	vld [tilespmem:s19+$0x70];
	_ =	sdelay $0x4  }
0xff: {  	v2 =	vshll.u32 v2, $0x1  }
0x100: {  	v2 =	vor.u32 v0, v2  }
0x101: {  	[tilespmem:s29+$0x870] =	vst v2  }
0x102: {  	p2 =	sne.s32 s25, $0x9;
	v2 =	vld [tilespmem:s19+$0xF0]  }
.Ltmp5:
0x103: {  	_ = 	snop;
	(pc) =	sbr.rel @p2 .LBB2_6-.Ltmp5, $2  }
0x104: {  	_ =	sdelay $0x2  }
0x105: {  	s31 =	sor.u32 $0x800, s29;
	[tilespmem:s29+$0xC70] =	vst v2  }
.Ltmp6:
0x106: {  	(pc) =	sbr.rel .LBB2_7-.Ltmp6, $3  }
0x107: {  	_ =	sdelay $0x1  }
0x108: {  	[tilespmem:s8], [sflag:$0xB] =	stream.indirect.gather [hbm4b:s1+s26], $0x40, s31, s26, $0xb8;
	[tilespmem:$0x17000] =	vst v63  }
0x109: {  	s31 =	simm.s32 $0x6  }
.LBB2_6:
0x10a: {  	p3 =	seq.s32 s25, $0x9F  }
.Ltmp7:
0x10b: {  	_ =	swait.ge [sflag:s4], $0x2000;
	(pc) =	sbr.rel @p3 .LBB2_8-.Ltmp7, $4  }
0x10c: {  	[sflag:s4] =	ssyncset.done $0x0  }
0x10d: {  	[sflag:s4] =	ssyncadd.s32 $0xFFFFE000  }
0x10e: {  	[tilespmem:s8], [sflag:$0xB] =	stream.indirect.gather [hbm4b:s1+s26], $0x40, s31, s26, $0xb8;
	[tilespmem:$0x17000] =	vst v63  }
0x10f: {  	p2 =	por $0x1, $0x1;
	s31 =	sadd.s32 $0xFFFFFFFD, s25  }
.LBB2_7:
0x110: {  	s19 =	sshll.u32 s31, $0x7;
	s29 =	rddreg [dreg:$0x5]  }
0x111: {  	s0 =	sshll.u32 s31, $0x8;
	s19 =	sadd.s32 s29, s19  }
0x112: {  	s29 =	sand.u32 $0x600, s0;
	s0 =	rddreg [dreg:$0x6];
	s19 =	sshrl.u32 s19, $0x3  }
0x113: {  	p2 =	por $0x0, $0x0;
	s19 =	sadd.s32 s0, s19  }
0x114: {  	[tilespmem:s29], [sflag:$0x1] =	stream.strided.gather [hbm4b:s19+s26], $0x100, s28, s26, $0x38;
	[tilespmem:$0x17000] =	vst v63  }
.LBB2_8:
0x115: {  	_ =	swait.ge [sflag:s9], $0x2000  }
0x116: {  	[sflag:s9] =	ssyncset.done $0x0  }
0x117: {  	s19 =	sadd.s32 $0xC80, s30;
	s0 =	simm.s32 $0x3000;
	[sflag:s9] =	ssyncadd.s32 $0xFFFFE000  }
0x118: {  	[spmem:s3] =	stream.indirect.scatter.add.f32 [tilespmem:s0], [sflag:$0xE], $0x40, s19, s26, $0xb8;
	[tilespmem:$0x17000] =	vst v63  }
0x119: {  	s0 =	sadd.s32 $0xFFFFFFFC, s25;
	_ =	swait.ge [sflag:s10], $0x100  }
0x11a: {  	s19 =	sand.u32 $0x7, s0;
	[sflag:s10] =	ssyncset.done $0x0  }
0x11b: {  	s29 =	sshll.u32 s19, $0x8;
	[sflag:s10] =	ssyncadd.s32 $0xFFFFFF00  }
0x11c: {  	v2 =	vld [tilespmem:s29+$0x0];
	_ =	sdelay $0x4  }
0x11d: {  	v2 =	vshll.u32 v2, $0x1  }
0x11e: {  	s19 =	sshll.u32 s19, $0x7;
	v2 =	vor.u32 v0, v2  }
0x11f: {  	[tilespmem:s19+$0x800] =	vst v2  }
0x120: {  	v2 =	vld [tilespmem:s29+$0x80];
	_ =	sdelay $0x4  }
0x121: {  	[tilespmem:s19+$0xC00] =	vst v2  }
0x122: {  	v2 =	vld [tilespmem:s29+$0x10];
	_ =	sdelay $0x4  }
0x123: {  	v2 =	vshll.u32 v2, $0x1  }
0x124: {  	v2 =	vor.u32 v0, v2  }
0x125: {  	[tilespmem:s19+$0x810] =	vst v2  }
0x126: {  	v2 =	vld [tilespmem:s29+$0x90];
	_ =	sdelay $0x4  }
0x127: {  	[tilespmem:s19+$0xC10] =	vst v2  }
0x128: {  	v2 =	vld [tilespmem:s29+$0x20];
	_ =	sdelay $0x4  }
0x129: {  	v2 =	vshll.u32 v2, $0x1  }
0x12a: {  	v2 =	vor.u32 v0, v2  }
0x12b: {  	[tilespmem:s19+$0x820] =	vst v2  }
0x12c: {  	v2 =	vld [tilespmem:s29+$0xA0];
	_ =	sdelay $0x4  }
0x12d: {  	[tilespmem:s19+$0xC20] =	vst v2  }
0x12e: {  	v2 =	vld [tilespmem:s29+$0x30];
	_ =	sdelay $0x4  }
0x12f: {  	v2 =	vshll.u32 v2, $0x1  }
0x130: {  	v2 =	vor.u32 v0, v2  }
0x131: {  	[tilespmem:s19+$0x830] =	vst v2  }
0x132: {  	v2 =	vld [tilespmem:s29+$0xB0];
	_ =	sdelay $0x4  }
0x133: {  	[tilespmem:s19+$0xC30] =	vst v2  }
0x134: {  	v2 =	vld [tilespmem:s29+$0x40];
	_ =	sdelay $0x4  }
0x135: {  	v2 =	vshll.u32 v2, $0x1  }
0x136: {  	v2 =	vor.u32 v0, v2  }
0x137: {  	[tilespmem:s19+$0x840] =	vst v2  }
0x138: {  	v2 =	vld [tilespmem:s29+$0xC0];
	_ =	sdelay $0x4  }
0x139: {  	[tilespmem:s19+$0xC40] =	vst v2  }
0x13a: {  	v2 =	vld [tilespmem:s29+$0x50];
	_ =	sdelay $0x4  }
0x13b: {  	v2 =	vshll.u32 v2, $0x1  }
0x13c: {  	v2 =	vor.u32 v0, v2  }
0x13d: {  	[tilespmem:s19+$0x850] =	vst v2  }
0x13e: {  	v2 =	vld [tilespmem:s29+$0xD0];
	_ =	sdelay $0x4  }
0x13f: {  	[tilespmem:s19+$0xC50] =	vst v2  }
0x140: {  	v2 =	vld [tilespmem:s29+$0x60];
	_ =	sdelay $0x4  }
0x141: {  	v2 =	vshll.u32 v2, $0x1  }
0x142: {  	v2 =	vor.u32 v0, v2  }
0x143: {  	[tilespmem:s19+$0x860] =	vst v2  }
0x144: {  	v2 =	vld [tilespmem:s29+$0xE0];
	_ =	sdelay $0x4  }
0x145: {  	[tilespmem:s19+$0xC60] =	vst v2  }
0x146: {  	v2 =	vld [tilespmem:s29+$0x70];
	_ =	sdelay $0x4  }
0x147: {  	v2 =	vshll.u32 v2, $0x1  }
0x148: {  	v2 =	vor.u32 v0, v2  }
0x149: {  	[tilespmem:s19+$0x870] =	vst v2  }
0x14a: {  	v2 =	vld [tilespmem:s29+$0xF0];
	_ =	sdelay $0x3  }
0x14b: {  	p3 =	seq.s32 s25, $0x9  }
0x14c: {  	s29 =	simm.s32 @!p3 $0x12;
	[tilespmem:s19+$0xC70] =	vst v2  }
.Ltmp8:
0x14d: {  	_ =	swait.ge @!p3 [sflag:s29], $0x2000;
	(pc) =	sbr.rel @!p2 .LBB2_9-.Ltmp8, $4  }
0x14e: {  	[sflag:s29] =	ssyncset.done @!p3 $0x0  }
0x14f: {  	s19 =	sor.u32 $0x800, s19;
	[sflag:s29] =	ssyncadd.s32 @!p3 $0xFFFFE000;
	s29 =	sadd.s32 $0x100, s7  }
0x150: {  	[tilespmem:s11], [sflag:$0xC] =	stream.indirect.gather [hbm4b:s1+s26], $0x40, s19, s26, $0xb8;
	[tilespmem:$0x17000] =	vst v63  }
0x151: {  	s30 =	sand.u32 $0x300, s29  }
.Ltmp9:
0x152: {  	(pc) =	sbr.rel .LBB2_11-.Ltmp9, $4  }
0x153: {  	_ =	swait.ge [sflag:s13], $0x2000  }
0x154: {  	[sflag:s13] =	ssyncset.done $0x0  }
0x155: {  	s19 =	sor.u32 $0xC00, s30;
	s0 =	simm.s32 $0x5000;
	[sflag:s13] =	ssyncadd.s32 $0xFFFFE000  }
0x156: {  	[spmem:s3] =	stream.indirect.scatter.add.f32 [tilespmem:s0], [sflag:$0xF], $0x40, s19, s26, $0xb8;
	[tilespmem:$0x17000] =	vst v63  }
.LBB2_9:
0x157: {  	s19 =	sadd.s32 $0x700, s6  }
0x158: {  	s29 =	sadd.s32 $0xFFFFFFC0, s5;
	s19 =	sand.u32 $0x700, s19  }
0x159: {  	[tilespmem:s19], [sflag:$0x2] =	stream.strided.gather [hbm4b:s29+s26], $0x100, s28, s26, $0x38;
	[tilespmem:$0x17000] =	vst v63  }
0x15a: {  	_ =	swait.ge [sflag:s13], $0x2000  }
0x15b: {  	[sflag:s13] =	ssyncset.done $0x0  }
0x15c: {  	s30 =	sor.u32 $0xC00, s30;
	s0 =	simm.s32 $0x5000;
	[sflag:s13] =	ssyncadd.s32 $0xFFFFE000  }
0x15d: {  	[spmem:s3] =	stream.indirect.scatter.add.f32 [tilespmem:s0], [sflag:$0xF], $0x40, s30, s26, $0xb8;
	[tilespmem:$0x17000] =	vst v63  }
0x15e: {  	_ =	swait.ge [sflag:s24], $0x100  }
0x15f: {  	s31 =	sand.u32 $0x6, s31;
	[sflag:s24] =	ssyncset.done $0x0  }
0x160: {  	s0 =	sshll.u32 s31, $0x8;
	[sflag:s24] =	ssyncadd.s32 $0xFFFFFF00  }
0x161: {  	v2 =	vld [tilespmem:s0+$0x0];
	_ =	sdelay $0x4  }
0x162: {  	v2 =	vshll.u32 v2, $0x1  }
0x163: {  	s19 =	sshll.u32 s31, $0x7;
	v2 =	vor.u32 v0, v2  }
0x164: {  	[tilespmem:s19+$0x800] =	vst v2  }
0x165: {  	v2 =	vld [tilespmem:s0+$0x80];
	_ =	sdelay $0x4  }
0x166: {  	[tilespmem:s19+$0xC00] =	vst v2  }
0x167: {  	v2 =	vld [tilespmem:s0+$0x10];
	_ =	sdelay $0x4  }
0x168: {  	v2 =	vshll.u32 v2, $0x1  }
0x169: {  	v2 =	vor.u32 v0, v2  }
0x16a: {  	[tilespmem:s19+$0x810] =	vst v2  }
0x16b: {  	v2 =	vld [tilespmem:s0+$0x90];
	_ =	sdelay $0x4  }
0x16c: {  	[tilespmem:s19+$0xC10] =	vst v2  }
0x16d: {  	v2 =	vld [tilespmem:s0+$0x20];
	_ =	sdelay $0x4  }
0x16e: {  	v2 =	vshll.u32 v2, $0x1  }
0x16f: {  	v2 =	vor.u32 v0, v2  }
0x170: {  	[tilespmem:s19+$0x820] =	vst v2  }
0x171: {  	v2 =	vld [tilespmem:s0+$0xA0];
	_ =	sdelay $0x4  }
0x172: {  	[tilespmem:s19+$0xC20] =	vst v2  }
0x173: {  	v2 =	vld [tilespmem:s0+$0x30];
	_ =	sdelay $0x4  }
0x174: {  	v2 =	vshll.u32 v2, $0x1  }
0x175: {  	v2 =	vor.u32 v0, v2  }
0x176: {  	[tilespmem:s19+$0x830] =	vst v2  }
0x177: {  	v2 =	vld [tilespmem:s0+$0xB0];
	_ =	sdelay $0x4  }
0x178: {  	[tilespmem:s19+$0xC30] =	vst v2  }
0x179: {  	v2 =	vld [tilespmem:s0+$0x40];
	_ =	sdelay $0x4  }
0x17a: {  	v2 =	vshll.u32 v2, $0x1  }
0x17b: {  	v2 =	vor.u32 v0, v2  }
0x17c: {  	[tilespmem:s19+$0x840] =	vst v2  }
0x17d: {  	v2 =	vld [tilespmem:s0+$0xC0];
	_ =	sdelay $0x4  }
0x17e: {  	[tilespmem:s19+$0xC40] =	vst v2  }
0x17f: {  	v2 =	vld [tilespmem:s0+$0x50];
	_ =	sdelay $0x4  }
0x180: {  	v2 =	vshll.u32 v2, $0x1  }
0x181: {  	v2 =	vor.u32 v0, v2  }
0x182: {  	[tilespmem:s19+$0x850] =	vst v2  }
0x183: {  	v2 =	vld [tilespmem:s0+$0xD0];
	_ =	sdelay $0x4  }
0x184: {  	[tilespmem:s19+$0xC50] =	vst v2  }
0x185: {  	v2 =	vld [tilespmem:s0+$0x60];
	_ =	sdelay $0x4  }
0x186: {  	v2 =	vshll.u32 v2, $0x1  }
0x187: {  	v2 =	vor.u32 v0, v2  }
0x188: {  	[tilespmem:s19+$0x860] =	vst v2  }
0x189: {  	v2 =	vld [tilespmem:s0+$0xE0];
	_ =	sdelay $0x4  }
0x18a: {  	[tilespmem:s19+$0xC60] =	vst v2  }
0x18b: {  	v2 =	vld [tilespmem:s0+$0x70];
	_ =	sdelay $0x4  }
0x18c: {  	v2 =	vshll.u32 v2, $0x1  }
0x18d: {  	v2 =	vor.u32 v0, v2  }
0x18e: {  	[tilespmem:s19+$0x870] =	vst v2  }
0x18f: {  	v2 =	vld [tilespmem:s0+$0xF0];
	_ =	sdelay $0x4  }
0x190: {  	[tilespmem:s19+$0xC70] =	vst v2  }
0x191: {  	_ =	swait.ge [sflag:s17], $0x2000  }
0x192: {  	[sflag:s17] =	ssyncset.done $0x0  }
0x193: {  	s19 =	sor.u32 $0x800, s19;
	[sflag:s17] =	ssyncadd.s32 $0xFFFFE000  }
0x194: {  	[tilespmem:s23], [sflag:$0x7] =	stream.indirect.gather [hbm4b:s1+s26], $0x40, s19, s26, $0xb8;
	[tilespmem:$0x17000] =	vst v63  }
0x195: {  	s30 =	sand.u32 $0x600, s6;
	s31 =	sadd.s32 $0xFFFFFFD0, s5  }
0x196: {  	[tilespmem:s30], [sflag:$0x3] =	stream.strided.gather [hbm4b:s31+s26], $0x100, s28, s26, $0x38;
	[tilespmem:$0x17000] =	vst v63  }
.LBB2_11:
.Ltmp10:
0x197: {  	(pc) =	sbr.rel @p2 .LBB2_13-.Ltmp10, $4  }
0x198: {  	_ =	swait.ge [sflag:s14], $0x2000;
	s19 =	sadd.s32 $0x180, s7;
	s31 =	simm.s32 $0x7000  }
0x199: {  	s29 =	sadd.s32 $0x200, s7;
	[sflag:s14] =	ssyncset.done $0x0;
	s19 =	sand.u32 $0x380, s19  }
0x19a: {  	s30 =	sand.u32 $0x300, s29;
	[sflag:s14] =	ssyncadd.s32 $0xFFFFE000;
	s19 =	sor.u32 $0xC00, s19  }
0x19b: {  	[spmem:s3] =	stream.indirect.scatter.add.f32 [tilespmem:s31], [sflag:$0x10], $0x40, s19, s26, $0xb8;
	[tilespmem:$0x17000] =	vst v63  }
0x19c: {  	s0 =	simm.s32 $0x2  }
0x19d: {  	s19 =	sadd.s32 $0xFFFFFFFE, s25;
	_ =	swait.ge [sflag:s0], $0x100  }
0x19e: {  	s19 =	sand.u32 $0x7, s19;
	[sflag:s0] =	ssyncset.done $0x0  }
0x19f: {  	s29 =	sshll.u32 s19, $0x8;
	[sflag:s0] =	ssyncadd.s32 $0xFFFFFF00  }
0x1a0: {  	v2 =	vld [tilespmem:s29+$0x0];
	_ =	sdelay $0x4  }
0x1a1: {  	v2 =	vshll.u32 v2, $0x1  }
0x1a2: {  	s19 =	sshll.u32 s19, $0x7;
	v2 =	vor.u32 v0, v2  }
0x1a3: {  	[tilespmem:s19+$0x800] =	vst v2  }
0x1a4: {  	v2 =	vld [tilespmem:s29+$0x80];
	_ =	sdelay $0x4  }
0x1a5: {  	[tilespmem:s19+$0xC00] =	vst v2  }
0x1a6: {  	v2 =	vld [tilespmem:s29+$0x10];
	_ =	sdelay $0x4  }
0x1a7: {  	v2 =	vshll.u32 v2, $0x1  }
0x1a8: {  	v2 =	vor.u32 v0, v2  }
0x1a9: {  	[tilespmem:s19+$0x810] =	vst v2  }
0x1aa: {  	v2 =	vld [tilespmem:s29+$0x90];
	_ =	sdelay $0x4  }
0x1ab: {  	[tilespmem:s19+$0xC10] =	vst v2  }
0x1ac: {  	v2 =	vld [tilespmem:s29+$0x20];
	_ =	sdelay $0x4  }
0x1ad: {  	v2 =	vshll.u32 v2, $0x1  }
0x1ae: {  	v2 =	vor.u32 v0, v2  }
0x1af: {  	[tilespmem:s19+$0x820] =	vst v2  }
0x1b0: {  	v2 =	vld [tilespmem:s29+$0xA0];
	_ =	sdelay $0x4  }
0x1b1: {  	[tilespmem:s19+$0xC20] =	vst v2  }
0x1b2: {  	v2 =	vld [tilespmem:s29+$0x30];
	_ =	sdelay $0x4  }
0x1b3: {  	v2 =	vshll.u32 v2, $0x1  }
0x1b4: {  	v2 =	vor.u32 v0, v2  }
0x1b5: {  	[tilespmem:s19+$0x830] =	vst v2  }
0x1b6: {  	v2 =	vld [tilespmem:s29+$0xB0];
	_ =	sdelay $0x4  }
0x1b7: {  	[tilespmem:s19+$0xC30] =	vst v2  }
0x1b8: {  	v2 =	vld [tilespmem:s29+$0x40];
	_ =	sdelay $0x4  }
0x1b9: {  	v2 =	vshll.u32 v2, $0x1  }
0x1ba: {  	v2 =	vor.u32 v0, v2  }
0x1bb: {  	[tilespmem:s19+$0x840] =	vst v2  }
0x1bc: {  	v2 =	vld [tilespmem:s29+$0xC0];
	_ =	sdelay $0x4  }
0x1bd: {  	[tilespmem:s19+$0xC40] =	vst v2  }
0x1be: {  	v2 =	vld [tilespmem:s29+$0x50];
	_ =	sdelay $0x4  }
0x1bf: {  	v2 =	vshll.u32 v2, $0x1  }
0x1c0: {  	v2 =	vor.u32 v0, v2  }
0x1c1: {  	[tilespmem:s19+$0x850] =	vst v2  }
0x1c2: {  	v2 =	vld [tilespmem:s29+$0xD0];
	_ =	sdelay $0x4  }
0x1c3: {  	[tilespmem:s19+$0xC50] =	vst v2  }
0x1c4: {  	v2 =	vld [tilespmem:s29+$0x60];
	_ =	sdelay $0x4  }
0x1c5: {  	v2 =	vshll.u32 v2, $0x1  }
0x1c6: {  	v2 =	vor.u32 v0, v2  }
0x1c7: {  	[tilespmem:s19+$0x860] =	vst v2  }
0x1c8: {  	v2 =	vld [tilespmem:s29+$0xE0];
	_ =	sdelay $0x4  }
0x1c9: {  	[tilespmem:s19+$0xC60] =	vst v2  }
0x1ca: {  	v2 =	vld [tilespmem:s29+$0x70];
	_ =	sdelay $0x4  }
0x1cb: {  	v2 =	vshll.u32 v2, $0x1  }
0x1cc: {  	v2 =	vor.u32 v0, v2  }
0x1cd: {  	[tilespmem:s19+$0x870] =	vst v2  }
0x1ce: {  	v2 =	vld [tilespmem:s29+$0xF0];
	_ =	sdelay $0x4  }
0x1cf: {  	[tilespmem:s19+$0xC70] =	vst v2  }
0x1d0: {  	_ =	swait.ge [sflag:s21], $0x2000  }
0x1d1: {  	[sflag:s21] =	ssyncset.done $0x0  }
0x1d2: {  	s29 =	simm.s32 $0x3000;
	s19 =	sor.u32 $0x800, s19;
	[sflag:s21] =	ssyncadd.s32 $0xFFFFE000  }
0x1d3: {  	[tilespmem:s29], [sflag:$0x8] =	stream.indirect.gather [hbm4b:s1+s26], $0x40, s19, s26, $0xb8;
	[tilespmem:$0x17000] =	vst v63  }
0x1d4: {  	s29 =	sadd.s32 $0x900, s6  }
0x1d5: {  	s0 =	sadd.s32 $0xFFFFFFE0, s5;
	s19 =	sand.u32 $0x700, s29  }
0x1d6: {  	[tilespmem:s19], [sflag:$0x4] =	stream.strided.gather [hbm4b:s0+s26], $0x100, s28, s26, $0x38;
	[tilespmem:$0x17000] =	vst v63  }
0x1d7: {  	_ =	swait.ge [sflag:s15], $0x2000  }
0x1d8: {  	[sflag:s15] =	ssyncset.done $0x0  }
0x1d9: {  	s0 =	sor.u32 $0xC00, s30;
	s30 =	simm.s32 $0x3;
	[sflag:s15] =	ssyncadd.s32 $0xFFFFE000  }
0x1da: {  	[spmem:s3] =	stream.indirect.scatter.add.f32 [tilespmem:s8], [sflag:$0x11], $0x40, s0, s26, $0xb8;
	[tilespmem:$0x17000] =	vst v63  }
0x1db: {  	s29 =	sadd.s32 $0xFFFFFFF7, s25;
	_ =	swait.ge [sflag:s30], $0x100  }
0x1dc: {  	s19 =	sand.u32 $0x6, s29;
	[sflag:s30] =	ssyncset.done $0x0  }
0x1dd: {  	s0 =	sshll.u32 s19, $0x8;
	[sflag:s30] =	ssyncadd.s32 $0xFFFFFF00  }
0x1de: {  	v2 =	vld [tilespmem:s0+$0x0];
	_ =	sdelay $0x4  }
0x1df: {  	v2 =	vshll.u32 v2, $0x1  }
0x1e0: {  	s19 =	sshll.u32 s19, $0x7;
	v2 =	vor.u32 v0, v2  }
0x1e1: {  	[tilespmem:s19+$0x800] =	vst v2  }
0x1e2: {  	v2 =	vld [tilespmem:s0+$0x80];
	_ =	sdelay $0x4  }
0x1e3: {  	[tilespmem:s19+$0xC00] =	vst v2  }
0x1e4: {  	v2 =	vld [tilespmem:s0+$0x10];
	_ =	sdelay $0x4  }
0x1e5: {  	v2 =	vshll.u32 v2, $0x1  }
0x1e6: {  	v2 =	vor.u32 v0, v2  }
0x1e7: {  	[tilespmem:s19+$0x810] =	vst v2  }
0x1e8: {  	v2 =	vld [tilespmem:s0+$0x90];
	_ =	sdelay $0x4  }
0x1e9: {  	[tilespmem:s19+$0xC10] =	vst v2  }
0x1ea: {  	v2 =	vld [tilespmem:s0+$0x20];
	_ =	sdelay $0x4  }
0x1eb: {  	v2 =	vshll.u32 v2, $0x1  }
0x1ec: {  	v2 =	vor.u32 v0, v2  }
0x1ed: {  	[tilespmem:s19+$0x820] =	vst v2  }
0x1ee: {  	v2 =	vld [tilespmem:s0+$0xA0];
	_ =	sdelay $0x4  }
0x1ef: {  	[tilespmem:s19+$0xC20] =	vst v2  }
0x1f0: {  	v2 =	vld [tilespmem:s0+$0x30];
	_ =	sdelay $0x4  }
0x1f1: {  	v2 =	vshll.u32 v2, $0x1  }
0x1f2: {  	v2 =	vor.u32 v0, v2  }
0x1f3: {  	[tilespmem:s19+$0x830] =	vst v2  }
0x1f4: {  	v2 =	vld [tilespmem:s0+$0xB0];
	_ =	sdelay $0x4  }
0x1f5: {  	[tilespmem:s19+$0xC30] =	vst v2  }
0x1f6: {  	v2 =	vld [tilespmem:s0+$0x40];
	_ =	sdelay $0x4  }
0x1f7: {  	v2 =	vshll.u32 v2, $0x1  }
0x1f8: {  	v2 =	vor.u32 v0, v2  }
0x1f9: {  	[tilespmem:s19+$0x840] =	vst v2  }
0x1fa: {  	v2 =	vld [tilespmem:s0+$0xC0];
	_ =	sdelay $0x4  }
0x1fb: {  	[tilespmem:s19+$0xC40] =	vst v2  }
0x1fc: {  	v2 =	vld [tilespmem:s0+$0x50];
	_ =	sdelay $0x4  }
0x1fd: {  	v2 =	vshll.u32 v2, $0x1  }
0x1fe: {  	v2 =	vor.u32 v0, v2  }
0x1ff: {  	[tilespmem:s19+$0x850] =	vst v2  }
0x200: {  	v2 =	vld [tilespmem:s0+$0xD0];
	_ =	sdelay $0x4  }
0x201: {  	[tilespmem:s19+$0xC50] =	vst v2  }
0x202: {  	v2 =	vld [tilespmem:s0+$0x60];
	_ =	sdelay $0x4  }
0x203: {  	v2 =	vshll.u32 v2, $0x1  }
0x204: {  	v2 =	vor.u32 v0, v2  }
0x205: {  	[tilespmem:s19+$0x860] =	vst v2  }
0x206: {  	v2 =	vld [tilespmem:s0+$0xE0];
	_ =	sdelay $0x4  }
0x207: {  	[tilespmem:s19+$0xC60] =	vst v2  }
0x208: {  	v2 =	vld [tilespmem:s0+$0x70];
	_ =	sdelay $0x4  }
0x209: {  	v2 =	vshll.u32 v2, $0x1  }
0x20a: {  	v2 =	vor.u32 v0, v2  }
0x20b: {  	[tilespmem:s19+$0x870] =	vst v2  }
0x20c: {  	v2 =	vld [tilespmem:s0+$0xF0];
	_ =	sdelay $0x4  }
0x20d: {  	[tilespmem:s19+$0xC70] =	vst v2  }
0x20e: {  	_ =	swait.ge [sflag:s22], $0x2000  }
0x20f: {  	s29 =	simm.s32 $0x5000;
	[sflag:s22] =	ssyncset.done $0x0  }
0x210: {  	s30 =	sadd.s32 $0xA00, s6;
	s19 =	sor.u32 $0x800, s19;
	[sflag:s22] =	ssyncadd.s32 $0xFFFFE000  }
0x211: {  	[tilespmem:s29], [sflag:$0x9] =	stream.indirect.gather [hbm4b:s1+s26], $0x40, s19, s26, $0xb8;
	[tilespmem:$0x17000] =	vst v63  }
0x212: {  	s0 =	sadd.s32 $0xFFFFFFF0, s5;
	s19 =	sand.u32 $0x600, s30  }
0x213: {  	[tilespmem:s19], [sflag:$0x5] =	stream.strided.gather [hbm4b:s0+s26], $0x100, s28, s26, $0x38;
	[tilespmem:$0x17000] =	vst v63  }
0x214: {  	s29 =	sadd.s32 $0x280, s7;
	_ =	swait.ge [sflag:s16], $0x2000  }
0x215: {  	s19 =	sand.u32 $0x380, s29;
	[sflag:s16] =	ssyncset.done $0x0  }
0x216: {  	s19 =	sor.u32 $0xC00, s19;
	[sflag:s16] =	ssyncadd.s32 $0xFFFFE000  }
0x217: {  	[spmem:s3] =	stream.indirect.scatter.add.f32 [tilespmem:s11], [sflag:$0x12], $0x40, s19, s26, $0xb8;
	[tilespmem:$0x17000] =	vst v63  }
0x218: {  	_ =	swait.ge [sflag:s18], $0x100  }
0x219: {  	s30 =	sand.u32 $0x7, s25;
	[sflag:s18] =	ssyncset.done $0x0  }
0x21a: {  	s0 =	sshll.u32 s30, $0x8;
	[sflag:s18] =	ssyncadd.s32 $0xFFFFFF00  }
0x21b: {  	v2 =	vld [tilespmem:s0+$0x0];
	_ =	sdelay $0x4  }
0x21c: {  	v2 =	vshll.u32 v2, $0x1  }
0x21d: {  	s19 =	sshll.u32 s30, $0x7;
	v2 =	vor.u32 v0, v2  }
0x21e: {  	[tilespmem:s19+$0x800] =	vst v2  }
0x21f: {  	v2 =	vld [tilespmem:s0+$0x80];
	_ =	sdelay $0x4  }
0x220: {  	[tilespmem:s19+$0xC00] =	vst v2  }
0x221: {  	v2 =	vld [tilespmem:s0+$0x10];
	_ =	sdelay $0x4  }
0x222: {  	v2 =	vshll.u32 v2, $0x1  }
0x223: {  	v2 =	vor.u32 v0, v2  }
0x224: {  	[tilespmem:s19+$0x810] =	vst v2  }
0x225: {  	v2 =	vld [tilespmem:s0+$0x90];
	_ =	sdelay $0x4  }
0x226: {  	[tilespmem:s19+$0xC10] =	vst v2  }
0x227: {  	v2 =	vld [tilespmem:s0+$0x20];
	_ =	sdelay $0x4  }
0x228: {  	v2 =	vshll.u32 v2, $0x1  }
0x229: {  	v2 =	vor.u32 v0, v2  }
0x22a: {  	[tilespmem:s19+$0x820] =	vst v2  }
0x22b: {  	v2 =	vld [tilespmem:s0+$0xA0];
	_ =	sdelay $0x4  }
0x22c: {  	[tilespmem:s19+$0xC20] =	vst v2  }
0x22d: {  	v2 =	vld [tilespmem:s0+$0x30];
	_ =	sdelay $0x4  }
0x22e: {  	v2 =	vshll.u32 v2, $0x1  }
0x22f: {  	v2 =	vor.u32 v0, v2  }
0x230: {  	[tilespmem:s19+$0x830] =	vst v2  }
0x231: {  	v2 =	vld [tilespmem:s0+$0xB0];
	_ =	sdelay $0x4  }
0x232: {  	[tilespmem:s19+$0xC30] =	vst v2  }
0x233: {  	v2 =	vld [tilespmem:s0+$0x40];
	_ =	sdelay $0x4  }
0x234: {  	v2 =	vshll.u32 v2, $0x1  }
0x235: {  	v2 =	vor.u32 v0, v2  }
0x236: {  	[tilespmem:s19+$0x840] =	vst v2  }
0x237: {  	v2 =	vld [tilespmem:s0+$0xC0];
	_ =	sdelay $0x4  }
0x238: {  	[tilespmem:s19+$0xC40] =	vst v2  }
0x239: {  	v2 =	vld [tilespmem:s0+$0x50];
	_ =	sdelay $0x4  }
0x23a: {  	v2 =	vshll.u32 v2, $0x1  }
0x23b: {  	v2 =	vor.u32 v0, v2  }
0x23c: {  	[tilespmem:s19+$0x850] =	vst v2  }
0x23d: {  	v2 =	vld [tilespmem:s0+$0xD0];
	_ =	sdelay $0x4  }
0x23e: {  	[tilespmem:s19+$0xC50] =	vst v2  }
0x23f: {  	v2 =	vld [tilespmem:s0+$0x60];
	_ =	sdelay $0x4  }
0x240: {  	v2 =	vshll.u32 v2, $0x1  }
0x241: {  	v2 =	vor.u32 v0, v2  }
0x242: {  	[tilespmem:s19+$0x860] =	vst v2  }
0x243: {  	v2 =	vld [tilespmem:s0+$0xE0];
	_ =	sdelay $0x4  }
0x244: {  	[tilespmem:s19+$0xC60] =	vst v2  }
0x245: {  	v2 =	vld [tilespmem:s0+$0x70];
	_ =	sdelay $0x4  }
0x246: {  	v2 =	vshll.u32 v2, $0x1  }
0x247: {  	v2 =	vor.u32 v0, v2  }
0x248: {  	[tilespmem:s19+$0x870] =	vst v2  }
0x249: {  	v2 =	vld [tilespmem:s0+$0xF0];
	_ =	sdelay $0x4  }
0x24a: {  	[tilespmem:s19+$0xC70] =	vst v2  }
0x24b: {  	_ =	swait.ge [sflag:s12], $0x2000  }
.Ltmp11:
0x24c: {  	[sflag:s12] =	ssyncset.done $0x0;
	(pc) =	sbr.rel .LBB2_14-.Ltmp11, $4  }
0x24d: {  	s30 =	sadd.s32 $0xB00, s6;
	s19 =	sor.u32 $0x800, s19;
	[sflag:s12] =	ssyncadd.s32 $0xFFFFE000  }
0x24e: {  	[tilespmem:s31], [sflag:$0xA] =	stream.indirect.gather [hbm4b:s1+s26], $0x40, s19, s26, $0xb8;
	[tilespmem:$0x17000] =	vst v63  }
0x24f: {  	s19 =	sand.u32 $0x700, s30  }
0x250: {  	[tilespmem:s19], [sflag:$0x6] =	stream.strided.gather [hbm4b:s5+s26], $0x100, s28, s26, $0x38;
	[tilespmem:$0x17000] =	vst v63  }
.LBB2_15:
0x251: {  	_ =	swait.ge [sflag:s17], $0x2000  }
0x252: {  	[sflag:s17] =	ssyncset.done $0x0  }
0x253: {  	[sflag:s17] =	ssyncadd.s32 $0xFFFFE000  }
0x254: {  	_ =	swait.ge [sflag:s21], $0x2000  }
0x255: {  	[sflag:s21] =	ssyncset.done $0x0  }
0x256: {  	[sflag:s21] =	ssyncadd.s32 $0xFFFFE000  }
0x257: {  	_ =	swait.ge [sflag:s22], $0x2000  }
0x258: {  	[sflag:s22] =	ssyncset.done $0x0  }
0x259: {  	[sflag:s22] =	ssyncadd.s32 $0xFFFFE000  }
0x25a: {  	_ =	swait.ge [sflag:s12], $0x2000  }
0x25b: {  	[sflag:s12] =	ssyncset.done $0x0  }
0x25c: {  	[sflag:s12] =	ssyncadd.s32 $0xFFFFE000  }
0x25d: {  	_ =	swait.ge [sflag:s4], $0x2000  }
.Ltmp12:
0x25e: {  	[sflag:s4] =	ssyncset.done $0x0;
	(pc) =	sbr.rel @p0 .LBB2_17-.Ltmp12, $4  }
0x25f: {  	s0 =	simm.s32 $0x12;
	[sflag:s4] =	ssyncadd.s32 $0xFFFFE000  }
0x260: {  	_ =	swait.ge [sflag:s0], $0x2000  }
0x261: {  	[sflag:s0] =	ssyncset.done $0x0  }
0x262: {  	[sflag:s0] =	ssyncadd.s32 $0xFFFFE000  }
0x263: {  	s5 =	simm.s32 $0x0;
	s0 =	rddreg [dreg:$0x13];
	s19 =	simm.s32 $0x13  }
0x264: {  	[tilespmem:s5], [sflag:$0x13] =	stream.strided.gather [hbm4b:s0+s26], $0x100, s28, s26, $0x38;
	[tilespmem:$0x17000] =	vst v63  }
0x265: {  	_ =	swait.ge [sflag:s19], $0x100  }
0x266: {  	[sflag:s19] =	ssyncset.done $0x0  }
0x267: {  	[sflag:s19] =	ssyncadd.s32 $0xFFFFFF00  }
0x268: {  	v2 =	vld [tilespmem:$0x0];
	_ =	sdelay $0x1  }
0x269: {  	v3 =	vld [tilespmem:$0x10]  }
0x26a: {  	v4 =	vld [tilespmem:$0x80]  }
0x26b: {  	v5 =	vld [tilespmem:$0x20]  }
0x26c: {  	v6 =	vld [tilespmem:$0x90];
	v2 =	vshll.u32 v2, $0x1  }
0x26d: {  	v7 =	vld [tilespmem:$0x30];
	v2 =	vor.u32 v0, v2  }
0x26e: {  	[tilespmem:$0x800] =	vst v2;
	v2 =	vshll.u32 v3, $0x1;
	v3 =	vld [tilespmem:$0xA0]  }
0x26f: {  	v57 =	vld [tilespmem:$0x40];
	[tilespmem:$0xC00] =	vst v4;
	v2 =	vor.u32 v0, v2  }
0x270: {  	v58 =	vld [tilespmem:$0xB0];
	[tilespmem:$0x810] =	vst v2;
	v2 =	vshll.u32 v5, $0x1  }
0x271: {  	v59 =	vld [tilespmem:$0x50];
	[tilespmem:$0xC10] =	vst v6;
	v2 =	vor.u32 v0, v2  }
0x272: {  	v60 =	vld [tilespmem:$0xC0];
	[tilespmem:$0x820] =	vst v2;
	v2 =	vshll.u32 v7, $0x1  }
0x273: {  	[tilespmem:$0xC20] =	vst v3;
	v2 =	vor.u32 v0, v2;
	v3 =	vld [tilespmem:$0x60]  }
0x274: {  	v61 =	vld [tilespmem:$0xD0];
	[tilespmem:$0x830] =	vst v2;
	v2 =	vshll.u32 v57, $0x1  }
0x275: {  	v62 =	vld [tilespmem:$0x70];
	[tilespmem:$0xC30] =	vst v58;
	v2 =	vor.u32 v0, v2  }
0x276: {  	v63 =	vld [tilespmem:$0xE0];
	[tilespmem:$0x840] =	vst v2;
	v2 =	vshll.u32 v59, $0x1  }
0x277: {  	[tilespmem:$0xC40] =	vst v60;
	v2 =	vor.u32 v0, v2  }
0x278: {  	[tilespmem:$0x850] =	vst v2;
	v2 =	vshll.u32 v3, $0x1;
	v3 =	vld [tilespmem:$0xF0]  }
0x279: {  	[tilespmem:$0xC50] =	vst v61;
	v2 =	vor.u32 v0, v2  }
0x27a: {  	[tilespmem:$0x860] =	vst v2;
	v2 =	vshll.u32 v62, $0x1  }
0x27b: {  	[tilespmem:$0xC60] =	vst v63;
	v2 =	vor.u32 v0, v2  }
0x27c: {  	[tilespmem:$0x870] =	vst v2  }
0x27d: {  	s29 =	simm.s32 $0x800;
	[tilespmem:$0xC70] =	vst v3  }
0x27e: {  	[tilespmem:s23], [sflag:$0x7] =	stream.indirect.gather [hbm4b:s1+s26], $0x40, s29, s26, $0xb8;
	[tilespmem:$0x17000] =	vst v63  }
0x27f: {  	_ =	swait.ge [sflag:s2], $0x2000  }
0x280: {  	[sflag:s2] =	ssyncset.done $0x0  }
0x281: {  	s30 =	simm.s32 $0xC00;
	[sflag:s2] =	ssyncadd.s32 $0xFFFFE000  }
0x282: {  	[spmem:s3] =	stream.indirect.scatter.add.f32 [tilespmem:s23], [sflag:$0x13], $0x40, s30, s26, $0xb8;
	[tilespmem:$0x17000] =	vst v63  }
.Ltmp13:
0x283: {  	_ =	swait.ge [sflag:s19], $0x2000;
	(pc) =	sbr.rel .LBB2_18-.Ltmp13, $3  }
0x284: {  	[sflag:s19] =	ssyncset.done $0x0  }
0x285: {  	[sflag:s19] =	ssyncadd.s32 $0xFFFFE000  }
0x286: {  	[bflag:$0x0] =	sbarrier.arrive $0xFFFF;
	_ =	sdelay $0x1  }
.LBB2_17:
.Ltmp14:
0x287: {  	(pc) =	sbr.rel @p1 .LBB2_19-.Ltmp14, $3  }
0x288: {  	_ =	sdelay $0x1  }
0x289: {  	[bflag:$0x0] =	sbarrier.arrive $0xFFFF  }
0x28a: {  	s19 =	simm.s32 $0x13  }
.LBB2_18:
0x28b: {  	s5 =	stileid.u32;
	s0 =	rddreg [dreg:$0x7]  }
0x28c: {  	s30 =	rddreg [dreg:$0x14];
	s5 =	sshll.u32 s5, $0x6  }
.Ltmp15:
0x28d: {  	s6 =	sshrl.u32 s0, $0x3;
	s5 =	sor.u32 $0x1C13, s5;
	(pc) =	sbr.rel .LBB2_20-.Ltmp15, $4  }
0x28e: {  	[hbm:s30@s12], [sflag:s5] =	dma.strided [spmem:s6@s9], $0x1400, s24, $0x8   }
0x28f: {  	_ =	swait.ge [sflag:s19], $0x1400  }
0x290: {  	[sflag:s19] =	ssyncset.done $0x0  }
0x291: {  	s5 =	rddreg [dreg:$0x18];
	[sflag:s19] =	ssyncadd.s32 $0xFFFFEC00  }
.LBB2_21:
0x292: {  	_ =	sfence.sel $0x180000  }
0x293: {  	[bflag:$0x0] =	sbarrier.arrive $0xFFFF  }
0x294: {  	_ =	strace $0x90000047  }
0x295: {  	s0 =	stileid.u32;
	[bflag:$0x2] =	sbarrier.arrive $0xFFFF  }
0x296: {  	p0 =	sne.s32 s0, $0x0;
	s0 =	rddreg [dreg:$0x4]  }
0x297: {  	s0 =	sadd.s32 @!p0 $0x100000, s0  }
0x298: {  	[sflag:s0] =	ssyncadd.tile.s32 @!p0 $0x1;
	_ =	shalt  }
.Lfunc_end2:
_tile_overlayer_lowered:
.L_overlay_start_2:
0x299: {  	(tag) =	ssettag $0x2  }
0x29a: {  	s0 =	rddreg [dreg:$0x0];
	s2 =	stileid.u32  }
0x29b: {  	s1 =	rddreg [dreg:$0x1];
	p0 =	sne.s32 s2, $0x0  }
0x29c: {  	s3 =	rddreg [dreg:$0x2];
	[bflag:$0x3] =	sbarrier.arrive $0xFFFF;
	s2 =	simm.s32 @!p0 $0x1C13  }
0x29d: {  	[timem:s3], [sflag:s2] =	dma.local @!p0 [hbm:s0], s1  }
0x29e: {  	s0 =	simm.s32 @!p0 $0x13  }
0x29f: {  	_ =	swait.ge @!p0 [sflag:s0], s1  }
0x2a0: {  	s1 =	ssub.s32 @!p0 $0x0, s1;
	[sflag:s0] =	ssyncset.done @!p0 $0x0  }
0x2a1: {  	[sflag:s0] =	ssyncadd.s32 @!p0 s1  }
0x2a2: {  	[bflag:$0x3] =	sbarrier.arrive $0xFFFF  }
0x2a3: {  	_ =	shalt  }

</sc_bundles>
